<compile_context>
chip_gen: v7x
topology: tpu7x:2x2x1
jax: 0.10.2.dev20260603
libtpu: 0.0.44.dev20260713+nightly
codegen_flags: <defaults>
</compile_context>

<pallas_src>
import jax
import jax.numpy as jnp
from jax import lax
from jax.experimental import pallas as pl
from jax.experimental.pallas import tpu as pltpu
from jax.experimental.pallas import tpu_sc as plsc

B = 4096
MAX_NODES = 50
D = 128
N = 102400

NC = 2
NS = 16
NW = NC * NS
NODES_PER_W = N // NW
CHUNK = 128
NCHUNK = NODES_PER_W // CHUNK
LANES = 16

ACC_ROWS = B + NS
TRASH = B
INIT_ROWS = ACC_ROWS // NS
OUT_ROWS = B // NS


NBUF = 2
CNT_W = 128


def _sc_body(emb2d_hbm, emb3d_hbm, tgt_hbm,
             p2_hbm, p3_hbm, cnt_hbm,
             idx_v, buf, ones_v, acc, cacc, gsem, ssem, csem):
    c = lax.axis_index("c")
    s = lax.axis_index("s")
    w = s * NC + c
    node0 = w * NODES_PER_W

    pltpu.sync_copy(tgt_hbm.at[w], idx_v)

    ibase = s * INIT_ROWS
    obase = s * OUT_ROWS

    def fill_ones_v(val):
        def body(r, carry):
            for j in range(CNT_W // LANES):
                ones_v[r, pl.ds(j * LANES, LANES)] = jnp.full(
                    (LANES,), val, jnp.float32)
            return carry
        lax.fori_loop(0, CHUNK, body, 0)

    CSPLIT = NCHUNK // 2
    for passno, (emb_hbm, p_hbm) in enumerate(
            ((emb2d_hbm, p2_hbm), (emb3d_hbm, p3_hbm))):
        if passno == 0:
            def zero_row(r, carry):
                for j in range(D // LANES):
                    buf[0, r, pl.ds(j * LANES, LANES)] = (
                        jnp.zeros((LANES,), jnp.float32))
                return carry
            lax.fori_loop(0, CHUNK, zero_row, 0)

            pltpu.sync_copy(buf.at[0], acc.at[pl.ds(ibase, CHUNK)])
            pltpu.sync_copy(buf.at[0], acc.at[pl.ds(ibase + CHUNK, CHUNK)])
            pltpu.sync_copy(buf.at[0, pl.ds(0, INIT_ROWS - 2 * CHUNK)],
                            acc.at[pl.ds(ibase + 2 * CHUNK,
                                         INIT_ROWS - 2 * CHUNK)])
            pltpu.sync_copy(buf.at[0], cacc.at[pl.ds(ibase, CHUNK)])
            pltpu.sync_copy(buf.at[0], cacc.at[pl.ds(ibase + CHUNK, CHUNK)])
            pltpu.sync_copy(buf.at[0, pl.ds(0, INIT_ROWS - 2 * CHUNK)],
                            cacc.at[pl.ds(ibase + 2 * CHUNK,
                                          INIT_ROWS - 2 * CHUNK)])
            fill_ones_v(1.0)
            plsc.subcore_barrier()

        pending_g = [None] * NBUF
        pending_s = [None] * NBUF
        pending_c = [None] * NBUF

        def gather_start(k):
            sl = k % NBUF
            nbase = node0 + k * CHUNK
            pending_g[sl] = pltpu.async_copy(
                emb_hbm.at[pl.ds(nbase, CHUNK)], buf.at[sl], gsem[sl])

        for k in range(min(NBUF - 1, NCHUNK)):
            gather_start(k)

        for k in range(NCHUNK):
            sl = k % NBUF
            kn = k + NBUF - 1
            if kn < NCHUNK:
                sln = kn % NBUF
                if pending_s[sln] is not None:
                    pending_s[sln].wait()
                    pending_s[sln] = None
                gather_start(kn)
            pending_g[sl].wait()
            pending_g[sl] = None
            pending_s[sl] = pltpu.async_copy(
                buf.at[sl], acc.at[idx_v.at[k]], ssem[sl], add=True)
            if (passno == 0) == (k < CSPLIT):
                if pending_c[sl] is not None:
                    pending_c[sl].wait()
                pending_c[sl] = pltpu.async_copy(
                    ones_v, cacc.at[idx_v.at[k]], csem[sl], add=True)

        for ps in pending_s:
            if ps is not None:
                ps.wait()
        for pc in pending_c:
            if pc is not None:
                pc.wait()

        plsc.subcore_barrier()

        pltpu.sync_copy(acc.at[pl.ds(obase, OUT_ROWS)],
                        p_hbm.at[c, pl.ds(obase, OUT_ROWS)])
        if passno == 0:
            plsc.subcore_barrier()
        else:
            pltpu.sync_copy(cacc.at[pl.ds(obase, OUT_ROWS)],
                            cnt_hbm.at[c, pl.ds(obase, OUT_ROWS)])


_sc_pool = pl.kernel(
    _sc_body,
    out_type=[jax.ShapeDtypeStruct((NC, B, D), jnp.float32),
              jax.ShapeDtypeStruct((NC, B, D), jnp.float32),
              jax.ShapeDtypeStruct((NC, B, CNT_W), jnp.float32)],
    mesh=plsc.VectorSubcoreMesh(core_axis_name="c", subcore_axis_name="s"),
    scratch_types=[
        pltpu.VMEM((NCHUNK, CHUNK), jnp.int32),
        pltpu.VMEM((NBUF, CHUNK, D), jnp.float32),
        pltpu.VMEM((CHUNK, CNT_W), jnp.float32),
        pltpu.VMEM_SHARED((ACC_ROWS, D), jnp.float32),
        pltpu.VMEM_SHARED((ACC_ROWS, CNT_W), jnp.float32),
        [pltpu.SemaphoreType.DMA] * NBUF,
        [pltpu.SemaphoreType.DMA] * NBUF,
        [pltpu.SemaphoreType.DMA] * NBUF,
    ],
)


_TC_R = 512


def _tc_body(p2_ref, p23_ref, cnt_ref, o2_ref, o3_ref):
    denom = jnp.maximum(cnt_ref[0, :, :1] + cnt_ref[1, :, :1], 1.0)
    s2 = p2_ref[0] + p2_ref[1]
    o2_ref[...] = s2 / denom
    o3_ref[...] = (p23_ref[0] + p23_ref[1] - s2) / denom


_combine = pl.pallas_call(
    _tc_body,
    grid=(B // _TC_R,),
    in_specs=[
        pl.BlockSpec((NC, _TC_R, D), lambda i: (0, i, 0)),
        pl.BlockSpec((NC, _TC_R, D), lambda i: (0, i, 0)),
        pl.BlockSpec((NC, _TC_R, CNT_W), lambda i: (0, i, 0)),
    ],
    out_specs=[
        pl.BlockSpec((_TC_R, D), lambda i: (i, 0)),
        pl.BlockSpec((_TC_R, D), lambda i: (i, 0)),
    ],
    out_shape=[jax.ShapeDtypeStruct((B, D), jnp.float32),
               jax.ShapeDtypeStruct((B, D), jnp.float32)],
)


def kernel(emb_2d, emb_3d, segment_ids):
    seg = segment_ids.astype(jnp.int32)
    i = jnp.arange(N, dtype=jnp.int32)
    boundary = jnp.concatenate(
        [jnp.ones((1,), jnp.bool_), seg[1:] != seg[:-1]])
    run_start = lax.cummax(jnp.where(boundary, i, 0))
    pos = i - run_start
    tgt = jnp.where(pos < MAX_NODES, seg, TRASH).reshape(NW, NCHUNK, CHUNK)
    p2, p3, cnt = _sc_pool(emb_2d, emb_3d, tgt)
    out2, out3 = _combine(p2, p3, cnt)
    return (out2, out3)

# --- scband reference (transcript-rebuilt; emitter-appended) ---
"""Pipeline reference for scband-cl-model-15960098472226 (READ-ONLY COPY).

The authoritative reference and input builder live on the scoring server;
editing this copy changes nothing except your own understanding.
"""

import jax, jax.numpy as jnp
import numpy as np

B = 4096        # number of graphs/molecules in batch
MAX_NODES = 50  # hardcoded pad length in original module
D = 128         # hardcoded embedding dim in original module
N = 102400      # total ragged nodes (~25 avg per graph)


def setup_inputs(seed: int = 0) -> dict:
    key = jax.random.key(seed)
    k1, k2, k3 = jax.random.split(key, 3)
    emb_2d = jax.random.normal(k1, (N, D), dtype=jnp.float32)
    emb_3d = jax.random.normal(k2, (N, D), dtype=jnp.float32)
    segment_ids = jnp.sort(jax.random.randint(k3, (N,), 0, B)).astype(jnp.int64)
    return {"emb_2d": emb_2d, "emb_3d": emb_3d, "segment_ids": segment_ids}


def reference(emb_2d, emb_3d, segment_ids):
    # Faithful JAX translation of the ragged->padded conversion + masked mean
    # pooling performed per-graph in get_transformer_emb: each graph's nodes
    # (ragged, flat layout, sorted by graph id) are sliced out, zero-padded to
    # MAX_NODES=50 rows of width D=128, a {1,0} output mask is built for valid
    # rows, and the final embedding is sum(emb * mask) / sum(mask) per graph,
    # done for both the 2d and 3d node-embedding streams.
    seg = segment_ids.astype(jnp.int32)
    counts = jnp.bincount(seg, length=B)                      # nodes per graph
    starts = jnp.concatenate([jnp.zeros((1,), counts.dtype),
                              jnp.cumsum(counts)[:-1]])       # segment starts
    pos = jnp.arange(N, dtype=counts.dtype) - starts[seg]     # rank within graph
    valid = pos < MAX_NODES                                   # rows kept after pad/truncate to 50
    pos_c = jnp.minimum(pos, MAX_NODES - 1)
    cnt = jnp.minimum(counts, MAX_NODES)                      # valid rows per graph (== sum of mask_out)

    def pad_and_pool(emb):
        masked = jnp.where(valid[:, None], emb, jnp.zeros((), emb.dtype))
        padded = jnp.zeros((B, MAX_NODES, D), emb.dtype).at[seg, pos_c].add(masked)
        pooled = jnp.sum(padded, axis=1) / jnp.maximum(cnt, 1).astype(emb.dtype)[:, None]
        return pooled

    emb_2d_high = pad_and_pool(emb_2d)
    emb_3d_high = pad_and_pool(emb_3d)
    return (emb_2d_high, emb_3d_high)

if __name__ == "__main__":
    import jax
    _d = setup_inputs()
    print(jax.jit(kernel)(*tuple(_d.values())))

</pallas_src>

<mosaic_0001>
#map = affine_map<(d0, d1) -> (0, 0)>
#map1 = affine_map<(d0, d1) -> (0, 0, 0)>
module attributes {stable_mosaic.version = 14 : i64} {
  func.func @_sc_body(%arg0: i32, %arg1: i32, %arg2: memref<102400x128xf32, #tpu.memory_space<hbm>>, %arg3: memref<102400x128xf32, #tpu.memory_space<hbm>>, %arg4: memref<32x25x128xi32, #tpu.memory_space<hbm>>, %arg5: memref<2x4096x128xf32, #tpu.memory_space<hbm>>, %arg6: memref<2x4096x128xf32, #tpu.memory_space<hbm>>, %arg7: memref<2x4096x128xf32, #tpu.memory_space<hbm>>, %arg8: memref<25x128xi32, #tpu.memory_space<vmem>>, %arg9: memref<2x128x128xf32, #tpu.memory_space<vmem>>, %arg10: memref<128x128xf32, #tpu.memory_space<vmem>>, %arg11: memref<4112x128xf32, #tpu.memory_space<vmem_shared>>, %arg12: memref<4112x128xf32, #tpu.memory_space<vmem_shared>>, %arg13: memref<!tpu.dma_semaphore, #tpu.memory_space<semaphore_mem>>, %arg14: memref<!tpu.dma_semaphore, #tpu.memory_space<semaphore_mem>>, %arg15: memref<!tpu.dma_semaphore, #tpu.memory_space<semaphore_mem>>, %arg16: memref<!tpu.dma_semaphore, #tpu.memory_space<semaphore_mem>>, %arg17: memref<!tpu.dma_semaphore, #tpu.memory_space<semaphore_mem>>, %arg18: memref<!tpu.dma_semaphore, #tpu.memory_space<semaphore_mem>>) attributes {dimension_semantics = [#tpu.dimension_semantics<core_parallel>, #tpu.dimension_semantics<subcore_parallel>], iteration_bounds = array<i64: 2, 16>, scalar_prefetch = 0 : i64, scratch_operands = 11 : i64, tpu.core_type = #tpu.core_type<sc_vector_subcore>, window_params = [{transform_indices = #map}, {transform_indices = #map}, {transform_indices = #map1}, {transform_indices = #map1}, {transform_indices = #map1}, {transform_indices = #map1}]} {
    %mul3A = arith.constant 2 : i32
    %mul3A_0 = arith.muli %arg1, %mul3A : i32
    %add3A = arith.addi %mul3A_0, %arg0 : i32
    %mul3A_1 = arith.constant 3200 : i32
    %mul3A_2 = arith.muli %add3A, %mul3A_1 : i32
    "tpu.region"() ({
      %run_scoped3A_2982 = tpu.sem_alloc : memref<!tpu.dma_semaphore, #tpu.memory_space<semaphore_mem>>
      %dma_start3A_2983 = arith.constant 0 : i32
      %dma_start3A_2984 = arith.constant 0 : i32
      %dma_start3A_2985 = tpu.memref_slice %arg4[%add3A, %dma_start3A_2983, %dma_start3A_2984] : memref<32x25x128xi32, #tpu.memory_space<hbm>> -> memref<1x25x128xi32, #tpu.memory_space<hbm>>
      %dma_start3A_2986 = tpu.memref_squeeze %dma_start3A_2985 : memref<1x25x128xi32, #tpu.memory_space<hbm>> -> memref<25x128xi32, #tpu.memory_space<hbm>>
      %dma_start3A_2987 = arith.constant 0 : i32
      %dma_start3A_2988 = arith.constant 0 : i32
      %dma_start3A_2989 = tpu.memref_slice %arg4[%add3A, %dma_start3A_2987, %dma_start3A_2988] : memref<32x25x128xi32, #tpu.memory_space<hbm>> -> memref<1x25x128xi32, #tpu.memory_space<hbm>>
      %dma_start3A_2990 = tpu.memref_squeeze %dma_start3A_2989 : memref<1x25x128xi32, #tpu.memory_space<hbm>> -> memref<25x128xi32, #tpu.memory_space<hbm>>
      tpu.enqueue_dma source(%dma_start3A_2990 : memref<25x128xi32, #tpu.memory_space<hbm>>) target(%arg8 : memref<25x128xi32, #tpu.memory_space<vmem>>) target_semaphore(%run_scoped3A_2982 : memref<!tpu.dma_semaphore, #tpu.memory_space<semaphore_mem>>)
      %dma_wait3A_2991 = arith.constant 0 : i32
      %dma_wait3A_2992 = arith.constant 0 : i32
      %dma_wait3A_2993 = tpu.memref_slice %arg4[%add3A, %dma_wait3A_2991, %dma_wait3A_2992] : memref<32x25x128xi32, #tpu.memory_space<hbm>> -> memref<1x25x128xi32, #tpu.memory_space<hbm>>
      %dma_wait3A_2994 = tpu.memref_squeeze %dma_wait3A_2993 : memref<1x25x128xi32, #tpu.memory_space<hbm>> -> memref<25x128xi32, #tpu.memory_space<hbm>>
      %dma_wait3A_2995 = arith.constant 0 : i32
      %dma_wait3A_2996 = arith.constant 0 : i32
      %dma_wait3A_2997 = tpu.memref_slice %arg4[%add3A, %dma_wait3A_2995, %dma_wait3A_2996] : memref<32x25x128xi32, #tpu.memory_space<hbm>> -> memref<1x25x128xi32, #tpu.memory_space<hbm>>
      %dma_wait3A_2998 = tpu.memref_squeeze %dma_wait3A_2997 : memref<1x25x128xi32, #tpu.memory_space<hbm>> -> memref<25x128xi32, #tpu.memory_space<hbm>>
      tpu.wait_dma2 semaphore(%run_scoped3A_2982 : memref<!tpu.dma_semaphore, #tpu.memory_space<semaphore_mem>>) src(%dma_wait3A_2998 : memref<25x128xi32, #tpu.memory_space<hbm>>) dst(%arg8 : memref<25x128xi32, #tpu.memory_space<vmem>>)
      tpu.yield
    }) : () -> ()
    %mul3A_3 = arith.constant 257 : i32
    %mul3A_4 = arith.muli %arg1, %mul3A_3 : i32
    %mul3A_5 = arith.constant 256 : i32
    %mul3A_6 = arith.muli %arg1, %mul3A_5 : i32
    %scan3A = arith.constant 0 : i32
    %scan3A_7 = arith.constant 0 : i32
    %scan3A_8 = arith.constant 128 : i32
    %scan3A_9 = arith.addi %scan3A_7, %scan3A_8 : i32
    %scan3A_10 = arith.constant 1 : i32
    scf.for %scan3A_2982 = %scan3A_7 to %scan3A_9 step %scan3A_10  : i32 {
      %broadcast_in_dim3A = arith.constant 0.000000e+00 : f32
      %broadcast_in_dim3A_2983 = vector.broadcast %broadcast_in_dim3A : f32 to vector<16xf32>
      %swap3A = arith.constant 0 : i32
      %swap3A_2984 = arith.index_cast %swap3A : i32 to index
      %swap3A_2985 = arith.index_cast %scan3A_2982 : i32 to index
      %swap3A_2986 = arith.constant 0 : index
      %swap3A_2987 = tpu.vector_load %arg9[%swap3A_2984, %swap3A_2985, %swap3A_2986] {strides = array<i32>} : memref<2x128x128xf32, #tpu.memory_space<vmem>>, vector<1x1x16xf32>,
      %swap3A_2988 = vector.shape_cast %swap3A_2987 : vector<1x1x16xf32> to vector<16xf32>
      %swap3A_2989 = vector.shape_cast %broadcast_in_dim3A_2983 : vector<16xf32> to vector<1x1x16xf32>
      tpu.vector_store %arg9[%swap3A_2984, %swap3A_2985, %swap3A_2986], %swap3A_2989 {strides = array<i32>} : memref<2x128x128xf32, #tpu.memory_space<vmem>>, vector<1x1x16xf32>,
      %broadcast_in_dim3A_2990 = arith.constant 0.000000e+00 : f32
      %broadcast_in_dim3A_2991 = vector.broadcast %broadcast_in_dim3A_2990 : f32 to vector<16xf32>
      %swap3A_2992 = arith.constant 0 : i32
      %swap3A_2993 = arith.index_cast %swap3A_2992 : i32 to index
      %swap3A_2994 = arith.index_cast %scan3A_2982 : i32 to index
      %swap3A_2995 = arith.constant 16 : index
      %swap3A_2996 = tpu.vector_load %arg9[%swap3A_2993, %swap3A_2994, %swap3A_2995] {strides = array<i32>} : memref<2x128x128xf32, #tpu.memory_space<vmem>>, vector<1x1x16xf32>,
      %swap3A_2997 = vector.shape_cast %swap3A_2996 : vector<1x1x16xf32> to vector<16xf32>
      %swap3A_2998 = vector.shape_cast %broadcast_in_dim3A_2991 : vector<16xf32> to vector<1x1x16xf32>
      tpu.vector_store %arg9[%swap3A_2993, %swap3A_2994, %swap3A_2995], %swap3A_2998 {strides = array<i32>} : memref<2x128x128xf32, #tpu.memory_space<vmem>>, vector<1x1x16xf32>,
      %broadcast_in_dim3A_2999 = arith.constant 0.000000e+00 : f32
      %broadcast_in_dim3A_3000 = vector.broadcast %broadcast_in_dim3A_2999 : f32 to vector<16xf32>
      %swap3A_3001 = arith.constant 0 : i32
      %swap3A_3002 = arith.index_cast %swap3A_3001 : i32 to index
      %swap3A_3003 = arith.index_cast %scan3A_2982 : i32 to index
      %swap3A_3004 = arith.constant 32 : index
      %swap3A_3005 = tpu.vector_load %arg9[%swap3A_3002, %swap3A_3003, %swap3A_3004] {strides = array<i32>} : memref<2x128x128xf32, #tpu.memory_space<vmem>>, vector<1x1x16xf32>,
      %swap3A_3006 = vector.shape_cast %swap3A_3005 : vector<1x1x16xf32> to vector<16xf32>
      %swap3A_3007 = vector.shape_cast %broadcast_in_dim3A_3000 : vector<16xf32> to vector<1x1x16xf32>
      tpu.vector_store %arg9[%swap3A_3002, %swap3A_3003, %swap3A_3004], %swap3A_3007 {strides = array<i32>} : memref<2x128x128xf32, #tpu.memory_space<vmem>>, vector<1x1x16xf32>,
      %broadcast_in_dim3A_3008 = arith.constant 0.000000e+00 : f32
      %broadcast_in_dim3A_3009 = vector.broadcast %broadcast_in_dim3A_3008 : f32 to vector<16xf32>
      %swap3A_3010 = arith.constant 0 : i32
      %swap3A_3011 = arith.index_cast %swap3A_3010 : i32 to index
      %swap3A_3012 = arith.index_cast %scan3A_2982 : i32 to index
      %swap3A_3013 = arith.constant 48 : index
      %swap3A_3014 = tpu.vector_load %arg9[%swap3A_3011, %swap3A_3012, %swap3A_3013] {strides = array<i32>} : memref<2x128x128xf32, #tpu.memory_space<vmem>>, vector<1x1x16xf32>,
      %swap3A_3015 = vector.shape_cast %swap3A_3014 : vector<1x1x16xf32> to vector<16xf32>
      %swap3A_3016 = vector.shape_cast %broadcast_in_dim3A_3009 : vector<16xf32> to vector<1x1x16xf32>
      tpu.vector_store %arg9[%swap3A_3011, %swap3A_3012, %swap3A_3013], %swap3A_3016 {strides = array<i32>} : memref<2x128x128xf32, #tpu.memory_space<vmem>>, vector<1x1x16xf32>,
      %broadcast_in_dim3A_3017 = arith.constant 0.000000e+00 : f32
      %broadcast_in_dim3A_3018 = vector.broadcast %broadcast_in_dim3A_3017 : f32 to vector<16xf32>
      %swap3A_3019 = arith.constant 0 : i32
      %swap3A_3020 = arith.index_cast %swap3A_3019 : i32 to index
      %swap3A_3021 = arith.index_cast %scan3A_2982 : i32 to index
      %swap3A_3022 = arith.constant 64 : index
      %swap3A_3023 = tpu.vector_load %arg9[%swap3A_3020, %swap3A_3021, %swap3A_3022] {strides = array<i32>} : memref<2x128x128xf32, #tpu.memory_space<vmem>>, vector<1x1x16xf32>,
      %swap3A_3024 = vector.shape_cast %swap3A_3023 : vector<1x1x16xf32> to vector<16xf32>
      %swap3A_3025 = vector.shape_cast %broadcast_in_dim3A_3018 : vector<16xf32> to vector<1x1x16xf32>
      tpu.vector_store %arg9[%swap3A_3020, %swap3A_3021, %swap3A_3022], %swap3A_3025 {strides = array<i32>} : memref<2x128x128xf32, #tpu.memory_space<vmem>>, vector<1x1x16xf32>,
      %broadcast_in_dim3A_3026 = arith.constant 0.000000e+00 : f32
      %broadcast_in_dim3A_3027 = vector.broadcast %broadcast_in_dim3A_3026 : f32 to vector<16xf32>
      %swap3A_3028 = arith.constant 0 : i32
      %swap3A_3029 = arith.index_cast %swap3A_3028 : i32 to index
      %swap3A_3030 = arith.index_cast %scan3A_2982 : i32 to index
      %swap3A_3031 = arith.constant 80 : index
      %swap3A_3032 = tpu.vector_load %arg9[%swap3A_3029, %swap3A_3030, %swap3A_3031] {strides = array<i32>} : memref<2x128x128xf32, #tpu.memory_space<vmem>>, vector<1x1x16xf32>,
      %swap3A_3033 = vector.shape_cast %swap3A_3032 : vector<1x1x16xf32> to vector<16xf32>
      %swap3A_3034 = vector.shape_cast %broadcast_in_dim3A_3027 : vector<16xf32> to vector<1x1x16xf32>
      tpu.vector_store %arg9[%swap3A_3029, %swap3A_3030, %swap3A_3031], %swap3A_3034 {strides = array<i32>} : memref<2x128x128xf32, #tpu.memory_space<vmem>>, vector<1x1x16xf32>,
      %broadcast_in_dim3A_3035 = arith.constant 0.000000e+00 : f32
      %broadcast_in_dim3A_3036 = vector.broadcast %broadcast_in_dim3A_3035 : f32 to vector<16xf32>
      %swap3A_3037 = arith.constant 0 : i32
      %swap3A_3038 = arith.index_cast %swap3A_3037 : i32 to index
      %swap3A_3039 = arith.index_cast %scan3A_2982 : i32 to index
      %swap3A_3040 = arith.constant 96 : index
      %swap3A_3041 = tpu.vector_load %arg9[%swap3A_3038, %swap3A_3039, %swap3A_3040] {strides = array<i32>} : memref<2x128x128xf32, #tpu.memory_space<vmem>>, vector<1x1x16xf32>,
      %swap3A_3042 = vector.shape_cast %swap3A_3041 : vector<1x1x16xf32> to vector<16xf32>
      %swap3A_3043 = vector.shape_cast %broadcast_in_dim3A_3036 : vector<16xf32> to vector<1x1x16xf32>
      tpu.vector_store %arg9[%swap3A_3038, %swap3A_3039, %swap3A_3040], %swap3A_3043 {strides = array<i32>} : memref<2x128x128xf32, #tpu.memory_space<vmem>>, vector<1x1x16xf32>,
      %broadcast_in_dim3A_3044 = arith.constant 0.000000e+00 : f32
      %broadcast_in_dim3A_3045 = vector.broadcast %broadcast_in_dim3A_3044 : f32 to vector<16xf32>
      %swap3A_3046 = arith.constant 0 : i32
      %swap3A_3047 = arith.index_cast %swap3A_3046 : i32 to index
      %swap3A_3048 = arith.index_cast %scan3A_2982 : i32 to index
      %swap3A_3049 = arith.constant 112 : index
      %swap3A_3050 = tpu.vector_load %arg9[%swap3A_3047, %swap3A_3048, %swap3A_3049] {strides = array<i32>} : memref<2x128x128xf32, #tpu.memory_space<vmem>>, vector<1x1x16xf32>,
      %swap3A_3051 = vector.shape_cast %swap3A_3050 : vector<1x1x16xf32> to vector<16xf32>
      %swap3A_3052 = vector.shape_cast %broadcast_in_dim3A_3045 : vector<16xf32> to vector<1x1x16xf32>
      tpu.vector_store %arg9[%swap3A_3047, %swap3A_3048, %swap3A_3049], %swap3A_3052 {strides = array<i32>} : memref<2x128x128xf32, #tpu.memory_space<vmem>>, vector<1x1x16xf32>,
    }
    %scan3A_11 = arith.constant 128 : i32
    %run_scoped3A = arith.constant 0 : i32
    "tpu.region"() ({
      %run_scoped3A_2982 = tpu.sem_alloc : memref<!tpu.dma_semaphore, #tpu.memory_space<semaphore_mem>>
      %dma_start3A_2983 = arith.constant 0 : i32
      %dma_start3A_2984 = arith.constant 0 : i32
      %dma_start3A_2985 = tpu.memref_slice %arg9[%run_scoped3A, %dma_start3A_2983, %dma_start3A_2984] : memref<2x128x128xf32, #tpu.memory_space<vmem>> -> memref<1x128x128xf32, #tpu.memory_space<vmem>>
      %dma_start3A_2986 = tpu.memref_squeeze %dma_start3A_2985 : memref<1x128x128xf32, #tpu.memory_space<vmem>> -> memref<128x128xf32, #tpu.memory_space<vmem>>
      %dma_start3A_2987 = arith.constant 0 : i32
      %dma_start3A_2988 = tpu.memref_slice %arg11[%mul3A_4, %dma_start3A_2987] : memref<4112x128xf32, #tpu.memory_space<vmem_shared>> -> memref<128x128xf32, #tpu.memory_space<vmem_shared>>
      %dma_start3A_2989 = arith.constant 0 : i32
      %dma_start3A_2990 = tpu.memref_slice %arg11[%mul3A_4, %dma_start3A_2989] : memref<4112x128xf32, #tpu.memory_space<vmem_shared>> -> memref<128x128xf32, #tpu.memory_space<vmem_shared>>
      %dma_start3A_2991 = arith.constant 0 : i32
      %dma_start3A_2992 = arith.constant 0 : i32
      %dma_start3A_2993 = tpu.memref_slice %arg9[%run_scoped3A, %dma_start3A_2991, %dma_start3A_2992] : memref<2x128x128xf32, #tpu.memory_space<vmem>> -> memref<1x128x128xf32, #tpu.memory_space<vmem>>
      %dma_start3A_2994 = tpu.memref_squeeze %dma_start3A_2993 : memref<1x128x128xf32, #tpu.memory_space<vmem>> -> memref<128x128xf32, #tpu.memory_space<vmem>>
      tpu.enqueue_dma source(%dma_start3A_2994 : memref<128x128xf32, #tpu.memory_space<vmem>>) target(%dma_start3A_2990 : memref<128x128xf32, #tpu.memory_space<vmem_shared>>) target_semaphore(%run_scoped3A_2982 : memref<!tpu.dma_semaphore, #tpu.memory_space<semaphore_mem>>)
      %dma_wait3A_2995 = arith.constant 0 : i32
      %dma_wait3A_2996 = arith.constant 0 : i32
      %dma_wait3A_2997 = tpu.memref_slice %arg9[%run_scoped3A, %dma_wait3A_2995, %dma_wait3A_2996] : memref<2x128x128xf32, #tpu.memory_space<vmem>> -> memref<1x128x128xf32, #tpu.memory_space<vmem>>
      %dma_wait3A_2998 = tpu.memref_squeeze %dma_wait3A_2997 : memref<1x128x128xf32, #tpu.memory_space<vmem>> -> memref<128x128xf32, #tpu.memory_space<vmem>>
      %dma_wait3A_2999 = arith.constant 0 : i32
      %dma_wait3A_3000 = tpu.memref_slice %arg11[%mul3A_4, %dma_wait3A_2999] : memref<4112x128xf32, #tpu.memory_space<vmem_shared>> -> memref<128x128xf32, #tpu.memory_space<vmem_shared>>
      %dma_wait3A_3001 = arith.constant 0 : i32
      %dma_wait3A_3002 = tpu.memref_slice %arg11[%mul3A_4, %dma_wait3A_3001] : memref<4112x128xf32, #tpu.memory_space<vmem_shared>> -> memref<128x128xf32, #tpu.memory_space<vmem_shared>>
      %dma_wait3A_3003 = arith.constant 0 : i32
      %dma_wait3A_3004 = arith.constant 0 : i32
      %dma_wait3A_3005 = tpu.memref_slice %arg9[%run_scoped3A, %dma_wait3A_3003, %dma_wait3A_3004] : memref<2x128x128xf32, #tpu.memory_space<vmem>> -> memref<1x128x128xf32, #tpu.memory_space<vmem>>
      %dma_wait3A_3006 = tpu.memref_squeeze %dma_wait3A_3005 : memref<1x128x128xf32, #tpu.memory_space<vmem>> -> memref<128x128xf32, #tpu.memory_space<vmem>>
      tpu.wait_dma2 semaphore(%run_scoped3A_2982 : memref<!tpu.dma_semaphore, #tpu.memory_space<semaphore_mem>>) src(%dma_wait3A_3006 : memref<128x128xf32, #tpu.memory_space<vmem>>) dst(%dma_wait3A_3002 : memref<128x128xf32, #tpu.memory_space<vmem_shared>>)
      tpu.yield
    }) : () -> ()
    %add3A_12 = arith.constant 128 : i32
    %add3A_13 = arith.addi %mul3A_4, %add3A_12 : i32
    %run_scoped3A_14 = arith.constant 0 : i32
    "tpu.region"() ({
      %run_scoped3A_2982 = tpu.sem_alloc : memref<!tpu.dma_semaphore, #tpu.memory_space<semaphore_mem>>
      %dma_start3A_2983 = arith.constant 0 : i32
      %dma_start3A_2984 = arith.constant 0 : i32
      %dma_start3A_2985 = tpu.memref_slice %arg9[%run_scoped3A_14, %dma_start3A_2983, %dma_start3A_2984] : memref<2x128x128xf32, #tpu.memory_space<vmem>> -> memref<1x128x128xf32, #tpu.memory_space<vmem>>
      %dma_start3A_2986 = tpu.memref_squeeze %dma_start3A_2985 : memref<1x128x128xf32, #tpu.memory_space<vmem>> -> memref<128x128xf32, #tpu.memory_space<vmem>>
      %dma_start3A_2987 = arith.constant 0 : i32
      %dma_start3A_2988 = tpu.memref_slice %arg11[%add3A_13, %dma_start3A_2987] : memref<4112x128xf32, #tpu.memory_space<vmem_shared>> -> memref<128x128xf32, #tpu.memory_space<vmem_shared>>
      %dma_start3A_2989 = arith.constant 0 : i32
      %dma_start3A_2990 = tpu.memref_slice %arg11[%add3A_13, %dma_start3A_2989] : memref<4112x128xf32, #tpu.memory_space<vmem_shared>> -> memref<128x128xf32, #tpu.memory_space<vmem_shared>>
      %dma_start3A_2991 = arith.constant 0 : i32
      %dma_start3A_2992 = arith.constant 0 : i32
      %dma_start3A_2993 = tpu.memref_slice %arg9[%run_scoped3A_14, %dma_start3A_2991, %dma_start3A_2992] : memref<2x128x128xf32, #tpu.memory_space<vmem>> -> memref<1x128x128xf32, #tpu.memory_space<vmem>>
      %dma_start3A_2994 = tpu.memref_squeeze %dma_start3A_2993 : memref<1x128x128xf32, #tpu.memory_space<vmem>> -> memref<128x128xf32, #tpu.memory_space<vmem>>
      tpu.enqueue_dma source(%dma_start3A_2994 : memref<128x128xf32, #tpu.memory_space<vmem>>) target(%dma_start3A_2990 : memref<128x128xf32, #tpu.memory_space<vmem_shared>>) target_semaphore(%run_scoped3A_2982 : memref<!tpu.dma_semaphore, #tpu.memory_space<semaphore_mem>>)
      %dma_wait3A_2995 = arith.constant 0 : i32
      %dma_wait3A_2996 = arith.constant 0 : i32
      %dma_wait3A_2997 = tpu.memref_slice %arg9[%run_scoped3A_14, %dma_wait3A_2995, %dma_wait3A_2996] : memref<2x128x128xf32, #tpu.memory_space<vmem>> -> memref<1x128x128xf32, #tpu.memory_space<vmem>>
      %dma_wait3A_2998 = tpu.memref_squeeze %dma_wait3A_2997 : memref<1x128x128xf32, #tpu.memory_space<vmem>> -> memref<128x128xf32, #tpu.memory_space<vmem>>
      %dma_wait3A_2999 = arith.constant 0 : i32
      %dma_wait3A_3000 = tpu.memref_slice %arg11[%add3A_13, %dma_wait3A_2999] : memref<4112x128xf32, #tpu.memory_space<vmem_shared>> -> memref<128x128xf32, #tpu.memory_space<vmem_shared>>
      %dma_wait3A_3001 = arith.constant 0 : i32
      %dma_wait3A_3002 = tpu.memref_slice %arg11[%add3A_13, %dma_wait3A_3001] : memref<4112x128xf32, #tpu.memory_space<vmem_shared>> -> memref<128x128xf32, #tpu.memory_space<vmem_shared>>
      %dma_wait3A_3003 = arith.constant 0 : i32
      %dma_wait3A_3004 = arith.constant 0 : i32
      %dma_wait3A_3005 = tpu.memref_slice %arg9[%run_scoped3A_14, %dma_wait3A_3003, %dma_wait3A_3004] : memref<2x128x128xf32, #tpu.memory_space<vmem>> -> memref<1x128x128xf32, #tpu.memory_space<vmem>>
      %dma_wait3A_3006 = tpu.memref_squeeze %dma_wait3A_3005 : memref<1x128x128xf32, #tpu.memory_space<vmem>> -> memref<128x128xf32, #tpu.memory_space<vmem>>
      tpu.wait_dma2 semaphore(%run_scoped3A_2982 : memref<!tpu.dma_semaphore, #tpu.memory_space<semaphore_mem>>) src(%dma_wait3A_3006 : memref<128x128xf32, #tpu.memory_space<vmem>>) dst(%dma_wait3A_3002 : memref<128x128xf32, #tpu.memory_space<vmem_shared>>)
      tpu.yield
    }) : () -> ()
    %add3A_15 = arith.constant 256 : i32
    %add3A_16 = arith.addi %mul3A_4, %add3A_15 : i32
    %run_scoped3A_17 = arith.constant 0 : i32
    "tpu.region"() ({
      %run_scoped3A_2982 = tpu.sem_alloc : memref<!tpu.dma_semaphore, #tpu.memory_space<semaphore_mem>>
      %dma_start3A_2983 = arith.constant 0 : i32
      %dma_start3A_2984 = arith.constant 0 : i32
      %dma_start3A_2985 = tpu.memref_slice %arg9[%run_scoped3A_17, %dma_start3A_2983, %dma_start3A_2984] : memref<2x128x128xf32, #tpu.memory_space<vmem>> -> memref<1x1x128xf32, #tpu.memory_space<vmem>>
      %dma_start3A_2986 = tpu.memref_squeeze %dma_start3A_2985 : memref<1x1x128xf32, #tpu.memory_space<vmem>> -> memref<1x128xf32, #tpu.memory_space<vmem>>
      %dma_start3A_2987 = arith.constant 0 : i32
      %dma_start3A_2988 = tpu.memref_slice %arg11[%add3A_16, %dma_start3A_2987] : memref<4112x128xf32, #tpu.memory_space<vmem_shared>> -> memref<1x128xf32, #tpu.memory_space<vmem_shared>>
      %dma_start3A_2989 = arith.constant 0 : i32
      %dma_start3A_2990 = tpu.memref_slice %arg11[%add3A_16, %dma_start3A_2989] : memref<4112x128xf32, #tpu.memory_space<vmem_shared>> -> memref<1x128xf32, #tpu.memory_space<vmem_shared>>
      %dma_start3A_2991 = arith.constant 0 : i32
      %dma_start3A_2992 = arith.constant 0 : i32
      %dma_start3A_2993 = tpu.memref_slice %arg9[%run_scoped3A_17, %dma_start3A_2991, %dma_start3A_2992] : memref<2x128x128xf32, #tpu.memory_space<vmem>> -> memref<1x1x128xf32, #tpu.memory_space<vmem>>
      %dma_start3A_2994 = tpu.memref_squeeze %dma_start3A_2993 : memref<1x1x128xf32, #tpu.memory_space<vmem>> -> memref<1x128xf32, #tpu.memory_space<vmem>>
      tpu.enqueue_dma source(%dma_start3A_2994 : memref<1x128xf32, #tpu.memory_space<vmem>>) target(%dma_start3A_2990 : memref<1x128xf32, #tpu.memory_space<vmem_shared>>) target_semaphore(%run_scoped3A_2982 : memref<!tpu.dma_semaphore, #tpu.memory_space<semaphore_mem>>)
      %dma_wait3A_2995 = arith.constant 0 : i32
      %dma_wait3A_2996 = arith.constant 0 : i32
      %dma_wait3A_2997 = tpu.memref_slice %arg9[%run_scoped3A_17, %dma_wait3A_2995, %dma_wait3A_2996] : memref<2x128x128xf32, #tpu.memory_space<vmem>> -> memref<1x1x128xf32, #tpu.memory_space<vmem>>
      %dma_wait3A_2998 = tpu.memref_squeeze %dma_wait3A_2997 : memref<1x1x128xf32, #tpu.memory_space<vmem>> -> memref<1x128xf32, #tpu.memory_space<vmem>>
      %dma_wait3A_2999 = arith.constant 0 : i32
      %dma_wait3A_3000 = tpu.memref_slice %arg11[%add3A_16, %dma_wait3A_2999] : memref<4112x128xf32, #tpu.memory_space<vmem_shared>> -> memref<1x128xf32, #tpu.memory_space<vmem_shared>>
      %dma_wait3A_3001 = arith.constant 0 : i32
      %dma_wait3A_3002 = tpu.memref_slice %arg11[%add3A_16, %dma_wait3A_3001] : memref<4112x128xf32, #tpu.memory_space<vmem_shared>> -> memref<1x128xf32, #tpu.memory_space<vmem_shared>>
      %dma_wait3A_3003 = arith.constant 0 : i32
      %dma_wait3A_3004 = arith.constant 0 : i32
      %dma_wait3A_3005 = tpu.memref_slice %arg9[%run_scoped3A_17, %dma_wait3A_3003, %dma_wait3A_3004] : memref<2x128x128xf32, #tpu.memory_space<vmem>> -> memref<1x1x128xf32, #tpu.memory_space<vmem>>
      %dma_wait3A_3006 = tpu.memref_squeeze %dma_wait3A_3005 : memref<1x1x128xf32, #tpu.memory_space<vmem>> -> memref<1x128xf32, #tpu.memory_space<vmem>>
      tpu.wait_dma2 semaphore(%run_scoped3A_2982 : memref<!tpu.dma_semaphore, #tpu.memory_space<semaphore_mem>>) src(%dma_wait3A_3006 : memref<1x128xf32, #tpu.memory_space<vmem>>) dst(%dma_wait3A_3002 : memref<1x128xf32, #tpu.memory_space<vmem_shared>>)
      tpu.yield
    }) : () -> ()
    %run_scoped3A_18 = arith.constant 0 : i32
    "tpu.region"() ({
      %run_scoped3A_2982 = tpu.sem_alloc : memref<!tpu.dma_semaphore, #tpu.memory_space<semaphore_mem>>
      %dma_start3A_2983 = arith.constant 0 : i32
      %dma_start3A_2984 = arith.constant 0 : i32
      %dma_start3A_2985 = tpu.memref_slice %arg9[%run_scoped3A_18, %dma_start3A_2983, %dma_start3A_2984] : memref<2x128x128xf32, #tpu.memory_space<vmem>> -> memref<1x128x128xf32, #tpu.memory_space<vmem>>
      %dma_start3A_2986 = tpu.memref_squeeze %dma_start3A_2985 : memref<1x128x128xf32, #tpu.memory_space<vmem>> -> memref<128x128xf32, #tpu.memory_space<vmem>>
      %dma_start3A_2987 = arith.constant 0 : i32
      %dma_start3A_2988 = tpu.memref_slice %arg12[%mul3A_4, %dma_start3A_2987] : memref<4112x128xf32, #tpu.memory_space<vmem_shared>> -> memref<128x128xf32, #tpu.memory_space<vmem_shared>>
      %dma_start3A_2989 = arith.constant 0 : i32
      %dma_start3A_2990 = tpu.memref_slice %arg12[%mul3A_4, %dma_start3A_2989] : memref<4112x128xf32, #tpu.memory_space<vmem_shared>> -> memref<128x128xf32, #tpu.memory_space<vmem_shared>>
      %dma_start3A_2991 = arith.constant 0 : i32
      %dma_start3A_2992 = arith.constant 0 : i32
      %dma_start3A_2993 = tpu.memref_slice %arg9[%run_scoped3A_18, %dma_start3A_2991, %dma_start3A_2992] : memref<2x128x128xf32, #tpu.memory_space<vmem>> -> memref<1x128x128xf32, #tpu.memory_space<vmem>>
      %dma_start3A_2994 = tpu.memref_squeeze %dma_start3A_2993 : memref<1x128x128xf32, #tpu.memory_space<vmem>> -> memref<128x128xf32, #tpu.memory_space<vmem>>
      tpu.enqueue_dma source(%dma_start3A_2994 : memref<128x128xf32, #tpu.memory_space<vmem>>) target(%dma_start3A_2990 : memref<128x128xf32, #tpu.memory_space<vmem_shared>>) target_semaphore(%run_scoped3A_2982 : memref<!tpu.dma_semaphore, #tpu.memory_space<semaphore_mem>>)
      %dma_wait3A_2995 = arith.constant 0 : i32
      %dma_wait3A_2996 = arith.constant 0 : i32
      %dma_wait3A_2997 = tpu.memref_slice %arg9[%run_scoped3A_18, %dma_wait3A_2995, %dma_wait3A_2996] : memref<2x128x128xf32, #tpu.memory_space<vmem>> -> memref<1x128x128xf32, #tpu.memory_space<vmem>>
      %dma_wait3A_2998 = tpu.memref_squeeze %dma_wait3A_2997 : memref<1x128x128xf32, #tpu.memory_space<vmem>> -> memref<128x128xf32, #tpu.memory_space<vmem>>
      %dma_wait3A_2999 = arith.constant 0 : i32
      %dma_wait3A_3000 = tpu.memref_slice %arg12[%mul3A_4, %dma_wait3A_2999] : memref<4112x128xf32, #tpu.memory_space<vmem_shared>> -> memref<128x128xf32, #tpu.memory_space<vmem_shared>>
      %dma_wait3A_3001 = arith.constant 0 : i32
      %dma_wait3A_3002 = tpu.memref_slice %arg12[%mul3A_4, %dma_wait3A_3001] : memref<4112x128xf32, #tpu.memory_space<vmem_shared>> -> memref<128x128xf32, #tpu.memory_space<vmem_shared>>
      %dma_wait3A_3003 = arith.constant 0 : i32
      %dma_wait3A_3004 = arith.constant 0 : i32
      %dma_wait3A_3005 = tpu.memref_slice %arg9[%run_scoped3A_18, %dma_wait3A_3003, %dma_wait3A_3004] : memref<2x128x128xf32, #tpu.memory_space<vmem>> -> memref<1x128x128xf32, #tpu.memory_space<vmem>>
      %dma_wait3A_3006 = tpu.memref_squeeze %dma_wait3A_3005 : memref<1x128x128xf32, #tpu.memory_space<vmem>> -> memref<128x128xf32, #tpu.memory_space<vmem>>
      tpu.wait_dma2 semaphore(%run_scoped3A_2982 : memref<!tpu.dma_semaphore, #tpu.memory_space<semaphore_mem>>) src(%dma_wait3A_3006 : memref<128x128xf32, #tpu.memory_space<vmem>>) dst(%dma_wait3A_3002 : memref<128x128xf32, #tpu.memory_space<vmem_shared>>)
      tpu.yield
    }) : () -> ()
    %add3A_19 = arith.constant 128 : i32
    %add3A_20 = arith.addi %mul3A_4, %add3A_19 : i32
    %run_scoped3A_21 = arith.constant 0 : i32
    "tpu.region"() ({
      %run_scoped3A_2982 = tpu.sem_alloc : memref<!tpu.dma_semaphore, #tpu.memory_space<semaphore_mem>>
      %dma_start3A_2983 = arith.constant 0 : i32
      %dma_start3A_2984 = arith.constant 0 : i32
      %dma_start3A_2985 = tpu.memref_slice %arg9[%run_scoped3A_21, %dma_start3A_2983, %dma_start3A_2984] : memref<2x128x128xf32, #tpu.memory_space<vmem>> -> memref<1x128x128xf32, #tpu.memory_space<vmem>>
      %dma_start3A_2986 = tpu.memref_squeeze %dma_start3A_2985 : memref<1x128x128xf32, #tpu.memory_space<vmem>> -> memref<128x128xf32, #tpu.memory_space<vmem>>
      %dma_start3A_2987 = arith.constant 0 : i32
      %dma_start3A_2988 = tpu.memref_slice %arg12[%add3A_20, %dma_start3A_2987] : memref<4112x128xf32, #tpu.memory_space<vmem_shared>> -> memref<128x128xf32, #tpu.memory_space<vmem_shared>>
      %dma_start3A_2989 = arith.constant 0 : i32
      %dma_start3A_2990 = tpu.memref_slice %arg12[%add3A_20, %dma_start3A_2989] : memref<4112x128xf32, #tpu.memory_space<vmem_shared>> -> memref<128x128xf32, #tpu.memory_space<vmem_shared>>
      %dma_start3A_2991 = arith.constant 0 : i32
      %dma_start3A_2992 = arith.constant 0 : i32
      %dma_start3A_2993 = tpu.memref_slice %arg9[%run_scoped3A_21, %dma_start3A_2991, %dma_start3A_2992] : memref<2x128x128xf32, #tpu.memory_space<vmem>> -> memref<1x128x128xf32, #tpu.memory_space<vmem>>
      %dma_start3A_2994 = tpu.memref_squeeze %dma_start3A_2993 : memref<1x128x128xf32, #tpu.memory_space<vmem>> -> memref<128x128xf32, #tpu.memory_space<vmem>>
      tpu.enqueue_dma source(%dma_start3A_2994 : memref<128x128xf32, #tpu.memory_space<vmem>>) target(%dma_start3A_2990 : memref<128x128xf32, #tpu.memory_space<vmem_shared>>) target_semaphore(%run_scoped3A_2982 : memref<!tpu.dma_semaphore, #tpu.memory_space<semaphore_mem>>)
      %dma_wait3A_2995 = arith.constant 0 : i32
      %dma_wait3A_2996 = arith.constant 0 : i32
      %dma_wait3A_2997 = tpu.memref_slice %arg9[%run_scoped3A_21, %dma_wait3A_2995, %dma_wait3A_2996] : memref<2x128x128xf32, #tpu.memory_space<vmem>> -> memref<1x128x128xf32, #tpu.memory_space<vmem>>
      %dma_wait3A_2998 = tpu.memref_squeeze %dma_wait3A_2997 : memref<1x128x128xf32, #tpu.memory_space<vmem>> -> memref<128x128xf32, #tpu.memory_space<vmem>>
      %dma_wait3A_2999 = arith.constant 0 : i32
      %dma_wait3A_3000 = tpu.memref_slice %arg12[%add3A_20, %dma_wait3A_2999] : memref<4112x128xf32, #tpu.memory_space<vmem_shared>> -> memref<128x128xf32, #tpu.memory_space<vmem_shared>>
      %dma_wait3A_3001 = arith.constant 0 : i32
      %dma_wait3A_3002 = tpu.memref_slice %arg12[%add3A_20, %dma_wait3A_3001] : memref<4112x128xf32, #tpu.memory_space<vmem_shared>> -> memref<128x128xf32, #tpu.memory_space<vmem_shared>>
      %dma_wait3A_3003 = arith.constant 0 : i32
      %dma_wait3A_3004 = arith.constant 0 : i32
      %dma_wait3A_3005 = tpu.memref_slice %arg9[%run_scoped3A_21, %dma_wait3A_3003, %dma_wait3A_3004] : memref<2x128x128xf32, #tpu.memory_space<vmem>> -> memref<1x128x128xf32, #tpu.memory_space<vmem>>
      %dma_wait3A_3006 = tpu.memref_squeeze %dma_wait3A_3005 : memref<1x128x128xf32, #tpu.memory_space<vmem>> -> memref<128x128xf32, #tpu.memory_space<vmem>>
      tpu.wait_dma2 semaphore(%run_scoped3A_2982 : memref<!tpu.dma_semaphore, #tpu.memory_space<semaphore_mem>>) src(%dma_wait3A_3006 : memref<128x128xf32, #tpu.memory_space<vmem>>) dst(%dma_wait3A_3002 : memref<128x128xf32, #tpu.memory_space<vmem_shared>>)
      tpu.yield
    }) : () -> ()
    %add3A_22 = arith.constant 256 : i32
    %add3A_23 = arith.addi %mul3A_4, %add3A_22 : i32
    %run_scoped3A_24 = arith.constant 0 : i32
    "tpu.region"() ({
      %run_scoped3A_2982 = tpu.sem_alloc : memref<!tpu.dma_semaphore, #tpu.memory_space<semaphore_mem>>
      %dma_start3A_2983 = arith.constant 0 : i32
      %dma_start3A_2984 = arith.constant 0 : i32
      %dma_start3A_2985 = tpu.memref_slice %arg9[%run_scoped3A_24, %dma_start3A_2983, %dma_start3A_2984] : memref<2x128x128xf32, #tpu.memory_space<vmem>> -> memref<1x1x128xf32, #tpu.memory_space<vmem>>
      %dma_start3A_2986 = tpu.memref_squeeze %dma_start3A_2985 : memref<1x1x128xf32, #tpu.memory_space<vmem>> -> memref<1x128xf32, #tpu.memory_space<vmem>>
      %dma_start3A_2987 = arith.constant 0 : i32
      %dma_start3A_2988 = tpu.memref_slice %arg12[%add3A_23, %dma_start3A_2987] : memref<4112x128xf32, #tpu.memory_space<vmem_shared>> -> memref<1x128xf32, #tpu.memory_space<vmem_shared>>
      %dma_start3A_2989 = arith.constant 0 : i32
      %dma_start3A_2990 = tpu.memref_slice %arg12[%add3A_23, %dma_start3A_2989] : memref<4112x128xf32, #tpu.memory_space<vmem_shared>> -> memref<1x128xf32, #tpu.memory_space<vmem_shared>>
      %dma_start3A_2991 = arith.constant 0 : i32
      %dma_start3A_2992 = arith.constant 0 : i32
      %dma_start3A_2993 = tpu.memref_slice %arg9[%run_scoped3A_24, %dma_start3A_2991, %dma_start3A_2992] : memref<2x128x128xf32, #tpu.memory_space<vmem>> -> memref<1x1x128xf32, #tpu.memory_space<vmem>>
      %dma_start3A_2994 = tpu.memref_squeeze %dma_start3A_2993 : memref<1x1x128xf32, #tpu.memory_space<vmem>> -> memref<1x128xf32, #tpu.memory_space<vmem>>
      tpu.enqueue_dma source(%dma_start3A_2994 : memref<1x128xf32, #tpu.memory_space<vmem>>) target(%dma_start3A_2990 : memref<1x128xf32, #tpu.memory_space<vmem_shared>>) target_semaphore(%run_scoped3A_2982 : memref<!tpu.dma_semaphore, #tpu.memory_space<semaphore_mem>>)
      %dma_wait3A_2995 = arith.constant 0 : i32
      %dma_wait3A_2996 = arith.constant 0 : i32
      %dma_wait3A_2997 = tpu.memref_slice %arg9[%run_scoped3A_24, %dma_wait3A_2995, %dma_wait3A_2996] : memref<2x128x128xf32, #tpu.memory_space<vmem>> -> memref<1x1x128xf32, #tpu.memory_space<vmem>>
      %dma_wait3A_2998 = tpu.memref_squeeze %dma_wait3A_2997 : memref<1x1x128xf32, #tpu.memory_space<vmem>> -> memref<1x128xf32, #tpu.memory_space<vmem>>
      %dma_wait3A_2999 = arith.constant 0 : i32
      %dma_wait3A_3000 = tpu.memref_slice %arg12[%add3A_23, %dma_wait3A_2999] : memref<4112x128xf32, #tpu.memory_space<vmem_shared>> -> memref<1x128xf32, #tpu.memory_space<vmem_shared>>
      %dma_wait3A_3001 = arith.constant 0 : i32
      %dma_wait3A_3002 = tpu.memref_slice %arg12[%add3A_23, %dma_wait3A_3001] : memref<4112x128xf32, #tpu.memory_space<vmem_shared>> -> memref<1x128xf32, #tpu.memory_space<vmem_shared>>
      %dma_wait3A_3003 = arith.constant 0 : i32
      %dma_wait3A_3004 = arith.constant 0 : i32
      %dma_wait3A_3005 = tpu.memref_slice %arg9[%run_scoped3A_24, %dma_wait3A_3003, %dma_wait3A_3004] : memref<2x128x128xf32, #tpu.memory_space<vmem>> -> memref<1x1x128xf32, #tpu.memory_space<vmem>>
      %dma_wait3A_3006 = tpu.memref_squeeze %dma_wait3A_3005 : memref<1x1x128xf32, #tpu.memory_space<vmem>> -> memref<1x128xf32, #tpu.memory_space<vmem>>
      tpu.wait_dma2 semaphore(%run_scoped3A_2982 : memref<!tpu.dma_semaphore, #tpu.memory_space<semaphore_mem>>) src(%dma_wait3A_3006 : memref<1x128xf32, #tpu.memory_space<vmem>>) dst(%dma_wait3A_3002 : memref<1x128xf32, #tpu.memory_space<vmem_shared>>)
      tpu.yield
    }) : () -> ()
    %scan3A_25 = arith.constant 0 : i32
    %scan3A_26 = arith.constant 0 : i32
    %scan3A_27 = arith.constant 128 : i32
    %scan3A_28 = arith.addi %scan3A_26, %scan3A_27 : i32
    %scan3A_29 = arith.constant 1 : i32
    scf.for %scan3A_2982 = %scan3A_26 to %scan3A_28 step %scan3A_29  : i32 {
      %broadcast_in_dim3A = arith.constant 1.000000e+00 : f32
      %broadcast_in_dim3A_2983 = vector.broadcast %broadcast_in_dim3A : f32 to vector<16xf32>
      %swap3A = arith.index_cast %scan3A_2982 : i32 to index
      %swap3A_2984 = arith.constant 0 : index
      %swap3A_2985 = tpu.vector_load %arg10[%swap3A, %swap3A_2984] {strides = array<i32>} : memref<128x128xf32, #tpu.memory_space<vmem>>, vector<1x16xf32>,
      %swap3A_2986 = vector.shape_cast %swap3A_2985 : vector<1x16xf32> to vector<16xf32>
      %swap3A_2987 = vector.shape_cast %broadcast_in_dim3A_2983 : vector<16xf32> to vector<1x16xf32>
      tpu.vector_store %arg10[%swap3A, %swap3A_2984], %swap3A_2987 {strides = array<i32>} : memref<128x128xf32, #tpu.memory_space<vmem>>, vector<1x16xf32>,
      %broadcast_in_dim3A_2988 = arith.constant 1.000000e+00 : f32
      %broadcast_in_dim3A_2989 = vector.broadcast %broadcast_in_dim3A_2988 : f32 to vector<16xf32>
      %swap3A_2990 = arith.index_cast %scan3A_2982 : i32 to index
      %swap3A_2991 = arith.constant 16 : index
      %swap3A_2992 = tpu.vector_load %arg10[%swap3A_2990, %swap3A_2991] {strides = array<i32>} : memref<128x128xf32, #tpu.memory_space<vmem>>, vector<1x16xf32>,
      %swap3A_2993 = vector.shape_cast %swap3A_2992 : vector<1x16xf32> to vector<16xf32>
      %swap3A_2994 = vector.shape_cast %broadcast_in_dim3A_2989 : vector<16xf32> to vector<1x16xf32>
      tpu.vector_store %arg10[%swap3A_2990, %swap3A_2991], %swap3A_2994 {strides = array<i32>} : memref<128x128xf32, #tpu.memory_space<vmem>>, vector<1x16xf32>,
      %broadcast_in_dim3A_2995 = arith.constant 1.000000e+00 : f32
      %broadcast_in_dim3A_2996 = vector.broadcast %broadcast_in_dim3A_2995 : f32 to vector<16xf32>
      %swap3A_2997 = arith.index_cast %scan3A_2982 : i32 to index
      %swap3A_2998 = arith.constant 32 : index
      %swap3A_2999 = tpu.vector_load %arg10[%swap3A_2997, %swap3A_2998] {strides = array<i32>} : memref<128x128xf32, #tpu.memory_space<vmem>>, vector<1x16xf32>,
      %swap3A_3000 = vector.shape_cast %swap3A_2999 : vector<1x16xf32> to vector<16xf32>
      %swap3A_3001 = vector.shape_cast %broadcast_in_dim3A_2996 : vector<16xf32> to vector<1x16xf32>
      tpu.vector_store %arg10[%swap3A_2997, %swap3A_2998], %swap3A_3001 {strides = array<i32>} : memref<128x128xf32, #tpu.memory_space<vmem>>, vector<1x16xf32>,
      %broadcast_in_dim3A_3002 = arith.constant 1.000000e+00 : f32
      %broadcast_in_dim3A_3003 = vector.broadcast %broadcast_in_dim3A_3002 : f32 to vector<16xf32>
      %swap3A_3004 = arith.index_cast %scan3A_2982 : i32 to index
      %swap3A_3005 = arith.constant 48 : index
      %swap3A_3006 = tpu.vector_load %arg10[%swap3A_3004, %swap3A_3005] {strides = array<i32>} : memref<128x128xf32, #tpu.memory_space<vmem>>, vector<1x16xf32>,
      %swap3A_3007 = vector.shape_cast %swap3A_3006 : vector<1x16xf32> to vector<16xf32>
      %swap3A_3008 = vector.shape_cast %broadcast_in_dim3A_3003 : vector<16xf32> to vector<1x16xf32>
      tpu.vector_store %arg10[%swap3A_3004, %swap3A_3005], %swap3A_3008 {strides = array<i32>} : memref<128x128xf32, #tpu.memory_space<vmem>>, vector<1x16xf32>,
      %broadcast_in_dim3A_3009 = arith.constant 1.000000e+00 : f32
      %broadcast_in_dim3A_3010 = vector.broadcast %broadcast_in_dim3A_3009 : f32 to vector<16xf32>
      %swap3A_3011 = arith.index_cast %scan3A_2982 : i32 to index
      %swap3A_3012 = arith.constant 64 : index
      %swap3A_3013 = tpu.vector_load %arg10[%swap3A_3011, %swap3A_3012] {strides = array<i32>} : memref<128x128xf32, #tpu.memory_space<vmem>>, vector<1x16xf32>,
      %swap3A_3014 = vector.shape_cast %swap3A_3013 : vector<1x16xf32> to vector<16xf32>
      %swap3A_3015 = vector.shape_cast %broadcast_in_dim3A_3010 : vector<16xf32> to vector<1x16xf32>
      tpu.vector_store %arg10[%swap3A_3011, %swap3A_3012], %swap3A_3015 {strides = array<i32>} : memref<128x128xf32, #tpu.memory_space<vmem>>, vector<1x16xf32>,
      %broadcast_in_dim3A_3016 = arith.constant 1.000000e+00 : f32
      %broadcast_in_dim3A_3017 = vector.broadcast %broadcast_in_dim3A_3016 : f32 to vector<16xf32>
      %swap3A_3018 = arith.index_cast %scan3A_2982 : i32 to index
      %swap3A_3019 = arith.constant 80 : index
      %swap3A_3020 = tpu.vector_load %arg10[%swap3A_3018, %swap3A_3019] {strides = array<i32>} : memref<128x128xf32, #tpu.memory_space<vmem>>, vector<1x16xf32>,
      %swap3A_3021 = vector.shape_cast %swap3A_3020 : vector<1x16xf32> to vector<16xf32>
      %swap3A_3022 = vector.shape_cast %broadcast_in_dim3A_3017 : vector<16xf32> to vector<1x16xf32>
      tpu.vector_store %arg10[%swap3A_3018, %swap3A_3019], %swap3A_3022 {strides = array<i32>} : memref<128x128xf32, #tpu.memory_space<vmem>>, vector<1x16xf32>,
      %broadcast_in_dim3A_3023 = arith.constant 1.000000e+00 : f32
      %broadcast_in_dim3A_3024 = vector.broadcast %broadcast_in_dim3A_3023 : f32 to vector<16xf32>
      %swap3A_3025 = arith.index_cast %scan3A_2982 : i32 to index
      %swap3A_3026 = arith.constant 96 : index
      %swap3A_3027 = tpu.vector_load %arg10[%swap3A_3025, %swap3A_3026] {strides = array<i32>} : memref<128x128xf32, #tpu.memory_space<vmem>>, vector<1x16xf32>,
      %swap3A_3028 = vector.shape_cast %swap3A_3027 : vector<1x16xf32> to vector<16xf32>
      %swap3A_3029 = vector.shape_cast %broadcast_in_dim3A_3024 : vector<16xf32> to vector<1x16xf32>
      tpu.vector_store %arg10[%swap3A_3025, %swap3A_3026], %swap3A_3029 {strides = array<i32>} : memref<128x128xf32, #tpu.memory_space<vmem>>, vector<1x16xf32>,
      %broadcast_in_dim3A_3030 = arith.constant 1.000000e+00 : f32
      %broadcast_in_dim3A_3031 = vector.broadcast %broadcast_in_dim3A_3030 : f32 to vector<16xf32>
      %swap3A_3032 = arith.index_cast %scan3A_2982 : i32 to index
      %swap3A_3033 = arith.constant 112 : index
      %swap3A_3034 = tpu.vector_load %arg10[%swap3A_3032, %swap3A_3033] {strides = array<i32>} : memref<128x128xf32, #tpu.memory_space<vmem>>, vector<1x16xf32>,
      %swap3A_3035 = vector.shape_cast %swap3A_3034 : vector<1x16xf32> to vector<16xf32>
      %swap3A_3036 = vector.shape_cast %broadcast_in_dim3A_3031 : vector<16xf32> to vector<1x16xf32>
      tpu.vector_store %arg10[%swap3A_3032, %swap3A_3033], %swap3A_3036 {strides = array<i32>} : memref<128x128xf32, #tpu.memory_space<vmem>>, vector<1x16xf32>,
    }
    %scan3A_30 = arith.constant 128 : i32
    %barrier3A = arith.constant 0 : index
    tpu.barrier barrier_id(%barrier3A)
    %add3A_31 = arith.constant 0 : i32
    %add3A_32 = arith.addi %mul3A_2, %add3A_31 : i32
    %dma_start3A = arith.constant 0 : i32
    %dma_start3A_33 = arith.constant 0 : i32
    %dma_start3A_34 = arith.constant 0 : i32
    %dma_start3A_35 = tpu.memref_slice %arg9[%dma_start3A, %dma_start3A_33, %dma_start3A_34] : memref<2x128x128xf32, #tpu.memory_space<vmem>> -> memref<1x128x128xf32, #tpu.memory_space<vmem>>
    %dma_start3A_36 = tpu.memref_squeeze %dma_start3A_35 : memref<1x128x128xf32, #tpu.memory_space<vmem>> -> memref<128x128xf32, #tpu.memory_space<vmem>>
    %dma_start3A_37 = arith.constant 0 : i32
    %dma_start3A_38 = tpu.memref_slice %arg2[%add3A_32, %dma_start3A_37] : memref<102400x128xf32, #tpu.memory_space<hbm>> -> memref<128x128xf32, #tpu.memory_space<hbm>>
    %dma_start3A_39 = arith.constant 0 : i32
    %dma_start3A_40 = arith.constant 0 : i32
    %dma_start3A_41 = tpu.memref_slice %arg9[%dma_start3A, %dma_start3A_39, %dma_start3A_40] : memref<2x128x128xf32, #tpu.memory_space<vmem>> -> memref<1x128x128xf32, #tpu.memory_space<vmem>>
    %dma_start3A_42 = tpu.memref_squeeze %dma_start3A_41 : memref<1x128x128xf32, #tpu.memory_space<vmem>> -> memref<128x128xf32, #tpu.memory_space<vmem>>
    %dma_start3A_43 = arith.constant 0 : i32
    %dma_start3A_44 = tpu.memref_slice %arg2[%add3A_32, %dma_start3A_43] : memref<102400x128xf32, #tpu.memory_space<hbm>> -> memref<128x128xf32, #tpu.memory_space<hbm>>
    tpu.enqueue_dma source(%dma_start3A_44 : memref<128x128xf32, #tpu.memory_space<hbm>>) target(%dma_start3A_42 : memref<128x128xf32, #tpu.memory_space<vmem>>) target_semaphore(%arg13 : memref<!tpu.dma_semaphore, #tpu.memory_space<semaphore_mem>>)
    %add3A_45 = arith.constant 128 : i32
    %add3A_46 = arith.addi %mul3A_2, %add3A_45 : i32
    %dma_start3A_47 = arith.constant 1 : i32
    %dma_start3A_48 = arith.constant 0 : i32
    %dma_start3A_49 = arith.constant 0 : i32
    %dma_start3A_50 = tpu.memref_slice %arg9[%dma_start3A_47, %dma_start3A_48, %dma_start3A_49] : memref<2x128x128xf32, #tpu.memory_space<vmem>> -> memref<1x128x128xf32, #tpu.memory_space<vmem>>
    %dma_start3A_51 = tpu.memref_squeeze %dma_start3A_50 : memref<1x128x128xf32, #tpu.memory_space<vmem>> -> memref<128x128xf32, #tpu.memory_space<vmem>>
    %dma_start3A_52 = arith.constant 0 : i32
    %dma_start3A_53 = tpu.memref_slice %arg2[%add3A_46, %dma_start3A_52] : memref<102400x128xf32, #tpu.memory_space<hbm>> -> memref<128x128xf32, #tpu.memory_space<hbm>>
    %dma_start3A_54 = arith.constant 0 : i32
    %dma_start3A_55 = arith.constant 0 : i32
    %dma_start3A_56 = tpu.memref_slice %arg9[%dma_start3A_47, %dma_start3A_54, %dma_start3A_55] : memref<2x128x128xf32, #tpu.memory_space<vmem>> -> memref<1x128x128xf32, #tpu.memory_space<vmem>>
    %dma_start3A_57 = tpu.memref_squeeze %dma_start3A_56 : memref<1x128x128xf32, #tpu.memory_space<vmem>> -> memref<128x128xf32, #tpu.memory_space<vmem>>
    %dma_start3A_58 = arith.constant 0 : i32
    %dma_start3A_59 = tpu.memref_slice %arg2[%add3A_46, %dma_start3A_58] : memref<102400x128xf32, #tpu.memory_space<hbm>> -> memref<128x128xf32, #tpu.memory_space<hbm>>
    tpu.enqueue_dma source(%dma_start3A_59 : memref<128x128xf32, #tpu.memory_space<hbm>>) target(%dma_start3A_57 : memref<128x128xf32, #tpu.memory_space<vmem>>) target_semaphore(%arg14 : memref<!tpu.dma_semaphore, #tpu.memory_space<semaphore_mem>>)
    %dma_wait3A = arith.constant 0 : i32
    %dma_wait3A_60 = arith.constant 0 : i32
    %dma_wait3A_61 = arith.constant 0 : i32
    %dma_wait3A_62 = tpu.memref_slice %arg9[%dma_wait3A, %dma_wait3A_60, %dma_wait3A_61] : memref<2x128x128xf32, #tpu.memory_space<vmem>> -> memref<1x128x128xf32, #tpu.memory_space<vmem>>
    %dma_wait3A_63 = tpu.memref_squeeze %dma_wait3A_62 : memref<1x128x128xf32, #tpu.memory_space<vmem>> -> memref<128x128xf32, #tpu.memory_space<vmem>>
    %dma_wait3A_64 = arith.constant 0 : i32
    %dma_wait3A_65 = tpu.memref_slice %arg2[%add3A_32, %dma_wait3A_64] : memref<102400x128xf32, #tpu.memory_space<hbm>> -> memref<128x128xf32, #tpu.memory_space<hbm>>
    %dma_wait3A_66 = arith.constant 0 : i32
    %dma_wait3A_67 = arith.constant 0 : i32
    %dma_wait3A_68 = tpu.memref_slice %arg9[%dma_wait3A, %dma_wait3A_66, %dma_wait3A_67] : memref<2x128x128xf32, #tpu.memory_space<vmem>> -> memref<1x128x128xf32, #tpu.memory_space<vmem>>
    %dma_wait3A_69 = tpu.memref_squeeze %dma_wait3A_68 : memref<1x128x128xf32, #tpu.memory_space<vmem>> -> memref<128x128xf32, #tpu.memory_space<vmem>>
    %dma_wait3A_70 = arith.constant 0 : i32
    %dma_wait3A_71 = tpu.memref_slice %arg2[%add3A_32, %dma_wait3A_70] : memref<102400x128xf32, #tpu.memory_space<hbm>> -> memref<128x128xf32, #tpu.memory_space<hbm>>
    tpu.wait_dma2 semaphore(%arg13 : memref<!tpu.dma_semaphore, #tpu.memory_space<semaphore_mem>>) src(%dma_wait3A_71 : memref<128x128xf32, #tpu.memory_space<hbm>>) dst(%dma_wait3A_69 : memref<128x128xf32, #tpu.memory_space<vmem>>)
    %dma_start3A_72 = arith.constant 0 : i32
    %dma_start3A_73 = arith.constant 0 : i32
    %dma_start3A_74 = arith.constant 0 : i32
    %dma_start3A_75 = arith.constant 0 : i32
    %dma_start3A_76 = tpu.memref_slice %arg9[%dma_start3A_72, %dma_start3A_74, %dma_start3A_75] : memref<2x128x128xf32, #tpu.memory_space<vmem>> -> memref<1x128x128xf32, #tpu.memory_space<vmem>>
    %dma_start3A_77 = tpu.memref_squeeze %dma_start3A_76 : memref<1x128x128xf32, #tpu.memory_space<vmem>> -> memref<128x128xf32, #tpu.memory_space<vmem>>
    %dma_start3A_78 = arith.constant 0 : i32
    %dma_start3A_79 = tpu.memref_slice %arg8[%dma_start3A_73, %dma_start3A_78] : memref<25x128xi32, #tpu.memory_space<vmem>> -> memref<1x128xi32, #tpu.memory_space<vmem>>
    %dma_start3A_80 = tpu.memref_squeeze %dma_start3A_79 : memref<1x128xi32, #tpu.memory_space<vmem>> -> memref<128xi32, #tpu.memory_space<vmem>>
    %dma_start3A_81 = arith.constant 0 : i32
    %dma_start3A_82 = arith.constant 0 : i32
    %dma_start3A_83 = tpu.memref_slice %arg11[%dma_start3A_81, %dma_start3A_82] : memref<4112x128xf32, #tpu.memory_space<vmem_shared>> -> memref<4112x128xf32, #tpu.memory_space<vmem_shared>>
    tpu.enqueue_indirect_dma source(%dma_start3A_77 : memref<128x128xf32, #tpu.memory_space<vmem>>) target(%dma_start3A_83 : memref<4112x128xf32, #tpu.memory_space<vmem_shared>>) offsets(%dma_start3A_80 : memref<128xi32, #tpu.memory_space<vmem>>) semaphore(%arg15 : memref<!tpu.dma_semaphore, #tpu.memory_space<semaphore_mem>>) {add = true}
    %dma_start3A_84 = arith.constant 0 : i32
    %dma_start3A_85 = arith.constant 0 : i32
    %dma_start3A_86 = tpu.memref_slice %arg8[%dma_start3A_84, %dma_start3A_85] : memref<25x128xi32, #tpu.memory_space<vmem>> -> memref<1x128xi32, #tpu.memory_space<vmem>>
    %dma_start3A_87 = tpu.memref_squeeze %dma_start3A_86 : memref<1x128xi32, #tpu.memory_space<vmem>> -> memref<128xi32, #tpu.memory_space<vmem>>
    %dma_start3A_88 = arith.constant 0 : i32
    %dma_start3A_89 = arith.constant 0 : i32
    %dma_start3A_90 = tpu.memref_slice %arg12[%dma_start3A_88, %dma_start3A_89] : memref<4112x128xf32, #tpu.memory_space<vmem_shared>> -> memref<4112x128xf32, #tpu.memory_space<vmem_shared>>
    tpu.enqueue_indirect_dma source(%arg10 : memref<128x128xf32, #tpu.memory_space<vmem>>) target(%dma_start3A_90 : memref<4112x128xf32, #tpu.memory_space<vmem_shared>>) offsets(%dma_start3A_87 : memref<128xi32, #tpu.memory_space<vmem>>) semaphore(%arg17 : memref<!tpu.dma_semaphore, #tpu.memory_space<semaphore_mem>>) {add = true}
    %dma_wait3A_91 = arith.constant 0 : i32
    %dma_wait3A_92 = arith.constant 0 : i32
    %dma_wait3A_93 = arith.constant 0 : i32
    %dma_wait3A_94 = arith.constant 0 : i32
    %dma_wait3A_95 = tpu.memref_slice %arg9[%dma_wait3A_91, %dma_wait3A_93, %dma_wait3A_94] : memref<2x128x128xf32, #tpu.memory_space<vmem>> -> memref<1x128x128xf32, #tpu.memory_space<vmem>>
    %dma_wait3A_96 = tpu.memref_squeeze %dma_wait3A_95 : memref<1x128x128xf32, #tpu.memory_space<vmem>> -> memref<128x128xf32, #tpu.memory_space<vmem>>
    %dma_wait3A_97 = arith.constant 0 : i32
    %dma_wait3A_98 = tpu.memref_slice %arg8[%dma_wait3A_92, %dma_wait3A_97] : memref<25x128xi32, #tpu.memory_space<vmem>> -> memref<1x128xi32, #tpu.memory_space<vmem>>
    %dma_wait3A_99 = tpu.memref_squeeze %dma_wait3A_98 : memref<1x128xi32, #tpu.memory_space<vmem>> -> memref<128xi32, #tpu.memory_space<vmem>>
    %dma_wait3A_100 = arith.constant 0 : i32
    %dma_wait3A_101 = arith.constant 0 : i32
    %dma_wait3A_102 = tpu.memref_slice %arg11[%dma_wait3A_100, %dma_wait3A_101] : memref<4112x128xf32, #tpu.memory_space<vmem_shared>> -> memref<4112x128xf32, #tpu.memory_space<vmem_shared>>
    tpu.wait_indirect_dma semaphore(%arg15 : memref<!tpu.dma_semaphore, #tpu.memory_space<semaphore_mem>>) src(%dma_wait3A_96 : memref<128x128xf32, #tpu.memory_space<vmem>>) dst(%dma_wait3A_102 : memref<4112x128xf32, #tpu.memory_space<vmem_shared>>)
    %add3A_103 = arith.constant 256 : i32
    %add3A_104 = arith.addi %mul3A_2, %add3A_103 : i32
    %dma_start3A_105 = arith.constant 0 : i32
    %dma_start3A_106 = arith.constant 0 : i32
    %dma_start3A_107 = arith.constant 0 : i32
    %dma_start3A_108 = tpu.memref_slice %arg9[%dma_start3A_105, %dma_start3A_106, %dma_start3A_107] : memref<2x128x128xf32, #tpu.memory_space<vmem>> -> memref<1x128x128xf32, #tpu.memory_space<vmem>>
    %dma_start3A_109 = tpu.memref_squeeze %dma_start3A_108 : memref<1x128x128xf32, #tpu.memory_space<vmem>> -> memref<128x128xf32, #tpu.memory_space<vmem>>
    %dma_start3A_110 = arith.constant 0 : i32
    %dma_start3A_111 = tpu.memref_slice %arg2[%add3A_104, %dma_start3A_110] : memref<102400x128xf32, #tpu.memory_space<hbm>> -> memref<128x128xf32, #tpu.memory_space<hbm>>
    %dma_start3A_112 = arith.constant 0 : i32
    %dma_start3A_113 = arith.constant 0 : i32
    %dma_start3A_114 = tpu.memref_slice %arg9[%dma_start3A_105, %dma_start3A_112, %dma_start3A_113] : memref<2x128x128xf32, #tpu.memory_space<vmem>> -> memref<1x128x128xf32, #tpu.memory_space<vmem>>
    %dma_start3A_115 = tpu.memref_squeeze %dma_start3A_114 : memref<1x128x128xf32, #tpu.memory_space<vmem>> -> memref<128x128xf32, #tpu.memory_space<vmem>>
    %dma_start3A_116 = arith.constant 0 : i32
    %dma_start3A_117 = tpu.memref_slice %arg2[%add3A_104, %dma_start3A_116] : memref<102400x128xf32, #tpu.memory_space<hbm>> -> memref<128x128xf32, #tpu.memory_space<hbm>>
    tpu.enqueue_dma source(%dma_start3A_117 : memref<128x128xf32, #tpu.memory_space<hbm>>) target(%dma_start3A_115 : memref<128x128xf32, #tpu.memory_space<vmem>>) target_semaphore(%arg13 : memref<!tpu.dma_semaphore, #tpu.memory_space<semaphore_mem>>)
    %dma_wait3A_118 = arith.constant 1 : i32
    %dma_wait3A_119 = arith.constant 0 : i32
    %dma_wait3A_120 = arith.constant 0 : i32
    %dma_wait3A_121 = tpu.memref_slice %arg9[%dma_wait3A_118, %dma_wait3A_119, %dma_wait3A_120] : memref<2x128x128xf32, #tpu.memory_space<vmem>> -> memref<1x128x128xf32, #tpu.memory_space<vmem>>
    %dma_wait3A_122 = tpu.memref_squeeze %dma_wait3A_121 : memref<1x128x128xf32, #tpu.memory_space<vmem>> -> memref<128x128xf32, #tpu.memory_space<vmem>>
    %dma_wait3A_123 = arith.constant 0 : i32
    %dma_wait3A_124 = tpu.memref_slice %arg2[%add3A_46, %dma_wait3A_123] : memref<102400x128xf32, #tpu.memory_space<hbm>> -> memref<128x128xf32, #tpu.memory_space<hbm>>
    %dma_wait3A_125 = arith.constant 0 : i32
    %dma_wait3A_126 = arith.constant 0 : i32
    %dma_wait3A_127 = tpu.memref_slice %arg9[%dma_wait3A_118, %dma_wait3A_125, %dma_wait3A_126] : memref<2x128x128xf32, #tpu.memory_space<vmem>> -> memref<1x128x128xf32, #tpu.memory_space<vmem>>
    %dma_wait3A_128 = tpu.memref_squeeze %dma_wait3A_127 : memref<1x128x128xf32, #tpu.memory_space<vmem>> -> memref<128x128xf32, #tpu.memory_space<vmem>>
    %dma_wait3A_129 = arith.constant 0 : i32
    %dma_wait3A_130 = tpu.memref_slice %arg2[%add3A_46, %dma_wait3A_129] : memref<102400x128xf32, #tpu.memory_space<hbm>> -> memref<128x128xf32, #tpu.memory_space<hbm>>
    tpu.wait_dma2 semaphore(%arg14 : memref<!tpu.dma_semaphore, #tpu.memory_space<semaphore_mem>>) src(%dma_wait3A_130 : memref<128x128xf32, #tpu.memory_space<hbm>>) dst(%dma_wait3A_128 : memref<128x128xf32, #tpu.memory_space<vmem>>)
    %dma_start3A_131 = arith.constant 1 : i32
    %dma_start3A_132 = arith.constant 1 : i32
    %dma_start3A_133 = arith.constant 0 : i32
    %dma_start3A_134 = arith.constant 0 : i32
    %dma_start3A_135 = tpu.memref_slice %arg9[%dma_start3A_131, %dma_start3A_133, %dma_start3A_134] : memref<2x128x128xf32, #tpu.memory_space<vmem>> -> memref<1x128x128xf32, #tpu.memory_space<vmem>>
    %dma_start3A_136 = tpu.memref_squeeze %dma_start3A_135 : memref<1x128x128xf32, #tpu.memory_space<vmem>> -> memref<128x128xf32, #tpu.memory_space<vmem>>
    %dma_start3A_137 = arith.constant 0 : i32
    %dma_start3A_138 = tpu.memref_slice %arg8[%dma_start3A_132, %dma_start3A_137] : memref<25x128xi32, #tpu.memory_space<vmem>> -> memref<1x128xi32, #tpu.memory_space<vmem>>
    %dma_start3A_139 = tpu.memref_squeeze %dma_start3A_138 : memref<1x128xi32, #tpu.memory_space<vmem>> -> memref<128xi32, #tpu.memory_space<vmem>>
    %dma_start3A_140 = arith.constant 0 : i32
    %dma_start3A_141 = arith.constant 0 : i32
    %dma_start3A_142 = tpu.memref_slice %arg11[%dma_start3A_140, %dma_start3A_141] : memref<4112x128xf32, #tpu.memory_space<vmem_shared>> -> memref<4112x128xf32, #tpu.memory_space<vmem_shared>>
    tpu.enqueue_indirect_dma source(%dma_start3A_136 : memref<128x128xf32, #tpu.memory_space<vmem>>) target(%dma_start3A_142 : memref<4112x128xf32, #tpu.memory_space<vmem_shared>>) offsets(%dma_start3A_139 : memref<128xi32, #tpu.memory_space<vmem>>) semaphore(%arg16 : memref<!tpu.dma_semaphore, #tpu.memory_space<semaphore_mem>>) {add = true}
    %dma_start3A_143 = arith.constant 1 : i32
    %dma_start3A_144 = arith.constant 0 : i32
    %dma_start3A_145 = tpu.memref_slice %arg8[%dma_start3A_143, %dma_start3A_144] : memref<25x128xi32, #tpu.memory_space<vmem>> -> memref<1x128xi32, #tpu.memory_space<vmem>>
    %dma_start3A_146 = tpu.memref_squeeze %dma_start3A_145 : memref<1x128xi32, #tpu.memory_space<vmem>> -> memref<128xi32, #tpu.memory_space<vmem>>
    %dma_start3A_147 = arith.constant 0 : i32
    %dma_start3A_148 = arith.constant 0 : i32
    %dma_start3A_149 = tpu.memref_slice %arg12[%dma_start3A_147, %dma_start3A_148] : memref<4112x128xf32, #tpu.memory_space<vmem_shared>> -> memref<4112x128xf32, #tpu.memory_space<vmem_shared>>
    tpu.enqueue_indirect_dma source(%arg10 : memref<128x128xf32, #tpu.memory_space<vmem>>) target(%dma_start3A_149 : memref<4112x128xf32, #tpu.memory_space<vmem_shared>>) offsets(%dma_start3A_146 : memref<128xi32, #tpu.memory_space<vmem>>) semaphore(%arg18 : memref<!tpu.dma_semaphore, #tpu.memory_space<semaphore_mem>>) {add = true}
    %dma_wait3A_150 = arith.constant 1 : i32
    %dma_wait3A_151 = arith.constant 1 : i32
    %dma_wait3A_152 = arith.constant 0 : i32
    %dma_wait3A_153 = arith.constant 0 : i32
    %dma_wait3A_154 = tpu.memref_slice %arg9[%dma_wait3A_150, %dma_wait3A_152, %dma_wait3A_153] : memref<2x128x128xf32, #tpu.memory_space<vmem>> -> memref<1x128x128xf32, #tpu.memory_space<vmem>>
    %dma_wait3A_155 = tpu.memref_squeeze %dma_wait3A_154 : memref<1x128x128xf32, #tpu.memory_space<vmem>> -> memref<128x128xf32, #tpu.memory_space<vmem>>
    %dma_wait3A_156 = arith.constant 0 : i32
    %dma_wait3A_157 = tpu.memref_slice %arg8[%dma_wait3A_151, %dma_wait3A_156] : memref<25x128xi32, #tpu.memory_space<vmem>> -> memref<1x128xi32, #tpu.memory_space<vmem>>
    %dma_wait3A_158 = tpu.memref_squeeze %dma_wait3A_157 : memref<1x128xi32, #tpu.memory_space<vmem>> -> memref<128xi32, #tpu.memory_space<vmem>>
    %dma_wait3A_159 = arith.constant 0 : i32
    %dma_wait3A_160 = arith.constant 0 : i32
    %dma_wait3A_161 = tpu.memref_slice %arg11[%dma_wait3A_159, %dma_wait3A_160] : memref<4112x128xf32, #tpu.memory_space<vmem_shared>> -> memref<4112x128xf32, #tpu.memory_space<vmem_shared>>
    tpu.wait_indirect_dma semaphore(%arg16 : memref<!tpu.dma_semaphore, #tpu.memory_space<semaphore_mem>>) src(%dma_wait3A_155 : memref<128x128xf32, #tpu.memory_space<vmem>>) dst(%dma_wait3A_161 : memref<4112x128xf32, #tpu.memory_space<vmem_shared>>)
    %add3A_162 = arith.constant 384 : i32
    %add3A_163 = arith.addi %mul3A_2, %add3A_162 : i32
    %dma_start3A_164 = arith.constant 1 : i32
    %dma_start3A_165 = arith.constant 0 : i32
    %dma_start3A_166 = arith.constant 0 : i32
    %dma_start3A_167 = tpu.memref_slice %arg9[%dma_start3A_164, %dma_start3A_165, %dma_start3A_166] : memref<2x128x128xf32, #tpu.memory_space<vmem>> -> memref<1x128x128xf32, #tpu.memory_space<vmem>>
    %dma_start3A_168 = tpu.memref_squeeze %dma_start3A_167 : memref<1x128x128xf32, #tpu.memory_space<vmem>> -> memref<128x128xf32, #tpu.memory_space<vmem>>
    %dma_start3A_169 = arith.constant 0 : i32
    %dma_start3A_170 = tpu.memref_slice %arg2[%add3A_163, %dma_start3A_169] : memref<102400x128xf32, #tpu.memory_space<hbm>> -> memref<128x128xf32, #tpu.memory_space<hbm>>
    %dma_start3A_171 = arith.constant 0 : i32
    %dma_start3A_172 = arith.constant 0 : i32
    %dma_start3A_173 = tpu.memref_slice %arg9[%dma_start3A_164, %dma_start3A_171, %dma_start3A_172] : memref<2x128x128xf32, #tpu.memory_space<vmem>> -> memref<1x128x128xf32, #tpu.memory_space<vmem>>
    %dma_start3A_174 = tpu.memref_squeeze %dma_start3A_173 : memref<1x128x128xf32, #tpu.memory_space<vmem>> -> memref<128x128xf32, #tpu.memory_space<vmem>>
    %dma_start3A_175 = arith.constant 0 : i32
    %dma_start3A_176 = tpu.memref_slice %arg2[%add3A_163, %dma_start3A_175] : memref<102400x128xf32, #tpu.memory_space<hbm>> -> memref<128x128xf32, #tpu.memory_space<hbm>>
    tpu.enqueue_dma source(%dma_start3A_176 : memref<128x128xf32, #tpu.memory_space<hbm>>) target(%dma_start3A_174 : memref<128x128xf32, #tpu.memory_space<vmem>>) target_semaphore(%arg14 : memref<!tpu.dma_semaphore, #tpu.memory_space<semaphore_mem>>)
    %dma_wait3A_177 = arith.constant 0 : i32
    %dma_wait3A_178 = arith.constant 0 : i32
    %dma_wait3A_179 = arith.constant 0 : i32
    %dma_wait3A_180 = tpu.memref_slice %arg9[%dma_wait3A_177, %dma_wait3A_178, %dma_wait3A_179] : memref<2x128x128xf32, #tpu.memory_space<vmem>> -> memref<1x128x128xf32, #tpu.memory_space<vmem>>
    %dma_wait3A_181 = tpu.memref_squeeze %dma_wait3A_180 : memref<1x128x128xf32, #tpu.memory_space<vmem>> -> memref<128x128xf32, #tpu.memory_space<vmem>>
    %dma_wait3A_182 = arith.constant 0 : i32
    %dma_wait3A_183 = tpu.memref_slice %arg2[%add3A_104, %dma_wait3A_182] : memref<102400x128xf32, #tpu.memory_space<hbm>> -> memref<128x128xf32, #tpu.memory_space<hbm>>
    %dma_wait3A_184 = arith.constant 0 : i32
    %dma_wait3A_185 = arith.constant 0 : i32
    %dma_wait3A_186 = tpu.memref_slice %arg9[%dma_wait3A_177, %dma_wait3A_184, %dma_wait3A_185] : memref<2x128x128xf32, #tpu.memory_space<vmem>> -> memref<1x128x128xf32, #tpu.memory_space<vmem>>
    %dma_wait3A_187 = tpu.memref_squeeze %dma_wait3A_186 : memref<1x128x128xf32, #tpu.memory_space<vmem>> -> memref<128x128xf32, #tpu.memory_space<vmem>>
    %dma_wait3A_188 = arith.constant 0 : i32
    %dma_wait3A_189 = tpu.memref_slice %arg2[%add3A_104, %dma_wait3A_188] : memref<102400x128xf32, #tpu.memory_space<hbm>> -> memref<128x128xf32, #tpu.memory_space<hbm>>
    tpu.wait_dma2 semaphore(%arg13 : memref<!tpu.dma_semaphore, #tpu.memory_space<semaphore_mem>>) src(%dma_wait3A_189 : memref<128x128xf32, #tpu.memory_space<hbm>>) dst(%dma_wait3A_187 : memref<128x128xf32, #tpu.memory_space<vmem>>)
    %dma_start3A_190 = arith.constant 0 : i32
    %dma_start3A_191 = arith.constant 2 : i32
    %dma_start3A_192 = arith.constant 0 : i32
    %dma_start3A_193 = arith.constant 0 : i32
    %dma_start3A_194 = tpu.memref_slice %arg9[%dma_start3A_190, %dma_start3A_192, %dma_start3A_193] : memref<2x128x128xf32, #tpu.memory_space<vmem>> -> memref<1x128x128xf32, #tpu.memory_space<vmem>>
    %dma_start3A_195 = tpu.memref_squeeze %dma_start3A_194 : memref<1x128x128xf32, #tpu.memory_space<vmem>> -> memref<128x128xf32, #tpu.memory_space<vmem>>
    %dma_start3A_196 = arith.constant 0 : i32
    %dma_start3A_197 = tpu.memref_slice %arg8[%dma_start3A_191, %dma_start3A_196] : memref<25x128xi32, #tpu.memory_space<vmem>> -> memref<1x128xi32, #tpu.memory_space<vmem>>
    %dma_start3A_198 = tpu.memref_squeeze %dma_start3A_197 : memref<1x128xi32, #tpu.memory_space<vmem>> -> memref<128xi32, #tpu.memory_space<vmem>>
    %dma_start3A_199 = arith.constant 0 : i32
    %dma_start3A_200 = arith.constant 0 : i32
    %dma_start3A_201 = tpu.memref_slice %arg11[%dma_start3A_199, %dma_start3A_200] : memref<4112x128xf32, #tpu.memory_space<vmem_shared>> -> memref<4112x128xf32, #tpu.memory_space<vmem_shared>>
    tpu.enqueue_indirect_dma source(%dma_start3A_195 : memref<128x128xf32, #tpu.memory_space<vmem>>) target(%dma_start3A_201 : memref<4112x128xf32, #tpu.memory_space<vmem_shared>>) offsets(%dma_start3A_198 : memref<128xi32, #tpu.memory_space<vmem>>) semaphore(%arg15 : memref<!tpu.dma_semaphore, #tpu.memory_space<semaphore_mem>>) {add = true}
    %dma_wait3A_202 = arith.constant 0 : i32
    %dma_wait3A_203 = arith.constant 0 : i32
    %dma_wait3A_204 = tpu.memref_slice %arg8[%dma_wait3A_202, %dma_wait3A_203] : memref<25x128xi32, #tpu.memory_space<vmem>> -> memref<1x128xi32, #tpu.memory_space<vmem>>
    %dma_wait3A_205 = tpu.memref_squeeze %dma_wait3A_204 : memref<1x128xi32, #tpu.memory_space<vmem>> -> memref<128xi32, #tpu.memory_space<vmem>>
    %dma_wait3A_206 = arith.constant 0 : i32
    %dma_wait3A_207 = arith.constant 0 : i32
    %dma_wait3A_208 = tpu.memref_slice %arg12[%dma_wait3A_206, %dma_wait3A_207] : memref<4112x128xf32, #tpu.memory_space<vmem_shared>> -> memref<4112x128xf32, #tpu.memory_space<vmem_shared>>
    tpu.wait_indirect_dma semaphore(%arg17 : memref<!tpu.dma_semaphore, #tpu.memory_space<semaphore_mem>>) src(%arg10 : memref<128x128xf32, #tpu.memory_space<vmem>>) dst(%dma_wait3A_208 : memref<4112x128xf32, #tpu.memory_space<vmem_shared>>)
    %dma_start3A_209 = arith.constant 2 : i32
    %dma_start3A_210 = arith.constant 0 : i32
    %dma_start3A_211 = tpu.memref_slice %arg8[%dma_start3A_209, %dma_start3A_210] : memref<25x128xi32, #tpu.memory_space<vmem>> -> memref<1x128xi32, #tpu.memory_space<vmem>>
    %dma_start3A_212 = tpu.memref_squeeze %dma_start3A_211 : memref<1x128xi32, #tpu.memory_space<vmem>> -> memref<128xi32, #tpu.memory_space<vmem>>
    %dma_start3A_213 = arith.constant 0 : i32
    %dma_start3A_214 = arith.constant 0 : i32
    %dma_start3A_215 = tpu.memref_slice %arg12[%dma_start3A_213, %dma_start3A_214] : memref<4112x128xf32, #tpu.memory_space<vmem_shared>> -> memref<4112x128xf32, #tpu.memory_space<vmem_shared>>
    tpu.enqueue_indirect_dma source(%arg10 : memref<128x128xf32, #tpu.memory_space<vmem>>) target(%dma_start3A_215 : memref<4112x128xf32, #tpu.memory_space<vmem_shared>>) offsets(%dma_start3A_212 : memref<128xi32, #tpu.memory_space<vmem>>) semaphore(%arg17 : memref<!tpu.dma_semaphore, #tpu.memory_space<semaphore_mem>>) {add = true}
    %dma_wait3A_216 = arith.constant 0 : i32
    %dma_wait3A_217 = arith.constant 2 : i32
    %dma_wait3A_218 = arith.constant 0 : i32
    %dma_wait3A_219 = arith.constant 0 : i32
    %dma_wait3A_220 = tpu.memref_slice %arg9[%dma_wait3A_216, %dma_wait3A_218, %dma_wait3A_219] : memref<2x128x128xf32, #tpu.memory_space<vmem>> -> memref<1x128x128xf32, #tpu.memory_space<vmem>>
    %dma_wait3A_221 = tpu.memref_squeeze %dma_wait3A_220 : memref<1x128x128xf32, #tpu.memory_space<vmem>> -> memref<128x128xf32, #tpu.memory_space<vmem>>
    %dma_wait3A_222 = arith.constant 0 : i32
    %dma_wait3A_223 = tpu.memref_slice %arg8[%dma_wait3A_217, %dma_wait3A_222] : memref<25x128xi32, #tpu.memory_space<vmem>> -> memref<1x128xi32, #tpu.memory_space<vmem>>
    %dma_wait3A_224 = tpu.memref_squeeze %dma_wait3A_223 : memref<1x128xi32, #tpu.memory_space<vmem>> -> memref<128xi32, #tpu.memory_space<vmem>>
    %dma_wait3A_225 = arith.constant 0 : i32
    %dma_wait3A_226 = arith.constant 0 : i32
    %dma_wait3A_227 = tpu.memref_slice %arg11[%dma_wait3A_225, %dma_wait3A_226] : memref<4112x128xf32, #tpu.memory_space<vmem_shared>> -> memref<4112x128xf32, #tpu.memory_space<vmem_shared>>
    tpu.wait_indirect_dma semaphore(%arg15 : memref<!tpu.dma_semaphore, #tpu.memory_space<semaphore_mem>>) src(%dma_wait3A_221 : memref<128x128xf32, #tpu.memory_space<vmem>>) dst(%dma_wait3A_227 : memref<4112x128xf32, #tpu.memory_space<vmem_shared>>)
    %add3A_228 = arith.constant 512 : i32
    %add3A_229 = arith.addi %mul3A_2, %add3A_228 : i32
    %dma_start3A_230 = arith.constant 0 : i32
    %dma_start3A_231 = arith.constant 0 : i32
    %dma_start3A_232 = arith.constant 0 : i32
    %dma_start3A_233 = tpu.memref_slice %arg9[%dma_start3A_230, %dma_start3A_231, %dma_start3A_232] : memref<2x128x128xf32, #tpu.memory_space<vmem>> -> memref<1x128x128xf32, #tpu.memory_space<vmem>>
    %dma_start3A_234 = tpu.memref_squeeze %dma_start3A_233 : memref<1x128x128xf32, #tpu.memory_space<vmem>> -> memref<128x128xf32, #tpu.memory_space<vmem>>
    %dma_start3A_235 = arith.constant 0 : i32
    %dma_start3A_236 = tpu.memref_slice %arg2[%add3A_229, %dma_start3A_235] : memref<102400x128xf32, #tpu.memory_space<hbm>> -> memref<128x128xf32, #tpu.memory_space<hbm>>
    %dma_start3A_237 = arith.constant 0 : i32
    %dma_start3A_238 = arith.constant 0 : i32
    %dma_start3A_239 = tpu.memref_slice %arg9[%dma_start3A_230, %dma_start3A_237, %dma_start3A_238] : memref<2x128x128xf32, #tpu.memory_space<vmem>> -> memref<1x128x128xf32, #tpu.memory_space<vmem>>
    %dma_start3A_240 = tpu.memref_squeeze %dma_start3A_239 : memref<1x128x128xf32, #tpu.memory_space<vmem>> -> memref<128x128xf32, #tpu.memory_space<vmem>>
    %dma_start3A_241 = arith.constant 0 : i32
    %dma_start3A_242 = tpu.memref_slice %arg2[%add3A_229, %dma_start3A_241] : memref<102400x128xf32, #tpu.memory_space<hbm>> -> memref<128x128xf32, #tpu.memory_space<hbm>>
    tpu.enqueue_dma source(%dma_start3A_242 : memref<128x128xf32, #tpu.memory_space<hbm>>) target(%dma_start3A_240 : memref<128x128xf32, #tpu.memory_space<vmem>>) target_semaphore(%arg13 : memref<!tpu.dma_semaphore, #tpu.memory_space<semaphore_mem>>)
    %dma_wait3A_243 = arith.constant 1 : i32
    %dma_wait3A_244 = arith.constant 0 : i32
    %dma_wait3A_245 = arith.constant 0 : i32
    %dma_wait3A_246 = tpu.memref_slice %arg9[%dma_wait3A_243, %dma_wait3A_244, %dma_wait3A_245] : memref<2x128x128xf32, #tpu.memory_space<vmem>> -> memref<1x128x128xf32, #tpu.memory_space<vmem>>
    %dma_wait3A_247 = tpu.memref_squeeze %dma_wait3A_246 : memref<1x128x128xf32, #tpu.memory_space<vmem>> -> memref<128x128xf32, #tpu.memory_space<vmem>>
    %dma_wait3A_248 = arith.constant 0 : i32
    %dma_wait3A_249 = tpu.memref_slice %arg2[%add3A_163, %dma_wait3A_248] : memref<102400x128xf32, #tpu.memory_space<hbm>> -> memref<128x128xf32, #tpu.memory_space<hbm>>
    %dma_wait3A_250 = arith.constant 0 : i32
    %dma_wait3A_251 = arith.constant 0 : i32
    %dma_wait3A_252 = tpu.memref_slice %arg9[%dma_wait3A_243, %dma_wait3A_250, %dma_wait3A_251] : memref<2x128x128xf32, #tpu.memory_space<vmem>> -> memref<1x128x128xf32, #tpu.memory_space<vmem>>
    %dma_wait3A_253 = tpu.memref_squeeze %dma_wait3A_252 : memref<1x128x128xf32, #tpu.memory_space<vmem>> -> memref<128x128xf32, #tpu.memory_space<vmem>>
    %dma_wait3A_254 = arith.constant 0 : i32
    %dma_wait3A_255 = tpu.memref_slice %arg2[%add3A_163, %dma_wait3A_254] : memref<102400x128xf32, #tpu.memory_space<hbm>> -> memref<128x128xf32, #tpu.memory_space<hbm>>
    tpu.wait_dma2 semaphore(%arg14 : memref<!tpu.dma_semaphore, #tpu.memory_space<semaphore_mem>>) src(%dma_wait3A_255 : memref<128x128xf32, #tpu.memory_space<hbm>>) dst(%dma_wait3A_253 : memref<128x128xf32, #tpu.memory_space<vmem>>)
    %dma_start3A_256 = arith.constant 1 : i32
    %dma_start3A_257 = arith.constant 3 : i32
    %dma_start3A_258 = arith.constant 0 : i32
    %dma_start3A_259 = arith.constant 0 : i32
    %dma_start3A_260 = tpu.memref_slice %arg9[%dma_start3A_256, %dma_start3A_258, %dma_start3A_259] : memref<2x128x128xf32, #tpu.memory_space<vmem>> -> memref<1x128x128xf32, #tpu.memory_space<vmem>>
    %dma_start3A_261 = tpu.memref_squeeze %dma_start3A_260 : memref<1x128x128xf32, #tpu.memory_space<vmem>> -> memref<128x128xf32, #tpu.memory_space<vmem>>
    %dma_start3A_262 = arith.constant 0 : i32
    %dma_start3A_263 = tpu.memref_slice %arg8[%dma_start3A_257, %dma_start3A_262] : memref<25x128xi32, #tpu.memory_space<vmem>> -> memref<1x128xi32, #tpu.memory_space<vmem>>
    %dma_start3A_264 = tpu.memref_squeeze %dma_start3A_263 : memref<1x128xi32, #tpu.memory_space<vmem>> -> memref<128xi32, #tpu.memory_space<vmem>>
    %dma_start3A_265 = arith.constant 0 : i32
    %dma_start3A_266 = arith.constant 0 : i32
    %dma_start3A_267 = tpu.memref_slice %arg11[%dma_start3A_265, %dma_start3A_266] : memref<4112x128xf32, #tpu.memory_space<vmem_shared>> -> memref<4112x128xf32, #tpu.memory_space<vmem_shared>>
    tpu.enqueue_indirect_dma source(%dma_start3A_261 : memref<128x128xf32, #tpu.memory_space<vmem>>) target(%dma_start3A_267 : memref<4112x128xf32, #tpu.memory_space<vmem_shared>>) offsets(%dma_start3A_264 : memref<128xi32, #tpu.memory_space<vmem>>) semaphore(%arg16 : memref<!tpu.dma_semaphore, #tpu.memory_space<semaphore_mem>>) {add = true}
    %dma_wait3A_268 = arith.constant 1 : i32
    %dma_wait3A_269 = arith.constant 0 : i32
    %dma_wait3A_270 = tpu.memref_slice %arg8[%dma_wait3A_268, %dma_wait3A_269] : memref<25x128xi32, #tpu.memory_space<vmem>> -> memref<1x128xi32, #tpu.memory_space<vmem>>
    %dma_wait3A_271 = tpu.memref_squeeze %dma_wait3A_270 : memref<1x128xi32, #tpu.memory_space<vmem>> -> memref<128xi32, #tpu.memory_space<vmem>>
    %dma_wait3A_272 = arith.constant 0 : i32
    %dma_wait3A_273 = arith.constant 0 : i32
    %dma_wait3A_274 = tpu.memref_slice %arg12[%dma_wait3A_272, %dma_wait3A_273] : memref<4112x128xf32, #tpu.memory_space<vmem_shared>> -> memref<4112x128xf32, #tpu.memory_space<vmem_shared>>
    tpu.wait_indirect_dma semaphore(%arg18 : memref<!tpu.dma_semaphore, #tpu.memory_space<semaphore_mem>>) src(%arg10 : memref<128x128xf32, #tpu.memory_space<vmem>>) dst(%dma_wait3A_274 : memref<4112x128xf32, #tpu.memory_space<vmem_shared>>)
    %dma_start3A_275 = arith.constant 3 : i32
    %dma_start3A_276 = arith.constant 0 : i32
    %dma_start3A_277 = tpu.memref_slice %arg8[%dma_start3A_275, %dma_start3A_276] : memref<25x128xi32, #tpu.memory_space<vmem>> -> memref<1x128xi32, #tpu.memory_space<vmem>>
    %dma_start3A_278 = tpu.memref_squeeze %dma_start3A_277 : memref<1x128xi32, #tpu.memory_space<vmem>> -> memref<128xi32, #tpu.memory_space<vmem>>
    %dma_start3A_279 = arith.constant 0 : i32
    %dma_start3A_280 = arith.constant 0 : i32
    %dma_start3A_281 = tpu.memref_slice %arg12[%dma_start3A_279, %dma_start3A_280] : memref<4112x128xf32, #tpu.memory_space<vmem_shared>> -> memref<4112x128xf32, #tpu.memory_space<vmem_shared>>
    tpu.enqueue_indirect_dma source(%arg10 : memref<128x128xf32, #tpu.memory_space<vmem>>) target(%dma_start3A_281 : memref<4112x128xf32, #tpu.memory_space<vmem_shared>>) offsets(%dma_start3A_278 : memref<128xi32, #tpu.memory_space<vmem>>) semaphore(%arg18 : memref<!tpu.dma_semaphore, #tpu.memory_space<semaphore_mem>>) {add = true}
    %dma_wait3A_282 = arith.constant 1 : i32
    %dma_wait3A_283 = arith.constant 3 : i32
    %dma_wait3A_284 = arith.constant 0 : i32
    %dma_wait3A_285 = arith.constant 0 : i32
    %dma_wait3A_286 = tpu.memref_slice %arg9[%dma_wait3A_282, %dma_wait3A_284, %dma_wait3A_285] : memref<2x128x128xf32, #tpu.memory_space<vmem>> -> memref<1x128x128xf32, #tpu.memory_space<vmem>>
    %dma_wait3A_287 = tpu.memref_squeeze %dma_wait3A_286 : memref<1x128x128xf32, #tpu.memory_space<vmem>> -> memref<128x128xf32, #tpu.memory_space<vmem>>
    %dma_wait3A_288 = arith.constant 0 : i32
    %dma_wait3A_289 = tpu.memref_slice %arg8[%dma_wait3A_283, %dma_wait3A_288] : memref<25x128xi32, #tpu.memory_space<vmem>> -> memref<1x128xi32, #tpu.memory_space<vmem>>
    %dma_wait3A_290 = tpu.memref_squeeze %dma_wait3A_289 : memref<1x128xi32, #tpu.memory_space<vmem>> -> memref<128xi32, #tpu.memory_space<vmem>>
    %dma_wait3A_291 = arith.constant 0 : i32
    %dma_wait3A_292 = arith.constant 0 : i32
    %dma_wait3A_293 = tpu.memref_slice %arg11[%dma_wait3A_291, %dma_wait3A_292] : memref<4112x128xf32, #tpu.memory_space<vmem_shared>> -> memref<4112x128xf32, #tpu.memory_space<vmem_shared>>
    tpu.wait_indirect_dma semaphore(%arg16 : memref<!tpu.dma_semaphore, #tpu.memory_space<semaphore_mem>>) src(%dma_wait3A_287 : memref<128x128xf32, #tpu.memory_space<vmem>>) dst(%dma_wait3A_293 : memref<4112x128xf32, #tpu.memory_space<vmem_shared>>)
    %add3A_294 = arith.constant 640 : i32
    %add3A_295 = arith.addi %mul3A_2, %add3A_294 : i32
    %dma_start3A_296 = arith.constant 1 : i32
    %dma_start3A_297 = arith.constant 0 : i32
    %dma_start3A_298 = arith.constant 0 : i32
    %dma_start3A_299 = tpu.memref_slice %arg9[%dma_start3A_296, %dma_start3A_297, %dma_start3A_298] : memref<2x128x128xf32, #tpu.memory_space<vmem>> -> memref<1x128x128xf32, #tpu.memory_space<vmem>>
    %dma_start3A_300 = tpu.memref_squeeze %dma_start3A_299 : memref<1x128x128xf32, #tpu.memory_space<vmem>> -> memref<128x128xf32, #tpu.memory_space<vmem>>
    %dma_start3A_301 = arith.constant 0 : i32
    %dma_start3A_302 = tpu.memref_slice %arg2[%add3A_295, %dma_start3A_301] : memref<102400x128xf32, #tpu.memory_space<hbm>> -> memref<128x128xf32, #tpu.memory_space<hbm>>
    %dma_start3A_303 = arith.constant 0 : i32
    %dma_start3A_304 = arith.constant 0 : i32
    %dma_start3A_305 = tpu.memref_slice %arg9[%dma_start3A_296, %dma_start3A_303, %dma_start3A_304] : memref<2x128x128xf32, #tpu.memory_space<vmem>> -> memref<1x128x128xf32, #tpu.memory_space<vmem>>
    %dma_start3A_306 = tpu.memref_squeeze %dma_start3A_305 : memref<1x128x128xf32, #tpu.memory_space<vmem>> -> memref<128x128xf32, #tpu.memory_space<vmem>>
    %dma_start3A_307 = arith.constant 0 : i32
    %dma_start3A_308 = tpu.memref_slice %arg2[%add3A_295, %dma_start3A_307] : memref<102400x128xf32, #tpu.memory_space<hbm>> -> memref<128x128xf32, #tpu.memory_space<hbm>>
    tpu.enqueue_dma source(%dma_start3A_308 : memref<128x128xf32, #tpu.memory_space<hbm>>) target(%dma_start3A_306 : memref<128x128xf32, #tpu.memory_space<vmem>>) target_semaphore(%arg14 : memref<!tpu.dma_semaphore, #tpu.memory_space<semaphore_mem>>)
    %dma_wait3A_309 = arith.constant 0 : i32
    %dma_wait3A_310 = arith.constant 0 : i32
    %dma_wait3A_311 = arith.constant 0 : i32
    %dma_wait3A_312 = tpu.memref_slice %arg9[%dma_wait3A_309, %dma_wait3A_310, %dma_wait3A_311] : memref<2x128x128xf32, #tpu.memory_space<vmem>> -> memref<1x128x128xf32, #tpu.memory_space<vmem>>
    %dma_wait3A_313 = tpu.memref_squeeze %dma_wait3A_312 : memref<1x128x128xf32, #tpu.memory_space<vmem>> -> memref<128x128xf32, #tpu.memory_space<vmem>>
    %dma_wait3A_314 = arith.constant 0 : i32
    %dma_wait3A_315 = tpu.memref_slice %arg2[%add3A_229, %dma_wait3A_314] : memref<102400x128xf32, #tpu.memory_space<hbm>> -> memref<128x128xf32, #tpu.memory_space<hbm>>
    %dma_wait3A_316 = arith.constant 0 : i32
    %dma_wait3A_317 = arith.constant 0 : i32
    %dma_wait3A_318 = tpu.memref_slice %arg9[%dma_wait3A_309, %dma_wait3A_316, %dma_wait3A_317] : memref<2x128x128xf32, #tpu.memory_space<vmem>> -> memref<1x128x128xf32, #tpu.memory_space<vmem>>
    %dma_wait3A_319 = tpu.memref_squeeze %dma_wait3A_318 : memref<1x128x128xf32, #tpu.memory_space<vmem>> -> memref<128x128xf32, #tpu.memory_space<vmem>>
    %dma_wait3A_320 = arith.constant 0 : i32
    %dma_wait3A_321 = tpu.memref_slice %arg2[%add3A_229, %dma_wait3A_320] : memref<102400x128xf32, #tpu.memory_space<hbm>> -> memref<128x128xf32, #tpu.memory_space<hbm>>
    tpu.wait_dma2 semaphore(%arg13 : memref<!tpu.dma_semaphore, #tpu.memory_space<semaphore_mem>>) src(%dma_wait3A_321 : memref<128x128xf32, #tpu.memory_space<hbm>>) dst(%dma_wait3A_319 : memref<128x128xf32, #tpu.memory_space<vmem>>)
    %dma_start3A_322 = arith.constant 0 : i32
    %dma_start3A_323 = arith.constant 4 : i32
    %dma_start3A_324 = arith.constant 0 : i32
    %dma_start3A_325 = arith.constant 0 : i32
    %dma_start3A_326 = tpu.memref_slice %arg9[%dma_start3A_322, %dma_start3A_324, %dma_start3A_325] : memref<2x128x128xf32, #tpu.memory_space<vmem>> -> memref<1x128x128xf32, #tpu.memory_space<vmem>>
    %dma_start3A_327 = tpu.memref_squeeze %dma_start3A_326 : memref<1x128x128xf32, #tpu.memory_space<vmem>> -> memref<128x128xf32, #tpu.memory_space<vmem>>
    %dma_start3A_328 = arith.constant 0 : i32
    %dma_start3A_329 = tpu.memref_slice %arg8[%dma_start3A_323, %dma_start3A_328] : memref<25x128xi32, #tpu.memory_space<vmem>> -> memref<1x128xi32, #tpu.memory_space<vmem>>
    %dma_start3A_330 = tpu.memref_squeeze %dma_start3A_329 : memref<1x128xi32, #tpu.memory_space<vmem>> -> memref<128xi32, #tpu.memory_space<vmem>>
    %dma_start3A_331 = arith.constant 0 : i32
    %dma_start3A_332 = arith.constant 0 : i32
    %dma_start3A_333 = tpu.memref_slice %arg11[%dma_start3A_331, %dma_start3A_332] : memref<4112x128xf32, #tpu.memory_space<vmem_shared>> -> memref<4112x128xf32, #tpu.memory_space<vmem_shared>>
    tpu.enqueue_indirect_dma source(%dma_start3A_327 : memref<128x128xf32, #tpu.memory_space<vmem>>) target(%dma_start3A_333 : memref<4112x128xf32, #tpu.memory_space<vmem_shared>>) offsets(%dma_start3A_330 : memref<128xi32, #tpu.memory_space<vmem>>) semaphore(%arg15 : memref<!tpu.dma_semaphore, #tpu.memory_space<semaphore_mem>>) {add = true}
    %dma_wait3A_334 = arith.constant 2 : i32
    %dma_wait3A_335 = arith.constant 0 : i32
    %dma_wait3A_336 = tpu.memref_slice %arg8[%dma_wait3A_334, %dma_wait3A_335] : memref<25x128xi32, #tpu.memory_space<vmem>> -> memref<1x128xi32, #tpu.memory_space<vmem>>
    %dma_wait3A_337 = tpu.memref_squeeze %dma_wait3A_336 : memref<1x128xi32, #tpu.memory_space<vmem>> -> memref<128xi32, #tpu.memory_space<vmem>>
    %dma_wait3A_338 = arith.constant 0 : i32
    %dma_wait3A_339 = arith.constant 0 : i32
    %dma_wait3A_340 = tpu.memref_slice %arg12[%dma_wait3A_338, %dma_wait3A_339] : memref<4112x128xf32, #tpu.memory_space<vmem_shared>> -> memref<4112x128xf32, #tpu.memory_space<vmem_shared>>
    tpu.wait_indirect_dma semaphore(%arg17 : memref<!tpu.dma_semaphore, #tpu.memory_space<semaphore_mem>>) src(%arg10 : memref<128x128xf32, #tpu.memory_space<vmem>>) dst(%dma_wait3A_340 : memref<4112x128xf32, #tpu.memory_space<vmem_shared>>)
    %dma_start3A_341 = arith.constant 4 : i32
    %dma_start3A_342 = arith.constant 0 : i32
    %dma_start3A_343 = tpu.memref_slice %arg8[%dma_start3A_341, %dma_start3A_342] : memref<25x128xi32, #tpu.memory_space<vmem>> -> memref<1x128xi32, #tpu.memory_space<vmem>>
    %dma_start3A_344 = tpu.memref_squeeze %dma_start3A_343 : memref<1x128xi32, #tpu.memory_space<vmem>> -> memref<128xi32, #tpu.memory_space<vmem>>
    %dma_start3A_345 = arith.constant 0 : i32
    %dma_start3A_346 = arith.constant 0 : i32
    %dma_start3A_347 = tpu.memref_slice %arg12[%dma_start3A_345, %dma_start3A_346] : memref<4112x128xf32, #tpu.memory_space<vmem_shared>> -> memref<4112x128xf32, #tpu.memory_space<vmem_shared>>
    tpu.enqueue_indirect_dma source(%arg10 : memref<128x128xf32, #tpu.memory_space<vmem>>) target(%dma_start3A_347 : memref<4112x128xf32, #tpu.memory_space<vmem_shared>>) offsets(%dma_start3A_344 : memref<128xi32, #tpu.memory_space<vmem>>) semaphore(%arg17 : memref<!tpu.dma_semaphore, #tpu.memory_space<semaphore_mem>>) {add = true}
    %dma_wait3A_348 = arith.constant 0 : i32
    %dma_wait3A_349 = arith.constant 4 : i32
    %dma_wait3A_350 = arith.constant 0 : i32
    %dma_wait3A_351 = arith.constant 0 : i32
    %dma_wait3A_352 = tpu.memref_slice %arg9[%dma_wait3A_348, %dma_wait3A_350, %dma_wait3A_351] : memref<2x128x128xf32, #tpu.memory_space<vmem>> -> memref<1x128x128xf32, #tpu.memory_space<vmem>>
    %dma_wait3A_353 = tpu.memref_squeeze %dma_wait3A_352 : memref<1x128x128xf32, #tpu.memory_space<vmem>> -> memref<128x128xf32, #tpu.memory_space<vmem>>
    %dma_wait3A_354 = arith.constant 0 : i32
    %dma_wait3A_355 = tpu.memref_slice %arg8[%dma_wait3A_349, %dma_wait3A_354] : memref<25x128xi32, #tpu.memory_space<vmem>> -> memref<1x128xi32, #tpu.memory_space<vmem>>
    %dma_wait3A_356 = tpu.memref_squeeze %dma_wait3A_355 : memref<1x128xi32, #tpu.memory_space<vmem>> -> memref<128xi32, #tpu.memory_space<vmem>>
    %dma_wait3A_357 = arith.constant 0 : i32
    %dma_wait3A_358 = arith.constant 0 : i32
    %dma_wait3A_359 = tpu.memref_slice %arg11[%dma_wait3A_357, %dma_wait3A_358] : memref<4112x128xf32, #tpu.memory_space<vmem_shared>> -> memref<4112x128xf32, #tpu.memory_space<vmem_shared>>
    tpu.wait_indirect_dma semaphore(%arg15 : memref<!tpu.dma_semaphore, #tpu.memory_space<semaphore_mem>>) src(%dma_wait3A_353 : memref<128x128xf32, #tpu.memory_space<vmem>>) dst(%dma_wait3A_359 : memref<4112x128xf32, #tpu.memory_space<vmem_shared>>)
    %add3A_360 = arith.constant 768 : i32
    %add3A_361 = arith.addi %mul3A_2, %add3A_360 : i32
    %dma_start3A_362 = arith.constant 0 : i32
    %dma_start3A_363 = arith.constant 0 : i32
    %dma_start3A_364 = arith.constant 0 : i32
    %dma_start3A_365 = tpu.memref_slice %arg9[%dma_start3A_362, %dma_start3A_363, %dma_start3A_364] : memref<2x128x128xf32, #tpu.memory_space<vmem>> -> memref<1x128x128xf32, #tpu.memory_space<vmem>>
    %dma_start3A_366 = tpu.memref_squeeze %dma_start3A_365 : memref<1x128x128xf32, #tpu.memory_space<vmem>> -> memref<128x128xf32, #tpu.memory_space<vmem>>
    %dma_start3A_367 = arith.constant 0 : i32
    %dma_start3A_368 = tpu.memref_slice %arg2[%add3A_361, %dma_start3A_367] : memref<102400x128xf32, #tpu.memory_space<hbm>> -> memref<128x128xf32, #tpu.memory_space<hbm>>
    %dma_start3A_369 = arith.constant 0 : i32
    %dma_start3A_370 = arith.constant 0 : i32
    %dma_start3A_371 = tpu.memref_slice %arg9[%dma_start3A_362, %dma_start3A_369, %dma_start3A_370] : memref<2x128x128xf32, #tpu.memory_space<vmem>> -> memref<1x128x128xf32, #tpu.memory_space<vmem>>
    %dma_start3A_372 = tpu.memref_squeeze %dma_start3A_371 : memref<1x128x128xf32, #tpu.memory_space<vmem>> -> memref<128x128xf32, #tpu.memory_space<vmem>>
    %dma_start3A_373 = arith.constant 0 : i32
    %dma_start3A_374 = tpu.memref_slice %arg2[%add3A_361, %dma_start3A_373] : memref<102400x128xf32, #tpu.memory_space<hbm>> -> memref<128x128xf32, #tpu.memory_space<hbm>>
    tpu.enqueue_dma source(%dma_start3A_374 : memref<128x128xf32, #tpu.memory_space<hbm>>) target(%dma_start3A_372 : memref<128x128xf32, #tpu.memory_space<vmem>>) target_semaphore(%arg13 : memref<!tpu.dma_semaphore, #tpu.memory_space<semaphore_mem>>)
    %dma_wait3A_375 = arith.constant 1 : i32
    %dma_wait3A_376 = arith.constant 0 : i32
    %dma_wait3A_377 = arith.constant 0 : i32
    %dma_wait3A_378 = tpu.memref_slice %arg9[%dma_wait3A_375, %dma_wait3A_376, %dma_wait3A_377] : memref<2x128x128xf32, #tpu.memory_space<vmem>> -> memref<1x128x128xf32, #tpu.memory_space<vmem>>
    %dma_wait3A_379 = tpu.memref_squeeze %dma_wait3A_378 : memref<1x128x128xf32, #tpu.memory_space<vmem>> -> memref<128x128xf32, #tpu.memory_space<vmem>>
    %dma_wait3A_380 = arith.constant 0 : i32
    %dma_wait3A_381 = tpu.memref_slice %arg2[%add3A_295, %dma_wait3A_380] : memref<102400x128xf32, #tpu.memory_space<hbm>> -> memref<128x128xf32, #tpu.memory_space<hbm>>
    %dma_wait3A_382 = arith.constant 0 : i32
    %dma_wait3A_383 = arith.constant 0 : i32
    %dma_wait3A_384 = tpu.memref_slice %arg9[%dma_wait3A_375, %dma_wait3A_382, %dma_wait3A_383] : memref<2x128x128xf32, #tpu.memory_space<vmem>> -> memref<1x128x128xf32, #tpu.memory_space<vmem>>
    %dma_wait3A_385 = tpu.memref_squeeze %dma_wait3A_384 : memref<1x128x128xf32, #tpu.memory_space<vmem>> -> memref<128x128xf32, #tpu.memory_space<vmem>>
    %dma_wait3A_386 = arith.constant 0 : i32
    %dma_wait3A_387 = tpu.memref_slice %arg2[%add3A_295, %dma_wait3A_386] : memref<102400x128xf32, #tpu.memory_space<hbm>> -> memref<128x128xf32, #tpu.memory_space<hbm>>
    tpu.wait_dma2 semaphore(%arg14 : memref<!tpu.dma_semaphore, #tpu.memory_space<semaphore_mem>>) src(%dma_wait3A_387 : memref<128x128xf32, #tpu.memory_space<hbm>>) dst(%dma_wait3A_385 : memref<128x128xf32, #tpu.memory_space<vmem>>)
    %dma_start3A_388 = arith.constant 1 : i32
    %dma_start3A_389 = arith.constant 5 : i32
    %dma_start3A_390 = arith.constant 0 : i32
    %dma_start3A_391 = arith.constant 0 : i32
    %dma_start3A_392 = tpu.memref_slice %arg9[%dma_start3A_388, %dma_start3A_390, %dma_start3A_391] : memref<2x128x128xf32, #tpu.memory_space<vmem>> -> memref<1x128x128xf32, #tpu.memory_space<vmem>>
    %dma_start3A_393 = tpu.memref_squeeze %dma_start3A_392 : memref<1x128x128xf32, #tpu.memory_space<vmem>> -> memref<128x128xf32, #tpu.memory_space<vmem>>
    %dma_start3A_394 = arith.constant 0 : i32
    %dma_start3A_395 = tpu.memref_slice %arg8[%dma_start3A_389, %dma_start3A_394] : memref<25x128xi32, #tpu.memory_space<vmem>> -> memref<1x128xi32, #tpu.memory_space<vmem>>
    %dma_start3A_396 = tpu.memref_squeeze %dma_start3A_395 : memref<1x128xi32, #tpu.memory_space<vmem>> -> memref<128xi32, #tpu.memory_space<vmem>>
    %dma_start3A_397 = arith.constant 0 : i32
    %dma_start3A_398 = arith.constant 0 : i32
    %dma_start3A_399 = tpu.memref_slice %arg11[%dma_start3A_397, %dma_start3A_398] : memref<4112x128xf32, #tpu.memory_space<vmem_shared>> -> memref<4112x128xf32, #tpu.memory_space<vmem_shared>>
    tpu.enqueue_indirect_dma source(%dma_start3A_393 : memref<128x128xf32, #tpu.memory_space<vmem>>) target(%dma_start3A_399 : memref<4112x128xf32, #tpu.memory_space<vmem_shared>>) offsets(%dma_start3A_396 : memref<128xi32, #tpu.memory_space<vmem>>) semaphore(%arg16 : memref<!tpu.dma_semaphore, #tpu.memory_space<semaphore_mem>>) {add = true}
    %dma_wait3A_400 = arith.constant 3 : i32
    %dma_wait3A_401 = arith.constant 0 : i32
    %dma_wait3A_402 = tpu.memref_slice %arg8[%dma_wait3A_400, %dma_wait3A_401] : memref<25x128xi32, #tpu.memory_space<vmem>> -> memref<1x128xi32, #tpu.memory_space<vmem>>
    %dma_wait3A_403 = tpu.memref_squeeze %dma_wait3A_402 : memref<1x128xi32, #tpu.memory_space<vmem>> -> memref<128xi32, #tpu.memory_space<vmem>>
    %dma_wait3A_404 = arith.constant 0 : i32
    %dma_wait3A_405 = arith.constant 0 : i32
    %dma_wait3A_406 = tpu.memref_slice %arg12[%dma_wait3A_404, %dma_wait3A_405] : memref<4112x128xf32, #tpu.memory_space<vmem_shared>> -> memref<4112x128xf32, #tpu.memory_space<vmem_shared>>
    tpu.wait_indirect_dma semaphore(%arg18 : memref<!tpu.dma_semaphore, #tpu.memory_space<semaphore_mem>>) src(%arg10 : memref<128x128xf32, #tpu.memory_space<vmem>>) dst(%dma_wait3A_406 : memref<4112x128xf32, #tpu.memory_space<vmem_shared>>)
    %dma_start3A_407 = arith.constant 5 : i32
    %dma_start3A_408 = arith.constant 0 : i32
    %dma_start3A_409 = tpu.memref_slice %arg8[%dma_start3A_407, %dma_start3A_408] : memref<25x128xi32, #tpu.memory_space<vmem>> -> memref<1x128xi32, #tpu.memory_space<vmem>>
    %dma_start3A_410 = tpu.memref_squeeze %dma_start3A_409 : memref<1x128xi32, #tpu.memory_space<vmem>> -> memref<128xi32, #tpu.memory_space<vmem>>
    %dma_start3A_411 = arith.constant 0 : i32
    %dma_start3A_412 = arith.constant 0 : i32
    %dma_start3A_413 = tpu.memref_slice %arg12[%dma_start3A_411, %dma_start3A_412] : memref<4112x128xf32, #tpu.memory_space<vmem_shared>> -> memref<4112x128xf32, #tpu.memory_space<vmem_shared>>
    tpu.enqueue_indirect_dma source(%arg10 : memref<128x128xf32, #tpu.memory_space<vmem>>) target(%dma_start3A_413 : memref<4112x128xf32, #tpu.memory_space<vmem_shared>>) offsets(%dma_start3A_410 : memref<128xi32, #tpu.memory_space<vmem>>) semaphore(%arg18 : memref<!tpu.dma_semaphore, #tpu.memory_space<semaphore_mem>>) {add = true}
    %dma_wait3A_414 = arith.constant 1 : i32
    %dma_wait3A_415 = arith.constant 5 : i32
    %dma_wait3A_416 = arith.constant 0 : i32
    %dma_wait3A_417 = arith.constant 0 : i32
    %dma_wait3A_418 = tpu.memref_slice %arg9[%dma_wait3A_414, %dma_wait3A_416, %dma_wait3A_417] : memref<2x128x128xf32, #tpu.memory_space<vmem>> -> memref<1x128x128xf32, #tpu.memory_space<vmem>>
    %dma_wait3A_419 = tpu.memref_squeeze %dma_wait3A_418 : memref<1x128x128xf32, #tpu.memory_space<vmem>> -> memref<128x128xf32, #tpu.memory_space<vmem>>
    %dma_wait3A_420 = arith.constant 0 : i32
    %dma_wait3A_421 = tpu.memref_slice %arg8[%dma_wait3A_415, %dma_wait3A_420] : memref<25x128xi32, #tpu.memory_space<vmem>> -> memref<1x128xi32, #tpu.memory_space<vmem>>
    %dma_wait3A_422 = tpu.memref_squeeze %dma_wait3A_421 : memref<1x128xi32, #tpu.memory_space<vmem>> -> memref<128xi32, #tpu.memory_space<vmem>>
    %dma_wait3A_423 = arith.constant 0 : i32
    %dma_wait3A_424 = arith.constant 0 : i32
    %dma_wait3A_425 = tpu.memref_slice %arg11[%dma_wait3A_423, %dma_wait3A_424] : memref<4112x128xf32, #tpu.memory_space<vmem_shared>> -> memref<4112x128xf32, #tpu.memory_space<vmem_shared>>
    tpu.wait_indirect_dma semaphore(%arg16 : memref<!tpu.dma_semaphore, #tpu.memory_space<semaphore_mem>>) src(%dma_wait3A_419 : memref<128x128xf32, #tpu.memory_space<vmem>>) dst(%dma_wait3A_425 : memref<4112x128xf32, #tpu.memory_space<vmem_shared>>)
    %add3A_426 = arith.constant 896 : i32
    %add3A_427 = arith.addi %mul3A_2, %add3A_426 : i32
    %dma_start3A_428 = arith.constant 1 : i32
    %dma_start3A_429 = arith.constant 0 : i32
    %dma_start3A_430 = arith.constant 0 : i32
    %dma_start3A_431 = tpu.memref_slice %arg9[%dma_start3A_428, %dma_start3A_429, %dma_start3A_430] : memref<2x128x128xf32, #tpu.memory_space<vmem>> -> memref<1x128x128xf32, #tpu.memory_space<vmem>>
    %dma_start3A_432 = tpu.memref_squeeze %dma_start3A_431 : memref<1x128x128xf32, #tpu.memory_space<vmem>> -> memref<128x128xf32, #tpu.memory_space<vmem>>
    %dma_start3A_433 = arith.constant 0 : i32
    %dma_start3A_434 = tpu.memref_slice %arg2[%add3A_427, %dma_start3A_433] : memref<102400x128xf32, #tpu.memory_space<hbm>> -> memref<128x128xf32, #tpu.memory_space<hbm>>
    %dma_start3A_435 = arith.constant 0 : i32
    %dma_start3A_436 = arith.constant 0 : i32
    %dma_start3A_437 = tpu.memref_slice %arg9[%dma_start3A_428, %dma_start3A_435, %dma_start3A_436] : memref<2x128x128xf32, #tpu.memory_space<vmem>> -> memref<1x128x128xf32, #tpu.memory_space<vmem>>
    %dma_start3A_438 = tpu.memref_squeeze %dma_start3A_437 : memref<1x128x128xf32, #tpu.memory_space<vmem>> -> memref<128x128xf32, #tpu.memory_space<vmem>>
    %dma_start3A_439 = arith.constant 0 : i32
    %dma_start3A_440 = tpu.memref_slice %arg2[%add3A_427, %dma_start3A_439] : memref<102400x128xf32, #tpu.memory_space<hbm>> -> memref<128x128xf32, #tpu.memory_space<hbm>>
    tpu.enqueue_dma source(%dma_start3A_440 : memref<128x128xf32, #tpu.memory_space<hbm>>) target(%dma_start3A_438 : memref<128x128xf32, #tpu.memory_space<vmem>>) target_semaphore(%arg14 : memref<!tpu.dma_semaphore, #tpu.memory_space<semaphore_mem>>)
    %dma_wait3A_441 = arith.constant 0 : i32
    %dma_wait3A_442 = arith.constant 0 : i32
    %dma_wait3A_443 = arith.constant 0 : i32
    %dma_wait3A_444 = tpu.memref_slice %arg9[%dma_wait3A_441, %dma_wait3A_442, %dma_wait3A_443] : memref<2x128x128xf32, #tpu.memory_space<vmem>> -> memref<1x128x128xf32, #tpu.memory_space<vmem>>
    %dma_wait3A_445 = tpu.memref_squeeze %dma_wait3A_444 : memref<1x128x128xf32, #tpu.memory_space<vmem>> -> memref<128x128xf32, #tpu.memory_space<vmem>>
    %dma_wait3A_446 = arith.constant 0 : i32
    %dma_wait3A_447 = tpu.memref_slice %arg2[%add3A_361, %dma_wait3A_446] : memref<102400x128xf32, #tpu.memory_space<hbm>> -> memref<128x128xf32, #tpu.memory_space<hbm>>
    %dma_wait3A_448 = arith.constant 0 : i32
    %dma_wait3A_449 = arith.constant 0 : i32
    %dma_wait3A_450 = tpu.memref_slice %arg9[%dma_wait3A_441, %dma_wait3A_448, %dma_wait3A_449] : memref<2x128x128xf32, #tpu.memory_space<vmem>> -> memref<1x128x128xf32, #tpu.memory_space<vmem>>
    %dma_wait3A_451 = tpu.memref_squeeze %dma_wait3A_450 : memref<1x128x128xf32, #tpu.memory_space<vmem>> -> memref<128x128xf32, #tpu.memory_space<vmem>>
    %dma_wait3A_452 = arith.constant 0 : i32
    %dma_wait3A_453 = tpu.memref_slice %arg2[%add3A_361, %dma_wait3A_452] : memref<102400x128xf32, #tpu.memory_space<hbm>> -> memref<128x128xf32, #tpu.memory_space<hbm>>
    tpu.wait_dma2 semaphore(%arg13 : memref<!tpu.dma_semaphore, #tpu.memory_space<semaphore_mem>>) src(%dma_wait3A_453 : memref<128x128xf32, #tpu.memory_space<hbm>>) dst(%dma_wait3A_451 : memref<128x128xf32, #tpu.memory_space<vmem>>)
    %dma_start3A_454 = arith.constant 0 : i32
    %dma_start3A_455 = arith.constant 6 : i32
    %dma_start3A_456 = arith.constant 0 : i32
    %dma_start3A_457 = arith.constant 0 : i32
    %dma_start3A_458 = tpu.memref_slice %arg9[%dma_start3A_454, %dma_start3A_456, %dma_start3A_457] : memref<2x128x128xf32, #tpu.memory_space<vmem>> -> memref<1x128x128xf32, #tpu.memory_space<vmem>>
    %dma_start3A_459 = tpu.memref_squeeze %dma_start3A_458 : memref<1x128x128xf32, #tpu.memory_space<vmem>> -> memref<128x128xf32, #tpu.memory_space<vmem>>
    %dma_start3A_460 = arith.constant 0 : i32
    %dma_start3A_461 = tpu.memref_slice %arg8[%dma_start3A_455, %dma_start3A_460] : memref<25x128xi32, #tpu.memory_space<vmem>> -> memref<1x128xi32, #tpu.memory_space<vmem>>
    %dma_start3A_462 = tpu.memref_squeeze %dma_start3A_461 : memref<1x128xi32, #tpu.memory_space<vmem>> -> memref<128xi32, #tpu.memory_space<vmem>>
    %dma_start3A_463 = arith.constant 0 : i32
    %dma_start3A_464 = arith.constant 0 : i32
    %dma_start3A_465 = tpu.memref_slice %arg11[%dma_start3A_463, %dma_start3A_464] : memref<4112x128xf32, #tpu.memory_space<vmem_shared>> -> memref<4112x128xf32, #tpu.memory_space<vmem_shared>>
    tpu.enqueue_indirect_dma source(%dma_start3A_459 : memref<128x128xf32, #tpu.memory_space<vmem>>) target(%dma_start3A_465 : memref<4112x128xf32, #tpu.memory_space<vmem_shared>>) offsets(%dma_start3A_462 : memref<128xi32, #tpu.memory_space<vmem>>) semaphore(%arg15 : memref<!tpu.dma_semaphore, #tpu.memory_space<semaphore_mem>>) {add = true}
    %dma_wait3A_466 = arith.constant 4 : i32
    %dma_wait3A_467 = arith.constant 0 : i32
    %dma_wait3A_468 = tpu.memref_slice %arg8[%dma_wait3A_466, %dma_wait3A_467] : memref<25x128xi32, #tpu.memory_space<vmem>> -> memref<1x128xi32, #tpu.memory_space<vmem>>
    %dma_wait3A_469 = tpu.memref_squeeze %dma_wait3A_468 : memref<1x128xi32, #tpu.memory_space<vmem>> -> memref<128xi32, #tpu.memory_space<vmem>>
    %dma_wait3A_470 = arith.constant 0 : i32
    %dma_wait3A_471 = arith.constant 0 : i32
    %dma_wait3A_472 = tpu.memref_slice %arg12[%dma_wait3A_470, %dma_wait3A_471] : memref<4112x128xf32, #tpu.memory_space<vmem_shared>> -> memref<4112x128xf32, #tpu.memory_space<vmem_shared>>
    tpu.wait_indirect_dma semaphore(%arg17 : memref<!tpu.dma_semaphore, #tpu.memory_space<semaphore_mem>>) src(%arg10 : memref<128x128xf32, #tpu.memory_space<vmem>>) dst(%dma_wait3A_472 : memref<4112x128xf32, #tpu.memory_space<vmem_shared>>)
    %dma_start3A_473 = arith.constant 6 : i32
    %dma_start3A_474 = arith.constant 0 : i32
    %dma_start3A_475 = tpu.memref_slice %arg8[%dma_start3A_473, %dma_start3A_474] : memref<25x128xi32, #tpu.memory_space<vmem>> -> memref<1x128xi32, #tpu.memory_space<vmem>>
    %dma_start3A_476 = tpu.memref_squeeze %dma_start3A_475 : memref<1x128xi32, #tpu.memory_space<vmem>> -> memref<128xi32, #tpu.memory_space<vmem>>
    %dma_start3A_477 = arith.constant 0 : i32
    %dma_start3A_478 = arith.constant 0 : i32
    %dma_start3A_479 = tpu.memref_slice %arg12[%dma_start3A_477, %dma_start3A_478] : memref<4112x128xf32, #tpu.memory_space<vmem_shared>> -> memref<4112x128xf32, #tpu.memory_space<vmem_shared>>
    tpu.enqueue_indirect_dma source(%arg10 : memref<128x128xf32, #tpu.memory_space<vmem>>) target(%dma_start3A_479 : memref<4112x128xf32, #tpu.memory_space<vmem_shared>>) offsets(%dma_start3A_476 : memref<128xi32, #tpu.memory_space<vmem>>) semaphore(%arg17 : memref<!tpu.dma_semaphore, #tpu.memory_space<semaphore_mem>>) {add = true}
    %dma_wait3A_480 = arith.constant 0 : i32
    %dma_wait3A_481 = arith.constant 6 : i32
    %dma_wait3A_482 = arith.constant 0 : i32
    %dma_wait3A_483 = arith.constant 0 : i32
    %dma_wait3A_484 = tpu.memref_slice %arg9[%dma_wait3A_480, %dma_wait3A_482, %dma_wait3A_483] : memref<2x128x128xf32, #tpu.memory_space<vmem>> -> memref<1x128x128xf32, #tpu.memory_space<vmem>>
    %dma_wait3A_485 = tpu.memref_squeeze %dma_wait3A_484 : memref<1x128x128xf32, #tpu.memory_space<vmem>> -> memref<128x128xf32, #tpu.memory_space<vmem>>
    %dma_wait3A_486 = arith.constant 0 : i32
    %dma_wait3A_487 = tpu.memref_slice %arg8[%dma_wait3A_481, %dma_wait3A_486] : memref<25x128xi32, #tpu.memory_space<vmem>> -> memref<1x128xi32, #tpu.memory_space<vmem>>
    %dma_wait3A_488 = tpu.memref_squeeze %dma_wait3A_487 : memref<1x128xi32, #tpu.memory_space<vmem>> -> memref<128xi32, #tpu.memory_space<vmem>>
    %dma_wait3A_489 = arith.constant 0 : i32
    %dma_wait3A_490 = arith.constant 0 : i32
    %dma_wait3A_491 = tpu.memref_slice %arg11[%dma_wait3A_489, %dma_wait3A_490] : memref<4112x128xf32, #tpu.memory_space<vmem_shared>> -> memref<4112x128xf32, #tpu.memory_space<vmem_shared>>
    tpu.wait_indirect_dma semaphore(%arg15 : memref<!tpu.dma_semaphore, #tpu.memory_space<semaphore_mem>>) src(%dma_wait3A_485 : memref<128x128xf32, #tpu.memory_space<vmem>>) dst(%dma_wait3A_491 : memref<4112x128xf32, #tpu.memory_space<vmem_shared>>)
    %add3A_492 = arith.constant 1024 : i32
    %add3A_493 = arith.addi %mul3A_2, %add3A_492 : i32
    %dma_start3A_494 = arith.constant 0 : i32
    %dma_start3A_495 = arith.constant 0 : i32
    %dma_start3A_496 = arith.constant 0 : i32
    %dma_start3A_497 = tpu.memref_slice %arg9[%dma_start3A_494, %dma_start3A_495, %dma_start3A_496] : memref<2x128x128xf32, #tpu.memory_space<vmem>> -> memref<1x128x128xf32, #tpu.memory_space<vmem>>
    %dma_start3A_498 = tpu.memref_squeeze %dma_start3A_497 : memref<1x128x128xf32, #tpu.memory_space<vmem>> -> memref<128x128xf32, #tpu.memory_space<vmem>>
    %dma_start3A_499 = arith.constant 0 : i32
    %dma_start3A_500 = tpu.memref_slice %arg2[%add3A_493, %dma_start3A_499] : memref<102400x128xf32, #tpu.memory_space<hbm>> -> memref<128x128xf32, #tpu.memory_space<hbm>>
    %dma_start3A_501 = arith.constant 0 : i32
    %dma_start3A_502 = arith.constant 0 : i32
    %dma_start3A_503 = tpu.memref_slice %arg9[%dma_start3A_494, %dma_start3A_501, %dma_start3A_502] : memref<2x128x128xf32, #tpu.memory_space<vmem>> -> memref<1x128x128xf32, #tpu.memory_space<vmem>>
    %dma_start3A_504 = tpu.memref_squeeze %dma_start3A_503 : memref<1x128x128xf32, #tpu.memory_space<vmem>> -> memref<128x128xf32, #tpu.memory_space<vmem>>
    %dma_start3A_505 = arith.constant 0 : i32
    %dma_start3A_506 = tpu.memref_slice %arg2[%add3A_493, %dma_start3A_505] : memref<102400x128xf32, #tpu.memory_space<hbm>> -> memref<128x128xf32, #tpu.memory_space<hbm>>
    tpu.enqueue_dma source(%dma_start3A_506 : memref<128x128xf32, #tpu.memory_space<hbm>>) target(%dma_start3A_504 : memref<128x128xf32, #tpu.memory_space<vmem>>) target_semaphore(%arg13 : memref<!tpu.dma_semaphore, #tpu.memory_space<semaphore_mem>>)
    %dma_wait3A_507 = arith.constant 1 : i32
    %dma_wait3A_508 = arith.constant 0 : i32
    %dma_wait3A_509 = arith.constant 0 : i32
    %dma_wait3A_510 = tpu.memref_slice %arg9[%dma_wait3A_507, %dma_wait3A_508, %dma_wait3A_509] : memref<2x128x128xf32, #tpu.memory_space<vmem>> -> memref<1x128x128xf32, #tpu.memory_space<vmem>>
    %dma_wait3A_511 = tpu.memref_squeeze %dma_wait3A_510 : memref<1x128x128xf32, #tpu.memory_space<vmem>> -> memref<128x128xf32, #tpu.memory_space<vmem>>
    %dma_wait3A_512 = arith.constant 0 : i32
    %dma_wait3A_513 = tpu.memref_slice %arg2[%add3A_427, %dma_wait3A_512] : memref<102400x128xf32, #tpu.memory_space<hbm>> -> memref<128x128xf32, #tpu.memory_space<hbm>>
    %dma_wait3A_514 = arith.constant 0 : i32
    %dma_wait3A_515 = arith.constant 0 : i32
    %dma_wait3A_516 = tpu.memref_slice %arg9[%dma_wait3A_507, %dma_wait3A_514, %dma_wait3A_515] : memref<2x128x128xf32, #tpu.memory_space<vmem>> -> memref<1x128x128xf32, #tpu.memory_space<vmem>>
    %dma_wait3A_517 = tpu.memref_squeeze %dma_wait3A_516 : memref<1x128x128xf32, #tpu.memory_space<vmem>> -> memref<128x128xf32, #tpu.memory_space<vmem>>
    %dma_wait3A_518 = arith.constant 0 : i32
    %dma_wait3A_519 = tpu.memref_slice %arg2[%add3A_427, %dma_wait3A_518] : memref<102400x128xf32, #tpu.memory_space<hbm>> -> memref<128x128xf32, #tpu.memory_space<hbm>>
    tpu.wait_dma2 semaphore(%arg14 : memref<!tpu.dma_semaphore, #tpu.memory_space<semaphore_mem>>) src(%dma_wait3A_519 : memref<128x128xf32, #tpu.memory_space<hbm>>) dst(%dma_wait3A_517 : memref<128x128xf32, #tpu.memory_space<vmem>>)
    %dma_start3A_520 = arith.constant 1 : i32
    %dma_start3A_521 = arith.constant 7 : i32
    %dma_start3A_522 = arith.constant 0 : i32
    %dma_start3A_523 = arith.constant 0 : i32
    %dma_start3A_524 = tpu.memref_slice %arg9[%dma_start3A_520, %dma_start3A_522, %dma_start3A_523] : memref<2x128x128xf32, #tpu.memory_space<vmem>> -> memref<1x128x128xf32, #tpu.memory_space<vmem>>
    %dma_start3A_525 = tpu.memref_squeeze %dma_start3A_524 : memref<1x128x128xf32, #tpu.memory_space<vmem>> -> memref<128x128xf32, #tpu.memory_space<vmem>>
    %dma_start3A_526 = arith.constant 0 : i32
    %dma_start3A_527 = tpu.memref_slice %arg8[%dma_start3A_521, %dma_start3A_526] : memref<25x128xi32, #tpu.memory_space<vmem>> -> memref<1x128xi32, #tpu.memory_space<vmem>>
    %dma_start3A_528 = tpu.memref_squeeze %dma_start3A_527 : memref<1x128xi32, #tpu.memory_space<vmem>> -> memref<128xi32, #tpu.memory_space<vmem>>
    %dma_start3A_529 = arith.constant 0 : i32
    %dma_start3A_530 = arith.constant 0 : i32
    %dma_start3A_531 = tpu.memref_slice %arg11[%dma_start3A_529, %dma_start3A_530] : memref<4112x128xf32, #tpu.memory_space<vmem_shared>> -> memref<4112x128xf32, #tpu.memory_space<vmem_shared>>
    tpu.enqueue_indirect_dma source(%dma_start3A_525 : memref<128x128xf32, #tpu.memory_space<vmem>>) target(%dma_start3A_531 : memref<4112x128xf32, #tpu.memory_space<vmem_shared>>) offsets(%dma_start3A_528 : memref<128xi32, #tpu.memory_space<vmem>>) semaphore(%arg16 : memref<!tpu.dma_semaphore, #tpu.memory_space<semaphore_mem>>) {add = true}
    %dma_wait3A_532 = arith.constant 5 : i32
    %dma_wait3A_533 = arith.constant 0 : i32
    %dma_wait3A_534 = tpu.memref_slice %arg8[%dma_wait3A_532, %dma_wait3A_533] : memref<25x128xi32, #tpu.memory_space<vmem>> -> memref<1x128xi32, #tpu.memory_space<vmem>>
    %dma_wait3A_535 = tpu.memref_squeeze %dma_wait3A_534 : memref<1x128xi32, #tpu.memory_space<vmem>> -> memref<128xi32, #tpu.memory_space<vmem>>
    %dma_wait3A_536 = arith.constant 0 : i32
    %dma_wait3A_537 = arith.constant 0 : i32
    %dma_wait3A_538 = tpu.memref_slice %arg12[%dma_wait3A_536, %dma_wait3A_537] : memref<4112x128xf32, #tpu.memory_space<vmem_shared>> -> memref<4112x128xf32, #tpu.memory_space<vmem_shared>>
    tpu.wait_indirect_dma semaphore(%arg18 : memref<!tpu.dma_semaphore, #tpu.memory_space<semaphore_mem>>) src(%arg10 : memref<128x128xf32, #tpu.memory_space<vmem>>) dst(%dma_wait3A_538 : memref<4112x128xf32, #tpu.memory_space<vmem_shared>>)
    %dma_start3A_539 = arith.constant 7 : i32
    %dma_start3A_540 = arith.constant 0 : i32
    %dma_start3A_541 = tpu.memref_slice %arg8[%dma_start3A_539, %dma_start3A_540] : memref<25x128xi32, #tpu.memory_space<vmem>> -> memref<1x128xi32, #tpu.memory_space<vmem>>
    %dma_start3A_542 = tpu.memref_squeeze %dma_start3A_541 : memref<1x128xi32, #tpu.memory_space<vmem>> -> memref<128xi32, #tpu.memory_space<vmem>>
    %dma_start3A_543 = arith.constant 0 : i32
    %dma_start3A_544 = arith.constant 0 : i32
    %dma_start3A_545 = tpu.memref_slice %arg12[%dma_start3A_543, %dma_start3A_544] : memref<4112x128xf32, #tpu.memory_space<vmem_shared>> -> memref<4112x128xf32, #tpu.memory_space<vmem_shared>>
    tpu.enqueue_indirect_dma source(%arg10 : memref<128x128xf32, #tpu.memory_space<vmem>>) target(%dma_start3A_545 : memref<4112x128xf32, #tpu.memory_space<vmem_shared>>) offsets(%dma_start3A_542 : memref<128xi32, #tpu.memory_space<vmem>>) semaphore(%arg18 : memref<!tpu.dma_semaphore, #tpu.memory_space<semaphore_mem>>) {add = true}
    %dma_wait3A_546 = arith.constant 1 : i32
    %dma_wait3A_547 = arith.constant 7 : i32
    %dma_wait3A_548 = arith.constant 0 : i32
    %dma_wait3A_549 = arith.constant 0 : i32
    %dma_wait3A_550 = tpu.memref_slice %arg9[%dma_wait3A_546, %dma_wait3A_548, %dma_wait3A_549] : memref<2x128x128xf32, #tpu.memory_space<vmem>> -> memref<1x128x128xf32, #tpu.memory_space<vmem>>
    %dma_wait3A_551 = tpu.memref_squeeze %dma_wait3A_550 : memref<1x128x128xf32, #tpu.memory_space<vmem>> -> memref<128x128xf32, #tpu.memory_space<vmem>>
    %dma_wait3A_552 = arith.constant 0 : i32
    %dma_wait3A_553 = tpu.memref_slice %arg8[%dma_wait3A_547, %dma_wait3A_552] : memref<25x128xi32, #tpu.memory_space<vmem>> -> memref<1x128xi32, #tpu.memory_space<vmem>>
    %dma_wait3A_554 = tpu.memref_squeeze %dma_wait3A_553 : memref<1x128xi32, #tpu.memory_space<vmem>> -> memref<128xi32, #tpu.memory_space<vmem>>
    %dma_wait3A_555 = arith.constant 0 : i32
    %dma_wait3A_556 = arith.constant 0 : i32
    %dma_wait3A_557 = tpu.memref_slice %arg11[%dma_wait3A_555, %dma_wait3A_556] : memref<4112x128xf32, #tpu.memory_space<vmem_shared>> -> memref<4112x128xf32, #tpu.memory_space<vmem_shared>>
    tpu.wait_indirect_dma semaphore(%arg16 : memref<!tpu.dma_semaphore, #tpu.memory_space<semaphore_mem>>) src(%dma_wait3A_551 : memref<128x128xf32, #tpu.memory_space<vmem>>) dst(%dma_wait3A_557 : memref<4112x128xf32, #tpu.memory_space<vmem_shared>>)
    %add3A_558 = arith.constant 1152 : i32
    %add3A_559 = arith.addi %mul3A_2, %add3A_558 : i32
    %dma_start3A_560 = arith.constant 1 : i32
    %dma_start3A_561 = arith.constant 0 : i32
    %dma_start3A_562 = arith.constant 0 : i32
    %dma_start3A_563 = tpu.memref_slice %arg9[%dma_start3A_560, %dma_start3A_561, %dma_start3A_562] : memref<2x128x128xf32, #tpu.memory_space<vmem>> -> memref<1x128x128xf32, #tpu.memory_space<vmem>>
    %dma_start3A_564 = tpu.memref_squeeze %dma_start3A_563 : memref<1x128x128xf32, #tpu.memory_space<vmem>> -> memref<128x128xf32, #tpu.memory_space<vmem>>
    %dma_start3A_565 = arith.constant 0 : i32
    %dma_start3A_566 = tpu.memref_slice %arg2[%add3A_559, %dma_start3A_565] : memref<102400x128xf32, #tpu.memory_space<hbm>> -> memref<128x128xf32, #tpu.memory_space<hbm>>
    %dma_start3A_567 = arith.constant 0 : i32
    %dma_start3A_568 = arith.constant 0 : i32
    %dma_start3A_569 = tpu.memref_slice %arg9[%dma_start3A_560, %dma_start3A_567, %dma_start3A_568] : memref<2x128x128xf32, #tpu.memory_space<vmem>> -> memref<1x128x128xf32, #tpu.memory_space<vmem>>
    %dma_start3A_570 = tpu.memref_squeeze %dma_start3A_569 : memref<1x128x128xf32, #tpu.memory_space<vmem>> -> memref<128x128xf32, #tpu.memory_space<vmem>>
    %dma_start3A_571 = arith.constant 0 : i32
    %dma_start3A_572 = tpu.memref_slice %arg2[%add3A_559, %dma_start3A_571] : memref<102400x128xf32, #tpu.memory_space<hbm>> -> memref<128x128xf32, #tpu.memory_space<hbm>>
    tpu.enqueue_dma source(%dma_start3A_572 : memref<128x128xf32, #tpu.memory_space<hbm>>) target(%dma_start3A_570 : memref<128x128xf32, #tpu.memory_space<vmem>>) target_semaphore(%arg14 : memref<!tpu.dma_semaphore, #tpu.memory_space<semaphore_mem>>)
    %dma_wait3A_573 = arith.constant 0 : i32
    %dma_wait3A_574 = arith.constant 0 : i32
    %dma_wait3A_575 = arith.constant 0 : i32
    %dma_wait3A_576 = tpu.memref_slice %arg9[%dma_wait3A_573, %dma_wait3A_574, %dma_wait3A_575] : memref<2x128x128xf32, #tpu.memory_space<vmem>> -> memref<1x128x128xf32, #tpu.memory_space<vmem>>
    %dma_wait3A_577 = tpu.memref_squeeze %dma_wait3A_576 : memref<1x128x128xf32, #tpu.memory_space<vmem>> -> memref<128x128xf32, #tpu.memory_space<vmem>>
    %dma_wait3A_578 = arith.constant 0 : i32
    %dma_wait3A_579 = tpu.memref_slice %arg2[%add3A_493, %dma_wait3A_578] : memref<102400x128xf32, #tpu.memory_space<hbm>> -> memref<128x128xf32, #tpu.memory_space<hbm>>
    %dma_wait3A_580 = arith.constant 0 : i32
    %dma_wait3A_581 = arith.constant 0 : i32
    %dma_wait3A_582 = tpu.memref_slice %arg9[%dma_wait3A_573, %dma_wait3A_580, %dma_wait3A_581] : memref<2x128x128xf32, #tpu.memory_space<vmem>> -> memref<1x128x128xf32, #tpu.memory_space<vmem>>
    %dma_wait3A_583 = tpu.memref_squeeze %dma_wait3A_582 : memref<1x128x128xf32, #tpu.memory_space<vmem>> -> memref<128x128xf32, #tpu.memory_space<vmem>>
    %dma_wait3A_584 = arith.constant 0 : i32
    %dma_wait3A_585 = tpu.memref_slice %arg2[%add3A_493, %dma_wait3A_584] : memref<102400x128xf32, #tpu.memory_space<hbm>> -> memref<128x128xf32, #tpu.memory_space<hbm>>
    tpu.wait_dma2 semaphore(%arg13 : memref<!tpu.dma_semaphore, #tpu.memory_space<semaphore_mem>>) src(%dma_wait3A_585 : memref<128x128xf32, #tpu.memory_space<hbm>>) dst(%dma_wait3A_583 : memref<128x128xf32, #tpu.memory_space<vmem>>)
    %dma_start3A_586 = arith.constant 0 : i32
    %dma_start3A_587 = arith.constant 8 : i32
    %dma_start3A_588 = arith.constant 0 : i32
    %dma_start3A_589 = arith.constant 0 : i32
    %dma_start3A_590 = tpu.memref_slice %arg9[%dma_start3A_586, %dma_start3A_588, %dma_start3A_589] : memref<2x128x128xf32, #tpu.memory_space<vmem>> -> memref<1x128x128xf32, #tpu.memory_space<vmem>>
    %dma_start3A_591 = tpu.memref_squeeze %dma_start3A_590 : memref<1x128x128xf32, #tpu.memory_space<vmem>> -> memref<128x128xf32, #tpu.memory_space<vmem>>
    %dma_start3A_592 = arith.constant 0 : i32
    %dma_start3A_593 = tpu.memref_slice %arg8[%dma_start3A_587, %dma_start3A_592] : memref<25x128xi32, #tpu.memory_space<vmem>> -> memref<1x128xi32, #tpu.memory_space<vmem>>
    %dma_start3A_594 = tpu.memref_squeeze %dma_start3A_593 : memref<1x128xi32, #tpu.memory_space<vmem>> -> memref<128xi32, #tpu.memory_space<vmem>>
    %dma_start3A_595 = arith.constant 0 : i32
    %dma_start3A_596 = arith.constant 0 : i32
    %dma_start3A_597 = tpu.memref_slice %arg11[%dma_start3A_595, %dma_start3A_596] : memref<4112x128xf32, #tpu.memory_space<vmem_shared>> -> memref<4112x128xf32, #tpu.memory_space<vmem_shared>>
    tpu.enqueue_indirect_dma source(%dma_start3A_591 : memref<128x128xf32, #tpu.memory_space<vmem>>) target(%dma_start3A_597 : memref<4112x128xf32, #tpu.memory_space<vmem_shared>>) offsets(%dma_start3A_594 : memref<128xi32, #tpu.memory_space<vmem>>) semaphore(%arg15 : memref<!tpu.dma_semaphore, #tpu.memory_space<semaphore_mem>>) {add = true}
    %dma_wait3A_598 = arith.constant 6 : i32
    %dma_wait3A_599 = arith.constant 0 : i32
    %dma_wait3A_600 = tpu.memref_slice %arg8[%dma_wait3A_598, %dma_wait3A_599] : memref<25x128xi32, #tpu.memory_space<vmem>> -> memref<1x128xi32, #tpu.memory_space<vmem>>
    %dma_wait3A_601 = tpu.memref_squeeze %dma_wait3A_600 : memref<1x128xi32, #tpu.memory_space<vmem>> -> memref<128xi32, #tpu.memory_space<vmem>>
    %dma_wait3A_602 = arith.constant 0 : i32
    %dma_wait3A_603 = arith.constant 0 : i32
    %dma_wait3A_604 = tpu.memref_slice %arg12[%dma_wait3A_602, %dma_wait3A_603] : memref<4112x128xf32, #tpu.memory_space<vmem_shared>> -> memref<4112x128xf32, #tpu.memory_space<vmem_shared>>
    tpu.wait_indirect_dma semaphore(%arg17 : memref<!tpu.dma_semaphore, #tpu.memory_space<semaphore_mem>>) src(%arg10 : memref<128x128xf32, #tpu.memory_space<vmem>>) dst(%dma_wait3A_604 : memref<4112x128xf32, #tpu.memory_space<vmem_shared>>)
    %dma_start3A_605 = arith.constant 8 : i32
    %dma_start3A_606 = arith.constant 0 : i32
    %dma_start3A_607 = tpu.memref_slice %arg8[%dma_start3A_605, %dma_start3A_606] : memref<25x128xi32, #tpu.memory_space<vmem>> -> memref<1x128xi32, #tpu.memory_space<vmem>>
    %dma_start3A_608 = tpu.memref_squeeze %dma_start3A_607 : memref<1x128xi32, #tpu.memory_space<vmem>> -> memref<128xi32, #tpu.memory_space<vmem>>
    %dma_start3A_609 = arith.constant 0 : i32
    %dma_start3A_610 = arith.constant 0 : i32
    %dma_start3A_611 = tpu.memref_slice %arg12[%dma_start3A_609, %dma_start3A_610] : memref<4112x128xf32, #tpu.memory_space<vmem_shared>> -> memref<4112x128xf32, #tpu.memory_space<vmem_shared>>
    tpu.enqueue_indirect_dma source(%arg10 : memref<128x128xf32, #tpu.memory_space<vmem>>) target(%dma_start3A_611 : memref<4112x128xf32, #tpu.memory_space<vmem_shared>>) offsets(%dma_start3A_608 : memref<128xi32, #tpu.memory_space<vmem>>) semaphore(%arg17 : memref<!tpu.dma_semaphore, #tpu.memory_space<semaphore_mem>>) {add = true}
    %dma_wait3A_612 = arith.constant 0 : i32
    %dma_wait3A_613 = arith.constant 8 : i32
    %dma_wait3A_614 = arith.constant 0 : i32
    %dma_wait3A_615 = arith.constant 0 : i32
    %dma_wait3A_616 = tpu.memref_slice %arg9[%dma_wait3A_612, %dma_wait3A_614, %dma_wait3A_615] : memref<2x128x128xf32, #tpu.memory_space<vmem>> -> memref<1x128x128xf32, #tpu.memory_space<vmem>>
    %dma_wait3A_617 = tpu.memref_squeeze %dma_wait3A_616 : memref<1x128x128xf32, #tpu.memory_space<vmem>> -> memref<128x128xf32, #tpu.memory_space<vmem>>
    %dma_wait3A_618 = arith.constant 0 : i32
    %dma_wait3A_619 = tpu.memref_slice %arg8[%dma_wait3A_613, %dma_wait3A_618] : memref<25x128xi32, #tpu.memory_space<vmem>> -> memref<1x128xi32, #tpu.memory_space<vmem>>
    %dma_wait3A_620 = tpu.memref_squeeze %dma_wait3A_619 : memref<1x128xi32, #tpu.memory_space<vmem>> -> memref<128xi32, #tpu.memory_space<vmem>>
    %dma_wait3A_621 = arith.constant 0 : i32
    %dma_wait3A_622 = arith.constant 0 : i32
    %dma_wait3A_623 = tpu.memref_slice %arg11[%dma_wait3A_621, %dma_wait3A_622] : memref<4112x128xf32, #tpu.memory_space<vmem_shared>> -> memref<4112x128xf32, #tpu.memory_space<vmem_shared>>
    tpu.wait_indirect_dma semaphore(%arg15 : memref<!tpu.dma_semaphore, #tpu.memory_space<semaphore_mem>>) src(%dma_wait3A_617 : memref<128x128xf32, #tpu.memory_space<vmem>>) dst(%dma_wait3A_623 : memref<4112x128xf32, #tpu.memory_space<vmem_shared>>)
    %add3A_624 = arith.constant 1280 : i32
    %add3A_625 = arith.addi %mul3A_2, %add3A_624 : i32
    %dma_start3A_626 = arith.constant 0 : i32
    %dma_start3A_627 = arith.constant 0 : i32
    %dma_start3A_628 = arith.constant 0 : i32
    %dma_start3A_629 = tpu.memref_slice %arg9[%dma_start3A_626, %dma_start3A_627, %dma_start3A_628] : memref<2x128x128xf32, #tpu.memory_space<vmem>> -> memref<1x128x128xf32, #tpu.memory_space<vmem>>
    %dma_start3A_630 = tpu.memref_squeeze %dma_start3A_629 : memref<1x128x128xf32, #tpu.memory_space<vmem>> -> memref<128x128xf32, #tpu.memory_space<vmem>>
    %dma_start3A_631 = arith.constant 0 : i32
    %dma_start3A_632 = tpu.memref_slice %arg2[%add3A_625, %dma_start3A_631] : memref<102400x128xf32, #tpu.memory_space<hbm>> -> memref<128x128xf32, #tpu.memory_space<hbm>>
    %dma_start3A_633 = arith.constant 0 : i32
    %dma_start3A_634 = arith.constant 0 : i32
    %dma_start3A_635 = tpu.memref_slice %arg9[%dma_start3A_626, %dma_start3A_633, %dma_start3A_634] : memref<2x128x128xf32, #tpu.memory_space<vmem>> -> memref<1x128x128xf32, #tpu.memory_space<vmem>>
    %dma_start3A_636 = tpu.memref_squeeze %dma_start3A_635 : memref<1x128x128xf32, #tpu.memory_space<vmem>> -> memref<128x128xf32, #tpu.memory_space<vmem>>
    %dma_start3A_637 = arith.constant 0 : i32
    %dma_start3A_638 = tpu.memref_slice %arg2[%add3A_625, %dma_start3A_637] : memref<102400x128xf32, #tpu.memory_space<hbm>> -> memref<128x128xf32, #tpu.memory_space<hbm>>
    tpu.enqueue_dma source(%dma_start3A_638 : memref<128x128xf32, #tpu.memory_space<hbm>>) target(%dma_start3A_636 : memref<128x128xf32, #tpu.memory_space<vmem>>) target_semaphore(%arg13 : memref<!tpu.dma_semaphore, #tpu.memory_space<semaphore_mem>>)
    %dma_wait3A_639 = arith.constant 1 : i32
    %dma_wait3A_640 = arith.constant 0 : i32
    %dma_wait3A_641 = arith.constant 0 : i32
    %dma_wait3A_642 = tpu.memref_slice %arg9[%dma_wait3A_639, %dma_wait3A_640, %dma_wait3A_641] : memref<2x128x128xf32, #tpu.memory_space<vmem>> -> memref<1x128x128xf32, #tpu.memory_space<vmem>>
    %dma_wait3A_643 = tpu.memref_squeeze %dma_wait3A_642 : memref<1x128x128xf32, #tpu.memory_space<vmem>> -> memref<128x128xf32, #tpu.memory_space<vmem>>
    %dma_wait3A_644 = arith.constant 0 : i32
    %dma_wait3A_645 = tpu.memref_slice %arg2[%add3A_559, %dma_wait3A_644] : memref<102400x128xf32, #tpu.memory_space<hbm>> -> memref<128x128xf32, #tpu.memory_space<hbm>>
    %dma_wait3A_646 = arith.constant 0 : i32
    %dma_wait3A_647 = arith.constant 0 : i32
    %dma_wait3A_648 = tpu.memref_slice %arg9[%dma_wait3A_639, %dma_wait3A_646, %dma_wait3A_647] : memref<2x128x128xf32, #tpu.memory_space<vmem>> -> memref<1x128x128xf32, #tpu.memory_space<vmem>>
    %dma_wait3A_649 = tpu.memref_squeeze %dma_wait3A_648 : memref<1x128x128xf32, #tpu.memory_space<vmem>> -> memref<128x128xf32, #tpu.memory_space<vmem>>
    %dma_wait3A_650 = arith.constant 0 : i32
    %dma_wait3A_651 = tpu.memref_slice %arg2[%add3A_559, %dma_wait3A_650] : memref<102400x128xf32, #tpu.memory_space<hbm>> -> memref<128x128xf32, #tpu.memory_space<hbm>>
    tpu.wait_dma2 semaphore(%arg14 : memref<!tpu.dma_semaphore, #tpu.memory_space<semaphore_mem>>) src(%dma_wait3A_651 : memref<128x128xf32, #tpu.memory_space<hbm>>) dst(%dma_wait3A_649 : memref<128x128xf32, #tpu.memory_space<vmem>>)
    %dma_start3A_652 = arith.constant 1 : i32
    %dma_start3A_653 = arith.constant 9 : i32
    %dma_start3A_654 = arith.constant 0 : i32
    %dma_start3A_655 = arith.constant 0 : i32
    %dma_start3A_656 = tpu.memref_slice %arg9[%dma_start3A_652, %dma_start3A_654, %dma_start3A_655] : memref<2x128x128xf32, #tpu.memory_space<vmem>> -> memref<1x128x128xf32, #tpu.memory_space<vmem>>
    %dma_start3A_657 = tpu.memref_squeeze %dma_start3A_656 : memref<1x128x128xf32, #tpu.memory_space<vmem>> -> memref<128x128xf32, #tpu.memory_space<vmem>>
    %dma_start3A_658 = arith.constant 0 : i32
    %dma_start3A_659 = tpu.memref_slice %arg8[%dma_start3A_653, %dma_start3A_658] : memref<25x128xi32, #tpu.memory_space<vmem>> -> memref<1x128xi32, #tpu.memory_space<vmem>>
    %dma_start3A_660 = tpu.memref_squeeze %dma_start3A_659 : memref<1x128xi32, #tpu.memory_space<vmem>> -> memref<128xi32, #tpu.memory_space<vmem>>
    %dma_start3A_661 = arith.constant 0 : i32
    %dma_start3A_662 = arith.constant 0 : i32
    %dma_start3A_663 = tpu.memref_slice %arg11[%dma_start3A_661, %dma_start3A_662] : memref<4112x128xf32, #tpu.memory_space<vmem_shared>> -> memref<4112x128xf32, #tpu.memory_space<vmem_shared>>
    tpu.enqueue_indirect_dma source(%dma_start3A_657 : memref<128x128xf32, #tpu.memory_space<vmem>>) target(%dma_start3A_663 : memref<4112x128xf32, #tpu.memory_space<vmem_shared>>) offsets(%dma_start3A_660 : memref<128xi32, #tpu.memory_space<vmem>>) semaphore(%arg16 : memref<!tpu.dma_semaphore, #tpu.memory_space<semaphore_mem>>) {add = true}
    %dma_wait3A_664 = arith.constant 7 : i32
    %dma_wait3A_665 = arith.constant 0 : i32
    %dma_wait3A_666 = tpu.memref_slice %arg8[%dma_wait3A_664, %dma_wait3A_665] : memref<25x128xi32, #tpu.memory_space<vmem>> -> memref<1x128xi32, #tpu.memory_space<vmem>>
    %dma_wait3A_667 = tpu.memref_squeeze %dma_wait3A_666 : memref<1x128xi32, #tpu.memory_space<vmem>> -> memref<128xi32, #tpu.memory_space<vmem>>
    %dma_wait3A_668 = arith.constant 0 : i32
    %dma_wait3A_669 = arith.constant 0 : i32
    %dma_wait3A_670 = tpu.memref_slice %arg12[%dma_wait3A_668, %dma_wait3A_669] : memref<4112x128xf32, #tpu.memory_space<vmem_shared>> -> memref<4112x128xf32, #tpu.memory_space<vmem_shared>>
    tpu.wait_indirect_dma semaphore(%arg18 : memref<!tpu.dma_semaphore, #tpu.memory_space<semaphore_mem>>) src(%arg10 : memref<128x128xf32, #tpu.memory_space<vmem>>) dst(%dma_wait3A_670 : memref<4112x128xf32, #tpu.memory_space<vmem_shared>>)
    %dma_start3A_671 = arith.constant 9 : i32
    %dma_start3A_672 = arith.constant 0 : i32
    %dma_start3A_673 = tpu.memref_slice %arg8[%dma_start3A_671, %dma_start3A_672] : memref<25x128xi32, #tpu.memory_space<vmem>> -> memref<1x128xi32, #tpu.memory_space<vmem>>
    %dma_start3A_674 = tpu.memref_squeeze %dma_start3A_673 : memref<1x128xi32, #tpu.memory_space<vmem>> -> memref<128xi32, #tpu.memory_space<vmem>>
    %dma_start3A_675 = arith.constant 0 : i32
    %dma_start3A_676 = arith.constant 0 : i32
    %dma_start3A_677 = tpu.memref_slice %arg12[%dma_start3A_675, %dma_start3A_676] : memref<4112x128xf32, #tpu.memory_space<vmem_shared>> -> memref<4112x128xf32, #tpu.memory_space<vmem_shared>>
    tpu.enqueue_indirect_dma source(%arg10 : memref<128x128xf32, #tpu.memory_space<vmem>>) target(%dma_start3A_677 : memref<4112x128xf32, #tpu.memory_space<vmem_shared>>) offsets(%dma_start3A_674 : memref<128xi32, #tpu.memory_space<vmem>>) semaphore(%arg18 : memref<!tpu.dma_semaphore, #tpu.memory_space<semaphore_mem>>) {add = true}
    %dma_wait3A_678 = arith.constant 1 : i32
    %dma_wait3A_679 = arith.constant 9 : i32
    %dma_wait3A_680 = arith.constant 0 : i32
    %dma_wait3A_681 = arith.constant 0 : i32
    %dma_wait3A_682 = tpu.memref_slice %arg9[%dma_wait3A_678, %dma_wait3A_680, %dma_wait3A_681] : memref<2x128x128xf32, #tpu.memory_space<vmem>> -> memref<1x128x128xf32, #tpu.memory_space<vmem>>
    %dma_wait3A_683 = tpu.memref_squeeze %dma_wait3A_682 : memref<1x128x128xf32, #tpu.memory_space<vmem>> -> memref<128x128xf32, #tpu.memory_space<vmem>>
    %dma_wait3A_684 = arith.constant 0 : i32
    %dma_wait3A_685 = tpu.memref_slice %arg8[%dma_wait3A_679, %dma_wait3A_684] : memref<25x128xi32, #tpu.memory_space<vmem>> -> memref<1x128xi32, #tpu.memory_space<vmem>>
    %dma_wait3A_686 = tpu.memref_squeeze %dma_wait3A_685 : memref<1x128xi32, #tpu.memory_space<vmem>> -> memref<128xi32, #tpu.memory_space<vmem>>
    %dma_wait3A_687 = arith.constant 0 : i32
    %dma_wait3A_688 = arith.constant 0 : i32
    %dma_wait3A_689 = tpu.memref_slice %arg11[%dma_wait3A_687, %dma_wait3A_688] : memref<4112x128xf32, #tpu.memory_space<vmem_shared>> -> memref<4112x128xf32, #tpu.memory_space<vmem_shared>>
    tpu.wait_indirect_dma semaphore(%arg16 : memref<!tpu.dma_semaphore, #tpu.memory_space<semaphore_mem>>) src(%dma_wait3A_683 : memref<128x128xf32, #tpu.memory_space<vmem>>) dst(%dma_wait3A_689 : memref<4112x128xf32, #tpu.memory_space<vmem_shared>>)
    %add3A_690 = arith.constant 1408 : i32
    %add3A_691 = arith.addi %mul3A_2, %add3A_690 : i32
    %dma_start3A_692 = arith.constant 1 : i32
    %dma_start3A_693 = arith.constant 0 : i32
    %dma_start3A_694 = arith.constant 0 : i32
    %dma_start3A_695 = tpu.memref_slice %arg9[%dma_start3A_692, %dma_start3A_693, %dma_start3A_694] : memref<2x128x128xf32, #tpu.memory_space<vmem>> -> memref<1x128x128xf32, #tpu.memory_space<vmem>>
    %dma_start3A_696 = tpu.memref_squeeze %dma_start3A_695 : memref<1x128x128xf32, #tpu.memory_space<vmem>> -> memref<128x128xf32, #tpu.memory_space<vmem>>
    %dma_start3A_697 = arith.constant 0 : i32
    %dma_start3A_698 = tpu.memref_slice %arg2[%add3A_691, %dma_start3A_697] : memref<102400x128xf32, #tpu.memory_space<hbm>> -> memref<128x128xf32, #tpu.memory_space<hbm>>
    %dma_start3A_699 = arith.constant 0 : i32
    %dma_start3A_700 = arith.constant 0 : i32
    %dma_start3A_701 = tpu.memref_slice %arg9[%dma_start3A_692, %dma_start3A_699, %dma_start3A_700] : memref<2x128x128xf32, #tpu.memory_space<vmem>> -> memref<1x128x128xf32, #tpu.memory_space<vmem>>
    %dma_start3A_702 = tpu.memref_squeeze %dma_start3A_701 : memref<1x128x128xf32, #tpu.memory_space<vmem>> -> memref<128x128xf32, #tpu.memory_space<vmem>>
    %dma_start3A_703 = arith.constant 0 : i32
    %dma_start3A_704 = tpu.memref_slice %arg2[%add3A_691, %dma_start3A_703] : memref<102400x128xf32, #tpu.memory_space<hbm>> -> memref<128x128xf32, #tpu.memory_space<hbm>>
    tpu.enqueue_dma source(%dma_start3A_704 : memref<128x128xf32, #tpu.memory_space<hbm>>) target(%dma_start3A_702 : memref<128x128xf32, #tpu.memory_space<vmem>>) target_semaphore(%arg14 : memref<!tpu.dma_semaphore, #tpu.memory_space<semaphore_mem>>)
    %dma_wait3A_705 = arith.constant 0 : i32
    %dma_wait3A_706 = arith.constant 0 : i32
    %dma_wait3A_707 = arith.constant 0 : i32
    %dma_wait3A_708 = tpu.memref_slice %arg9[%dma_wait3A_705, %dma_wait3A_706, %dma_wait3A_707] : memref<2x128x128xf32, #tpu.memory_space<vmem>> -> memref<1x128x128xf32, #tpu.memory_space<vmem>>
    %dma_wait3A_709 = tpu.memref_squeeze %dma_wait3A_708 : memref<1x128x128xf32, #tpu.memory_space<vmem>> -> memref<128x128xf32, #tpu.memory_space<vmem>>
    %dma_wait3A_710 = arith.constant 0 : i32
    %dma_wait3A_711 = tpu.memref_slice %arg2[%add3A_625, %dma_wait3A_710] : memref<102400x128xf32, #tpu.memory_space<hbm>> -> memref<128x128xf32, #tpu.memory_space<hbm>>
    %dma_wait3A_712 = arith.constant 0 : i32
    %dma_wait3A_713 = arith.constant 0 : i32
    %dma_wait3A_714 = tpu.memref_slice %arg9[%dma_wait3A_705, %dma_wait3A_712, %dma_wait3A_713] : memref<2x128x128xf32, #tpu.memory_space<vmem>> -> memref<1x128x128xf32, #tpu.memory_space<vmem>>
    %dma_wait3A_715 = tpu.memref_squeeze %dma_wait3A_714 : memref<1x128x128xf32, #tpu.memory_space<vmem>> -> memref<128x128xf32, #tpu.memory_space<vmem>>
    %dma_wait3A_716 = arith.constant 0 : i32
    %dma_wait3A_717 = tpu.memref_slice %arg2[%add3A_625, %dma_wait3A_716] : memref<102400x128xf32, #tpu.memory_space<hbm>> -> memref<128x128xf32, #tpu.memory_space<hbm>>
    tpu.wait_dma2 semaphore(%arg13 : memref<!tpu.dma_semaphore, #tpu.memory_space<semaphore_mem>>) src(%dma_wait3A_717 : memref<128x128xf32, #tpu.memory_space<hbm>>) dst(%dma_wait3A_715 : memref<128x128xf32, #tpu.memory_space<vmem>>)
    %dma_start3A_718 = arith.constant 0 : i32
    %dma_start3A_719 = arith.constant 10 : i32
    %dma_start3A_720 = arith.constant 0 : i32
    %dma_start3A_721 = arith.constant 0 : i32
    %dma_start3A_722 = tpu.memref_slice %arg9[%dma_start3A_718, %dma_start3A_720, %dma_start3A_721] : memref<2x128x128xf32, #tpu.memory_space<vmem>> -> memref<1x128x128xf32, #tpu.memory_space<vmem>>
    %dma_start3A_723 = tpu.memref_squeeze %dma_start3A_722 : memref<1x128x128xf32, #tpu.memory_space<vmem>> -> memref<128x128xf32, #tpu.memory_space<vmem>>
    %dma_start3A_724 = arith.constant 0 : i32
    %dma_start3A_725 = tpu.memref_slice %arg8[%dma_start3A_719, %dma_start3A_724] : memref<25x128xi32, #tpu.memory_space<vmem>> -> memref<1x128xi32, #tpu.memory_space<vmem>>
    %dma_start3A_726 = tpu.memref_squeeze %dma_start3A_725 : memref<1x128xi32, #tpu.memory_space<vmem>> -> memref<128xi32, #tpu.memory_space<vmem>>
    %dma_start3A_727 = arith.constant 0 : i32
    %dma_start3A_728 = arith.constant 0 : i32
    %dma_start3A_729 = tpu.memref_slice %arg11[%dma_start3A_727, %dma_start3A_728] : memref<4112x128xf32, #tpu.memory_space<vmem_shared>> -> memref<4112x128xf32, #tpu.memory_space<vmem_shared>>
    tpu.enqueue_indirect_dma source(%dma_start3A_723 : memref<128x128xf32, #tpu.memory_space<vmem>>) target(%dma_start3A_729 : memref<4112x128xf32, #tpu.memory_space<vmem_shared>>) offsets(%dma_start3A_726 : memref<128xi32, #tpu.memory_space<vmem>>) semaphore(%arg15 : memref<!tpu.dma_semaphore, #tpu.memory_space<semaphore_mem>>) {add = true}
    %dma_wait3A_730 = arith.constant 8 : i32
    %dma_wait3A_731 = arith.constant 0 : i32
    %dma_wait3A_732 = tpu.memref_slice %arg8[%dma_wait3A_730, %dma_wait3A_731] : memref<25x128xi32, #tpu.memory_space<vmem>> -> memref<1x128xi32, #tpu.memory_space<vmem>>
    %dma_wait3A_733 = tpu.memref_squeeze %dma_wait3A_732 : memref<1x128xi32, #tpu.memory_space<vmem>> -> memref<128xi32, #tpu.memory_space<vmem>>
    %dma_wait3A_734 = arith.constant 0 : i32
    %dma_wait3A_735 = arith.constant 0 : i32
    %dma_wait3A_736 = tpu.memref_slice %arg12[%dma_wait3A_734, %dma_wait3A_735] : memref<4112x128xf32, #tpu.memory_space<vmem_shared>> -> memref<4112x128xf32, #tpu.memory_space<vmem_shared>>
    tpu.wait_indirect_dma semaphore(%arg17 : memref<!tpu.dma_semaphore, #tpu.memory_space<semaphore_mem>>) src(%arg10 : memref<128x128xf32, #tpu.memory_space<vmem>>) dst(%dma_wait3A_736 : memref<4112x128xf32, #tpu.memory_space<vmem_shared>>)
    %dma_start3A_737 = arith.constant 10 : i32
    %dma_start3A_738 = arith.constant 0 : i32
    %dma_start3A_739 = tpu.memref_slice %arg8[%dma_start3A_737, %dma_start3A_738] : memref<25x128xi32, #tpu.memory_space<vmem>> -> memref<1x128xi32, #tpu.memory_space<vmem>>
    %dma_start3A_740 = tpu.memref_squeeze %dma_start3A_739 : memref<1x128xi32, #tpu.memory_space<vmem>> -> memref<128xi32, #tpu.memory_space<vmem>>
    %dma_start3A_741 = arith.constant 0 : i32
    %dma_start3A_742 = arith.constant 0 : i32
    %dma_start3A_743 = tpu.memref_slice %arg12[%dma_start3A_741, %dma_start3A_742] : memref<4112x128xf32, #tpu.memory_space<vmem_shared>> -> memref<4112x128xf32, #tpu.memory_space<vmem_shared>>
    tpu.enqueue_indirect_dma source(%arg10 : memref<128x128xf32, #tpu.memory_space<vmem>>) target(%dma_start3A_743 : memref<4112x128xf32, #tpu.memory_space<vmem_shared>>) offsets(%dma_start3A_740 : memref<128xi32, #tpu.memory_space<vmem>>) semaphore(%arg17 : memref<!tpu.dma_semaphore, #tpu.memory_space<semaphore_mem>>) {add = true}
    %dma_wait3A_744 = arith.constant 0 : i32
    %dma_wait3A_745 = arith.constant 10 : i32
    %dma_wait3A_746 = arith.constant 0 : i32
    %dma_wait3A_747 = arith.constant 0 : i32
    %dma_wait3A_748 = tpu.memref_slice %arg9[%dma_wait3A_744, %dma_wait3A_746, %dma_wait3A_747] : memref<2x128x128xf32, #tpu.memory_space<vmem>> -> memref<1x128x128xf32, #tpu.memory_space<vmem>>
    %dma_wait3A_749 = tpu.memref_squeeze %dma_wait3A_748 : memref<1x128x128xf32, #tpu.memory_space<vmem>> -> memref<128x128xf32, #tpu.memory_space<vmem>>
    %dma_wait3A_750 = arith.constant 0 : i32
    %dma_wait3A_751 = tpu.memref_slice %arg8[%dma_wait3A_745, %dma_wait3A_750] : memref<25x128xi32, #tpu.memory_space<vmem>> -> memref<1x128xi32, #tpu.memory_space<vmem>>
    %dma_wait3A_752 = tpu.memref_squeeze %dma_wait3A_751 : memref<1x128xi32, #tpu.memory_space<vmem>> -> memref<128xi32, #tpu.memory_space<vmem>>
    %dma_wait3A_753 = arith.constant 0 : i32
    %dma_wait3A_754 = arith.constant 0 : i32
    %dma_wait3A_755 = tpu.memref_slice %arg11[%dma_wait3A_753, %dma_wait3A_754] : memref<4112x128xf32, #tpu.memory_space<vmem_shared>> -> memref<4112x128xf32, #tpu.memory_space<vmem_shared>>
    tpu.wait_indirect_dma semaphore(%arg15 : memref<!tpu.dma_semaphore, #tpu.memory_space<semaphore_mem>>) src(%dma_wait3A_749 : memref<128x128xf32, #tpu.memory_space<vmem>>) dst(%dma_wait3A_755 : memref<4112x128xf32, #tpu.memory_space<vmem_shared>>)
    %add3A_756 = arith.constant 1536 : i32
    %add3A_757 = arith.addi %mul3A_2, %add3A_756 : i32
    %dma_start3A_758 = arith.constant 0 : i32
    %dma_start3A_759 = arith.constant 0 : i32
    %dma_start3A_760 = arith.constant 0 : i32
    %dma_start3A_761 = tpu.memref_slice %arg9[%dma_start3A_758, %dma_start3A_759, %dma_start3A_760] : memref<2x128x128xf32, #tpu.memory_space<vmem>> -> memref<1x128x128xf32, #tpu.memory_space<vmem>>
    %dma_start3A_762 = tpu.memref_squeeze %dma_start3A_761 : memref<1x128x128xf32, #tpu.memory_space<vmem>> -> memref<128x128xf32, #tpu.memory_space<vmem>>
    %dma_start3A_763 = arith.constant 0 : i32
    %dma_start3A_764 = tpu.memref_slice %arg2[%add3A_757, %dma_start3A_763] : memref<102400x128xf32, #tpu.memory_space<hbm>> -> memref<128x128xf32, #tpu.memory_space<hbm>>
    %dma_start3A_765 = arith.constant 0 : i32
    %dma_start3A_766 = arith.constant 0 : i32
    %dma_start3A_767 = tpu.memref_slice %arg9[%dma_start3A_758, %dma_start3A_765, %dma_start3A_766] : memref<2x128x128xf32, #tpu.memory_space<vmem>> -> memref<1x128x128xf32, #tpu.memory_space<vmem>>
    %dma_start3A_768 = tpu.memref_squeeze %dma_start3A_767 : memref<1x128x128xf32, #tpu.memory_space<vmem>> -> memref<128x128xf32, #tpu.memory_space<vmem>>
    %dma_start3A_769 = arith.constant 0 : i32
    %dma_start3A_770 = tpu.memref_slice %arg2[%add3A_757, %dma_start3A_769] : memref<102400x128xf32, #tpu.memory_space<hbm>> -> memref<128x128xf32, #tpu.memory_space<hbm>>
    tpu.enqueue_dma source(%dma_start3A_770 : memref<128x128xf32, #tpu.memory_space<hbm>>) target(%dma_start3A_768 : memref<128x128xf32, #tpu.memory_space<vmem>>) target_semaphore(%arg13 : memref<!tpu.dma_semaphore, #tpu.memory_space<semaphore_mem>>)
    %dma_wait3A_771 = arith.constant 1 : i32
    %dma_wait3A_772 = arith.constant 0 : i32
    %dma_wait3A_773 = arith.constant 0 : i32
    %dma_wait3A_774 = tpu.memref_slice %arg9[%dma_wait3A_771, %dma_wait3A_772, %dma_wait3A_773] : memref<2x128x128xf32, #tpu.memory_space<vmem>> -> memref<1x128x128xf32, #tpu.memory_space<vmem>>
    %dma_wait3A_775 = tpu.memref_squeeze %dma_wait3A_774 : memref<1x128x128xf32, #tpu.memory_space<vmem>> -> memref<128x128xf32, #tpu.memory_space<vmem>>
    %dma_wait3A_776 = arith.constant 0 : i32
    %dma_wait3A_777 = tpu.memref_slice %arg2[%add3A_691, %dma_wait3A_776] : memref<102400x128xf32, #tpu.memory_space<hbm>> -> memref<128x128xf32, #tpu.memory_space<hbm>>
    %dma_wait3A_778 = arith.constant 0 : i32
    %dma_wait3A_779 = arith.constant 0 : i32
    %dma_wait3A_780 = tpu.memref_slice %arg9[%dma_wait3A_771, %dma_wait3A_778, %dma_wait3A_779] : memref<2x128x128xf32, #tpu.memory_space<vmem>> -> memref<1x128x128xf32, #tpu.memory_space<vmem>>
    %dma_wait3A_781 = tpu.memref_squeeze %dma_wait3A_780 : memref<1x128x128xf32, #tpu.memory_space<vmem>> -> memref<128x128xf32, #tpu.memory_space<vmem>>
    %dma_wait3A_782 = arith.constant 0 : i32
    %dma_wait3A_783 = tpu.memref_slice %arg2[%add3A_691, %dma_wait3A_782] : memref<102400x128xf32, #tpu.memory_space<hbm>> -> memref<128x128xf32, #tpu.memory_space<hbm>>
    tpu.wait_dma2 semaphore(%arg14 : memref<!tpu.dma_semaphore, #tpu.memory_space<semaphore_mem>>) src(%dma_wait3A_783 : memref<128x128xf32, #tpu.memory_space<hbm>>) dst(%dma_wait3A_781 : memref<128x128xf32, #tpu.memory_space<vmem>>)
    %dma_start3A_784 = arith.constant 1 : i32
    %dma_start3A_785 = arith.constant 11 : i32
    %dma_start3A_786 = arith.constant 0 : i32
    %dma_start3A_787 = arith.constant 0 : i32
    %dma_start3A_788 = tpu.memref_slice %arg9[%dma_start3A_784, %dma_start3A_786, %dma_start3A_787] : memref<2x128x128xf32, #tpu.memory_space<vmem>> -> memref<1x128x128xf32, #tpu.memory_space<vmem>>
    %dma_start3A_789 = tpu.memref_squeeze %dma_start3A_788 : memref<1x128x128xf32, #tpu.memory_space<vmem>> -> memref<128x128xf32, #tpu.memory_space<vmem>>
    %dma_start3A_790 = arith.constant 0 : i32
    %dma_start3A_791 = tpu.memref_slice %arg8[%dma_start3A_785, %dma_start3A_790] : memref<25x128xi32, #tpu.memory_space<vmem>> -> memref<1x128xi32, #tpu.memory_space<vmem>>
    %dma_start3A_792 = tpu.memref_squeeze %dma_start3A_791 : memref<1x128xi32, #tpu.memory_space<vmem>> -> memref<128xi32, #tpu.memory_space<vmem>>
    %dma_start3A_793 = arith.constant 0 : i32
    %dma_start3A_794 = arith.constant 0 : i32
    %dma_start3A_795 = tpu.memref_slice %arg11[%dma_start3A_793, %dma_start3A_794] : memref<4112x128xf32, #tpu.memory_space<vmem_shared>> -> memref<4112x128xf32, #tpu.memory_space<vmem_shared>>
    tpu.enqueue_indirect_dma source(%dma_start3A_789 : memref<128x128xf32, #tpu.memory_space<vmem>>) target(%dma_start3A_795 : memref<4112x128xf32, #tpu.memory_space<vmem_shared>>) offsets(%dma_start3A_792 : memref<128xi32, #tpu.memory_space<vmem>>) semaphore(%arg16 : memref<!tpu.dma_semaphore, #tpu.memory_space<semaphore_mem>>) {add = true}
    %dma_wait3A_796 = arith.constant 9 : i32
    %dma_wait3A_797 = arith.constant 0 : i32
    %dma_wait3A_798 = tpu.memref_slice %arg8[%dma_wait3A_796, %dma_wait3A_797] : memref<25x128xi32, #tpu.memory_space<vmem>> -> memref<1x128xi32, #tpu.memory_space<vmem>>
    %dma_wait3A_799 = tpu.memref_squeeze %dma_wait3A_798 : memref<1x128xi32, #tpu.memory_space<vmem>> -> memref<128xi32, #tpu.memory_space<vmem>>
    %dma_wait3A_800 = arith.constant 0 : i32
    %dma_wait3A_801 = arith.constant 0 : i32
    %dma_wait3A_802 = tpu.memref_slice %arg12[%dma_wait3A_800, %dma_wait3A_801] : memref<4112x128xf32, #tpu.memory_space<vmem_shared>> -> memref<4112x128xf32, #tpu.memory_space<vmem_shared>>
    tpu.wait_indirect_dma semaphore(%arg18 : memref<!tpu.dma_semaphore, #tpu.memory_space<semaphore_mem>>) src(%arg10 : memref<128x128xf32, #tpu.memory_space<vmem>>) dst(%dma_wait3A_802 : memref<4112x128xf32, #tpu.memory_space<vmem_shared>>)
    %dma_start3A_803 = arith.constant 11 : i32
    %dma_start3A_804 = arith.constant 0 : i32
    %dma_start3A_805 = tpu.memref_slice %arg8[%dma_start3A_803, %dma_start3A_804] : memref<25x128xi32, #tpu.memory_space<vmem>> -> memref<1x128xi32, #tpu.memory_space<vmem>>
    %dma_start3A_806 = tpu.memref_squeeze %dma_start3A_805 : memref<1x128xi32, #tpu.memory_space<vmem>> -> memref<128xi32, #tpu.memory_space<vmem>>
    %dma_start3A_807 = arith.constant 0 : i32
    %dma_start3A_808 = arith.constant 0 : i32
    %dma_start3A_809 = tpu.memref_slice %arg12[%dma_start3A_807, %dma_start3A_808] : memref<4112x128xf32, #tpu.memory_space<vmem_shared>> -> memref<4112x128xf32, #tpu.memory_space<vmem_shared>>
    tpu.enqueue_indirect_dma source(%arg10 : memref<128x128xf32, #tpu.memory_space<vmem>>) target(%dma_start3A_809 : memref<4112x128xf32, #tpu.memory_space<vmem_shared>>) offsets(%dma_start3A_806 : memref<128xi32, #tpu.memory_space<vmem>>) semaphore(%arg18 : memref<!tpu.dma_semaphore, #tpu.memory_space<semaphore_mem>>) {add = true}
    %dma_wait3A_810 = arith.constant 1 : i32
    %dma_wait3A_811 = arith.constant 11 : i32
    %dma_wait3A_812 = arith.constant 0 : i32
    %dma_wait3A_813 = arith.constant 0 : i32
    %dma_wait3A_814 = tpu.memref_slice %arg9[%dma_wait3A_810, %dma_wait3A_812, %dma_wait3A_813] : memref<2x128x128xf32, #tpu.memory_space<vmem>> -> memref<1x128x128xf32, #tpu.memory_space<vmem>>
    %dma_wait3A_815 = tpu.memref_squeeze %dma_wait3A_814 : memref<1x128x128xf32, #tpu.memory_space<vmem>> -> memref<128x128xf32, #tpu.memory_space<vmem>>
    %dma_wait3A_816 = arith.constant 0 : i32
    %dma_wait3A_817 = tpu.memref_slice %arg8[%dma_wait3A_811, %dma_wait3A_816] : memref<25x128xi32, #tpu.memory_space<vmem>> -> memref<1x128xi32, #tpu.memory_space<vmem>>
    %dma_wait3A_818 = tpu.memref_squeeze %dma_wait3A_817 : memref<1x128xi32, #tpu.memory_space<vmem>> -> memref<128xi32, #tpu.memory_space<vmem>>
    %dma_wait3A_819 = arith.constant 0 : i32
    %dma_wait3A_820 = arith.constant 0 : i32
    %dma_wait3A_821 = tpu.memref_slice %arg11[%dma_wait3A_819, %dma_wait3A_820] : memref<4112x128xf32, #tpu.memory_space<vmem_shared>> -> memref<4112x128xf32, #tpu.memory_space<vmem_shared>>
    tpu.wait_indirect_dma semaphore(%arg16 : memref<!tpu.dma_semaphore, #tpu.memory_space<semaphore_mem>>) src(%dma_wait3A_815 : memref<128x128xf32, #tpu.memory_space<vmem>>) dst(%dma_wait3A_821 : memref<4112x128xf32, #tpu.memory_space<vmem_shared>>)
    %add3A_822 = arith.constant 1664 : i32
    %add3A_823 = arith.addi %mul3A_2, %add3A_822 : i32
    %dma_start3A_824 = arith.constant 1 : i32
    %dma_start3A_825 = arith.constant 0 : i32
    %dma_start3A_826 = arith.constant 0 : i32
    %dma_start3A_827 = tpu.memref_slice %arg9[%dma_start3A_824, %dma_start3A_825, %dma_start3A_826] : memref<2x128x128xf32, #tpu.memory_space<vmem>> -> memref<1x128x128xf32, #tpu.memory_space<vmem>>
    %dma_start3A_828 = tpu.memref_squeeze %dma_start3A_827 : memref<1x128x128xf32, #tpu.memory_space<vmem>> -> memref<128x128xf32, #tpu.memory_space<vmem>>
    %dma_start3A_829 = arith.constant 0 : i32
    %dma_start3A_830 = tpu.memref_slice %arg2[%add3A_823, %dma_start3A_829] : memref<102400x128xf32, #tpu.memory_space<hbm>> -> memref<128x128xf32, #tpu.memory_space<hbm>>
    %dma_start3A_831 = arith.constant 0 : i32
    %dma_start3A_832 = arith.constant 0 : i32
    %dma_start3A_833 = tpu.memref_slice %arg9[%dma_start3A_824, %dma_start3A_831, %dma_start3A_832] : memref<2x128x128xf32, #tpu.memory_space<vmem>> -> memref<1x128x128xf32, #tpu.memory_space<vmem>>
    %dma_start3A_834 = tpu.memref_squeeze %dma_start3A_833 : memref<1x128x128xf32, #tpu.memory_space<vmem>> -> memref<128x128xf32, #tpu.memory_space<vmem>>
    %dma_start3A_835 = arith.constant 0 : i32
    %dma_start3A_836 = tpu.memref_slice %arg2[%add3A_823, %dma_start3A_835] : memref<102400x128xf32, #tpu.memory_space<hbm>> -> memref<128x128xf32, #tpu.memory_space<hbm>>
    tpu.enqueue_dma source(%dma_start3A_836 : memref<128x128xf32, #tpu.memory_space<hbm>>) target(%dma_start3A_834 : memref<128x128xf32, #tpu.memory_space<vmem>>) target_semaphore(%arg14 : memref<!tpu.dma_semaphore, #tpu.memory_space<semaphore_mem>>)
    %dma_wait3A_837 = arith.constant 0 : i32
    %dma_wait3A_838 = arith.constant 0 : i32
    %dma_wait3A_839 = arith.constant 0 : i32
    %dma_wait3A_840 = tpu.memref_slice %arg9[%dma_wait3A_837, %dma_wait3A_838, %dma_wait3A_839] : memref<2x128x128xf32, #tpu.memory_space<vmem>> -> memref<1x128x128xf32, #tpu.memory_space<vmem>>
    %dma_wait3A_841 = tpu.memref_squeeze %dma_wait3A_840 : memref<1x128x128xf32, #tpu.memory_space<vmem>> -> memref<128x128xf32, #tpu.memory_space<vmem>>
    %dma_wait3A_842 = arith.constant 0 : i32
    %dma_wait3A_843 = tpu.memref_slice %arg2[%add3A_757, %dma_wait3A_842] : memref<102400x128xf32, #tpu.memory_space<hbm>> -> memref<128x128xf32, #tpu.memory_space<hbm>>
    %dma_wait3A_844 = arith.constant 0 : i32
    %dma_wait3A_845 = arith.constant 0 : i32
    %dma_wait3A_846 = tpu.memref_slice %arg9[%dma_wait3A_837, %dma_wait3A_844, %dma_wait3A_845] : memref<2x128x128xf32, #tpu.memory_space<vmem>> -> memref<1x128x128xf32, #tpu.memory_space<vmem>>
    %dma_wait3A_847 = tpu.memref_squeeze %dma_wait3A_846 : memref<1x128x128xf32, #tpu.memory_space<vmem>> -> memref<128x128xf32, #tpu.memory_space<vmem>>
    %dma_wait3A_848 = arith.constant 0 : i32
    %dma_wait3A_849 = tpu.memref_slice %arg2[%add3A_757, %dma_wait3A_848] : memref<102400x128xf32, #tpu.memory_space<hbm>> -> memref<128x128xf32, #tpu.memory_space<hbm>>
    tpu.wait_dma2 semaphore(%arg13 : memref<!tpu.dma_semaphore, #tpu.memory_space<semaphore_mem>>) src(%dma_wait3A_849 : memref<128x128xf32, #tpu.memory_space<hbm>>) dst(%dma_wait3A_847 : memref<128x128xf32, #tpu.memory_space<vmem>>)
    %dma_start3A_850 = arith.constant 0 : i32
    %dma_start3A_851 = arith.constant 12 : i32
    %dma_start3A_852 = arith.constant 0 : i32
    %dma_start3A_853 = arith.constant 0 : i32
    %dma_start3A_854 = tpu.memref_slice %arg9[%dma_start3A_850, %dma_start3A_852, %dma_start3A_853] : memref<2x128x128xf32, #tpu.memory_space<vmem>> -> memref<1x128x128xf32, #tpu.memory_space<vmem>>
    %dma_start3A_855 = tpu.memref_squeeze %dma_start3A_854 : memref<1x128x128xf32, #tpu.memory_space<vmem>> -> memref<128x128xf32, #tpu.memory_space<vmem>>
    %dma_start3A_856 = arith.constant 0 : i32
    %dma_start3A_857 = tpu.memref_slice %arg8[%dma_start3A_851, %dma_start3A_856] : memref<25x128xi32, #tpu.memory_space<vmem>> -> memref<1x128xi32, #tpu.memory_space<vmem>>
    %dma_start3A_858 = tpu.memref_squeeze %dma_start3A_857 : memref<1x128xi32, #tpu.memory_space<vmem>> -> memref<128xi32, #tpu.memory_space<vmem>>
    %dma_start3A_859 = arith.constant 0 : i32
    %dma_start3A_860 = arith.constant 0 : i32
    %dma_start3A_861 = tpu.memref_slice %arg11[%dma_start3A_859, %dma_start3A_860] : memref<4112x128xf32, #tpu.memory_space<vmem_shared>> -> memref<4112x128xf32, #tpu.memory_space<vmem_shared>>
    tpu.enqueue_indirect_dma source(%dma_start3A_855 : memref<128x128xf32, #tpu.memory_space<vmem>>) target(%dma_start3A_861 : memref<4112x128xf32, #tpu.memory_space<vmem_shared>>) offsets(%dma_start3A_858 : memref<128xi32, #tpu.memory_space<vmem>>) semaphore(%arg15 : memref<!tpu.dma_semaphore, #tpu.memory_space<semaphore_mem>>) {add = true}
    %dma_wait3A_862 = arith.constant 0 : i32
    %dma_wait3A_863 = arith.constant 12 : i32
    %dma_wait3A_864 = arith.constant 0 : i32
    %dma_wait3A_865 = arith.constant 0 : i32
    %dma_wait3A_866 = tpu.memref_slice %arg9[%dma_wait3A_862, %dma_wait3A_864, %dma_wait3A_865] : memref<2x128x128xf32, #tpu.memory_space<vmem>> -> memref<1x128x128xf32, #tpu.memory_space<vmem>>
    %dma_wait3A_867 = tpu.memref_squeeze %dma_wait3A_866 : memref<1x128x128xf32, #tpu.memory_space<vmem>> -> memref<128x128xf32, #tpu.memory_space<vmem>>
    %dma_wait3A_868 = arith.constant 0 : i32
    %dma_wait3A_869 = tpu.memref_slice %arg8[%dma_wait3A_863, %dma_wait3A_868] : memref<25x128xi32, #tpu.memory_space<vmem>> -> memref<1x128xi32, #tpu.memory_space<vmem>>
    %dma_wait3A_870 = tpu.memref_squeeze %dma_wait3A_869 : memref<1x128xi32, #tpu.memory_space<vmem>> -> memref<128xi32, #tpu.memory_space<vmem>>
    %dma_wait3A_871 = arith.constant 0 : i32
    %dma_wait3A_872 = arith.constant 0 : i32
    %dma_wait3A_873 = tpu.memref_slice %arg11[%dma_wait3A_871, %dma_wait3A_872] : memref<4112x128xf32, #tpu.memory_space<vmem_shared>> -> memref<4112x128xf32, #tpu.memory_space<vmem_shared>>
    tpu.wait_indirect_dma semaphore(%arg15 : memref<!tpu.dma_semaphore, #tpu.memory_space<semaphore_mem>>) src(%dma_wait3A_867 : memref<128x128xf32, #tpu.memory_space<vmem>>) dst(%dma_wait3A_873 : memref<4112x128xf32, #tpu.memory_space<vmem_shared>>)
    %add3A_874 = arith.constant 1792 : i32
    %add3A_875 = arith.addi %mul3A_2, %add3A_874 : i32
    %dma_start3A_876 = arith.constant 0 : i32
    %dma_start3A_877 = arith.constant 0 : i32
    %dma_start3A_878 = arith.constant 0 : i32
    %dma_start3A_879 = tpu.memref_slice %arg9[%dma_start3A_876, %dma_start3A_877, %dma_start3A_878] : memref<2x128x128xf32, #tpu.memory_space<vmem>> -> memref<1x128x128xf32, #tpu.memory_space<vmem>>
    %dma_start3A_880 = tpu.memref_squeeze %dma_start3A_879 : memref<1x128x128xf32, #tpu.memory_space<vmem>> -> memref<128x128xf32, #tpu.memory_space<vmem>>
    %dma_start3A_881 = arith.constant 0 : i32
    %dma_start3A_882 = tpu.memref_slice %arg2[%add3A_875, %dma_start3A_881] : memref<102400x128xf32, #tpu.memory_space<hbm>> -> memref<128x128xf32, #tpu.memory_space<hbm>>
    %dma_start3A_883 = arith.constant 0 : i32
    %dma_start3A_884 = arith.constant 0 : i32
    %dma_start3A_885 = tpu.memref_slice %arg9[%dma_start3A_876, %dma_start3A_883, %dma_start3A_884] : memref<2x128x128xf32, #tpu.memory_space<vmem>> -> memref<1x128x128xf32, #tpu.memory_space<vmem>>
    %dma_start3A_886 = tpu.memref_squeeze %dma_start3A_885 : memref<1x128x128xf32, #tpu.memory_space<vmem>> -> memref<128x128xf32, #tpu.memory_space<vmem>>
    %dma_start3A_887 = arith.constant 0 : i32
    %dma_start3A_888 = tpu.memref_slice %arg2[%add3A_875, %dma_start3A_887] : memref<102400x128xf32, #tpu.memory_space<hbm>> -> memref<128x128xf32, #tpu.memory_space<hbm>>
    tpu.enqueue_dma source(%dma_start3A_888 : memref<128x128xf32, #tpu.memory_space<hbm>>) target(%dma_start3A_886 : memref<128x128xf32, #tpu.memory_space<vmem>>) target_semaphore(%arg13 : memref<!tpu.dma_semaphore, #tpu.memory_space<semaphore_mem>>)
    %dma_wait3A_889 = arith.constant 1 : i32
    %dma_wait3A_890 = arith.constant 0 : i32
    %dma_wait3A_891 = arith.constant 0 : i32
    %dma_wait3A_892 = tpu.memref_slice %arg9[%dma_wait3A_889, %dma_wait3A_890, %dma_wait3A_891] : memref<2x128x128xf32, #tpu.memory_space<vmem>> -> memref<1x128x128xf32, #tpu.memory_space<vmem>>
    %dma_wait3A_893 = tpu.memref_squeeze %dma_wait3A_892 : memref<1x128x128xf32, #tpu.memory_space<vmem>> -> memref<128x128xf32, #tpu.memory_space<vmem>>
    %dma_wait3A_894 = arith.constant 0 : i32
    %dma_wait3A_895 = tpu.memref_slice %arg2[%add3A_823, %dma_wait3A_894] : memref<102400x128xf32, #tpu.memory_space<hbm>> -> memref<128x128xf32, #tpu.memory_space<hbm>>
    %dma_wait3A_896 = arith.constant 0 : i32
    %dma_wait3A_897 = arith.constant 0 : i32
    %dma_wait3A_898 = tpu.memref_slice %arg9[%dma_wait3A_889, %dma_wait3A_896, %dma_wait3A_897] : memref<2x128x128xf32, #tpu.memory_space<vmem>> -> memref<1x128x128xf32, #tpu.memory_space<vmem>>
    %dma_wait3A_899 = tpu.memref_squeeze %dma_wait3A_898 : memref<1x128x128xf32, #tpu.memory_space<vmem>> -> memref<128x128xf32, #tpu.memory_space<vmem>>
    %dma_wait3A_900 = arith.constant 0 : i32
    %dma_wait3A_901 = tpu.memref_slice %arg2[%add3A_823, %dma_wait3A_900] : memref<102400x128xf32, #tpu.memory_space<hbm>> -> memref<128x128xf32, #tpu.memory_space<hbm>>
    tpu.wait_dma2 semaphore(%arg14 : memref<!tpu.dma_semaphore, #tpu.memory_space<semaphore_mem>>) src(%dma_wait3A_901 : memref<128x128xf32, #tpu.memory_space<hbm>>) dst(%dma_wait3A_899 : memref<128x128xf32, #tpu.memory_space<vmem>>)
    %dma_start3A_902 = arith.constant 1 : i32
    %dma_start3A_903 = arith.constant 13 : i32
    %dma_start3A_904 = arith.constant 0 : i32
    %dma_start3A_905 = arith.constant 0 : i32
    %dma_start3A_906 = tpu.memref_slice %arg9[%dma_start3A_902, %dma_start3A_904, %dma_start3A_905] : memref<2x128x128xf32, #tpu.memory_space<vmem>> -> memref<1x128x128xf32, #tpu.memory_space<vmem>>
    %dma_start3A_907 = tpu.memref_squeeze %dma_start3A_906 : memref<1x128x128xf32, #tpu.memory_space<vmem>> -> memref<128x128xf32, #tpu.memory_space<vmem>>
    %dma_start3A_908 = arith.constant 0 : i32
    %dma_start3A_909 = tpu.memref_slice %arg8[%dma_start3A_903, %dma_start3A_908] : memref<25x128xi32, #tpu.memory_space<vmem>> -> memref<1x128xi32, #tpu.memory_space<vmem>>
    %dma_start3A_910 = tpu.memref_squeeze %dma_start3A_909 : memref<1x128xi32, #tpu.memory_space<vmem>> -> memref<128xi32, #tpu.memory_space<vmem>>
    %dma_start3A_911 = arith.constant 0 : i32
    %dma_start3A_912 = arith.constant 0 : i32
    %dma_start3A_913 = tpu.memref_slice %arg11[%dma_start3A_911, %dma_start3A_912] : memref<4112x128xf32, #tpu.memory_space<vmem_shared>> -> memref<4112x128xf32, #tpu.memory_space<vmem_shared>>
    tpu.enqueue_indirect_dma source(%dma_start3A_907 : memref<128x128xf32, #tpu.memory_space<vmem>>) target(%dma_start3A_913 : memref<4112x128xf32, #tpu.memory_space<vmem_shared>>) offsets(%dma_start3A_910 : memref<128xi32, #tpu.memory_space<vmem>>) semaphore(%arg16 : memref<!tpu.dma_semaphore, #tpu.memory_space<semaphore_mem>>) {add = true}
    %dma_wait3A_914 = arith.constant 1 : i32
    %dma_wait3A_915 = arith.constant 13 : i32
    %dma_wait3A_916 = arith.constant 0 : i32
    %dma_wait3A_917 = arith.constant 0 : i32
    %dma_wait3A_918 = tpu.memref_slice %arg9[%dma_wait3A_914, %dma_wait3A_916, %dma_wait3A_917] : memref<2x128x128xf32, #tpu.memory_space<vmem>> -> memref<1x128x128xf32, #tpu.memory_space<vmem>>
    %dma_wait3A_919 = tpu.memref_squeeze %dma_wait3A_918 : memref<1x128x128xf32, #tpu.memory_space<vmem>> -> memref<128x128xf32, #tpu.memory_space<vmem>>
    %dma_wait3A_920 = arith.constant 0 : i32
    %dma_wait3A_921 = tpu.memref_slice %arg8[%dma_wait3A_915, %dma_wait3A_920] : memref<25x128xi32, #tpu.memory_space<vmem>> -> memref<1x128xi32, #tpu.memory_space<vmem>>
    %dma_wait3A_922 = tpu.memref_squeeze %dma_wait3A_921 : memref<1x128xi32, #tpu.memory_space<vmem>> -> memref<128xi32, #tpu.memory_space<vmem>>
    %dma_wait3A_923 = arith.constant 0 : i32
    %dma_wait3A_924 = arith.constant 0 : i32
    %dma_wait3A_925 = tpu.memref_slice %arg11[%dma_wait3A_923, %dma_wait3A_924] : memref<4112x128xf32, #tpu.memory_space<vmem_shared>> -> memref<4112x128xf32, #tpu.memory_space<vmem_shared>>
    tpu.wait_indirect_dma semaphore(%arg16 : memref<!tpu.dma_semaphore, #tpu.memory_space<semaphore_mem>>) src(%dma_wait3A_919 : memref<128x128xf32, #tpu.memory_space<vmem>>) dst(%dma_wait3A_925 : memref<4112x128xf32, #tpu.memory_space<vmem_shared>>)
    %add3A_926 = arith.constant 1920 : i32
    %add3A_927 = arith.addi %mul3A_2, %add3A_926 : i32
    %dma_start3A_928 = arith.constant 1 : i32
    %dma_start3A_929 = arith.constant 0 : i32
    %dma_start3A_930 = arith.constant 0 : i32
    %dma_start3A_931 = tpu.memref_slice %arg9[%dma_start3A_928, %dma_start3A_929, %dma_start3A_930] : memref<2x128x128xf32, #tpu.memory_space<vmem>> -> memref<1x128x128xf32, #tpu.memory_space<vmem>>
    %dma_start3A_932 = tpu.memref_squeeze %dma_start3A_931 : memref<1x128x128xf32, #tpu.memory_space<vmem>> -> memref<128x128xf32, #tpu.memory_space<vmem>>
    %dma_start3A_933 = arith.constant 0 : i32
    %dma_start3A_934 = tpu.memref_slice %arg2[%add3A_927, %dma_start3A_933] : memref<102400x128xf32, #tpu.memory_space<hbm>> -> memref<128x128xf32, #tpu.memory_space<hbm>>
    %dma_start3A_935 = arith.constant 0 : i32
    %dma_start3A_936 = arith.constant 0 : i32
    %dma_start3A_937 = tpu.memref_slice %arg9[%dma_start3A_928, %dma_start3A_935, %dma_start3A_936] : memref<2x128x128xf32, #tpu.memory_space<vmem>> -> memref<1x128x128xf32, #tpu.memory_space<vmem>>
    %dma_start3A_938 = tpu.memref_squeeze %dma_start3A_937 : memref<1x128x128xf32, #tpu.memory_space<vmem>> -> memref<128x128xf32, #tpu.memory_space<vmem>>
    %dma_start3A_939 = arith.constant 0 : i32
    %dma_start3A_940 = tpu.memref_slice %arg2[%add3A_927, %dma_start3A_939] : memref<102400x128xf32, #tpu.memory_space<hbm>> -> memref<128x128xf32, #tpu.memory_space<hbm>>
    tpu.enqueue_dma source(%dma_start3A_940 : memref<128x128xf32, #tpu.memory_space<hbm>>) target(%dma_start3A_938 : memref<128x128xf32, #tpu.memory_space<vmem>>) target_semaphore(%arg14 : memref<!tpu.dma_semaphore, #tpu.memory_space<semaphore_mem>>)
    %dma_wait3A_941 = arith.constant 0 : i32
    %dma_wait3A_942 = arith.constant 0 : i32
    %dma_wait3A_943 = arith.constant 0 : i32
    %dma_wait3A_944 = tpu.memref_slice %arg9[%dma_wait3A_941, %dma_wait3A_942, %dma_wait3A_943] : memref<2x128x128xf32, #tpu.memory_space<vmem>> -> memref<1x128x128xf32, #tpu.memory_space<vmem>>
    %dma_wait3A_945 = tpu.memref_squeeze %dma_wait3A_944 : memref<1x128x128xf32, #tpu.memory_space<vmem>> -> memref<128x128xf32, #tpu.memory_space<vmem>>
    %dma_wait3A_946 = arith.constant 0 : i32
    %dma_wait3A_947 = tpu.memref_slice %arg2[%add3A_875, %dma_wait3A_946] : memref<102400x128xf32, #tpu.memory_space<hbm>> -> memref<128x128xf32, #tpu.memory_space<hbm>>
    %dma_wait3A_948 = arith.constant 0 : i32
    %dma_wait3A_949 = arith.constant 0 : i32
    %dma_wait3A_950 = tpu.memref_slice %arg9[%dma_wait3A_941, %dma_wait3A_948, %dma_wait3A_949] : memref<2x128x128xf32, #tpu.memory_space<vmem>> -> memref<1x128x128xf32, #tpu.memory_space<vmem>>
    %dma_wait3A_951 = tpu.memref_squeeze %dma_wait3A_950 : memref<1x128x128xf32, #tpu.memory_space<vmem>> -> memref<128x128xf32, #tpu.memory_space<vmem>>
    %dma_wait3A_952 = arith.constant 0 : i32
    %dma_wait3A_953 = tpu.memref_slice %arg2[%add3A_875, %dma_wait3A_952] : memref<102400x128xf32, #tpu.memory_space<hbm>> -> memref<128x128xf32, #tpu.memory_space<hbm>>
    tpu.wait_dma2 semaphore(%arg13 : memref<!tpu.dma_semaphore, #tpu.memory_space<semaphore_mem>>) src(%dma_wait3A_953 : memref<128x128xf32, #tpu.memory_space<hbm>>) dst(%dma_wait3A_951 : memref<128x128xf32, #tpu.memory_space<vmem>>)
    %dma_start3A_954 = arith.constant 0 : i32
    %dma_start3A_955 = arith.constant 14 : i32
    %dma_start3A_956 = arith.constant 0 : i32
    %dma_start3A_957 = arith.constant 0 : i32
    %dma_start3A_958 = tpu.memref_slice %arg9[%dma_start3A_954, %dma_start3A_956, %dma_start3A_957] : memref<2x128x128xf32, #tpu.memory_space<vmem>> -> memref<1x128x128xf32, #tpu.memory_space<vmem>>
    %dma_start3A_959 = tpu.memref_squeeze %dma_start3A_958 : memref<1x128x128xf32, #tpu.memory_space<vmem>> -> memref<128x128xf32, #tpu.memory_space<vmem>>
    %dma_start3A_960 = arith.constant 0 : i32
    %dma_start3A_961 = tpu.memref_slice %arg8[%dma_start3A_955, %dma_start3A_960] : memref<25x128xi32, #tpu.memory_space<vmem>> -> memref<1x128xi32, #tpu.memory_space<vmem>>
    %dma_start3A_962 = tpu.memref_squeeze %dma_start3A_961 : memref<1x128xi32, #tpu.memory_space<vmem>> -> memref<128xi32, #tpu.memory_space<vmem>>
    %dma_start3A_963 = arith.constant 0 : i32
    %dma_start3A_964 = arith.constant 0 : i32
    %dma_start3A_965 = tpu.memref_slice %arg11[%dma_start3A_963, %dma_start3A_964] : memref<4112x128xf32, #tpu.memory_space<vmem_shared>> -> memref<4112x128xf32, #tpu.memory_space<vmem_shared>>
    tpu.enqueue_indirect_dma source(%dma_start3A_959 : memref<128x128xf32, #tpu.memory_space<vmem>>) target(%dma_start3A_965 : memref<4112x128xf32, #tpu.memory_space<vmem_shared>>) offsets(%dma_start3A_962 : memref<128xi32, #tpu.memory_space<vmem>>) semaphore(%arg15 : memref<!tpu.dma_semaphore, #tpu.memory_space<semaphore_mem>>) {add = true}
    %dma_wait3A_966 = arith.constant 0 : i32
    %dma_wait3A_967 = arith.constant 14 : i32
    %dma_wait3A_968 = arith.constant 0 : i32
    %dma_wait3A_969 = arith.constant 0 : i32
    %dma_wait3A_970 = tpu.memref_slice %arg9[%dma_wait3A_966, %dma_wait3A_968, %dma_wait3A_969] : memref<2x128x128xf32, #tpu.memory_space<vmem>> -> memref<1x128x128xf32, #tpu.memory_space<vmem>>
    %dma_wait3A_971 = tpu.memref_squeeze %dma_wait3A_970 : memref<1x128x128xf32, #tpu.memory_space<vmem>> -> memref<128x128xf32, #tpu.memory_space<vmem>>
    %dma_wait3A_972 = arith.constant 0 : i32
    %dma_wait3A_973 = tpu.memref_slice %arg8[%dma_wait3A_967, %dma_wait3A_972] : memref<25x128xi32, #tpu.memory_space<vmem>> -> memref<1x128xi32, #tpu.memory_space<vmem>>
    %dma_wait3A_974 = tpu.memref_squeeze %dma_wait3A_973 : memref<1x128xi32, #tpu.memory_space<vmem>> -> memref<128xi32, #tpu.memory_space<vmem>>
    %dma_wait3A_975 = arith.constant 0 : i32
    %dma_wait3A_976 = arith.constant 0 : i32
    %dma_wait3A_977 = tpu.memref_slice %arg11[%dma_wait3A_975, %dma_wait3A_976] : memref<4112x128xf32, #tpu.memory_space<vmem_shared>> -> memref<4112x128xf32, #tpu.memory_space<vmem_shared>>
    tpu.wait_indirect_dma semaphore(%arg15 : memref<!tpu.dma_semaphore, #tpu.memory_space<semaphore_mem>>) src(%dma_wait3A_971 : memref<128x128xf32, #tpu.memory_space<vmem>>) dst(%dma_wait3A_977 : memref<4112x128xf32, #tpu.memory_space<vmem_shared>>)
    %add3A_978 = arith.constant 2048 : i32
    %add3A_979 = arith.addi %mul3A_2, %add3A_978 : i32
    %dma_start3A_980 = arith.constant 0 : i32
    %dma_start3A_981 = arith.constant 0 : i32
    %dma_start3A_982 = arith.constant 0 : i32
    %dma_start3A_983 = tpu.memref_slice %arg9[%dma_start3A_980, %dma_start3A_981, %dma_start3A_982] : memref<2x128x128xf32, #tpu.memory_space<vmem>> -> memref<1x128x128xf32, #tpu.memory_space<vmem>>
    %dma_start3A_984 = tpu.memref_squeeze %dma_start3A_983 : memref<1x128x128xf32, #tpu.memory_space<vmem>> -> memref<128x128xf32, #tpu.memory_space<vmem>>
    %dma_start3A_985 = arith.constant 0 : i32
    %dma_start3A_986 = tpu.memref_slice %arg2[%add3A_979, %dma_start3A_985] : memref<102400x128xf32, #tpu.memory_space<hbm>> -> memref<128x128xf32, #tpu.memory_space<hbm>>
    %dma_start3A_987 = arith.constant 0 : i32
    %dma_start3A_988 = arith.constant 0 : i32
    %dma_start3A_989 = tpu.memref_slice %arg9[%dma_start3A_980, %dma_start3A_987, %dma_start3A_988] : memref<2x128x128xf32, #tpu.memory_space<vmem>> -> memref<1x128x128xf32, #tpu.memory_space<vmem>>
    %dma_start3A_990 = tpu.memref_squeeze %dma_start3A_989 : memref<1x128x128xf32, #tpu.memory_space<vmem>> -> memref<128x128xf32, #tpu.memory_space<vmem>>
    %dma_start3A_991 = arith.constant 0 : i32
    %dma_start3A_992 = tpu.memref_slice %arg2[%add3A_979, %dma_start3A_991] : memref<102400x128xf32, #tpu.memory_space<hbm>> -> memref<128x128xf32, #tpu.memory_space<hbm>>
    tpu.enqueue_dma source(%dma_start3A_992 : memref<128x128xf32, #tpu.memory_space<hbm>>) target(%dma_start3A_990 : memref<128x128xf32, #tpu.memory_space<vmem>>) target_semaphore(%arg13 : memref<!tpu.dma_semaphore, #tpu.memory_space<semaphore_mem>>)
    %dma_wait3A_993 = arith.constant 1 : i32
    %dma_wait3A_994 = arith.constant 0 : i32
    %dma_wait3A_995 = arith.constant 0 : i32
    %dma_wait3A_996 = tpu.memref_slice %arg9[%dma_wait3A_993, %dma_wait3A_994, %dma_wait3A_995] : memref<2x128x128xf32, #tpu.memory_space<vmem>> -> memref<1x128x128xf32, #tpu.memory_space<vmem>>
    %dma_wait3A_997 = tpu.memref_squeeze %dma_wait3A_996 : memref<1x128x128xf32, #tpu.memory_space<vmem>> -> memref<128x128xf32, #tpu.memory_space<vmem>>
    %dma_wait3A_998 = arith.constant 0 : i32
    %dma_wait3A_999 = tpu.memref_slice %arg2[%add3A_927, %dma_wait3A_998] : memref<102400x128xf32, #tpu.memory_space<hbm>> -> memref<128x128xf32, #tpu.memory_space<hbm>>
    %dma_wait3A_1000 = arith.constant 0 : i32
    %dma_wait3A_1001 = arith.constant 0 : i32
    %dma_wait3A_1002 = tpu.memref_slice %arg9[%dma_wait3A_993, %dma_wait3A_1000, %dma_wait3A_1001] : memref<2x128x128xf32, #tpu.memory_space<vmem>> -> memref<1x128x128xf32, #tpu.memory_space<vmem>>
    %dma_wait3A_1003 = tpu.memref_squeeze %dma_wait3A_1002 : memref<1x128x128xf32, #tpu.memory_space<vmem>> -> memref<128x128xf32, #tpu.memory_space<vmem>>
    %dma_wait3A_1004 = arith.constant 0 : i32
    %dma_wait3A_1005 = tpu.memref_slice %arg2[%add3A_927, %dma_wait3A_1004] : memref<102400x128xf32, #tpu.memory_space<hbm>> -> memref<128x128xf32, #tpu.memory_space<hbm>>
    tpu.wait_dma2 semaphore(%arg14 : memref<!tpu.dma_semaphore, #tpu.memory_space<semaphore_mem>>) src(%dma_wait3A_1005 : memref<128x128xf32, #tpu.memory_space<hbm>>) dst(%dma_wait3A_1003 : memref<128x128xf32, #tpu.memory_space<vmem>>)
    %dma_start3A_1006 = arith.constant 1 : i32
    %dma_start3A_1007 = arith.constant 15 : i32
    %dma_start3A_1008 = arith.constant 0 : i32
    %dma_start3A_1009 = arith.constant 0 : i32
    %dma_start3A_1010 = tpu.memref_slice %arg9[%dma_start3A_1006, %dma_start3A_1008, %dma_start3A_1009] : memref<2x128x128xf32, #tpu.memory_space<vmem>> -> memref<1x128x128xf32, #tpu.memory_space<vmem>>
    %dma_start3A_1011 = tpu.memref_squeeze %dma_start3A_1010 : memref<1x128x128xf32, #tpu.memory_space<vmem>> -> memref<128x128xf32, #tpu.memory_space<vmem>>
    %dma_start3A_1012 = arith.constant 0 : i32
    %dma_start3A_1013 = tpu.memref_slice %arg8[%dma_start3A_1007, %dma_start3A_1012] : memref<25x128xi32, #tpu.memory_space<vmem>> -> memref<1x128xi32, #tpu.memory_space<vmem>>
    %dma_start3A_1014 = tpu.memref_squeeze %dma_start3A_1013 : memref<1x128xi32, #tpu.memory_space<vmem>> -> memref<128xi32, #tpu.memory_space<vmem>>
    %dma_start3A_1015 = arith.constant 0 : i32
    %dma_start3A_1016 = arith.constant 0 : i32
    %dma_start3A_1017 = tpu.memref_slice %arg11[%dma_start3A_1015, %dma_start3A_1016] : memref<4112x128xf32, #tpu.memory_space<vmem_shared>> -> memref<4112x128xf32, #tpu.memory_space<vmem_shared>>
    tpu.enqueue_indirect_dma source(%dma_start3A_1011 : memref<128x128xf32, #tpu.memory_space<vmem>>) target(%dma_start3A_1017 : memref<4112x128xf32, #tpu.memory_space<vmem_shared>>) offsets(%dma_start3A_1014 : memref<128xi32, #tpu.memory_space<vmem>>) semaphore(%arg16 : memref<!tpu.dma_semaphore, #tpu.memory_space<semaphore_mem>>) {add = true}
    %dma_wait3A_1018 = arith.constant 1 : i32
    %dma_wait3A_1019 = arith.constant 15 : i32
    %dma_wait3A_1020 = arith.constant 0 : i32
    %dma_wait3A_1021 = arith.constant 0 : i32
    %dma_wait3A_1022 = tpu.memref_slice %arg9[%dma_wait3A_1018, %dma_wait3A_1020, %dma_wait3A_1021] : memref<2x128x128xf32, #tpu.memory_space<vmem>> -> memref<1x128x128xf32, #tpu.memory_space<vmem>>
    %dma_wait3A_1023 = tpu.memref_squeeze %dma_wait3A_1022 : memref<1x128x128xf32, #tpu.memory_space<vmem>> -> memref<128x128xf32, #tpu.memory_space<vmem>>
    %dma_wait3A_1024 = arith.constant 0 : i32
    %dma_wait3A_1025 = tpu.memref_slice %arg8[%dma_wait3A_1019, %dma_wait3A_1024] : memref<25x128xi32, #tpu.memory_space<vmem>> -> memref<1x128xi32, #tpu.memory_space<vmem>>
    %dma_wait3A_1026 = tpu.memref_squeeze %dma_wait3A_1025 : memref<1x128xi32, #tpu.memory_space<vmem>> -> memref<128xi32, #tpu.memory_space<vmem>>
    %dma_wait3A_1027 = arith.constant 0 : i32
    %dma_wait3A_1028 = arith.constant 0 : i32
    %dma_wait3A_1029 = tpu.memref_slice %arg11[%dma_wait3A_1027, %dma_wait3A_1028] : memref<4112x128xf32, #tpu.memory_space<vmem_shared>> -> memref<4112x128xf32, #tpu.memory_space<vmem_shared>>
    tpu.wait_indirect_dma semaphore(%arg16 : memref<!tpu.dma_semaphore, #tpu.memory_space<semaphore_mem>>) src(%dma_wait3A_1023 : memref<128x128xf32, #tpu.memory_space<vmem>>) dst(%dma_wait3A_1029 : memref<4112x128xf32, #tpu.memory_space<vmem_shared>>)
    %add3A_1030 = arith.constant 2176 : i32
    %add3A_1031 = arith.addi %mul3A_2, %add3A_1030 : i32
    %dma_start3A_1032 = arith.constant 1 : i32
    %dma_start3A_1033 = arith.constant 0 : i32
    %dma_start3A_1034 = arith.constant 0 : i32
    %dma_start3A_1035 = tpu.memref_slice %arg9[%dma_start3A_1032, %dma_start3A_1033, %dma_start3A_1034] : memref<2x128x128xf32, #tpu.memory_space<vmem>> -> memref<1x128x128xf32, #tpu.memory_space<vmem>>
    %dma_start3A_1036 = tpu.memref_squeeze %dma_start3A_1035 : memref<1x128x128xf32, #tpu.memory_space<vmem>> -> memref<128x128xf32, #tpu.memory_space<vmem>>
    %dma_start3A_1037 = arith.constant 0 : i32
    %dma_start3A_1038 = tpu.memref_slice %arg2[%add3A_1031, %dma_start3A_1037] : memref<102400x128xf32, #tpu.memory_space<hbm>> -> memref<128x128xf32, #tpu.memory_space<hbm>>
    %dma_start3A_1039 = arith.constant 0 : i32
    %dma_start3A_1040 = arith.constant 0 : i32
    %dma_start3A_1041 = tpu.memref_slice %arg9[%dma_start3A_1032, %dma_start3A_1039, %dma_start3A_1040] : memref<2x128x128xf32, #tpu.memory_space<vmem>> -> memref<1x128x128xf32, #tpu.memory_space<vmem>>
    %dma_start3A_1042 = tpu.memref_squeeze %dma_start3A_1041 : memref<1x128x128xf32, #tpu.memory_space<vmem>> -> memref<128x128xf32, #tpu.memory_space<vmem>>
    %dma_start3A_1043 = arith.constant 0 : i32
    %dma_start3A_1044 = tpu.memref_slice %arg2[%add3A_1031, %dma_start3A_1043] : memref<102400x128xf32, #tpu.memory_space<hbm>> -> memref<128x128xf32, #tpu.memory_space<hbm>>
    tpu.enqueue_dma source(%dma_start3A_1044 : memref<128x128xf32, #tpu.memory_space<hbm>>) target(%dma_start3A_1042 : memref<128x128xf32, #tpu.memory_space<vmem>>) target_semaphore(%arg14 : memref<!tpu.dma_semaphore, #tpu.memory_space<semaphore_mem>>)
    %dma_wait3A_1045 = arith.constant 0 : i32
    %dma_wait3A_1046 = arith.constant 0 : i32
    %dma_wait3A_1047 = arith.constant 0 : i32
    %dma_wait3A_1048 = tpu.memref_slice %arg9[%dma_wait3A_1045, %dma_wait3A_1046, %dma_wait3A_1047] : memref<2x128x128xf32, #tpu.memory_space<vmem>> -> memref<1x128x128xf32, #tpu.memory_space<vmem>>
    %dma_wait3A_1049 = tpu.memref_squeeze %dma_wait3A_1048 : memref<1x128x128xf32, #tpu.memory_space<vmem>> -> memref<128x128xf32, #tpu.memory_space<vmem>>
    %dma_wait3A_1050 = arith.constant 0 : i32
    %dma_wait3A_1051 = tpu.memref_slice %arg2[%add3A_979, %dma_wait3A_1050] : memref<102400x128xf32, #tpu.memory_space<hbm>> -> memref<128x128xf32, #tpu.memory_space<hbm>>
    %dma_wait3A_1052 = arith.constant 0 : i32
    %dma_wait3A_1053 = arith.constant 0 : i32
    %dma_wait3A_1054 = tpu.memref_slice %arg9[%dma_wait3A_1045, %dma_wait3A_1052, %dma_wait3A_1053] : memref<2x128x128xf32, #tpu.memory_space<vmem>> -> memref<1x128x128xf32, #tpu.memory_space<vmem>>
    %dma_wait3A_1055 = tpu.memref_squeeze %dma_wait3A_1054 : memref<1x128x128xf32, #tpu.memory_space<vmem>> -> memref<128x128xf32, #tpu.memory_space<vmem>>
    %dma_wait3A_1056 = arith.constant 0 : i32
    %dma_wait3A_1057 = tpu.memref_slice %arg2[%add3A_979, %dma_wait3A_1056] : memref<102400x128xf32, #tpu.memory_space<hbm>> -> memref<128x128xf32, #tpu.memory_space<hbm>>
    tpu.wait_dma2 semaphore(%arg13 : memref<!tpu.dma_semaphore, #tpu.memory_space<semaphore_mem>>) src(%dma_wait3A_1057 : memref<128x128xf32, #tpu.memory_space<hbm>>) dst(%dma_wait3A_1055 : memref<128x128xf32, #tpu.memory_space<vmem>>)
    %dma_start3A_1058 = arith.constant 0 : i32
    %dma_start3A_1059 = arith.constant 16 : i32
    %dma_start3A_1060 = arith.constant 0 : i32
    %dma_start3A_1061 = arith.constant 0 : i32
    %dma_start3A_1062 = tpu.memref_slice %arg9[%dma_start3A_1058, %dma_start3A_1060, %dma_start3A_1061] : memref<2x128x128xf32, #tpu.memory_space<vmem>> -> memref<1x128x128xf32, #tpu.memory_space<vmem>>
    %dma_start3A_1063 = tpu.memref_squeeze %dma_start3A_1062 : memref<1x128x128xf32, #tpu.memory_space<vmem>> -> memref<128x128xf32, #tpu.memory_space<vmem>>
    %dma_start3A_1064 = arith.constant 0 : i32
    %dma_start3A_1065 = tpu.memref_slice %arg8[%dma_start3A_1059, %dma_start3A_1064] : memref<25x128xi32, #tpu.memory_space<vmem>> -> memref<1x128xi32, #tpu.memory_space<vmem>>
    %dma_start3A_1066 = tpu.memref_squeeze %dma_start3A_1065 : memref<1x128xi32, #tpu.memory_space<vmem>> -> memref<128xi32, #tpu.memory_space<vmem>>
    %dma_start3A_1067 = arith.constant 0 : i32
    %dma_start3A_1068 = arith.constant 0 : i32
    %dma_start3A_1069 = tpu.memref_slice %arg11[%dma_start3A_1067, %dma_start3A_1068] : memref<4112x128xf32, #tpu.memory_space<vmem_shared>> -> memref<4112x128xf32, #tpu.memory_space<vmem_shared>>
    tpu.enqueue_indirect_dma source(%dma_start3A_1063 : memref<128x128xf32, #tpu.memory_space<vmem>>) target(%dma_start3A_1069 : memref<4112x128xf32, #tpu.memory_space<vmem_shared>>) offsets(%dma_start3A_1066 : memref<128xi32, #tpu.memory_space<vmem>>) semaphore(%arg15 : memref<!tpu.dma_semaphore, #tpu.memory_space<semaphore_mem>>) {add = true}
    %dma_wait3A_1070 = arith.constant 0 : i32
    %dma_wait3A_1071 = arith.constant 16 : i32
    %dma_wait3A_1072 = arith.constant 0 : i32
    %dma_wait3A_1073 = arith.constant 0 : i32
    %dma_wait3A_1074 = tpu.memref_slice %arg9[%dma_wait3A_1070, %dma_wait3A_1072, %dma_wait3A_1073] : memref<2x128x128xf32, #tpu.memory_space<vmem>> -> memref<1x128x128xf32, #tpu.memory_space<vmem>>
    %dma_wait3A_1075 = tpu.memref_squeeze %dma_wait3A_1074 : memref<1x128x128xf32, #tpu.memory_space<vmem>> -> memref<128x128xf32, #tpu.memory_space<vmem>>
    %dma_wait3A_1076 = arith.constant 0 : i32
    %dma_wait3A_1077 = tpu.memref_slice %arg8[%dma_wait3A_1071, %dma_wait3A_1076] : memref<25x128xi32, #tpu.memory_space<vmem>> -> memref<1x128xi32, #tpu.memory_space<vmem>>
    %dma_wait3A_1078 = tpu.memref_squeeze %dma_wait3A_1077 : memref<1x128xi32, #tpu.memory_space<vmem>> -> memref<128xi32, #tpu.memory_space<vmem>>
    %dma_wait3A_1079 = arith.constant 0 : i32
    %dma_wait3A_1080 = arith.constant 0 : i32
    %dma_wait3A_1081 = tpu.memref_slice %arg11[%dma_wait3A_1079, %dma_wait3A_1080] : memref<4112x128xf32, #tpu.memory_space<vmem_shared>> -> memref<4112x128xf32, #tpu.memory_space<vmem_shared>>
    tpu.wait_indirect_dma semaphore(%arg15 : memref<!tpu.dma_semaphore, #tpu.memory_space<semaphore_mem>>) src(%dma_wait3A_1075 : memref<128x128xf32, #tpu.memory_space<vmem>>) dst(%dma_wait3A_1081 : memref<4112x128xf32, #tpu.memory_space<vmem_shared>>)
    %add3A_1082 = arith.constant 2304 : i32
    %add3A_1083 = arith.addi %mul3A_2, %add3A_1082 : i32
    %dma_start3A_1084 = arith.constant 0 : i32
    %dma_start3A_1085 = arith.constant 0 : i32
    %dma_start3A_1086 = arith.constant 0 : i32
    %dma_start3A_1087 = tpu.memref_slice %arg9[%dma_start3A_1084, %dma_start3A_1085, %dma_start3A_1086] : memref<2x128x128xf32, #tpu.memory_space<vmem>> -> memref<1x128x128xf32, #tpu.memory_space<vmem>>
    %dma_start3A_1088 = tpu.memref_squeeze %dma_start3A_1087 : memref<1x128x128xf32, #tpu.memory_space<vmem>> -> memref<128x128xf32, #tpu.memory_space<vmem>>
    %dma_start3A_1089 = arith.constant 0 : i32
    %dma_start3A_1090 = tpu.memref_slice %arg2[%add3A_1083, %dma_start3A_1089] : memref<102400x128xf32, #tpu.memory_space<hbm>> -> memref<128x128xf32, #tpu.memory_space<hbm>>
    %dma_start3A_1091 = arith.constant 0 : i32
    %dma_start3A_1092 = arith.constant 0 : i32
    %dma_start3A_1093 = tpu.memref_slice %arg9[%dma_start3A_1084, %dma_start3A_1091, %dma_start3A_1092] : memref<2x128x128xf32, #tpu.memory_space<vmem>> -> memref<1x128x128xf32, #tpu.memory_space<vmem>>
    %dma_start3A_1094 = tpu.memref_squeeze %dma_start3A_1093 : memref<1x128x128xf32, #tpu.memory_space<vmem>> -> memref<128x128xf32, #tpu.memory_space<vmem>>
    %dma_start3A_1095 = arith.constant 0 : i32
    %dma_start3A_1096 = tpu.memref_slice %arg2[%add3A_1083, %dma_start3A_1095] : memref<102400x128xf32, #tpu.memory_space<hbm>> -> memref<128x128xf32, #tpu.memory_space<hbm>>
    tpu.enqueue_dma source(%dma_start3A_1096 : memref<128x128xf32, #tpu.memory_space<hbm>>) target(%dma_start3A_1094 : memref<128x128xf32, #tpu.memory_space<vmem>>) target_semaphore(%arg13 : memref<!tpu.dma_semaphore, #tpu.memory_space<semaphore_mem>>)
    %dma_wait3A_1097 = arith.constant 1 : i32
    %dma_wait3A_1098 = arith.constant 0 : i32
    %dma_wait3A_1099 = arith.constant 0 : i32
    %dma_wait3A_1100 = tpu.memref_slice %arg9[%dma_wait3A_1097, %dma_wait3A_1098, %dma_wait3A_1099] : memref<2x128x128xf32, #tpu.memory_space<vmem>> -> memref<1x128x128xf32, #tpu.memory_space<vmem>>
    %dma_wait3A_1101 = tpu.memref_squeeze %dma_wait3A_1100 : memref<1x128x128xf32, #tpu.memory_space<vmem>> -> memref<128x128xf32, #tpu.memory_space<vmem>>
    %dma_wait3A_1102 = arith.constant 0 : i32
    %dma_wait3A_1103 = tpu.memref_slice %arg2[%add3A_1031, %dma_wait3A_1102] : memref<102400x128xf32, #tpu.memory_space<hbm>> -> memref<128x128xf32, #tpu.memory_space<hbm>>
    %dma_wait3A_1104 = arith.constant 0 : i32
    %dma_wait3A_1105 = arith.constant 0 : i32
    %dma_wait3A_1106 = tpu.memref_slice %arg9[%dma_wait3A_1097, %dma_wait3A_1104, %dma_wait3A_1105] : memref<2x128x128xf32, #tpu.memory_space<vmem>> -> memref<1x128x128xf32, #tpu.memory_space<vmem>>
    %dma_wait3A_1107 = tpu.memref_squeeze %dma_wait3A_1106 : memref<1x128x128xf32, #tpu.memory_space<vmem>> -> memref<128x128xf32, #tpu.memory_space<vmem>>
    %dma_wait3A_1108 = arith.constant 0 : i32
    %dma_wait3A_1109 = tpu.memref_slice %arg2[%add3A_1031, %dma_wait3A_1108] : memref<102400x128xf32, #tpu.memory_space<hbm>> -> memref<128x128xf32, #tpu.memory_space<hbm>>
    tpu.wait_dma2 semaphore(%arg14 : memref<!tpu.dma_semaphore, #tpu.memory_space<semaphore_mem>>) src(%dma_wait3A_1109 : memref<128x128xf32, #tpu.memory_space<hbm>>) dst(%dma_wait3A_1107 : memref<128x128xf32, #tpu.memory_space<vmem>>)
    %dma_start3A_1110 = arith.constant 1 : i32
    %dma_start3A_1111 = arith.constant 17 : i32
    %dma_start3A_1112 = arith.constant 0 : i32
    %dma_start3A_1113 = arith.constant 0 : i32
    %dma_start3A_1114 = tpu.memref_slice %arg9[%dma_start3A_1110, %dma_start3A_1112, %dma_start3A_1113] : memref<2x128x128xf32, #tpu.memory_space<vmem>> -> memref<1x128x128xf32, #tpu.memory_space<vmem>>
    %dma_start3A_1115 = tpu.memref_squeeze %dma_start3A_1114 : memref<1x128x128xf32, #tpu.memory_space<vmem>> -> memref<128x128xf32, #tpu.memory_space<vmem>>
    %dma_start3A_1116 = arith.constant 0 : i32
    %dma_start3A_1117 = tpu.memref_slice %arg8[%dma_start3A_1111, %dma_start3A_1116] : memref<25x128xi32, #tpu.memory_space<vmem>> -> memref<1x128xi32, #tpu.memory_space<vmem>>
    %dma_start3A_1118 = tpu.memref_squeeze %dma_start3A_1117 : memref<1x128xi32, #tpu.memory_space<vmem>> -> memref<128xi32, #tpu.memory_space<vmem>>
    %dma_start3A_1119 = arith.constant 0 : i32
    %dma_start3A_1120 = arith.constant 0 : i32
    %dma_start3A_1121 = tpu.memref_slice %arg11[%dma_start3A_1119, %dma_start3A_1120] : memref<4112x128xf32, #tpu.memory_space<vmem_shared>> -> memref<4112x128xf32, #tpu.memory_space<vmem_shared>>
    tpu.enqueue_indirect_dma source(%dma_start3A_1115 : memref<128x128xf32, #tpu.memory_space<vmem>>) target(%dma_start3A_1121 : memref<4112x128xf32, #tpu.memory_space<vmem_shared>>) offsets(%dma_start3A_1118 : memref<128xi32, #tpu.memory_space<vmem>>) semaphore(%arg16 : memref<!tpu.dma_semaphore, #tpu.memory_space<semaphore_mem>>) {add = true}
    %dma_wait3A_1122 = arith.constant 1 : i32
    %dma_wait3A_1123 = arith.constant 17 : i32
    %dma_wait3A_1124 = arith.constant 0 : i32
    %dma_wait3A_1125 = arith.constant 0 : i32
    %dma_wait3A_1126 = tpu.memref_slice %arg9[%dma_wait3A_1122, %dma_wait3A_1124, %dma_wait3A_1125] : memref<2x128x128xf32, #tpu.memory_space<vmem>> -> memref<1x128x128xf32, #tpu.memory_space<vmem>>
    %dma_wait3A_1127 = tpu.memref_squeeze %dma_wait3A_1126 : memref<1x128x128xf32, #tpu.memory_space<vmem>> -> memref<128x128xf32, #tpu.memory_space<vmem>>
    %dma_wait3A_1128 = arith.constant 0 : i32
    %dma_wait3A_1129 = tpu.memref_slice %arg8[%dma_wait3A_1123, %dma_wait3A_1128] : memref<25x128xi32, #tpu.memory_space<vmem>> -> memref<1x128xi32, #tpu.memory_space<vmem>>
    %dma_wait3A_1130 = tpu.memref_squeeze %dma_wait3A_1129 : memref<1x128xi32, #tpu.memory_space<vmem>> -> memref<128xi32, #tpu.memory_space<vmem>>
    %dma_wait3A_1131 = arith.constant 0 : i32
    %dma_wait3A_1132 = arith.constant 0 : i32
    %dma_wait3A_1133 = tpu.memref_slice %arg11[%dma_wait3A_1131, %dma_wait3A_1132] : memref<4112x128xf32, #tpu.memory_space<vmem_shared>> -> memref<4112x128xf32, #tpu.memory_space<vmem_shared>>
    tpu.wait_indirect_dma semaphore(%arg16 : memref<!tpu.dma_semaphore, #tpu.memory_space<semaphore_mem>>) src(%dma_wait3A_1127 : memref<128x128xf32, #tpu.memory_space<vmem>>) dst(%dma_wait3A_1133 : memref<4112x128xf32, #tpu.memory_space<vmem_shared>>)
    %add3A_1134 = arith.constant 2432 : i32
    %add3A_1135 = arith.addi %mul3A_2, %add3A_1134 : i32
    %dma_start3A_1136 = arith.constant 1 : i32
    %dma_start3A_1137 = arith.constant 0 : i32
    %dma_start3A_1138 = arith.constant 0 : i32
    %dma_start3A_1139 = tpu.memref_slice %arg9[%dma_start3A_1136, %dma_start3A_1137, %dma_start3A_1138] : memref<2x128x128xf32, #tpu.memory_space<vmem>> -> memref<1x128x128xf32, #tpu.memory_space<vmem>>
    %dma_start3A_1140 = tpu.memref_squeeze %dma_start3A_1139 : memref<1x128x128xf32, #tpu.memory_space<vmem>> -> memref<128x128xf32, #tpu.memory_space<vmem>>
    %dma_start3A_1141 = arith.constant 0 : i32
    %dma_start3A_1142 = tpu.memref_slice %arg2[%add3A_1135, %dma_start3A_1141] : memref<102400x128xf32, #tpu.memory_space<hbm>> -> memref<128x128xf32, #tpu.memory_space<hbm>>
    %dma_start3A_1143 = arith.constant 0 : i32
    %dma_start3A_1144 = arith.constant 0 : i32
    %dma_start3A_1145 = tpu.memref_slice %arg9[%dma_start3A_1136, %dma_start3A_1143, %dma_start3A_1144] : memref<2x128x128xf32, #tpu.memory_space<vmem>> -> memref<1x128x128xf32, #tpu.memory_space<vmem>>
    %dma_start3A_1146 = tpu.memref_squeeze %dma_start3A_1145 : memref<1x128x128xf32, #tpu.memory_space<vmem>> -> memref<128x128xf32, #tpu.memory_space<vmem>>
    %dma_start3A_1147 = arith.constant 0 : i32
    %dma_start3A_1148 = tpu.memref_slice %arg2[%add3A_1135, %dma_start3A_1147] : memref<102400x128xf32, #tpu.memory_space<hbm>> -> memref<128x128xf32, #tpu.memory_space<hbm>>
    tpu.enqueue_dma source(%dma_start3A_1148 : memref<128x128xf32, #tpu.memory_space<hbm>>) target(%dma_start3A_1146 : memref<128x128xf32, #tpu.memory_space<vmem>>) target_semaphore(%arg14 : memref<!tpu.dma_semaphore, #tpu.memory_space<semaphore_mem>>)
    %dma_wait3A_1149 = arith.constant 0 : i32
    %dma_wait3A_1150 = arith.constant 0 : i32
    %dma_wait3A_1151 = arith.constant 0 : i32
    %dma_wait3A_1152 = tpu.memref_slice %arg9[%dma_wait3A_1149, %dma_wait3A_1150, %dma_wait3A_1151] : memref<2x128x128xf32, #tpu.memory_space<vmem>> -> memref<1x128x128xf32, #tpu.memory_space<vmem>>
    %dma_wait3A_1153 = tpu.memref_squeeze %dma_wait3A_1152 : memref<1x128x128xf32, #tpu.memory_space<vmem>> -> memref<128x128xf32, #tpu.memory_space<vmem>>
    %dma_wait3A_1154 = arith.constant 0 : i32
    %dma_wait3A_1155 = tpu.memref_slice %arg2[%add3A_1083, %dma_wait3A_1154] : memref<102400x128xf32, #tpu.memory_space<hbm>> -> memref<128x128xf32, #tpu.memory_space<hbm>>
    %dma_wait3A_1156 = arith.constant 0 : i32
    %dma_wait3A_1157 = arith.constant 0 : i32
    %dma_wait3A_1158 = tpu.memref_slice %arg9[%dma_wait3A_1149, %dma_wait3A_1156, %dma_wait3A_1157] : memref<2x128x128xf32, #tpu.memory_space<vmem>> -> memref<1x128x128xf32, #tpu.memory_space<vmem>>
    %dma_wait3A_1159 = tpu.memref_squeeze %dma_wait3A_1158 : memref<1x128x128xf32, #tpu.memory_space<vmem>> -> memref<128x128xf32, #tpu.memory_space<vmem>>
    %dma_wait3A_1160 = arith.constant 0 : i32
    %dma_wait3A_1161 = tpu.memref_slice %arg2[%add3A_1083, %dma_wait3A_1160] : memref<102400x128xf32, #tpu.memory_space<hbm>> -> memref<128x128xf32, #tpu.memory_space<hbm>>
    tpu.wait_dma2 semaphore(%arg13 : memref<!tpu.dma_semaphore, #tpu.memory_space<semaphore_mem>>) src(%dma_wait3A_1161 : memref<128x128xf32, #tpu.memory_space<hbm>>) dst(%dma_wait3A_1159 : memref<128x128xf32, #tpu.memory_space<vmem>>)
    %dma_start3A_1162 = arith.constant 0 : i32
    %dma_start3A_1163 = arith.constant 18 : i32
    %dma_start3A_1164 = arith.constant 0 : i32
    %dma_start3A_1165 = arith.constant 0 : i32
    %dma_start3A_1166 = tpu.memref_slice %arg9[%dma_start3A_1162, %dma_start3A_1164, %dma_start3A_1165] : memref<2x128x128xf32, #tpu.memory_space<vmem>> -> memref<1x128x128xf32, #tpu.memory_space<vmem>>
    %dma_start3A_1167 = tpu.memref_squeeze %dma_start3A_1166 : memref<1x128x128xf32, #tpu.memory_space<vmem>> -> memref<128x128xf32, #tpu.memory_space<vmem>>
    %dma_start3A_1168 = arith.constant 0 : i32
    %dma_start3A_1169 = tpu.memref_slice %arg8[%dma_start3A_1163, %dma_start3A_1168] : memref<25x128xi32, #tpu.memory_space<vmem>> -> memref<1x128xi32, #tpu.memory_space<vmem>>
    %dma_start3A_1170 = tpu.memref_squeeze %dma_start3A_1169 : memref<1x128xi32, #tpu.memory_space<vmem>> -> memref<128xi32, #tpu.memory_space<vmem>>
    %dma_start3A_1171 = arith.constant 0 : i32
    %dma_start3A_1172 = arith.constant 0 : i32
    %dma_start3A_1173 = tpu.memref_slice %arg11[%dma_start3A_1171, %dma_start3A_1172] : memref<4112x128xf32, #tpu.memory_space<vmem_shared>> -> memref<4112x128xf32, #tpu.memory_space<vmem_shared>>
    tpu.enqueue_indirect_dma source(%dma_start3A_1167 : memref<128x128xf32, #tpu.memory_space<vmem>>) target(%dma_start3A_1173 : memref<4112x128xf32, #tpu.memory_space<vmem_shared>>) offsets(%dma_start3A_1170 : memref<128xi32, #tpu.memory_space<vmem>>) semaphore(%arg15 : memref<!tpu.dma_semaphore, #tpu.memory_space<semaphore_mem>>) {add = true}
    %dma_wait3A_1174 = arith.constant 0 : i32
    %dma_wait3A_1175 = arith.constant 18 : i32
    %dma_wait3A_1176 = arith.constant 0 : i32
    %dma_wait3A_1177 = arith.constant 0 : i32
    %dma_wait3A_1178 = tpu.memref_slice %arg9[%dma_wait3A_1174, %dma_wait3A_1176, %dma_wait3A_1177] : memref<2x128x128xf32, #tpu.memory_space<vmem>> -> memref<1x128x128xf32, #tpu.memory_space<vmem>>
    %dma_wait3A_1179 = tpu.memref_squeeze %dma_wait3A_1178 : memref<1x128x128xf32, #tpu.memory_space<vmem>> -> memref<128x128xf32, #tpu.memory_space<vmem>>
    %dma_wait3A_1180 = arith.constant 0 : i32
    %dma_wait3A_1181 = tpu.memref_slice %arg8[%dma_wait3A_1175, %dma_wait3A_1180] : memref<25x128xi32, #tpu.memory_space<vmem>> -> memref<1x128xi32, #tpu.memory_space<vmem>>
    %dma_wait3A_1182 = tpu.memref_squeeze %dma_wait3A_1181 : memref<1x128xi32, #tpu.memory_space<vmem>> -> memref<128xi32, #tpu.memory_space<vmem>>
    %dma_wait3A_1183 = arith.constant 0 : i32
    %dma_wait3A_1184 = arith.constant 0 : i32
    %dma_wait3A_1185 = tpu.memref_slice %arg11[%dma_wait3A_1183, %dma_wait3A_1184] : memref<4112x128xf32, #tpu.memory_space<vmem_shared>> -> memref<4112x128xf32, #tpu.memory_space<vmem_shared>>
    tpu.wait_indirect_dma semaphore(%arg15 : memref<!tpu.dma_semaphore, #tpu.memory_space<semaphore_mem>>) src(%dma_wait3A_1179 : memref<128x128xf32, #tpu.memory_space<vmem>>) dst(%dma_wait3A_1185 : memref<4112x128xf32, #tpu.memory_space<vmem_shared>>)
    %add3A_1186 = arith.constant 2560 : i32
    %add3A_1187 = arith.addi %mul3A_2, %add3A_1186 : i32
    %dma_start3A_1188 = arith.constant 0 : i32
    %dma_start3A_1189 = arith.constant 0 : i32
    %dma_start3A_1190 = arith.constant 0 : i32
    %dma_start3A_1191 = tpu.memref_slice %arg9[%dma_start3A_1188, %dma_start3A_1189, %dma_start3A_1190] : memref<2x128x128xf32, #tpu.memory_space<vmem>> -> memref<1x128x128xf32, #tpu.memory_space<vmem>>
    %dma_start3A_1192 = tpu.memref_squeeze %dma_start3A_1191 : memref<1x128x128xf32, #tpu.memory_space<vmem>> -> memref<128x128xf32, #tpu.memory_space<vmem>>
    %dma_start3A_1193 = arith.constant 0 : i32
    %dma_start3A_1194 = tpu.memref_slice %arg2[%add3A_1187, %dma_start3A_1193] : memref<102400x128xf32, #tpu.memory_space<hbm>> -> memref<128x128xf32, #tpu.memory_space<hbm>>
    %dma_start3A_1195 = arith.constant 0 : i32
    %dma_start3A_1196 = arith.constant 0 : i32
    %dma_start3A_1197 = tpu.memref_slice %arg9[%dma_start3A_1188, %dma_start3A_1195, %dma_start3A_1196] : memref<2x128x128xf32, #tpu.memory_space<vmem>> -> memref<1x128x128xf32, #tpu.memory_space<vmem>>
    %dma_start3A_1198 = tpu.memref_squeeze %dma_start3A_1197 : memref<1x128x128xf32, #tpu.memory_space<vmem>> -> memref<128x128xf32, #tpu.memory_space<vmem>>
    %dma_start3A_1199 = arith.constant 0 : i32
    %dma_start3A_1200 = tpu.memref_slice %arg2[%add3A_1187, %dma_start3A_1199] : memref<102400x128xf32, #tpu.memory_space<hbm>> -> memref<128x128xf32, #tpu.memory_space<hbm>>
    tpu.enqueue_dma source(%dma_start3A_1200 : memref<128x128xf32, #tpu.memory_space<hbm>>) target(%dma_start3A_1198 : memref<128x128xf32, #tpu.memory_space<vmem>>) target_semaphore(%arg13 : memref<!tpu.dma_semaphore, #tpu.memory_space<semaphore_mem>>)
    %dma_wait3A_1201 = arith.constant 1 : i32
    %dma_wait3A_1202 = arith.constant 0 : i32
    %dma_wait3A_1203 = arith.constant 0 : i32
    %dma_wait3A_1204 = tpu.memref_slice %arg9[%dma_wait3A_1201, %dma_wait3A_1202, %dma_wait3A_1203] : memref<2x128x128xf32, #tpu.memory_space<vmem>> -> memref<1x128x128xf32, #tpu.memory_space<vmem>>
    %dma_wait3A_1205 = tpu.memref_squeeze %dma_wait3A_1204 : memref<1x128x128xf32, #tpu.memory_space<vmem>> -> memref<128x128xf32, #tpu.memory_space<vmem>>
    %dma_wait3A_1206 = arith.constant 0 : i32
    %dma_wait3A_1207 = tpu.memref_slice %arg2[%add3A_1135, %dma_wait3A_1206] : memref<102400x128xf32, #tpu.memory_space<hbm>> -> memref<128x128xf32, #tpu.memory_space<hbm>>
    %dma_wait3A_1208 = arith.constant 0 : i32
    %dma_wait3A_1209 = arith.constant 0 : i32
    %dma_wait3A_1210 = tpu.memref_slice %arg9[%dma_wait3A_1201, %dma_wait3A_1208, %dma_wait3A_1209] : memref<2x128x128xf32, #tpu.memory_space<vmem>> -> memref<1x128x128xf32, #tpu.memory_space<vmem>>
    %dma_wait3A_1211 = tpu.memref_squeeze %dma_wait3A_1210 : memref<1x128x128xf32, #tpu.memory_space<vmem>> -> memref<128x128xf32, #tpu.memory_space<vmem>>
    %dma_wait3A_1212 = arith.constant 0 : i32
    %dma_wait3A_1213 = tpu.memref_slice %arg2[%add3A_1135, %dma_wait3A_1212] : memref<102400x128xf32, #tpu.memory_space<hbm>> -> memref<128x128xf32, #tpu.memory_space<hbm>>
    tpu.wait_dma2 semaphore(%arg14 : memref<!tpu.dma_semaphore, #tpu.memory_space<semaphore_mem>>) src(%dma_wait3A_1213 : memref<128x128xf32, #tpu.memory_space<hbm>>) dst(%dma_wait3A_1211 : memref<128x128xf32, #tpu.memory_space<vmem>>)
    %dma_start3A_1214 = arith.constant 1 : i32
    %dma_start3A_1215 = arith.constant 19 : i32
    %dma_start3A_1216 = arith.constant 0 : i32
    %dma_start3A_1217 = arith.constant 0 : i32
    %dma_start3A_1218 = tpu.memref_slice %arg9[%dma_start3A_1214, %dma_start3A_1216, %dma_start3A_1217] : memref<2x128x128xf32, #tpu.memory_space<vmem>> -> memref<1x128x128xf32, #tpu.memory_space<vmem>>
    %dma_start3A_1219 = tpu.memref_squeeze %dma_start3A_1218 : memref<1x128x128xf32, #tpu.memory_space<vmem>> -> memref<128x128xf32, #tpu.memory_space<vmem>>
    %dma_start3A_1220 = arith.constant 0 : i32
    %dma_start3A_1221 = tpu.memref_slice %arg8[%dma_start3A_1215, %dma_start3A_1220] : memref<25x128xi32, #tpu.memory_space<vmem>> -> memref<1x128xi32, #tpu.memory_space<vmem>>
    %dma_start3A_1222 = tpu.memref_squeeze %dma_start3A_1221 : memref<1x128xi32, #tpu.memory_space<vmem>> -> memref<128xi32, #tpu.memory_space<vmem>>
    %dma_start3A_1223 = arith.constant 0 : i32
    %dma_start3A_1224 = arith.constant 0 : i32
    %dma_start3A_1225 = tpu.memref_slice %arg11[%dma_start3A_1223, %dma_start3A_1224] : memref<4112x128xf32, #tpu.memory_space<vmem_shared>> -> memref<4112x128xf32, #tpu.memory_space<vmem_shared>>
    tpu.enqueue_indirect_dma source(%dma_start3A_1219 : memref<128x128xf32, #tpu.memory_space<vmem>>) target(%dma_start3A_1225 : memref<4112x128xf32, #tpu.memory_space<vmem_shared>>) offsets(%dma_start3A_1222 : memref<128xi32, #tpu.memory_space<vmem>>) semaphore(%arg16 : memref<!tpu.dma_semaphore, #tpu.memory_space<semaphore_mem>>) {add = true}
    %dma_wait3A_1226 = arith.constant 1 : i32
    %dma_wait3A_1227 = arith.constant 19 : i32
    %dma_wait3A_1228 = arith.constant 0 : i32
    %dma_wait3A_1229 = arith.constant 0 : i32
    %dma_wait3A_1230 = tpu.memref_slice %arg9[%dma_wait3A_1226, %dma_wait3A_1228, %dma_wait3A_1229] : memref<2x128x128xf32, #tpu.memory_space<vmem>> -> memref<1x128x128xf32, #tpu.memory_space<vmem>>
    %dma_wait3A_1231 = tpu.memref_squeeze %dma_wait3A_1230 : memref<1x128x128xf32, #tpu.memory_space<vmem>> -> memref<128x128xf32, #tpu.memory_space<vmem>>
    %dma_wait3A_1232 = arith.constant 0 : i32
    %dma_wait3A_1233 = tpu.memref_slice %arg8[%dma_wait3A_1227, %dma_wait3A_1232] : memref<25x128xi32, #tpu.memory_space<vmem>> -> memref<1x128xi32, #tpu.memory_space<vmem>>
    %dma_wait3A_1234 = tpu.memref_squeeze %dma_wait3A_1233 : memref<1x128xi32, #tpu.memory_space<vmem>> -> memref<128xi32, #tpu.memory_space<vmem>>
    %dma_wait3A_1235 = arith.constant 0 : i32
    %dma_wait3A_1236 = arith.constant 0 : i32
    %dma_wait3A_1237 = tpu.memref_slice %arg11[%dma_wait3A_1235, %dma_wait3A_1236] : memref<4112x128xf32, #tpu.memory_space<vmem_shared>> -> memref<4112x128xf32, #tpu.memory_space<vmem_shared>>
    tpu.wait_indirect_dma semaphore(%arg16 : memref<!tpu.dma_semaphore, #tpu.memory_space<semaphore_mem>>) src(%dma_wait3A_1231 : memref<128x128xf32, #tpu.memory_space<vmem>>) dst(%dma_wait3A_1237 : memref<4112x128xf32, #tpu.memory_space<vmem_shared>>)
    %add3A_1238 = arith.constant 2688 : i32
    %add3A_1239 = arith.addi %mul3A_2, %add3A_1238 : i32
    %dma_start3A_1240 = arith.constant 1 : i32
    %dma_start3A_1241 = arith.constant 0 : i32
    %dma_start3A_1242 = arith.constant 0 : i32
    %dma_start3A_1243 = tpu.memref_slice %arg9[%dma_start3A_1240, %dma_start3A_1241, %dma_start3A_1242] : memref<2x128x128xf32, #tpu.memory_space<vmem>> -> memref<1x128x128xf32, #tpu.memory_space<vmem>>
    %dma_start3A_1244 = tpu.memref_squeeze %dma_start3A_1243 : memref<1x128x128xf32, #tpu.memory_space<vmem>> -> memref<128x128xf32, #tpu.memory_space<vmem>>
    %dma_start3A_1245 = arith.constant 0 : i32
    %dma_start3A_1246 = tpu.memref_slice %arg2[%add3A_1239, %dma_start3A_1245] : memref<102400x128xf32, #tpu.memory_space<hbm>> -> memref<128x128xf32, #tpu.memory_space<hbm>>
    %dma_start3A_1247 = arith.constant 0 : i32
    %dma_start3A_1248 = arith.constant 0 : i32
    %dma_start3A_1249 = tpu.memref_slice %arg9[%dma_start3A_1240, %dma_start3A_1247, %dma_start3A_1248] : memref<2x128x128xf32, #tpu.memory_space<vmem>> -> memref<1x128x128xf32, #tpu.memory_space<vmem>>
    %dma_start3A_1250 = tpu.memref_squeeze %dma_start3A_1249 : memref<1x128x128xf32, #tpu.memory_space<vmem>> -> memref<128x128xf32, #tpu.memory_space<vmem>>
    %dma_start3A_1251 = arith.constant 0 : i32
    %dma_start3A_1252 = tpu.memref_slice %arg2[%add3A_1239, %dma_start3A_1251] : memref<102400x128xf32, #tpu.memory_space<hbm>> -> memref<128x128xf32, #tpu.memory_space<hbm>>
    tpu.enqueue_dma source(%dma_start3A_1252 : memref<128x128xf32, #tpu.memory_space<hbm>>) target(%dma_start3A_1250 : memref<128x128xf32, #tpu.memory_space<vmem>>) target_semaphore(%arg14 : memref<!tpu.dma_semaphore, #tpu.memory_space<semaphore_mem>>)
    %dma_wait3A_1253 = arith.constant 0 : i32
    %dma_wait3A_1254 = arith.constant 0 : i32
    %dma_wait3A_1255 = arith.constant 0 : i32
    %dma_wait3A_1256 = tpu.memref_slice %arg9[%dma_wait3A_1253, %dma_wait3A_1254, %dma_wait3A_1255] : memref<2x128x128xf32, #tpu.memory_space<vmem>> -> memref<1x128x128xf32, #tpu.memory_space<vmem>>
    %dma_wait3A_1257 = tpu.memref_squeeze %dma_wait3A_1256 : memref<1x128x128xf32, #tpu.memory_space<vmem>> -> memref<128x128xf32, #tpu.memory_space<vmem>>
    %dma_wait3A_1258 = arith.constant 0 : i32
    %dma_wait3A_1259 = tpu.memref_slice %arg2[%add3A_1187, %dma_wait3A_1258] : memref<102400x128xf32, #tpu.memory_space<hbm>> -> memref<128x128xf32, #tpu.memory_space<hbm>>
    %dma_wait3A_1260 = arith.constant 0 : i32
    %dma_wait3A_1261 = arith.constant 0 : i32
    %dma_wait3A_1262 = tpu.memref_slice %arg9[%dma_wait3A_1253, %dma_wait3A_1260, %dma_wait3A_1261] : memref<2x128x128xf32, #tpu.memory_space<vmem>> -> memref<1x128x128xf32, #tpu.memory_space<vmem>>
    %dma_wait3A_1263 = tpu.memref_squeeze %dma_wait3A_1262 : memref<1x128x128xf32, #tpu.memory_space<vmem>> -> memref<128x128xf32, #tpu.memory_space<vmem>>
    %dma_wait3A_1264 = arith.constant 0 : i32
    %dma_wait3A_1265 = tpu.memref_slice %arg2[%add3A_1187, %dma_wait3A_1264] : memref<102400x128xf32, #tpu.memory_space<hbm>> -> memref<128x128xf32, #tpu.memory_space<hbm>>
    tpu.wait_dma2 semaphore(%arg13 : memref<!tpu.dma_semaphore, #tpu.memory_space<semaphore_mem>>) src(%dma_wait3A_1265 : memref<128x128xf32, #tpu.memory_space<hbm>>) dst(%dma_wait3A_1263 : memref<128x128xf32, #tpu.memory_space<vmem>>)
    %dma_start3A_1266 = arith.constant 0 : i32
    %dma_start3A_1267 = arith.constant 20 : i32
    %dma_start3A_1268 = arith.constant 0 : i32
    %dma_start3A_1269 = arith.constant 0 : i32
    %dma_start3A_1270 = tpu.memref_slice %arg9[%dma_start3A_1266, %dma_start3A_1268, %dma_start3A_1269] : memref<2x128x128xf32, #tpu.memory_space<vmem>> -> memref<1x128x128xf32, #tpu.memory_space<vmem>>
    %dma_start3A_1271 = tpu.memref_squeeze %dma_start3A_1270 : memref<1x128x128xf32, #tpu.memory_space<vmem>> -> memref<128x128xf32, #tpu.memory_space<vmem>>
    %dma_start3A_1272 = arith.constant 0 : i32
    %dma_start3A_1273 = tpu.memref_slice %arg8[%dma_start3A_1267, %dma_start3A_1272] : memref<25x128xi32, #tpu.memory_space<vmem>> -> memref<1x128xi32, #tpu.memory_space<vmem>>
    %dma_start3A_1274 = tpu.memref_squeeze %dma_start3A_1273 : memref<1x128xi32, #tpu.memory_space<vmem>> -> memref<128xi32, #tpu.memory_space<vmem>>
    %dma_start3A_1275 = arith.constant 0 : i32
    %dma_start3A_1276 = arith.constant 0 : i32
    %dma_start3A_1277 = tpu.memref_slice %arg11[%dma_start3A_1275, %dma_start3A_1276] : memref<4112x128xf32, #tpu.memory_space<vmem_shared>> -> memref<4112x128xf32, #tpu.memory_space<vmem_shared>>
    tpu.enqueue_indirect_dma source(%dma_start3A_1271 : memref<128x128xf32, #tpu.memory_space<vmem>>) target(%dma_start3A_1277 : memref<4112x128xf32, #tpu.memory_space<vmem_shared>>) offsets(%dma_start3A_1274 : memref<128xi32, #tpu.memory_space<vmem>>) semaphore(%arg15 : memref<!tpu.dma_semaphore, #tpu.memory_space<semaphore_mem>>) {add = true}
    %dma_wait3A_1278 = arith.constant 0 : i32
    %dma_wait3A_1279 = arith.constant 20 : i32
    %dma_wait3A_1280 = arith.constant 0 : i32
    %dma_wait3A_1281 = arith.constant 0 : i32
    %dma_wait3A_1282 = tpu.memref_slice %arg9[%dma_wait3A_1278, %dma_wait3A_1280, %dma_wait3A_1281] : memref<2x128x128xf32, #tpu.memory_space<vmem>> -> memref<1x128x128xf32, #tpu.memory_space<vmem>>
    %dma_wait3A_1283 = tpu.memref_squeeze %dma_wait3A_1282 : memref<1x128x128xf32, #tpu.memory_space<vmem>> -> memref<128x128xf32, #tpu.memory_space<vmem>>
    %dma_wait3A_1284 = arith.constant 0 : i32
    %dma_wait3A_1285 = tpu.memref_slice %arg8[%dma_wait3A_1279, %dma_wait3A_1284] : memref<25x128xi32, #tpu.memory_space<vmem>> -> memref<1x128xi32, #tpu.memory_space<vmem>>
    %dma_wait3A_1286 = tpu.memref_squeeze %dma_wait3A_1285 : memref<1x128xi32, #tpu.memory_space<vmem>> -> memref<128xi32, #tpu.memory_space<vmem>>
    %dma_wait3A_1287 = arith.constant 0 : i32
    %dma_wait3A_1288 = arith.constant 0 : i32
    %dma_wait3A_1289 = tpu.memref_slice %arg11[%dma_wait3A_1287, %dma_wait3A_1288] : memref<4112x128xf32, #tpu.memory_space<vmem_shared>> -> memref<4112x128xf32, #tpu.memory_space<vmem_shared>>
    tpu.wait_indirect_dma semaphore(%arg15 : memref<!tpu.dma_semaphore, #tpu.memory_space<semaphore_mem>>) src(%dma_wait3A_1283 : memref<128x128xf32, #tpu.memory_space<vmem>>) dst(%dma_wait3A_1289 : memref<4112x128xf32, #tpu.memory_space<vmem_shared>>)
    %add3A_1290 = arith.constant 2816 : i32
    %add3A_1291 = arith.addi %mul3A_2, %add3A_1290 : i32
    %dma_start3A_1292 = arith.constant 0 : i32
    %dma_start3A_1293 = arith.constant 0 : i32
    %dma_start3A_1294 = arith.constant 0 : i32
    %dma_start3A_1295 = tpu.memref_slice %arg9[%dma_start3A_1292, %dma_start3A_1293, %dma_start3A_1294] : memref<2x128x128xf32, #tpu.memory_space<vmem>> -> memref<1x128x128xf32, #tpu.memory_space<vmem>>
    %dma_start3A_1296 = tpu.memref_squeeze %dma_start3A_1295 : memref<1x128x128xf32, #tpu.memory_space<vmem>> -> memref<128x128xf32, #tpu.memory_space<vmem>>
    %dma_start3A_1297 = arith.constant 0 : i32
    %dma_start3A_1298 = tpu.memref_slice %arg2[%add3A_1291, %dma_start3A_1297] : memref<102400x128xf32, #tpu.memory_space<hbm>> -> memref<128x128xf32, #tpu.memory_space<hbm>>
    %dma_start3A_1299 = arith.constant 0 : i32
    %dma_start3A_1300 = arith.constant 0 : i32
    %dma_start3A_1301 = tpu.memref_slice %arg9[%dma_start3A_1292, %dma_start3A_1299, %dma_start3A_1300] : memref<2x128x128xf32, #tpu.memory_space<vmem>> -> memref<1x128x128xf32, #tpu.memory_space<vmem>>
    %dma_start3A_1302 = tpu.memref_squeeze %dma_start3A_1301 : memref<1x128x128xf32, #tpu.memory_space<vmem>> -> memref<128x128xf32, #tpu.memory_space<vmem>>
    %dma_start3A_1303 = arith.constant 0 : i32
    %dma_start3A_1304 = tpu.memref_slice %arg2[%add3A_1291, %dma_start3A_1303] : memref<102400x128xf32, #tpu.memory_space<hbm>> -> memref<128x128xf32, #tpu.memory_space<hbm>>
    tpu.enqueue_dma source(%dma_start3A_1304 : memref<128x128xf32, #tpu.memory_space<hbm>>) target(%dma_start3A_1302 : memref<128x128xf32, #tpu.memory_space<vmem>>) target_semaphore(%arg13 : memref<!tpu.dma_semaphore, #tpu.memory_space<semaphore_mem>>)
    %dma_wait3A_1305 = arith.constant 1 : i32
    %dma_wait3A_1306 = arith.constant 0 : i32
    %dma_wait3A_1307 = arith.constant 0 : i32
    %dma_wait3A_1308 = tpu.memref_slice %arg9[%dma_wait3A_1305, %dma_wait3A_1306, %dma_wait3A_1307] : memref<2x128x128xf32, #tpu.memory_space<vmem>> -> memref<1x128x128xf32, #tpu.memory_space<vmem>>
    %dma_wait3A_1309 = tpu.memref_squeeze %dma_wait3A_1308 : memref<1x128x128xf32, #tpu.memory_space<vmem>> -> memref<128x128xf32, #tpu.memory_space<vmem>>
    %dma_wait3A_1310 = arith.constant 0 : i32
    %dma_wait3A_1311 = tpu.memref_slice %arg2[%add3A_1239, %dma_wait3A_1310] : memref<102400x128xf32, #tpu.memory_space<hbm>> -> memref<128x128xf32, #tpu.memory_space<hbm>>
    %dma_wait3A_1312 = arith.constant 0 : i32
    %dma_wait3A_1313 = arith.constant 0 : i32
    %dma_wait3A_1314 = tpu.memref_slice %arg9[%dma_wait3A_1305, %dma_wait3A_1312, %dma_wait3A_1313] : memref<2x128x128xf32, #tpu.memory_space<vmem>> -> memref<1x128x128xf32, #tpu.memory_space<vmem>>
    %dma_wait3A_1315 = tpu.memref_squeeze %dma_wait3A_1314 : memref<1x128x128xf32, #tpu.memory_space<vmem>> -> memref<128x128xf32, #tpu.memory_space<vmem>>
    %dma_wait3A_1316 = arith.constant 0 : i32
    %dma_wait3A_1317 = tpu.memref_slice %arg2[%add3A_1239, %dma_wait3A_1316] : memref<102400x128xf32, #tpu.memory_space<hbm>> -> memref<128x128xf32, #tpu.memory_space<hbm>>
    tpu.wait_dma2 semaphore(%arg14 : memref<!tpu.dma_semaphore, #tpu.memory_space<semaphore_mem>>) src(%dma_wait3A_1317 : memref<128x128xf32, #tpu.memory_space<hbm>>) dst(%dma_wait3A_1315 : memref<128x128xf32, #tpu.memory_space<vmem>>)
    %dma_start3A_1318 = arith.constant 1 : i32
    %dma_start3A_1319 = arith.constant 21 : i32
    %dma_start3A_1320 = arith.constant 0 : i32
    %dma_start3A_1321 = arith.constant 0 : i32
    %dma_start3A_1322 = tpu.memref_slice %arg9[%dma_start3A_1318, %dma_start3A_1320, %dma_start3A_1321] : memref<2x128x128xf32, #tpu.memory_space<vmem>> -> memref<1x128x128xf32, #tpu.memory_space<vmem>>
    %dma_start3A_1323 = tpu.memref_squeeze %dma_start3A_1322 : memref<1x128x128xf32, #tpu.memory_space<vmem>> -> memref<128x128xf32, #tpu.memory_space<vmem>>
    %dma_start3A_1324 = arith.constant 0 : i32
    %dma_start3A_1325 = tpu.memref_slice %arg8[%dma_start3A_1319, %dma_start3A_1324] : memref<25x128xi32, #tpu.memory_space<vmem>> -> memref<1x128xi32, #tpu.memory_space<vmem>>
    %dma_start3A_1326 = tpu.memref_squeeze %dma_start3A_1325 : memref<1x128xi32, #tpu.memory_space<vmem>> -> memref<128xi32, #tpu.memory_space<vmem>>
    %dma_start3A_1327 = arith.constant 0 : i32
    %dma_start3A_1328 = arith.constant 0 : i32
    %dma_start3A_1329 = tpu.memref_slice %arg11[%dma_start3A_1327, %dma_start3A_1328] : memref<4112x128xf32, #tpu.memory_space<vmem_shared>> -> memref<4112x128xf32, #tpu.memory_space<vmem_shared>>
    tpu.enqueue_indirect_dma source(%dma_start3A_1323 : memref<128x128xf32, #tpu.memory_space<vmem>>) target(%dma_start3A_1329 : memref<4112x128xf32, #tpu.memory_space<vmem_shared>>) offsets(%dma_start3A_1326 : memref<128xi32, #tpu.memory_space<vmem>>) semaphore(%arg16 : memref<!tpu.dma_semaphore, #tpu.memory_space<semaphore_mem>>) {add = true}
    %dma_wait3A_1330 = arith.constant 1 : i32
    %dma_wait3A_1331 = arith.constant 21 : i32
    %dma_wait3A_1332 = arith.constant 0 : i32
    %dma_wait3A_1333 = arith.constant 0 : i32
    %dma_wait3A_1334 = tpu.memref_slice %arg9[%dma_wait3A_1330, %dma_wait3A_1332, %dma_wait3A_1333] : memref<2x128x128xf32, #tpu.memory_space<vmem>> -> memref<1x128x128xf32, #tpu.memory_space<vmem>>
    %dma_wait3A_1335 = tpu.memref_squeeze %dma_wait3A_1334 : memref<1x128x128xf32, #tpu.memory_space<vmem>> -> memref<128x128xf32, #tpu.memory_space<vmem>>
    %dma_wait3A_1336 = arith.constant 0 : i32
    %dma_wait3A_1337 = tpu.memref_slice %arg8[%dma_wait3A_1331, %dma_wait3A_1336] : memref<25x128xi32, #tpu.memory_space<vmem>> -> memref<1x128xi32, #tpu.memory_space<vmem>>
    %dma_wait3A_1338 = tpu.memref_squeeze %dma_wait3A_1337 : memref<1x128xi32, #tpu.memory_space<vmem>> -> memref<128xi32, #tpu.memory_space<vmem>>
    %dma_wait3A_1339 = arith.constant 0 : i32
    %dma_wait3A_1340 = arith.constant 0 : i32
    %dma_wait3A_1341 = tpu.memref_slice %arg11[%dma_wait3A_1339, %dma_wait3A_1340] : memref<4112x128xf32, #tpu.memory_space<vmem_shared>> -> memref<4112x128xf32, #tpu.memory_space<vmem_shared>>
    tpu.wait_indirect_dma semaphore(%arg16 : memref<!tpu.dma_semaphore, #tpu.memory_space<semaphore_mem>>) src(%dma_wait3A_1335 : memref<128x128xf32, #tpu.memory_space<vmem>>) dst(%dma_wait3A_1341 : memref<4112x128xf32, #tpu.memory_space<vmem_shared>>)
    %add3A_1342 = arith.constant 2944 : i32
    %add3A_1343 = arith.addi %mul3A_2, %add3A_1342 : i32
    %dma_start3A_1344 = arith.constant 1 : i32
    %dma_start3A_1345 = arith.constant 0 : i32
    %dma_start3A_1346 = arith.constant 0 : i32
    %dma_start3A_1347 = tpu.memref_slice %arg9[%dma_start3A_1344, %dma_start3A_1345, %dma_start3A_1346] : memref<2x128x128xf32, #tpu.memory_space<vmem>> -> memref<1x128x128xf32, #tpu.memory_space<vmem>>
    %dma_start3A_1348 = tpu.memref_squeeze %dma_start3A_1347 : memref<1x128x128xf32, #tpu.memory_space<vmem>> -> memref<128x128xf32, #tpu.memory_space<vmem>>
    %dma_start3A_1349 = arith.constant 0 : i32
    %dma_start3A_1350 = tpu.memref_slice %arg2[%add3A_1343, %dma_start3A_1349] : memref<102400x128xf32, #tpu.memory_space<hbm>> -> memref<128x128xf32, #tpu.memory_space<hbm>>
    %dma_start3A_1351 = arith.constant 0 : i32
    %dma_start3A_1352 = arith.constant 0 : i32
    %dma_start3A_1353 = tpu.memref_slice %arg9[%dma_start3A_1344, %dma_start3A_1351, %dma_start3A_1352] : memref<2x128x128xf32, #tpu.memory_space<vmem>> -> memref<1x128x128xf32, #tpu.memory_space<vmem>>
    %dma_start3A_1354 = tpu.memref_squeeze %dma_start3A_1353 : memref<1x128x128xf32, #tpu.memory_space<vmem>> -> memref<128x128xf32, #tpu.memory_space<vmem>>
    %dma_start3A_1355 = arith.constant 0 : i32
    %dma_start3A_1356 = tpu.memref_slice %arg2[%add3A_1343, %dma_start3A_1355] : memref<102400x128xf32, #tpu.memory_space<hbm>> -> memref<128x128xf32, #tpu.memory_space<hbm>>
    tpu.enqueue_dma source(%dma_start3A_1356 : memref<128x128xf32, #tpu.memory_space<hbm>>) target(%dma_start3A_1354 : memref<128x128xf32, #tpu.memory_space<vmem>>) target_semaphore(%arg14 : memref<!tpu.dma_semaphore, #tpu.memory_space<semaphore_mem>>)
    %dma_wait3A_1357 = arith.constant 0 : i32
    %dma_wait3A_1358 = arith.constant 0 : i32
    %dma_wait3A_1359 = arith.constant 0 : i32
    %dma_wait3A_1360 = tpu.memref_slice %arg9[%dma_wait3A_1357, %dma_wait3A_1358, %dma_wait3A_1359] : memref<2x128x128xf32, #tpu.memory_space<vmem>> -> memref<1x128x128xf32, #tpu.memory_space<vmem>>
    %dma_wait3A_1361 = tpu.memref_squeeze %dma_wait3A_1360 : memref<1x128x128xf32, #tpu.memory_space<vmem>> -> memref<128x128xf32, #tpu.memory_space<vmem>>
    %dma_wait3A_1362 = arith.constant 0 : i32
    %dma_wait3A_1363 = tpu.memref_slice %arg2[%add3A_1291, %dma_wait3A_1362] : memref<102400x128xf32, #tpu.memory_space<hbm>> -> memref<128x128xf32, #tpu.memory_space<hbm>>
    %dma_wait3A_1364 = arith.constant 0 : i32
    %dma_wait3A_1365 = arith.constant 0 : i32
    %dma_wait3A_1366 = tpu.memref_slice %arg9[%dma_wait3A_1357, %dma_wait3A_1364, %dma_wait3A_1365] : memref<2x128x128xf32, #tpu.memory_space<vmem>> -> memref<1x128x128xf32, #tpu.memory_space<vmem>>
    %dma_wait3A_1367 = tpu.memref_squeeze %dma_wait3A_1366 : memref<1x128x128xf32, #tpu.memory_space<vmem>> -> memref<128x128xf32, #tpu.memory_space<vmem>>
    %dma_wait3A_1368 = arith.constant 0 : i32
    %dma_wait3A_1369 = tpu.memref_slice %arg2[%add3A_1291, %dma_wait3A_1368] : memref<102400x128xf32, #tpu.memory_space<hbm>> -> memref<128x128xf32, #tpu.memory_space<hbm>>
    tpu.wait_dma2 semaphore(%arg13 : memref<!tpu.dma_semaphore, #tpu.memory_space<semaphore_mem>>) src(%dma_wait3A_1369 : memref<128x128xf32, #tpu.memory_space<hbm>>) dst(%dma_wait3A_1367 : memref<128x128xf32, #tpu.memory_space<vmem>>)
    %dma_start3A_1370 = arith.constant 0 : i32
    %dma_start3A_1371 = arith.constant 22 : i32
    %dma_start3A_1372 = arith.constant 0 : i32
    %dma_start3A_1373 = arith.constant 0 : i32
    %dma_start3A_1374 = tpu.memref_slice %arg9[%dma_start3A_1370, %dma_start3A_1372, %dma_start3A_1373] : memref<2x128x128xf32, #tpu.memory_space<vmem>> -> memref<1x128x128xf32, #tpu.memory_space<vmem>>
    %dma_start3A_1375 = tpu.memref_squeeze %dma_start3A_1374 : memref<1x128x128xf32, #tpu.memory_space<vmem>> -> memref<128x128xf32, #tpu.memory_space<vmem>>
    %dma_start3A_1376 = arith.constant 0 : i32
    %dma_start3A_1377 = tpu.memref_slice %arg8[%dma_start3A_1371, %dma_start3A_1376] : memref<25x128xi32, #tpu.memory_space<vmem>> -> memref<1x128xi32, #tpu.memory_space<vmem>>
    %dma_start3A_1378 = tpu.memref_squeeze %dma_start3A_1377 : memref<1x128xi32, #tpu.memory_space<vmem>> -> memref<128xi32, #tpu.memory_space<vmem>>
    %dma_start3A_1379 = arith.constant 0 : i32
    %dma_start3A_1380 = arith.constant 0 : i32
    %dma_start3A_1381 = tpu.memref_slice %arg11[%dma_start3A_1379, %dma_start3A_1380] : memref<4112x128xf32, #tpu.memory_space<vmem_shared>> -> memref<4112x128xf32, #tpu.memory_space<vmem_shared>>
    tpu.enqueue_indirect_dma source(%dma_start3A_1375 : memref<128x128xf32, #tpu.memory_space<vmem>>) target(%dma_start3A_1381 : memref<4112x128xf32, #tpu.memory_space<vmem_shared>>) offsets(%dma_start3A_1378 : memref<128xi32, #tpu.memory_space<vmem>>) semaphore(%arg15 : memref<!tpu.dma_semaphore, #tpu.memory_space<semaphore_mem>>) {add = true}
    %dma_wait3A_1382 = arith.constant 0 : i32
    %dma_wait3A_1383 = arith.constant 22 : i32
    %dma_wait3A_1384 = arith.constant 0 : i32
    %dma_wait3A_1385 = arith.constant 0 : i32
    %dma_wait3A_1386 = tpu.memref_slice %arg9[%dma_wait3A_1382, %dma_wait3A_1384, %dma_wait3A_1385] : memref<2x128x128xf32, #tpu.memory_space<vmem>> -> memref<1x128x128xf32, #tpu.memory_space<vmem>>
    %dma_wait3A_1387 = tpu.memref_squeeze %dma_wait3A_1386 : memref<1x128x128xf32, #tpu.memory_space<vmem>> -> memref<128x128xf32, #tpu.memory_space<vmem>>
    %dma_wait3A_1388 = arith.constant 0 : i32
    %dma_wait3A_1389 = tpu.memref_slice %arg8[%dma_wait3A_1383, %dma_wait3A_1388] : memref<25x128xi32, #tpu.memory_space<vmem>> -> memref<1x128xi32, #tpu.memory_space<vmem>>
    %dma_wait3A_1390 = tpu.memref_squeeze %dma_wait3A_1389 : memref<1x128xi32, #tpu.memory_space<vmem>> -> memref<128xi32, #tpu.memory_space<vmem>>
    %dma_wait3A_1391 = arith.constant 0 : i32
    %dma_wait3A_1392 = arith.constant 0 : i32
    %dma_wait3A_1393 = tpu.memref_slice %arg11[%dma_wait3A_1391, %dma_wait3A_1392] : memref<4112x128xf32, #tpu.memory_space<vmem_shared>> -> memref<4112x128xf32, #tpu.memory_space<vmem_shared>>
    tpu.wait_indirect_dma semaphore(%arg15 : memref<!tpu.dma_semaphore, #tpu.memory_space<semaphore_mem>>) src(%dma_wait3A_1387 : memref<128x128xf32, #tpu.memory_space<vmem>>) dst(%dma_wait3A_1393 : memref<4112x128xf32, #tpu.memory_space<vmem_shared>>)
    %add3A_1394 = arith.constant 3072 : i32
    %add3A_1395 = arith.addi %mul3A_2, %add3A_1394 : i32
    %dma_start3A_1396 = arith.constant 0 : i32
    %dma_start3A_1397 = arith.constant 0 : i32
    %dma_start3A_1398 = arith.constant 0 : i32
    %dma_start3A_1399 = tpu.memref_slice %arg9[%dma_start3A_1396, %dma_start3A_1397, %dma_start3A_1398] : memref<2x128x128xf32, #tpu.memory_space<vmem>> -> memref<1x128x128xf32, #tpu.memory_space<vmem>>
    %dma_start3A_1400 = tpu.memref_squeeze %dma_start3A_1399 : memref<1x128x128xf32, #tpu.memory_space<vmem>> -> memref<128x128xf32, #tpu.memory_space<vmem>>
    %dma_start3A_1401 = arith.constant 0 : i32
    %dma_start3A_1402 = tpu.memref_slice %arg2[%add3A_1395, %dma_start3A_1401] : memref<102400x128xf32, #tpu.memory_space<hbm>> -> memref<128x128xf32, #tpu.memory_space<hbm>>
    %dma_start3A_1403 = arith.constant 0 : i32
    %dma_start3A_1404 = arith.constant 0 : i32
    %dma_start3A_1405 = tpu.memref_slice %arg9[%dma_start3A_1396, %dma_start3A_1403, %dma_start3A_1404] : memref<2x128x128xf32, #tpu.memory_space<vmem>> -> memref<1x128x128xf32, #tpu.memory_space<vmem>>
    %dma_start3A_1406 = tpu.memref_squeeze %dma_start3A_1405 : memref<1x128x128xf32, #tpu.memory_space<vmem>> -> memref<128x128xf32, #tpu.memory_space<vmem>>
    %dma_start3A_1407 = arith.constant 0 : i32
    %dma_start3A_1408 = tpu.memref_slice %arg2[%add3A_1395, %dma_start3A_1407] : memref<102400x128xf32, #tpu.memory_space<hbm>> -> memref<128x128xf32, #tpu.memory_space<hbm>>
    tpu.enqueue_dma source(%dma_start3A_1408 : memref<128x128xf32, #tpu.memory_space<hbm>>) target(%dma_start3A_1406 : memref<128x128xf32, #tpu.memory_space<vmem>>) target_semaphore(%arg13 : memref<!tpu.dma_semaphore, #tpu.memory_space<semaphore_mem>>)
    %dma_wait3A_1409 = arith.constant 1 : i32
    %dma_wait3A_1410 = arith.constant 0 : i32
    %dma_wait3A_1411 = arith.constant 0 : i32
    %dma_wait3A_1412 = tpu.memref_slice %arg9[%dma_wait3A_1409, %dma_wait3A_1410, %dma_wait3A_1411] : memref<2x128x128xf32, #tpu.memory_space<vmem>> -> memref<1x128x128xf32, #tpu.memory_space<vmem>>
    %dma_wait3A_1413 = tpu.memref_squeeze %dma_wait3A_1412 : memref<1x128x128xf32, #tpu.memory_space<vmem>> -> memref<128x128xf32, #tpu.memory_space<vmem>>
    %dma_wait3A_1414 = arith.constant 0 : i32
    %dma_wait3A_1415 = tpu.memref_slice %arg2[%add3A_1343, %dma_wait3A_1414] : memref<102400x128xf32, #tpu.memory_space<hbm>> -> memref<128x128xf32, #tpu.memory_space<hbm>>
    %dma_wait3A_1416 = arith.constant 0 : i32
    %dma_wait3A_1417 = arith.constant 0 : i32
    %dma_wait3A_1418 = tpu.memref_slice %arg9[%dma_wait3A_1409, %dma_wait3A_1416, %dma_wait3A_1417] : memref<2x128x128xf32, #tpu.memory_space<vmem>> -> memref<1x128x128xf32, #tpu.memory_space<vmem>>
    %dma_wait3A_1419 = tpu.memref_squeeze %dma_wait3A_1418 : memref<1x128x128xf32, #tpu.memory_space<vmem>> -> memref<128x128xf32, #tpu.memory_space<vmem>>
    %dma_wait3A_1420 = arith.constant 0 : i32
    %dma_wait3A_1421 = tpu.memref_slice %arg2[%add3A_1343, %dma_wait3A_1420] : memref<102400x128xf32, #tpu.memory_space<hbm>> -> memref<128x128xf32, #tpu.memory_space<hbm>>
    tpu.wait_dma2 semaphore(%arg14 : memref<!tpu.dma_semaphore, #tpu.memory_space<semaphore_mem>>) src(%dma_wait3A_1421 : memref<128x128xf32, #tpu.memory_space<hbm>>) dst(%dma_wait3A_1419 : memref<128x128xf32, #tpu.memory_space<vmem>>)
    %dma_start3A_1422 = arith.constant 1 : i32
    %dma_start3A_1423 = arith.constant 23 : i32
    %dma_start3A_1424 = arith.constant 0 : i32
    %dma_start3A_1425 = arith.constant 0 : i32
    %dma_start3A_1426 = tpu.memref_slice %arg9[%dma_start3A_1422, %dma_start3A_1424, %dma_start3A_1425] : memref<2x128x128xf32, #tpu.memory_space<vmem>> -> memref<1x128x128xf32, #tpu.memory_space<vmem>>
    %dma_start3A_1427 = tpu.memref_squeeze %dma_start3A_1426 : memref<1x128x128xf32, #tpu.memory_space<vmem>> -> memref<128x128xf32, #tpu.memory_space<vmem>>
    %dma_start3A_1428 = arith.constant 0 : i32
    %dma_start3A_1429 = tpu.memref_slice %arg8[%dma_start3A_1423, %dma_start3A_1428] : memref<25x128xi32, #tpu.memory_space<vmem>> -> memref<1x128xi32, #tpu.memory_space<vmem>>
    %dma_start3A_1430 = tpu.memref_squeeze %dma_start3A_1429 : memref<1x128xi32, #tpu.memory_space<vmem>> -> memref<128xi32, #tpu.memory_space<vmem>>
    %dma_start3A_1431 = arith.constant 0 : i32
    %dma_start3A_1432 = arith.constant 0 : i32
    %dma_start3A_1433 = tpu.memref_slice %arg11[%dma_start3A_1431, %dma_start3A_1432] : memref<4112x128xf32, #tpu.memory_space<vmem_shared>> -> memref<4112x128xf32, #tpu.memory_space<vmem_shared>>
    tpu.enqueue_indirect_dma source(%dma_start3A_1427 : memref<128x128xf32, #tpu.memory_space<vmem>>) target(%dma_start3A_1433 : memref<4112x128xf32, #tpu.memory_space<vmem_shared>>) offsets(%dma_start3A_1430 : memref<128xi32, #tpu.memory_space<vmem>>) semaphore(%arg16 : memref<!tpu.dma_semaphore, #tpu.memory_space<semaphore_mem>>) {add = true}
    %dma_wait3A_1434 = arith.constant 0 : i32
    %dma_wait3A_1435 = arith.constant 0 : i32
    %dma_wait3A_1436 = arith.constant 0 : i32
    %dma_wait3A_1437 = tpu.memref_slice %arg9[%dma_wait3A_1434, %dma_wait3A_1435, %dma_wait3A_1436] : memref<2x128x128xf32, #tpu.memory_space<vmem>> -> memref<1x128x128xf32, #tpu.memory_space<vmem>>
    %dma_wait3A_1438 = tpu.memref_squeeze %dma_wait3A_1437 : memref<1x128x128xf32, #tpu.memory_space<vmem>> -> memref<128x128xf32, #tpu.memory_space<vmem>>
    %dma_wait3A_1439 = arith.constant 0 : i32
    %dma_wait3A_1440 = tpu.memref_slice %arg2[%add3A_1395, %dma_wait3A_1439] : memref<102400x128xf32, #tpu.memory_space<hbm>> -> memref<128x128xf32, #tpu.memory_space<hbm>>
    %dma_wait3A_1441 = arith.constant 0 : i32
    %dma_wait3A_1442 = arith.constant 0 : i32
    %dma_wait3A_1443 = tpu.memref_slice %arg9[%dma_wait3A_1434, %dma_wait3A_1441, %dma_wait3A_1442] : memref<2x128x128xf32, #tpu.memory_space<vmem>> -> memref<1x128x128xf32, #tpu.memory_space<vmem>>
    %dma_wait3A_1444 = tpu.memref_squeeze %dma_wait3A_1443 : memref<1x128x128xf32, #tpu.memory_space<vmem>> -> memref<128x128xf32, #tpu.memory_space<vmem>>
    %dma_wait3A_1445 = arith.constant 0 : i32
    %dma_wait3A_1446 = tpu.memref_slice %arg2[%add3A_1395, %dma_wait3A_1445] : memref<102400x128xf32, #tpu.memory_space<hbm>> -> memref<128x128xf32, #tpu.memory_space<hbm>>
    tpu.wait_dma2 semaphore(%arg13 : memref<!tpu.dma_semaphore, #tpu.memory_space<semaphore_mem>>) src(%dma_wait3A_1446 : memref<128x128xf32, #tpu.memory_space<hbm>>) dst(%dma_wait3A_1444 : memref<128x128xf32, #tpu.memory_space<vmem>>)
    %dma_start3A_1447 = arith.constant 0 : i32
    %dma_start3A_1448 = arith.constant 24 : i32
    %dma_start3A_1449 = arith.constant 0 : i32
    %dma_start3A_1450 = arith.constant 0 : i32
    %dma_start3A_1451 = tpu.memref_slice %arg9[%dma_start3A_1447, %dma_start3A_1449, %dma_start3A_1450] : memref<2x128x128xf32, #tpu.memory_space<vmem>> -> memref<1x128x128xf32, #tpu.memory_space<vmem>>
    %dma_start3A_1452 = tpu.memref_squeeze %dma_start3A_1451 : memref<1x128x128xf32, #tpu.memory_space<vmem>> -> memref<128x128xf32, #tpu.memory_space<vmem>>
    %dma_start3A_1453 = arith.constant 0 : i32
    %dma_start3A_1454 = tpu.memref_slice %arg8[%dma_start3A_1448, %dma_start3A_1453] : memref<25x128xi32, #tpu.memory_space<vmem>> -> memref<1x128xi32, #tpu.memory_space<vmem>>
    %dma_start3A_1455 = tpu.memref_squeeze %dma_start3A_1454 : memref<1x128xi32, #tpu.memory_space<vmem>> -> memref<128xi32, #tpu.memory_space<vmem>>
    %dma_start3A_1456 = arith.constant 0 : i32
    %dma_start3A_1457 = arith.constant 0 : i32
    %dma_start3A_1458 = tpu.memref_slice %arg11[%dma_start3A_1456, %dma_start3A_1457] : memref<4112x128xf32, #tpu.memory_space<vmem_shared>> -> memref<4112x128xf32, #tpu.memory_space<vmem_shared>>
    tpu.enqueue_indirect_dma source(%dma_start3A_1452 : memref<128x128xf32, #tpu.memory_space<vmem>>) target(%dma_start3A_1458 : memref<4112x128xf32, #tpu.memory_space<vmem_shared>>) offsets(%dma_start3A_1455 : memref<128xi32, #tpu.memory_space<vmem>>) semaphore(%arg15 : memref<!tpu.dma_semaphore, #tpu.memory_space<semaphore_mem>>) {add = true}
    %dma_wait3A_1459 = arith.constant 0 : i32
    %dma_wait3A_1460 = arith.constant 24 : i32
    %dma_wait3A_1461 = arith.constant 0 : i32
    %dma_wait3A_1462 = arith.constant 0 : i32
    %dma_wait3A_1463 = tpu.memref_slice %arg9[%dma_wait3A_1459, %dma_wait3A_1461, %dma_wait3A_1462] : memref<2x128x128xf32, #tpu.memory_space<vmem>> -> memref<1x128x128xf32, #tpu.memory_space<vmem>>
    %dma_wait3A_1464 = tpu.memref_squeeze %dma_wait3A_1463 : memref<1x128x128xf32, #tpu.memory_space<vmem>> -> memref<128x128xf32, #tpu.memory_space<vmem>>
    %dma_wait3A_1465 = arith.constant 0 : i32
    %dma_wait3A_1466 = tpu.memref_slice %arg8[%dma_wait3A_1460, %dma_wait3A_1465] : memref<25x128xi32, #tpu.memory_space<vmem>> -> memref<1x128xi32, #tpu.memory_space<vmem>>
    %dma_wait3A_1467 = tpu.memref_squeeze %dma_wait3A_1466 : memref<1x128xi32, #tpu.memory_space<vmem>> -> memref<128xi32, #tpu.memory_space<vmem>>
    %dma_wait3A_1468 = arith.constant 0 : i32
    %dma_wait3A_1469 = arith.constant 0 : i32
    %dma_wait3A_1470 = tpu.memref_slice %arg11[%dma_wait3A_1468, %dma_wait3A_1469] : memref<4112x128xf32, #tpu.memory_space<vmem_shared>> -> memref<4112x128xf32, #tpu.memory_space<vmem_shared>>
    tpu.wait_indirect_dma semaphore(%arg15 : memref<!tpu.dma_semaphore, #tpu.memory_space<semaphore_mem>>) src(%dma_wait3A_1464 : memref<128x128xf32, #tpu.memory_space<vmem>>) dst(%dma_wait3A_1470 : memref<4112x128xf32, #tpu.memory_space<vmem_shared>>)
    %dma_wait3A_1471 = arith.constant 1 : i32
    %dma_wait3A_1472 = arith.constant 23 : i32
    %dma_wait3A_1473 = arith.constant 0 : i32
    %dma_wait3A_1474 = arith.constant 0 : i32
    %dma_wait3A_1475 = tpu.memref_slice %arg9[%dma_wait3A_1471, %dma_wait3A_1473, %dma_wait3A_1474] : memref<2x128x128xf32, #tpu.memory_space<vmem>> -> memref<1x128x128xf32, #tpu.memory_space<vmem>>
    %dma_wait3A_1476 = tpu.memref_squeeze %dma_wait3A_1475 : memref<1x128x128xf32, #tpu.memory_space<vmem>> -> memref<128x128xf32, #tpu.memory_space<vmem>>
    %dma_wait3A_1477 = arith.constant 0 : i32
    %dma_wait3A_1478 = tpu.memref_slice %arg8[%dma_wait3A_1472, %dma_wait3A_1477] : memref<25x128xi32, #tpu.memory_space<vmem>> -> memref<1x128xi32, #tpu.memory_space<vmem>>
    %dma_wait3A_1479 = tpu.memref_squeeze %dma_wait3A_1478 : memref<1x128xi32, #tpu.memory_space<vmem>> -> memref<128xi32, #tpu.memory_space<vmem>>
    %dma_wait3A_1480 = arith.constant 0 : i32
    %dma_wait3A_1481 = arith.constant 0 : i32
    %dma_wait3A_1482 = tpu.memref_slice %arg11[%dma_wait3A_1480, %dma_wait3A_1481] : memref<4112x128xf32, #tpu.memory_space<vmem_shared>> -> memref<4112x128xf32, #tpu.memory_space<vmem_shared>>
    tpu.wait_indirect_dma semaphore(%arg16 : memref<!tpu.dma_semaphore, #tpu.memory_space<semaphore_mem>>) src(%dma_wait3A_1476 : memref<128x128xf32, #tpu.memory_space<vmem>>) dst(%dma_wait3A_1482 : memref<4112x128xf32, #tpu.memory_space<vmem_shared>>)
    %dma_wait3A_1483 = arith.constant 10 : i32
    %dma_wait3A_1484 = arith.constant 0 : i32
    %dma_wait3A_1485 = tpu.memref_slice %arg8[%dma_wait3A_1483, %dma_wait3A_1484] : memref<25x128xi32, #tpu.memory_space<vmem>> -> memref<1x128xi32, #tpu.memory_space<vmem>>
    %dma_wait3A_1486 = tpu.memref_squeeze %dma_wait3A_1485 : memref<1x128xi32, #tpu.memory_space<vmem>> -> memref<128xi32, #tpu.memory_space<vmem>>
    %dma_wait3A_1487 = arith.constant 0 : i32
    %dma_wait3A_1488 = arith.constant 0 : i32
    %dma_wait3A_1489 = tpu.memref_slice %arg12[%dma_wait3A_1487, %dma_wait3A_1488] : memref<4112x128xf32, #tpu.memory_space<vmem_shared>> -> memref<4112x128xf32, #tpu.memory_space<vmem_shared>>
    tpu.wait_indirect_dma semaphore(%arg17 : memref<!tpu.dma_semaphore, #tpu.memory_space<semaphore_mem>>) src(%arg10 : memref<128x128xf32, #tpu.memory_space<vmem>>) dst(%dma_wait3A_1489 : memref<4112x128xf32, #tpu.memory_space<vmem_shared>>)
    %dma_wait3A_1490 = arith.constant 11 : i32
    %dma_wait3A_1491 = arith.constant 0 : i32
    %dma_wait3A_1492 = tpu.memref_slice %arg8[%dma_wait3A_1490, %dma_wait3A_1491] : memref<25x128xi32, #tpu.memory_space<vmem>> -> memref<1x128xi32, #tpu.memory_space<vmem>>
    %dma_wait3A_1493 = tpu.memref_squeeze %dma_wait3A_1492 : memref<1x128xi32, #tpu.memory_space<vmem>> -> memref<128xi32, #tpu.memory_space<vmem>>
    %dma_wait3A_1494 = arith.constant 0 : i32
    %dma_wait3A_1495 = arith.constant 0 : i32
    %dma_wait3A_1496 = tpu.memref_slice %arg12[%dma_wait3A_1494, %dma_wait3A_1495] : memref<4112x128xf32, #tpu.memory_space<vmem_shared>> -> memref<4112x128xf32, #tpu.memory_space<vmem_shared>>
    tpu.wait_indirect_dma semaphore(%arg18 : memref<!tpu.dma_semaphore, #tpu.memory_space<semaphore_mem>>) src(%arg10 : memref<128x128xf32, #tpu.memory_space<vmem>>) dst(%dma_wait3A_1496 : memref<4112x128xf32, #tpu.memory_space<vmem_shared>>)
    %barrier3A_1497 = arith.constant 0 : index
    tpu.barrier barrier_id(%barrier3A_1497)
    "tpu.region"() ({
      %run_scoped3A_2982 = tpu.sem_alloc : memref<!tpu.dma_semaphore, #tpu.memory_space<semaphore_mem>>
      %dma_start3A_2983 = arith.constant 0 : i32
      %dma_start3A_2984 = tpu.memref_slice %arg5[%arg0, %mul3A_6, %dma_start3A_2983] : memref<2x4096x128xf32, #tpu.memory_space<hbm>> -> memref<1x256x128xf32, #tpu.memory_space<hbm>>
      %dma_start3A_2985 = tpu.memref_squeeze %dma_start3A_2984 : memref<1x256x128xf32, #tpu.memory_space<hbm>> -> memref<256x128xf32, #tpu.memory_space<hbm>>
      %dma_start3A_2986 = arith.constant 0 : i32
      %dma_start3A_2987 = tpu.memref_slice %arg11[%mul3A_6, %dma_start3A_2986] : memref<4112x128xf32, #tpu.memory_space<vmem_shared>> -> memref<256x128xf32, #tpu.memory_space<vmem_shared>>
      tpu.enqueue_dma source(%dma_start3A_2987 : memref<256x128xf32, #tpu.memory_space<vmem_shared>>) target(%dma_start3A_2985 : memref<256x128xf32, #tpu.memory_space<hbm>>) target_semaphore(%run_scoped3A_2982 : memref<!tpu.dma_semaphore, #tpu.memory_space<semaphore_mem>>)
      %dma_wait3A_2988 = arith.constant 0 : i32
      %dma_wait3A_2989 = tpu.memref_slice %arg5[%arg0, %mul3A_6, %dma_wait3A_2988] : memref<2x4096x128xf32, #tpu.memory_space<hbm>> -> memref<1x256x128xf32, #tpu.memory_space<hbm>>
      %dma_wait3A_2990 = tpu.memref_squeeze %dma_wait3A_2989 : memref<1x256x128xf32, #tpu.memory_space<hbm>> -> memref<256x128xf32, #tpu.memory_space<hbm>>
      %dma_wait3A_2991 = arith.constant 0 : i32
      %dma_wait3A_2992 = tpu.memref_slice %arg11[%mul3A_6, %dma_wait3A_2991] : memref<4112x128xf32, #tpu.memory_space<vmem_shared>> -> memref<256x128xf32, #tpu.memory_space<vmem_shared>>
      tpu.wait_dma2 semaphore(%run_scoped3A_2982 : memref<!tpu.dma_semaphore, #tpu.memory_space<semaphore_mem>>) src(%dma_wait3A_2992 : memref<256x128xf32, #tpu.memory_space<vmem_shared>>) dst(%dma_wait3A_2990 : memref<256x128xf32, #tpu.memory_space<hbm>>)
      tpu.yield
    }) : () -> ()
    %barrier3A_1498 = arith.constant 0 : index
    tpu.barrier barrier_id(%barrier3A_1498)
    %add3A_1499 = arith.constant 0 : i32
    %add3A_1500 = arith.addi %mul3A_2, %add3A_1499 : i32
    %dma_start3A_1501 = arith.constant 0 : i32
    %dma_start3A_1502 = arith.constant 0 : i32
    %dma_start3A_1503 = arith.constant 0 : i32
    %dma_start3A_1504 = tpu.memref_slice %arg9[%dma_start3A_1501, %dma_start3A_1502, %dma_start3A_1503] : memref<2x128x128xf32, #tpu.memory_space<vmem>> -> memref<1x128x128xf32, #tpu.memory_space<vmem>>
    %dma_start3A_1505 = tpu.memref_squeeze %dma_start3A_1504 : memref<1x128x128xf32, #tpu.memory_space<vmem>> -> memref<128x128xf32, #tpu.memory_space<vmem>>
    %dma_start3A_1506 = arith.constant 0 : i32
    %dma_start3A_1507 = tpu.memref_slice %arg3[%add3A_1500, %dma_start3A_1506] : memref<102400x128xf32, #tpu.memory_space<hbm>> -> memref<128x128xf32, #tpu.memory_space<hbm>>
    %dma_start3A_1508 = arith.constant 0 : i32
    %dma_start3A_1509 = arith.constant 0 : i32
    %dma_start3A_1510 = tpu.memref_slice %arg9[%dma_start3A_1501, %dma_start3A_1508, %dma_start3A_1509] : memref<2x128x128xf32, #tpu.memory_space<vmem>> -> memref<1x128x128xf32, #tpu.memory_space<vmem>>
    %dma_start3A_1511 = tpu.memref_squeeze %dma_start3A_1510 : memref<1x128x128xf32, #tpu.memory_space<vmem>> -> memref<128x128xf32, #tpu.memory_space<vmem>>
    %dma_start3A_1512 = arith.constant 0 : i32
    %dma_start3A_1513 = tpu.memref_slice %arg3[%add3A_1500, %dma_start3A_1512] : memref<102400x128xf32, #tpu.memory_space<hbm>> -> memref<128x128xf32, #tpu.memory_space<hbm>>
    tpu.enqueue_dma source(%dma_start3A_1513 : memref<128x128xf32, #tpu.memory_space<hbm>>) target(%dma_start3A_1511 : memref<128x128xf32, #tpu.memory_space<vmem>>) target_semaphore(%arg13 : memref<!tpu.dma_semaphore, #tpu.memory_space<semaphore_mem>>)
    %add3A_1514 = arith.constant 128 : i32
    %add3A_1515 = arith.addi %mul3A_2, %add3A_1514 : i32
    %dma_start3A_1516 = arith.constant 1 : i32
    %dma_start3A_1517 = arith.constant 0 : i32
    %dma_start3A_1518 = arith.constant 0 : i32
    %dma_start3A_1519 = tpu.memref_slice %arg9[%dma_start3A_1516, %dma_start3A_1517, %dma_start3A_1518] : memref<2x128x128xf32, #tpu.memory_space<vmem>> -> memref<1x128x128xf32, #tpu.memory_space<vmem>>
    %dma_start3A_1520 = tpu.memref_squeeze %dma_start3A_1519 : memref<1x128x128xf32, #tpu.memory_space<vmem>> -> memref<128x128xf32, #tpu.memory_space<vmem>>
    %dma_start3A_1521 = arith.constant 0 : i32
    %dma_start3A_1522 = tpu.memref_slice %arg3[%add3A_1515, %dma_start3A_1521] : memref<102400x128xf32, #tpu.memory_space<hbm>> -> memref<128x128xf32, #tpu.memory_space<hbm>>
    %dma_start3A_1523 = arith.constant 0 : i32
    %dma_start3A_1524 = arith.constant 0 : i32
    %dma_start3A_1525 = tpu.memref_slice %arg9[%dma_start3A_1516, %dma_start3A_1523, %dma_start3A_1524] : memref<2x128x128xf32, #tpu.memory_space<vmem>> -> memref<1x128x128xf32, #tpu.memory_space<vmem>>
    %dma_start3A_1526 = tpu.memref_squeeze %dma_start3A_1525 : memref<1x128x128xf32, #tpu.memory_space<vmem>> -> memref<128x128xf32, #tpu.memory_space<vmem>>
    %dma_start3A_1527 = arith.constant 0 : i32
    %dma_start3A_1528 = tpu.memref_slice %arg3[%add3A_1515, %dma_start3A_1527] : memref<102400x128xf32, #tpu.memory_space<hbm>> -> memref<128x128xf32, #tpu.memory_space<hbm>>
    tpu.enqueue_dma source(%dma_start3A_1528 : memref<128x128xf32, #tpu.memory_space<hbm>>) target(%dma_start3A_1526 : memref<128x128xf32, #tpu.memory_space<vmem>>) target_semaphore(%arg14 : memref<!tpu.dma_semaphore, #tpu.memory_space<semaphore_mem>>)
    %dma_wait3A_1529 = arith.constant 0 : i32
    %dma_wait3A_1530 = arith.constant 0 : i32
    %dma_wait3A_1531 = arith.constant 0 : i32
    %dma_wait3A_1532 = tpu.memref_slice %arg9[%dma_wait3A_1529, %dma_wait3A_1530, %dma_wait3A_1531] : memref<2x128x128xf32, #tpu.memory_space<vmem>> -> memref<1x128x128xf32, #tpu.memory_space<vmem>>
    %dma_wait3A_1533 = tpu.memref_squeeze %dma_wait3A_1532 : memref<1x128x128xf32, #tpu.memory_space<vmem>> -> memref<128x128xf32, #tpu.memory_space<vmem>>
    %dma_wait3A_1534 = arith.constant 0 : i32
    %dma_wait3A_1535 = tpu.memref_slice %arg3[%add3A_1500, %dma_wait3A_1534] : memref<102400x128xf32, #tpu.memory_space<hbm>> -> memref<128x128xf32, #tpu.memory_space<hbm>>
    %dma_wait3A_1536 = arith.constant 0 : i32
    %dma_wait3A_1537 = arith.constant 0 : i32
    %dma_wait3A_1538 = tpu.memref_slice %arg9[%dma_wait3A_1529, %dma_wait3A_1536, %dma_wait3A_1537] : memref<2x128x128xf32, #tpu.memory_space<vmem>> -> memref<1x128x128xf32, #tpu.memory_space<vmem>>
    %dma_wait3A_1539 = tpu.memref_squeeze %dma_wait3A_1538 : memref<1x128x128xf32, #tpu.memory_space<vmem>> -> memref<128x128xf32, #tpu.memory_space<vmem>>
    %dma_wait3A_1540 = arith.constant 0 : i32
    %dma_wait3A_1541 = tpu.memref_slice %arg3[%add3A_1500, %dma_wait3A_1540] : memref<102400x128xf32, #tpu.memory_space<hbm>> -> memref<128x128xf32, #tpu.memory_space<hbm>>
    tpu.wait_dma2 semaphore(%arg13 : memref<!tpu.dma_semaphore, #tpu.memory_space<semaphore_mem>>) src(%dma_wait3A_1541 : memref<128x128xf32, #tpu.memory_space<hbm>>) dst(%dma_wait3A_1539 : memref<128x128xf32, #tpu.memory_space<vmem>>)
    %dma_start3A_1542 = arith.constant 0 : i32
    %dma_start3A_1543 = arith.constant 0 : i32
    %dma_start3A_1544 = arith.constant 0 : i32
    %dma_start3A_1545 = arith.constant 0 : i32
    %dma_start3A_1546 = tpu.memref_slice %arg9[%dma_start3A_1542, %dma_start3A_1544, %dma_start3A_1545] : memref<2x128x128xf32, #tpu.memory_space<vmem>> -> memref<1x128x128xf32, #tpu.memory_space<vmem>>
    %dma_start3A_1547 = tpu.memref_squeeze %dma_start3A_1546 : memref<1x128x128xf32, #tpu.memory_space<vmem>> -> memref<128x128xf32, #tpu.memory_space<vmem>>
    %dma_start3A_1548 = arith.constant 0 : i32
    %dma_start3A_1549 = tpu.memref_slice %arg8[%dma_start3A_1543, %dma_start3A_1548] : memref<25x128xi32, #tpu.memory_space<vmem>> -> memref<1x128xi32, #tpu.memory_space<vmem>>
    %dma_start3A_1550 = tpu.memref_squeeze %dma_start3A_1549 : memref<1x128xi32, #tpu.memory_space<vmem>> -> memref<128xi32, #tpu.memory_space<vmem>>
    %dma_start3A_1551 = arith.constant 0 : i32
    %dma_start3A_1552 = arith.constant 0 : i32
    %dma_start3A_1553 = tpu.memref_slice %arg11[%dma_start3A_1551, %dma_start3A_1552] : memref<4112x128xf32, #tpu.memory_space<vmem_shared>> -> memref<4112x128xf32, #tpu.memory_space<vmem_shared>>
    tpu.enqueue_indirect_dma source(%dma_start3A_1547 : memref<128x128xf32, #tpu.memory_space<vmem>>) target(%dma_start3A_1553 : memref<4112x128xf32, #tpu.memory_space<vmem_shared>>) offsets(%dma_start3A_1550 : memref<128xi32, #tpu.memory_space<vmem>>) semaphore(%arg15 : memref<!tpu.dma_semaphore, #tpu.memory_space<semaphore_mem>>) {add = true}
    %dma_wait3A_1554 = arith.constant 0 : i32
    %dma_wait3A_1555 = arith.constant 0 : i32
    %dma_wait3A_1556 = arith.constant 0 : i32
    %dma_wait3A_1557 = arith.constant 0 : i32
    %dma_wait3A_1558 = tpu.memref_slice %arg9[%dma_wait3A_1554, %dma_wait3A_1556, %dma_wait3A_1557] : memref<2x128x128xf32, #tpu.memory_space<vmem>> -> memref<1x128x128xf32, #tpu.memory_space<vmem>>
    %dma_wait3A_1559 = tpu.memref_squeeze %dma_wait3A_1558 : memref<1x128x128xf32, #tpu.memory_space<vmem>> -> memref<128x128xf32, #tpu.memory_space<vmem>>
    %dma_wait3A_1560 = arith.constant 0 : i32
    %dma_wait3A_1561 = tpu.memref_slice %arg8[%dma_wait3A_1555, %dma_wait3A_1560] : memref<25x128xi32, #tpu.memory_space<vmem>> -> memref<1x128xi32, #tpu.memory_space<vmem>>
    %dma_wait3A_1562 = tpu.memref_squeeze %dma_wait3A_1561 : memref<1x128xi32, #tpu.memory_space<vmem>> -> memref<128xi32, #tpu.memory_space<vmem>>
    %dma_wait3A_1563 = arith.constant 0 : i32
    %dma_wait3A_1564 = arith.constant 0 : i32
    %dma_wait3A_1565 = tpu.memref_slice %arg11[%dma_wait3A_1563, %dma_wait3A_1564] : memref<4112x128xf32, #tpu.memory_space<vmem_shared>> -> memref<4112x128xf32, #tpu.memory_space<vmem_shared>>
    tpu.wait_indirect_dma semaphore(%arg15 : memref<!tpu.dma_semaphore, #tpu.memory_space<semaphore_mem>>) src(%dma_wait3A_1559 : memref<128x128xf32, #tpu.memory_space<vmem>>) dst(%dma_wait3A_1565 : memref<4112x128xf32, #tpu.memory_space<vmem_shared>>)
    %add3A_1566 = arith.constant 256 : i32
    %add3A_1567 = arith.addi %mul3A_2, %add3A_1566 : i32
    %dma_start3A_1568 = arith.constant 0 : i32
    %dma_start3A_1569 = arith.constant 0 : i32
    %dma_start3A_1570 = arith.constant 0 : i32
    %dma_start3A_1571 = tpu.memref_slice %arg9[%dma_start3A_1568, %dma_start3A_1569, %dma_start3A_1570] : memref<2x128x128xf32, #tpu.memory_space<vmem>> -> memref<1x128x128xf32, #tpu.memory_space<vmem>>
    %dma_start3A_1572 = tpu.memref_squeeze %dma_start3A_1571 : memref<1x128x128xf32, #tpu.memory_space<vmem>> -> memref<128x128xf32, #tpu.memory_space<vmem>>
    %dma_start3A_1573 = arith.constant 0 : i32
    %dma_start3A_1574 = tpu.memref_slice %arg3[%add3A_1567, %dma_start3A_1573] : memref<102400x128xf32, #tpu.memory_space<hbm>> -> memref<128x128xf32, #tpu.memory_space<hbm>>
    %dma_start3A_1575 = arith.constant 0 : i32
    %dma_start3A_1576 = arith.constant 0 : i32
    %dma_start3A_1577 = tpu.memref_slice %arg9[%dma_start3A_1568, %dma_start3A_1575, %dma_start3A_1576] : memref<2x128x128xf32, #tpu.memory_space<vmem>> -> memref<1x128x128xf32, #tpu.memory_space<vmem>>
    %dma_start3A_1578 = tpu.memref_squeeze %dma_start3A_1577 : memref<1x128x128xf32, #tpu.memory_space<vmem>> -> memref<128x128xf32, #tpu.memory_space<vmem>>
    %dma_start3A_1579 = arith.constant 0 : i32
    %dma_start3A_1580 = tpu.memref_slice %arg3[%add3A_1567, %dma_start3A_1579] : memref<102400x128xf32, #tpu.memory_space<hbm>> -> memref<128x128xf32, #tpu.memory_space<hbm>>
    tpu.enqueue_dma source(%dma_start3A_1580 : memref<128x128xf32, #tpu.memory_space<hbm>>) target(%dma_start3A_1578 : memref<128x128xf32, #tpu.memory_space<vmem>>) target_semaphore(%arg13 : memref<!tpu.dma_semaphore, #tpu.memory_space<semaphore_mem>>)
    %dma_wait3A_1581 = arith.constant 1 : i32
    %dma_wait3A_1582 = arith.constant 0 : i32
    %dma_wait3A_1583 = arith.constant 0 : i32
    %dma_wait3A_1584 = tpu.memref_slice %arg9[%dma_wait3A_1581, %dma_wait3A_1582, %dma_wait3A_1583] : memref<2x128x128xf32, #tpu.memory_space<vmem>> -> memref<1x128x128xf32, #tpu.memory_space<vmem>>
    %dma_wait3A_1585 = tpu.memref_squeeze %dma_wait3A_1584 : memref<1x128x128xf32, #tpu.memory_space<vmem>> -> memref<128x128xf32, #tpu.memory_space<vmem>>
    %dma_wait3A_1586 = arith.constant 0 : i32
    %dma_wait3A_1587 = tpu.memref_slice %arg3[%add3A_1515, %dma_wait3A_1586] : memref<102400x128xf32, #tpu.memory_space<hbm>> -> memref<128x128xf32, #tpu.memory_space<hbm>>
    %dma_wait3A_1588 = arith.constant 0 : i32
    %dma_wait3A_1589 = arith.constant 0 : i32
    %dma_wait3A_1590 = tpu.memref_slice %arg9[%dma_wait3A_1581, %dma_wait3A_1588, %dma_wait3A_1589] : memref<2x128x128xf32, #tpu.memory_space<vmem>> -> memref<1x128x128xf32, #tpu.memory_space<vmem>>
    %dma_wait3A_1591 = tpu.memref_squeeze %dma_wait3A_1590 : memref<1x128x128xf32, #tpu.memory_space<vmem>> -> memref<128x128xf32, #tpu.memory_space<vmem>>
    %dma_wait3A_1592 = arith.constant 0 : i32
    %dma_wait3A_1593 = tpu.memref_slice %arg3[%add3A_1515, %dma_wait3A_1592] : memref<102400x128xf32, #tpu.memory_space<hbm>> -> memref<128x128xf32, #tpu.memory_space<hbm>>
    tpu.wait_dma2 semaphore(%arg14 : memref<!tpu.dma_semaphore, #tpu.memory_space<semaphore_mem>>) src(%dma_wait3A_1593 : memref<128x128xf32, #tpu.memory_space<hbm>>) dst(%dma_wait3A_1591 : memref<128x128xf32, #tpu.memory_space<vmem>>)
    %dma_start3A_1594 = arith.constant 1 : i32
    %dma_start3A_1595 = arith.constant 1 : i32
    %dma_start3A_1596 = arith.constant 0 : i32
    %dma_start3A_1597 = arith.constant 0 : i32
    %dma_start3A_1598 = tpu.memref_slice %arg9[%dma_start3A_1594, %dma_start3A_1596, %dma_start3A_1597] : memref<2x128x128xf32, #tpu.memory_space<vmem>> -> memref<1x128x128xf32, #tpu.memory_space<vmem>>
    %dma_start3A_1599 = tpu.memref_squeeze %dma_start3A_1598 : memref<1x128x128xf32, #tpu.memory_space<vmem>> -> memref<128x128xf32, #tpu.memory_space<vmem>>
    %dma_start3A_1600 = arith.constant 0 : i32
    %dma_start3A_1601 = tpu.memref_slice %arg8[%dma_start3A_1595, %dma_start3A_1600] : memref<25x128xi32, #tpu.memory_space<vmem>> -> memref<1x128xi32, #tpu.memory_space<vmem>>
    %dma_start3A_1602 = tpu.memref_squeeze %dma_start3A_1601 : memref<1x128xi32, #tpu.memory_space<vmem>> -> memref<128xi32, #tpu.memory_space<vmem>>
    %dma_start3A_1603 = arith.constant 0 : i32
    %dma_start3A_1604 = arith.constant 0 : i32
    %dma_start3A_1605 = tpu.memref_slice %arg11[%dma_start3A_1603, %dma_start3A_1604] : memref<4112x128xf32, #tpu.memory_space<vmem_shared>> -> memref<4112x128xf32, #tpu.memory_space<vmem_shared>>
    tpu.enqueue_indirect_dma source(%dma_start3A_1599 : memref<128x128xf32, #tpu.memory_space<vmem>>) target(%dma_start3A_1605 : memref<4112x128xf32, #tpu.memory_space<vmem_shared>>) offsets(%dma_start3A_1602 : memref<128xi32, #tpu.memory_space<vmem>>) semaphore(%arg16 : memref<!tpu.dma_semaphore, #tpu.memory_space<semaphore_mem>>) {add = true}
    %dma_wait3A_1606 = arith.constant 1 : i32
    %dma_wait3A_1607 = arith.constant 1 : i32
    %dma_wait3A_1608 = arith.constant 0 : i32
    %dma_wait3A_1609 = arith.constant 0 : i32
    %dma_wait3A_1610 = tpu.memref_slice %arg9[%dma_wait3A_1606, %dma_wait3A_1608, %dma_wait3A_1609] : memref<2x128x128xf32, #tpu.memory_space<vmem>> -> memref<1x128x128xf32, #tpu.memory_space<vmem>>
    %dma_wait3A_1611 = tpu.memref_squeeze %dma_wait3A_1610 : memref<1x128x128xf32, #tpu.memory_space<vmem>> -> memref<128x128xf32, #tpu.memory_space<vmem>>
    %dma_wait3A_1612 = arith.constant 0 : i32
    %dma_wait3A_1613 = tpu.memref_slice %arg8[%dma_wait3A_1607, %dma_wait3A_1612] : memref<25x128xi32, #tpu.memory_space<vmem>> -> memref<1x128xi32, #tpu.memory_space<vmem>>
    %dma_wait3A_1614 = tpu.memref_squeeze %dma_wait3A_1613 : memref<1x128xi32, #tpu.memory_space<vmem>> -> memref<128xi32, #tpu.memory_space<vmem>>
    %dma_wait3A_1615 = arith.constant 0 : i32
    %dma_wait3A_1616 = arith.constant 0 : i32
    %dma_wait3A_1617 = tpu.memref_slice %arg11[%dma_wait3A_1615, %dma_wait3A_1616] : memref<4112x128xf32, #tpu.memory_space<vmem_shared>> -> memref<4112x128xf32, #tpu.memory_space<vmem_shared>>
    tpu.wait_indirect_dma semaphore(%arg16 : memref<!tpu.dma_semaphore, #tpu.memory_space<semaphore_mem>>) src(%dma_wait3A_1611 : memref<128x128xf32, #tpu.memory_space<vmem>>) dst(%dma_wait3A_1617 : memref<4112x128xf32, #tpu.memory_space<vmem_shared>>)
    %add3A_1618 = arith.constant 384 : i32
    %add3A_1619 = arith.addi %mul3A_2, %add3A_1618 : i32
    %dma_start3A_1620 = arith.constant 1 : i32
    %dma_start3A_1621 = arith.constant 0 : i32
    %dma_start3A_1622 = arith.constant 0 : i32
    %dma_start3A_1623 = tpu.memref_slice %arg9[%dma_start3A_1620, %dma_start3A_1621, %dma_start3A_1622] : memref<2x128x128xf32, #tpu.memory_space<vmem>> -> memref<1x128x128xf32, #tpu.memory_space<vmem>>
    %dma_start3A_1624 = tpu.memref_squeeze %dma_start3A_1623 : memref<1x128x128xf32, #tpu.memory_space<vmem>> -> memref<128x128xf32, #tpu.memory_space<vmem>>
    %dma_start3A_1625 = arith.constant 0 : i32
    %dma_start3A_1626 = tpu.memref_slice %arg3[%add3A_1619, %dma_start3A_1625] : memref<102400x128xf32, #tpu.memory_space<hbm>> -> memref<128x128xf32, #tpu.memory_space<hbm>>
    %dma_start3A_1627 = arith.constant 0 : i32
    %dma_start3A_1628 = arith.constant 0 : i32
    %dma_start3A_1629 = tpu.memref_slice %arg9[%dma_start3A_1620, %dma_start3A_1627, %dma_start3A_1628] : memref<2x128x128xf32, #tpu.memory_space<vmem>> -> memref<1x128x128xf32, #tpu.memory_space<vmem>>
    %dma_start3A_1630 = tpu.memref_squeeze %dma_start3A_1629 : memref<1x128x128xf32, #tpu.memory_space<vmem>> -> memref<128x128xf32, #tpu.memory_space<vmem>>
    %dma_start3A_1631 = arith.constant 0 : i32
    %dma_start3A_1632 = tpu.memref_slice %arg3[%add3A_1619, %dma_start3A_1631] : memref<102400x128xf32, #tpu.memory_space<hbm>> -> memref<128x128xf32, #tpu.memory_space<hbm>>
    tpu.enqueue_dma source(%dma_start3A_1632 : memref<128x128xf32, #tpu.memory_space<hbm>>) target(%dma_start3A_1630 : memref<128x128xf32, #tpu.memory_space<vmem>>) target_semaphore(%arg14 : memref<!tpu.dma_semaphore, #tpu.memory_space<semaphore_mem>>)
    %dma_wait3A_1633 = arith.constant 0 : i32
    %dma_wait3A_1634 = arith.constant 0 : i32
    %dma_wait3A_1635 = arith.constant 0 : i32
    %dma_wait3A_1636 = tpu.memref_slice %arg9[%dma_wait3A_1633, %dma_wait3A_1634, %dma_wait3A_1635] : memref<2x128x128xf32, #tpu.memory_space<vmem>> -> memref<1x128x128xf32, #tpu.memory_space<vmem>>
    %dma_wait3A_1637 = tpu.memref_squeeze %dma_wait3A_1636 : memref<1x128x128xf32, #tpu.memory_space<vmem>> -> memref<128x128xf32, #tpu.memory_space<vmem>>
    %dma_wait3A_1638 = arith.constant 0 : i32
    %dma_wait3A_1639 = tpu.memref_slice %arg3[%add3A_1567, %dma_wait3A_1638] : memref<102400x128xf32, #tpu.memory_space<hbm>> -> memref<128x128xf32, #tpu.memory_space<hbm>>
    %dma_wait3A_1640 = arith.constant 0 : i32
    %dma_wait3A_1641 = arith.constant 0 : i32
    %dma_wait3A_1642 = tpu.memref_slice %arg9[%dma_wait3A_1633, %dma_wait3A_1640, %dma_wait3A_1641] : memref<2x128x128xf32, #tpu.memory_space<vmem>> -> memref<1x128x128xf32, #tpu.memory_space<vmem>>
    %dma_wait3A_1643 = tpu.memref_squeeze %dma_wait3A_1642 : memref<1x128x128xf32, #tpu.memory_space<vmem>> -> memref<128x128xf32, #tpu.memory_space<vmem>>
    %dma_wait3A_1644 = arith.constant 0 : i32
    %dma_wait3A_1645 = tpu.memref_slice %arg3[%add3A_1567, %dma_wait3A_1644] : memref<102400x128xf32, #tpu.memory_space<hbm>> -> memref<128x128xf32, #tpu.memory_space<hbm>>
    tpu.wait_dma2 semaphore(%arg13 : memref<!tpu.dma_semaphore, #tpu.memory_space<semaphore_mem>>) src(%dma_wait3A_1645 : memref<128x128xf32, #tpu.memory_space<hbm>>) dst(%dma_wait3A_1643 : memref<128x128xf32, #tpu.memory_space<vmem>>)
    %dma_start3A_1646 = arith.constant 0 : i32
    %dma_start3A_1647 = arith.constant 2 : i32
    %dma_start3A_1648 = arith.constant 0 : i32
    %dma_start3A_1649 = arith.constant 0 : i32
    %dma_start3A_1650 = tpu.memref_slice %arg9[%dma_start3A_1646, %dma_start3A_1648, %dma_start3A_1649] : memref<2x128x128xf32, #tpu.memory_space<vmem>> -> memref<1x128x128xf32, #tpu.memory_space<vmem>>
    %dma_start3A_1651 = tpu.memref_squeeze %dma_start3A_1650 : memref<1x128x128xf32, #tpu.memory_space<vmem>> -> memref<128x128xf32, #tpu.memory_space<vmem>>
    %dma_start3A_1652 = arith.constant 0 : i32
    %dma_start3A_1653 = tpu.memref_slice %arg8[%dma_start3A_1647, %dma_start3A_1652] : memref<25x128xi32, #tpu.memory_space<vmem>> -> memref<1x128xi32, #tpu.memory_space<vmem>>
    %dma_start3A_1654 = tpu.memref_squeeze %dma_start3A_1653 : memref<1x128xi32, #tpu.memory_space<vmem>> -> memref<128xi32, #tpu.memory_space<vmem>>
    %dma_start3A_1655 = arith.constant 0 : i32
    %dma_start3A_1656 = arith.constant 0 : i32
    %dma_start3A_1657 = tpu.memref_slice %arg11[%dma_start3A_1655, %dma_start3A_1656] : memref<4112x128xf32, #tpu.memory_space<vmem_shared>> -> memref<4112x128xf32, #tpu.memory_space<vmem_shared>>
    tpu.enqueue_indirect_dma source(%dma_start3A_1651 : memref<128x128xf32, #tpu.memory_space<vmem>>) target(%dma_start3A_1657 : memref<4112x128xf32, #tpu.memory_space<vmem_shared>>) offsets(%dma_start3A_1654 : memref<128xi32, #tpu.memory_space<vmem>>) semaphore(%arg15 : memref<!tpu.dma_semaphore, #tpu.memory_space<semaphore_mem>>) {add = true}
    %dma_wait3A_1658 = arith.constant 0 : i32
    %dma_wait3A_1659 = arith.constant 2 : i32
    %dma_wait3A_1660 = arith.constant 0 : i32
    %dma_wait3A_1661 = arith.constant 0 : i32
    %dma_wait3A_1662 = tpu.memref_slice %arg9[%dma_wait3A_1658, %dma_wait3A_1660, %dma_wait3A_1661] : memref<2x128x128xf32, #tpu.memory_space<vmem>> -> memref<1x128x128xf32, #tpu.memory_space<vmem>>
    %dma_wait3A_1663 = tpu.memref_squeeze %dma_wait3A_1662 : memref<1x128x128xf32, #tpu.memory_space<vmem>> -> memref<128x128xf32, #tpu.memory_space<vmem>>
    %dma_wait3A_1664 = arith.constant 0 : i32
    %dma_wait3A_1665 = tpu.memref_slice %arg8[%dma_wait3A_1659, %dma_wait3A_1664] : memref<25x128xi32, #tpu.memory_space<vmem>> -> memref<1x128xi32, #tpu.memory_space<vmem>>
    %dma_wait3A_1666 = tpu.memref_squeeze %dma_wait3A_1665 : memref<1x128xi32, #tpu.memory_space<vmem>> -> memref<128xi32, #tpu.memory_space<vmem>>
    %dma_wait3A_1667 = arith.constant 0 : i32
    %dma_wait3A_1668 = arith.constant 0 : i32
    %dma_wait3A_1669 = tpu.memref_slice %arg11[%dma_wait3A_1667, %dma_wait3A_1668] : memref<4112x128xf32, #tpu.memory_space<vmem_shared>> -> memref<4112x128xf32, #tpu.memory_space<vmem_shared>>
    tpu.wait_indirect_dma semaphore(%arg15 : memref<!tpu.dma_semaphore, #tpu.memory_space<semaphore_mem>>) src(%dma_wait3A_1663 : memref<128x128xf32, #tpu.memory_space<vmem>>) dst(%dma_wait3A_1669 : memref<4112x128xf32, #tpu.memory_space<vmem_shared>>)
    %add3A_1670 = arith.constant 512 : i32
    %add3A_1671 = arith.addi %mul3A_2, %add3A_1670 : i32
    %dma_start3A_1672 = arith.constant 0 : i32
    %dma_start3A_1673 = arith.constant 0 : i32
    %dma_start3A_1674 = arith.constant 0 : i32
    %dma_start3A_1675 = tpu.memref_slice %arg9[%dma_start3A_1672, %dma_start3A_1673, %dma_start3A_1674] : memref<2x128x128xf32, #tpu.memory_space<vmem>> -> memref<1x128x128xf32, #tpu.memory_space<vmem>>
    %dma_start3A_1676 = tpu.memref_squeeze %dma_start3A_1675 : memref<1x128x128xf32, #tpu.memory_space<vmem>> -> memref<128x128xf32, #tpu.memory_space<vmem>>
    %dma_start3A_1677 = arith.constant 0 : i32
    %dma_start3A_1678 = tpu.memref_slice %arg3[%add3A_1671, %dma_start3A_1677] : memref<102400x128xf32, #tpu.memory_space<hbm>> -> memref<128x128xf32, #tpu.memory_space<hbm>>
    %dma_start3A_1679 = arith.constant 0 : i32
    %dma_start3A_1680 = arith.constant 0 : i32
    %dma_start3A_1681 = tpu.memref_slice %arg9[%dma_start3A_1672, %dma_start3A_1679, %dma_start3A_1680] : memref<2x128x128xf32, #tpu.memory_space<vmem>> -> memref<1x128x128xf32, #tpu.memory_space<vmem>>
    %dma_start3A_1682 = tpu.memref_squeeze %dma_start3A_1681 : memref<1x128x128xf32, #tpu.memory_space<vmem>> -> memref<128x128xf32, #tpu.memory_space<vmem>>
    %dma_start3A_1683 = arith.constant 0 : i32
    %dma_start3A_1684 = tpu.memref_slice %arg3[%add3A_1671, %dma_start3A_1683] : memref<102400x128xf32, #tpu.memory_space<hbm>> -> memref<128x128xf32, #tpu.memory_space<hbm>>
    tpu.enqueue_dma source(%dma_start3A_1684 : memref<128x128xf32, #tpu.memory_space<hbm>>) target(%dma_start3A_1682 : memref<128x128xf32, #tpu.memory_space<vmem>>) target_semaphore(%arg13 : memref<!tpu.dma_semaphore, #tpu.memory_space<semaphore_mem>>)
    %dma_wait3A_1685 = arith.constant 1 : i32
    %dma_wait3A_1686 = arith.constant 0 : i32
    %dma_wait3A_1687 = arith.constant 0 : i32
    %dma_wait3A_1688 = tpu.memref_slice %arg9[%dma_wait3A_1685, %dma_wait3A_1686, %dma_wait3A_1687] : memref<2x128x128xf32, #tpu.memory_space<vmem>> -> memref<1x128x128xf32, #tpu.memory_space<vmem>>
    %dma_wait3A_1689 = tpu.memref_squeeze %dma_wait3A_1688 : memref<1x128x128xf32, #tpu.memory_space<vmem>> -> memref<128x128xf32, #tpu.memory_space<vmem>>
    %dma_wait3A_1690 = arith.constant 0 : i32
    %dma_wait3A_1691 = tpu.memref_slice %arg3[%add3A_1619, %dma_wait3A_1690] : memref<102400x128xf32, #tpu.memory_space<hbm>> -> memref<128x128xf32, #tpu.memory_space<hbm>>
    %dma_wait3A_1692 = arith.constant 0 : i32
    %dma_wait3A_1693 = arith.constant 0 : i32
    %dma_wait3A_1694 = tpu.memref_slice %arg9[%dma_wait3A_1685, %dma_wait3A_1692, %dma_wait3A_1693] : memref<2x128x128xf32, #tpu.memory_space<vmem>> -> memref<1x128x128xf32, #tpu.memory_space<vmem>>
    %dma_wait3A_1695 = tpu.memref_squeeze %dma_wait3A_1694 : memref<1x128x128xf32, #tpu.memory_space<vmem>> -> memref<128x128xf32, #tpu.memory_space<vmem>>
    %dma_wait3A_1696 = arith.constant 0 : i32
    %dma_wait3A_1697 = tpu.memref_slice %arg3[%add3A_1619, %dma_wait3A_1696] : memref<102400x128xf32, #tpu.memory_space<hbm>> -> memref<128x128xf32, #tpu.memory_space<hbm>>
    tpu.wait_dma2 semaphore(%arg14 : memref<!tpu.dma_semaphore, #tpu.memory_space<semaphore_mem>>) src(%dma_wait3A_1697 : memref<128x128xf32, #tpu.memory_space<hbm>>) dst(%dma_wait3A_1695 : memref<128x128xf32, #tpu.memory_space<vmem>>)
    %dma_start3A_1698 = arith.constant 1 : i32
    %dma_start3A_1699 = arith.constant 3 : i32
    %dma_start3A_1700 = arith.constant 0 : i32
    %dma_start3A_1701 = arith.constant 0 : i32
    %dma_start3A_1702 = tpu.memref_slice %arg9[%dma_start3A_1698, %dma_start3A_1700, %dma_start3A_1701] : memref<2x128x128xf32, #tpu.memory_space<vmem>> -> memref<1x128x128xf32, #tpu.memory_space<vmem>>
    %dma_start3A_1703 = tpu.memref_squeeze %dma_start3A_1702 : memref<1x128x128xf32, #tpu.memory_space<vmem>> -> memref<128x128xf32, #tpu.memory_space<vmem>>
    %dma_start3A_1704 = arith.constant 0 : i32
    %dma_start3A_1705 = tpu.memref_slice %arg8[%dma_start3A_1699, %dma_start3A_1704] : memref<25x128xi32, #tpu.memory_space<vmem>> -> memref<1x128xi32, #tpu.memory_space<vmem>>
    %dma_start3A_1706 = tpu.memref_squeeze %dma_start3A_1705 : memref<1x128xi32, #tpu.memory_space<vmem>> -> memref<128xi32, #tpu.memory_space<vmem>>
    %dma_start3A_1707 = arith.constant 0 : i32
    %dma_start3A_1708 = arith.constant 0 : i32
    %dma_start3A_1709 = tpu.memref_slice %arg11[%dma_start3A_1707, %dma_start3A_1708] : memref<4112x128xf32, #tpu.memory_space<vmem_shared>> -> memref<4112x128xf32, #tpu.memory_space<vmem_shared>>
    tpu.enqueue_indirect_dma source(%dma_start3A_1703 : memref<128x128xf32, #tpu.memory_space<vmem>>) target(%dma_start3A_1709 : memref<4112x128xf32, #tpu.memory_space<vmem_shared>>) offsets(%dma_start3A_1706 : memref<128xi32, #tpu.memory_space<vmem>>) semaphore(%arg16 : memref<!tpu.dma_semaphore, #tpu.memory_space<semaphore_mem>>) {add = true}
    %dma_wait3A_1710 = arith.constant 1 : i32
    %dma_wait3A_1711 = arith.constant 3 : i32
    %dma_wait3A_1712 = arith.constant 0 : i32
    %dma_wait3A_1713 = arith.constant 0 : i32
    %dma_wait3A_1714 = tpu.memref_slice %arg9[%dma_wait3A_1710, %dma_wait3A_1712, %dma_wait3A_1713] : memref<2x128x128xf32, #tpu.memory_space<vmem>> -> memref<1x128x128xf32, #tpu.memory_space<vmem>>
    %dma_wait3A_1715 = tpu.memref_squeeze %dma_wait3A_1714 : memref<1x128x128xf32, #tpu.memory_space<vmem>> -> memref<128x128xf32, #tpu.memory_space<vmem>>
    %dma_wait3A_1716 = arith.constant 0 : i32
    %dma_wait3A_1717 = tpu.memref_slice %arg8[%dma_wait3A_1711, %dma_wait3A_1716] : memref<25x128xi32, #tpu.memory_space<vmem>> -> memref<1x128xi32, #tpu.memory_space<vmem>>
    %dma_wait3A_1718 = tpu.memref_squeeze %dma_wait3A_1717 : memref<1x128xi32, #tpu.memory_space<vmem>> -> memref<128xi32, #tpu.memory_space<vmem>>
    %dma_wait3A_1719 = arith.constant 0 : i32
    %dma_wait3A_1720 = arith.constant 0 : i32
    %dma_wait3A_1721 = tpu.memref_slice %arg11[%dma_wait3A_1719, %dma_wait3A_1720] : memref<4112x128xf32, #tpu.memory_space<vmem_shared>> -> memref<4112x128xf32, #tpu.memory_space<vmem_shared>>
    tpu.wait_indirect_dma semaphore(%arg16 : memref<!tpu.dma_semaphore, #tpu.memory_space<semaphore_mem>>) src(%dma_wait3A_1715 : memref<128x128xf32, #tpu.memory_space<vmem>>) dst(%dma_wait3A_1721 : memref<4112x128xf32, #tpu.memory_space<vmem_shared>>)
    %add3A_1722 = arith.constant 640 : i32
    %add3A_1723 = arith.addi %mul3A_2, %add3A_1722 : i32
    %dma_start3A_1724 = arith.constant 1 : i32
    %dma_start3A_1725 = arith.constant 0 : i32
    %dma_start3A_1726 = arith.constant 0 : i32
    %dma_start3A_1727 = tpu.memref_slice %arg9[%dma_start3A_1724, %dma_start3A_1725, %dma_start3A_1726] : memref<2x128x128xf32, #tpu.memory_space<vmem>> -> memref<1x128x128xf32, #tpu.memory_space<vmem>>
    %dma_start3A_1728 = tpu.memref_squeeze %dma_start3A_1727 : memref<1x128x128xf32, #tpu.memory_space<vmem>> -> memref<128x128xf32, #tpu.memory_space<vmem>>
    %dma_start3A_1729 = arith.constant 0 : i32
    %dma_start3A_1730 = tpu.memref_slice %arg3[%add3A_1723, %dma_start3A_1729] : memref<102400x128xf32, #tpu.memory_space<hbm>> -> memref<128x128xf32, #tpu.memory_space<hbm>>
    %dma_start3A_1731 = arith.constant 0 : i32
    %dma_start3A_1732 = arith.constant 0 : i32
    %dma_start3A_1733 = tpu.memref_slice %arg9[%dma_start3A_1724, %dma_start3A_1731, %dma_start3A_1732] : memref<2x128x128xf32, #tpu.memory_space<vmem>> -> memref<1x128x128xf32, #tpu.memory_space<vmem>>
    %dma_start3A_1734 = tpu.memref_squeeze %dma_start3A_1733 : memref<1x128x128xf32, #tpu.memory_space<vmem>> -> memref<128x128xf32, #tpu.memory_space<vmem>>
    %dma_start3A_1735 = arith.constant 0 : i32
    %dma_start3A_1736 = tpu.memref_slice %arg3[%add3A_1723, %dma_start3A_1735] : memref<102400x128xf32, #tpu.memory_space<hbm>> -> memref<128x128xf32, #tpu.memory_space<hbm>>
    tpu.enqueue_dma source(%dma_start3A_1736 : memref<128x128xf32, #tpu.memory_space<hbm>>) target(%dma_start3A_1734 : memref<128x128xf32, #tpu.memory_space<vmem>>) target_semaphore(%arg14 : memref<!tpu.dma_semaphore, #tpu.memory_space<semaphore_mem>>)
    %dma_wait3A_1737 = arith.constant 0 : i32
    %dma_wait3A_1738 = arith.constant 0 : i32
    %dma_wait3A_1739 = arith.constant 0 : i32
    %dma_wait3A_1740 = tpu.memref_slice %arg9[%dma_wait3A_1737, %dma_wait3A_1738, %dma_wait3A_1739] : memref<2x128x128xf32, #tpu.memory_space<vmem>> -> memref<1x128x128xf32, #tpu.memory_space<vmem>>
    %dma_wait3A_1741 = tpu.memref_squeeze %dma_wait3A_1740 : memref<1x128x128xf32, #tpu.memory_space<vmem>> -> memref<128x128xf32, #tpu.memory_space<vmem>>
    %dma_wait3A_1742 = arith.constant 0 : i32
    %dma_wait3A_1743 = tpu.memref_slice %arg3[%add3A_1671, %dma_wait3A_1742] : memref<102400x128xf32, #tpu.memory_space<hbm>> -> memref<128x128xf32, #tpu.memory_space<hbm>>
    %dma_wait3A_1744 = arith.constant 0 : i32
    %dma_wait3A_1745 = arith.constant 0 : i32
    %dma_wait3A_1746 = tpu.memref_slice %arg9[%dma_wait3A_1737, %dma_wait3A_1744, %dma_wait3A_1745] : memref<2x128x128xf32, #tpu.memory_space<vmem>> -> memref<1x128x128xf32, #tpu.memory_space<vmem>>
    %dma_wait3A_1747 = tpu.memref_squeeze %dma_wait3A_1746 : memref<1x128x128xf32, #tpu.memory_space<vmem>> -> memref<128x128xf32, #tpu.memory_space<vmem>>
    %dma_wait3A_1748 = arith.constant 0 : i32
    %dma_wait3A_1749 = tpu.memref_slice %arg3[%add3A_1671, %dma_wait3A_1748] : memref<102400x128xf32, #tpu.memory_space<hbm>> -> memref<128x128xf32, #tpu.memory_space<hbm>>
    tpu.wait_dma2 semaphore(%arg13 : memref<!tpu.dma_semaphore, #tpu.memory_space<semaphore_mem>>) src(%dma_wait3A_1749 : memref<128x128xf32, #tpu.memory_space<hbm>>) dst(%dma_wait3A_1747 : memref<128x128xf32, #tpu.memory_space<vmem>>)
    %dma_start3A_1750 = arith.constant 0 : i32
    %dma_start3A_1751 = arith.constant 4 : i32
    %dma_start3A_1752 = arith.constant 0 : i32
    %dma_start3A_1753 = arith.constant 0 : i32
    %dma_start3A_1754 = tpu.memref_slice %arg9[%dma_start3A_1750, %dma_start3A_1752, %dma_start3A_1753] : memref<2x128x128xf32, #tpu.memory_space<vmem>> -> memref<1x128x128xf32, #tpu.memory_space<vmem>>
    %dma_start3A_1755 = tpu.memref_squeeze %dma_start3A_1754 : memref<1x128x128xf32, #tpu.memory_space<vmem>> -> memref<128x128xf32, #tpu.memory_space<vmem>>
    %dma_start3A_1756 = arith.constant 0 : i32
    %dma_start3A_1757 = tpu.memref_slice %arg8[%dma_start3A_1751, %dma_start3A_1756] : memref<25x128xi32, #tpu.memory_space<vmem>> -> memref<1x128xi32, #tpu.memory_space<vmem>>
    %dma_start3A_1758 = tpu.memref_squeeze %dma_start3A_1757 : memref<1x128xi32, #tpu.memory_space<vmem>> -> memref<128xi32, #tpu.memory_space<vmem>>
    %dma_start3A_1759 = arith.constant 0 : i32
    %dma_start3A_1760 = arith.constant 0 : i32
    %dma_start3A_1761 = tpu.memref_slice %arg11[%dma_start3A_1759, %dma_start3A_1760] : memref<4112x128xf32, #tpu.memory_space<vmem_shared>> -> memref<4112x128xf32, #tpu.memory_space<vmem_shared>>
    tpu.enqueue_indirect_dma source(%dma_start3A_1755 : memref<128x128xf32, #tpu.memory_space<vmem>>) target(%dma_start3A_1761 : memref<4112x128xf32, #tpu.memory_space<vmem_shared>>) offsets(%dma_start3A_1758 : memref<128xi32, #tpu.memory_space<vmem>>) semaphore(%arg15 : memref<!tpu.dma_semaphore, #tpu.memory_space<semaphore_mem>>) {add = true}
    %dma_wait3A_1762 = arith.constant 0 : i32
    %dma_wait3A_1763 = arith.constant 4 : i32
    %dma_wait3A_1764 = arith.constant 0 : i32
    %dma_wait3A_1765 = arith.constant 0 : i32
    %dma_wait3A_1766 = tpu.memref_slice %arg9[%dma_wait3A_1762, %dma_wait3A_1764, %dma_wait3A_1765] : memref<2x128x128xf32, #tpu.memory_space<vmem>> -> memref<1x128x128xf32, #tpu.memory_space<vmem>>
    %dma_wait3A_1767 = tpu.memref_squeeze %dma_wait3A_1766 : memref<1x128x128xf32, #tpu.memory_space<vmem>> -> memref<128x128xf32, #tpu.memory_space<vmem>>
    %dma_wait3A_1768 = arith.constant 0 : i32
    %dma_wait3A_1769 = tpu.memref_slice %arg8[%dma_wait3A_1763, %dma_wait3A_1768] : memref<25x128xi32, #tpu.memory_space<vmem>> -> memref<1x128xi32, #tpu.memory_space<vmem>>
    %dma_wait3A_1770 = tpu.memref_squeeze %dma_wait3A_1769 : memref<1x128xi32, #tpu.memory_space<vmem>> -> memref<128xi32, #tpu.memory_space<vmem>>
    %dma_wait3A_1771 = arith.constant 0 : i32
    %dma_wait3A_1772 = arith.constant 0 : i32
    %dma_wait3A_1773 = tpu.memref_slice %arg11[%dma_wait3A_1771, %dma_wait3A_1772] : memref<4112x128xf32, #tpu.memory_space<vmem_shared>> -> memref<4112x128xf32, #tpu.memory_space<vmem_shared>>
    tpu.wait_indirect_dma semaphore(%arg15 : memref<!tpu.dma_semaphore, #tpu.memory_space<semaphore_mem>>) src(%dma_wait3A_1767 : memref<128x128xf32, #tpu.memory_space<vmem>>) dst(%dma_wait3A_1773 : memref<4112x128xf32, #tpu.memory_space<vmem_shared>>)
    %add3A_1774 = arith.constant 768 : i32
    %add3A_1775 = arith.addi %mul3A_2, %add3A_1774 : i32
    %dma_start3A_1776 = arith.constant 0 : i32
    %dma_start3A_1777 = arith.constant 0 : i32
    %dma_start3A_1778 = arith.constant 0 : i32
    %dma_start3A_1779 = tpu.memref_slice %arg9[%dma_start3A_1776, %dma_start3A_1777, %dma_start3A_1778] : memref<2x128x128xf32, #tpu.memory_space<vmem>> -> memref<1x128x128xf32, #tpu.memory_space<vmem>>
    %dma_start3A_1780 = tpu.memref_squeeze %dma_start3A_1779 : memref<1x128x128xf32, #tpu.memory_space<vmem>> -> memref<128x128xf32, #tpu.memory_space<vmem>>
    %dma_start3A_1781 = arith.constant 0 : i32
    %dma_start3A_1782 = tpu.memref_slice %arg3[%add3A_1775, %dma_start3A_1781] : memref<102400x128xf32, #tpu.memory_space<hbm>> -> memref<128x128xf32, #tpu.memory_space<hbm>>
    %dma_start3A_1783 = arith.constant 0 : i32
    %dma_start3A_1784 = arith.constant 0 : i32
    %dma_start3A_1785 = tpu.memref_slice %arg9[%dma_start3A_1776, %dma_start3A_1783, %dma_start3A_1784] : memref<2x128x128xf32, #tpu.memory_space<vmem>> -> memref<1x128x128xf32, #tpu.memory_space<vmem>>
    %dma_start3A_1786 = tpu.memref_squeeze %dma_start3A_1785 : memref<1x128x128xf32, #tpu.memory_space<vmem>> -> memref<128x128xf32, #tpu.memory_space<vmem>>
    %dma_start3A_1787 = arith.constant 0 : i32
    %dma_start3A_1788 = tpu.memref_slice %arg3[%add3A_1775, %dma_start3A_1787] : memref<102400x128xf32, #tpu.memory_space<hbm>> -> memref<128x128xf32, #tpu.memory_space<hbm>>
    tpu.enqueue_dma source(%dma_start3A_1788 : memref<128x128xf32, #tpu.memory_space<hbm>>) target(%dma_start3A_1786 : memref<128x128xf32, #tpu.memory_space<vmem>>) target_semaphore(%arg13 : memref<!tpu.dma_semaphore, #tpu.memory_space<semaphore_mem>>)
    %dma_wait3A_1789 = arith.constant 1 : i32
    %dma_wait3A_1790 = arith.constant 0 : i32
    %dma_wait3A_1791 = arith.constant 0 : i32
    %dma_wait3A_1792 = tpu.memref_slice %arg9[%dma_wait3A_1789, %dma_wait3A_1790, %dma_wait3A_1791] : memref<2x128x128xf32, #tpu.memory_space<vmem>> -> memref<1x128x128xf32, #tpu.memory_space<vmem>>
    %dma_wait3A_1793 = tpu.memref_squeeze %dma_wait3A_1792 : memref<1x128x128xf32, #tpu.memory_space<vmem>> -> memref<128x128xf32, #tpu.memory_space<vmem>>
    %dma_wait3A_1794 = arith.constant 0 : i32
    %dma_wait3A_1795 = tpu.memref_slice %arg3[%add3A_1723, %dma_wait3A_1794] : memref<102400x128xf32, #tpu.memory_space<hbm>> -> memref<128x128xf32, #tpu.memory_space<hbm>>
    %dma_wait3A_1796 = arith.constant 0 : i32
    %dma_wait3A_1797 = arith.constant 0 : i32
    %dma_wait3A_1798 = tpu.memref_slice %arg9[%dma_wait3A_1789, %dma_wait3A_1796, %dma_wait3A_1797] : memref<2x128x128xf32, #tpu.memory_space<vmem>> -> memref<1x128x128xf32, #tpu.memory_space<vmem>>
    %dma_wait3A_1799 = tpu.memref_squeeze %dma_wait3A_1798 : memref<1x128x128xf32, #tpu.memory_space<vmem>> -> memref<128x128xf32, #tpu.memory_space<vmem>>
    %dma_wait3A_1800 = arith.constant 0 : i32
    %dma_wait3A_1801 = tpu.memref_slice %arg3[%add3A_1723, %dma_wait3A_1800] : memref<102400x128xf32, #tpu.memory_space<hbm>> -> memref<128x128xf32, #tpu.memory_space<hbm>>
    tpu.wait_dma2 semaphore(%arg14 : memref<!tpu.dma_semaphore, #tpu.memory_space<semaphore_mem>>) src(%dma_wait3A_1801 : memref<128x128xf32, #tpu.memory_space<hbm>>) dst(%dma_wait3A_1799 : memref<128x128xf32, #tpu.memory_space<vmem>>)
    %dma_start3A_1802 = arith.constant 1 : i32
    %dma_start3A_1803 = arith.constant 5 : i32
    %dma_start3A_1804 = arith.constant 0 : i32
    %dma_start3A_1805 = arith.constant 0 : i32
    %dma_start3A_1806 = tpu.memref_slice %arg9[%dma_start3A_1802, %dma_start3A_1804, %dma_start3A_1805] : memref<2x128x128xf32, #tpu.memory_space<vmem>> -> memref<1x128x128xf32, #tpu.memory_space<vmem>>
    %dma_start3A_1807 = tpu.memref_squeeze %dma_start3A_1806 : memref<1x128x128xf32, #tpu.memory_space<vmem>> -> memref<128x128xf32, #tpu.memory_space<vmem>>
    %dma_start3A_1808 = arith.constant 0 : i32
    %dma_start3A_1809 = tpu.memref_slice %arg8[%dma_start3A_1803, %dma_start3A_1808] : memref<25x128xi32, #tpu.memory_space<vmem>> -> memref<1x128xi32, #tpu.memory_space<vmem>>
    %dma_start3A_1810 = tpu.memref_squeeze %dma_start3A_1809 : memref<1x128xi32, #tpu.memory_space<vmem>> -> memref<128xi32, #tpu.memory_space<vmem>>
    %dma_start3A_1811 = arith.constant 0 : i32
    %dma_start3A_1812 = arith.constant 0 : i32
    %dma_start3A_1813 = tpu.memref_slice %arg11[%dma_start3A_1811, %dma_start3A_1812] : memref<4112x128xf32, #tpu.memory_space<vmem_shared>> -> memref<4112x128xf32, #tpu.memory_space<vmem_shared>>
    tpu.enqueue_indirect_dma source(%dma_start3A_1807 : memref<128x128xf32, #tpu.memory_space<vmem>>) target(%dma_start3A_1813 : memref<4112x128xf32, #tpu.memory_space<vmem_shared>>) offsets(%dma_start3A_1810 : memref<128xi32, #tpu.memory_space<vmem>>) semaphore(%arg16 : memref<!tpu.dma_semaphore, #tpu.memory_space<semaphore_mem>>) {add = true}
    %dma_wait3A_1814 = arith.constant 1 : i32
    %dma_wait3A_1815 = arith.constant 5 : i32
    %dma_wait3A_1816 = arith.constant 0 : i32
    %dma_wait3A_1817 = arith.constant 0 : i32
    %dma_wait3A_1818 = tpu.memref_slice %arg9[%dma_wait3A_1814, %dma_wait3A_1816, %dma_wait3A_1817] : memref<2x128x128xf32, #tpu.memory_space<vmem>> -> memref<1x128x128xf32, #tpu.memory_space<vmem>>
    %dma_wait3A_1819 = tpu.memref_squeeze %dma_wait3A_1818 : memref<1x128x128xf32, #tpu.memory_space<vmem>> -> memref<128x128xf32, #tpu.memory_space<vmem>>
    %dma_wait3A_1820 = arith.constant 0 : i32
    %dma_wait3A_1821 = tpu.memref_slice %arg8[%dma_wait3A_1815, %dma_wait3A_1820] : memref<25x128xi32, #tpu.memory_space<vmem>> -> memref<1x128xi32, #tpu.memory_space<vmem>>
    %dma_wait3A_1822 = tpu.memref_squeeze %dma_wait3A_1821 : memref<1x128xi32, #tpu.memory_space<vmem>> -> memref<128xi32, #tpu.memory_space<vmem>>
    %dma_wait3A_1823 = arith.constant 0 : i32
    %dma_wait3A_1824 = arith.constant 0 : i32
    %dma_wait3A_1825 = tpu.memref_slice %arg11[%dma_wait3A_1823, %dma_wait3A_1824] : memref<4112x128xf32, #tpu.memory_space<vmem_shared>> -> memref<4112x128xf32, #tpu.memory_space<vmem_shared>>
    tpu.wait_indirect_dma semaphore(%arg16 : memref<!tpu.dma_semaphore, #tpu.memory_space<semaphore_mem>>) src(%dma_wait3A_1819 : memref<128x128xf32, #tpu.memory_space<vmem>>) dst(%dma_wait3A_1825 : memref<4112x128xf32, #tpu.memory_space<vmem_shared>>)
    %add3A_1826 = arith.constant 896 : i32
    %add3A_1827 = arith.addi %mul3A_2, %add3A_1826 : i32
    %dma_start3A_1828 = arith.constant 1 : i32
    %dma_start3A_1829 = arith.constant 0 : i32
    %dma_start3A_1830 = arith.constant 0 : i32
    %dma_start3A_1831 = tpu.memref_slice %arg9[%dma_start3A_1828, %dma_start3A_1829, %dma_start3A_1830] : memref<2x128x128xf32, #tpu.memory_space<vmem>> -> memref<1x128x128xf32, #tpu.memory_space<vmem>>
    %dma_start3A_1832 = tpu.memref_squeeze %dma_start3A_1831 : memref<1x128x128xf32, #tpu.memory_space<vmem>> -> memref<128x128xf32, #tpu.memory_space<vmem>>
    %dma_start3A_1833 = arith.constant 0 : i32
    %dma_start3A_1834 = tpu.memref_slice %arg3[%add3A_1827, %dma_start3A_1833] : memref<102400x128xf32, #tpu.memory_space<hbm>> -> memref<128x128xf32, #tpu.memory_space<hbm>>
    %dma_start3A_1835 = arith.constant 0 : i32
    %dma_start3A_1836 = arith.constant 0 : i32
    %dma_start3A_1837 = tpu.memref_slice %arg9[%dma_start3A_1828, %dma_start3A_1835, %dma_start3A_1836] : memref<2x128x128xf32, #tpu.memory_space<vmem>> -> memref<1x128x128xf32, #tpu.memory_space<vmem>>
    %dma_start3A_1838 = tpu.memref_squeeze %dma_start3A_1837 : memref<1x128x128xf32, #tpu.memory_space<vmem>> -> memref<128x128xf32, #tpu.memory_space<vmem>>
    %dma_start3A_1839 = arith.constant 0 : i32
    %dma_start3A_1840 = tpu.memref_slice %arg3[%add3A_1827, %dma_start3A_1839] : memref<102400x128xf32, #tpu.memory_space<hbm>> -> memref<128x128xf32, #tpu.memory_space<hbm>>
    tpu.enqueue_dma source(%dma_start3A_1840 : memref<128x128xf32, #tpu.memory_space<hbm>>) target(%dma_start3A_1838 : memref<128x128xf32, #tpu.memory_space<vmem>>) target_semaphore(%arg14 : memref<!tpu.dma_semaphore, #tpu.memory_space<semaphore_mem>>)
    %dma_wait3A_1841 = arith.constant 0 : i32
    %dma_wait3A_1842 = arith.constant 0 : i32
    %dma_wait3A_1843 = arith.constant 0 : i32
    %dma_wait3A_1844 = tpu.memref_slice %arg9[%dma_wait3A_1841, %dma_wait3A_1842, %dma_wait3A_1843] : memref<2x128x128xf32, #tpu.memory_space<vmem>> -> memref<1x128x128xf32, #tpu.memory_space<vmem>>
    %dma_wait3A_1845 = tpu.memref_squeeze %dma_wait3A_1844 : memref<1x128x128xf32, #tpu.memory_space<vmem>> -> memref<128x128xf32, #tpu.memory_space<vmem>>
    %dma_wait3A_1846 = arith.constant 0 : i32
    %dma_wait3A_1847 = tpu.memref_slice %arg3[%add3A_1775, %dma_wait3A_1846] : memref<102400x128xf32, #tpu.memory_space<hbm>> -> memref<128x128xf32, #tpu.memory_space<hbm>>
    %dma_wait3A_1848 = arith.constant 0 : i32
    %dma_wait3A_1849 = arith.constant 0 : i32
    %dma_wait3A_1850 = tpu.memref_slice %arg9[%dma_wait3A_1841, %dma_wait3A_1848, %dma_wait3A_1849] : memref<2x128x128xf32, #tpu.memory_space<vmem>> -> memref<1x128x128xf32, #tpu.memory_space<vmem>>
    %dma_wait3A_1851 = tpu.memref_squeeze %dma_wait3A_1850 : memref<1x128x128xf32, #tpu.memory_space<vmem>> -> memref<128x128xf32, #tpu.memory_space<vmem>>
    %dma_wait3A_1852 = arith.constant 0 : i32
    %dma_wait3A_1853 = tpu.memref_slice %arg3[%add3A_1775, %dma_wait3A_1852] : memref<102400x128xf32, #tpu.memory_space<hbm>> -> memref<128x128xf32, #tpu.memory_space<hbm>>
    tpu.wait_dma2 semaphore(%arg13 : memref<!tpu.dma_semaphore, #tpu.memory_space<semaphore_mem>>) src(%dma_wait3A_1853 : memref<128x128xf32, #tpu.memory_space<hbm>>) dst(%dma_wait3A_1851 : memref<128x128xf32, #tpu.memory_space<vmem>>)
    %dma_start3A_1854 = arith.constant 0 : i32
    %dma_start3A_1855 = arith.constant 6 : i32
    %dma_start3A_1856 = arith.constant 0 : i32
    %dma_start3A_1857 = arith.constant 0 : i32
    %dma_start3A_1858 = tpu.memref_slice %arg9[%dma_start3A_1854, %dma_start3A_1856, %dma_start3A_1857] : memref<2x128x128xf32, #tpu.memory_space<vmem>> -> memref<1x128x128xf32, #tpu.memory_space<vmem>>
    %dma_start3A_1859 = tpu.memref_squeeze %dma_start3A_1858 : memref<1x128x128xf32, #tpu.memory_space<vmem>> -> memref<128x128xf32, #tpu.memory_space<vmem>>
    %dma_start3A_1860 = arith.constant 0 : i32
    %dma_start3A_1861 = tpu.memref_slice %arg8[%dma_start3A_1855, %dma_start3A_1860] : memref<25x128xi32, #tpu.memory_space<vmem>> -> memref<1x128xi32, #tpu.memory_space<vmem>>
    %dma_start3A_1862 = tpu.memref_squeeze %dma_start3A_1861 : memref<1x128xi32, #tpu.memory_space<vmem>> -> memref<128xi32, #tpu.memory_space<vmem>>
    %dma_start3A_1863 = arith.constant 0 : i32
    %dma_start3A_1864 = arith.constant 0 : i32
    %dma_start3A_1865 = tpu.memref_slice %arg11[%dma_start3A_1863, %dma_start3A_1864] : memref<4112x128xf32, #tpu.memory_space<vmem_shared>> -> memref<4112x128xf32, #tpu.memory_space<vmem_shared>>
    tpu.enqueue_indirect_dma source(%dma_start3A_1859 : memref<128x128xf32, #tpu.memory_space<vmem>>) target(%dma_start3A_1865 : memref<4112x128xf32, #tpu.memory_space<vmem_shared>>) offsets(%dma_start3A_1862 : memref<128xi32, #tpu.memory_space<vmem>>) semaphore(%arg15 : memref<!tpu.dma_semaphore, #tpu.memory_space<semaphore_mem>>) {add = true}
    %dma_wait3A_1866 = arith.constant 0 : i32
    %dma_wait3A_1867 = arith.constant 6 : i32
    %dma_wait3A_1868 = arith.constant 0 : i32
    %dma_wait3A_1869 = arith.constant 0 : i32
    %dma_wait3A_1870 = tpu.memref_slice %arg9[%dma_wait3A_1866, %dma_wait3A_1868, %dma_wait3A_1869] : memref<2x128x128xf32, #tpu.memory_space<vmem>> -> memref<1x128x128xf32, #tpu.memory_space<vmem>>
    %dma_wait3A_1871 = tpu.memref_squeeze %dma_wait3A_1870 : memref<1x128x128xf32, #tpu.memory_space<vmem>> -> memref<128x128xf32, #tpu.memory_space<vmem>>
    %dma_wait3A_1872 = arith.constant 0 : i32
    %dma_wait3A_1873 = tpu.memref_slice %arg8[%dma_wait3A_1867, %dma_wait3A_1872] : memref<25x128xi32, #tpu.memory_space<vmem>> -> memref<1x128xi32, #tpu.memory_space<vmem>>
    %dma_wait3A_1874 = tpu.memref_squeeze %dma_wait3A_1873 : memref<1x128xi32, #tpu.memory_space<vmem>> -> memref<128xi32, #tpu.memory_space<vmem>>
    %dma_wait3A_1875 = arith.constant 0 : i32
    %dma_wait3A_1876 = arith.constant 0 : i32
    %dma_wait3A_1877 = tpu.memref_slice %arg11[%dma_wait3A_1875, %dma_wait3A_1876] : memref<4112x128xf32, #tpu.memory_space<vmem_shared>> -> memref<4112x128xf32, #tpu.memory_space<vmem_shared>>
    tpu.wait_indirect_dma semaphore(%arg15 : memref<!tpu.dma_semaphore, #tpu.memory_space<semaphore_mem>>) src(%dma_wait3A_1871 : memref<128x128xf32, #tpu.memory_space<vmem>>) dst(%dma_wait3A_1877 : memref<4112x128xf32, #tpu.memory_space<vmem_shared>>)
    %add3A_1878 = arith.constant 1024 : i32
    %add3A_1879 = arith.addi %mul3A_2, %add3A_1878 : i32
    %dma_start3A_1880 = arith.constant 0 : i32
    %dma_start3A_1881 = arith.constant 0 : i32
    %dma_start3A_1882 = arith.constant 0 : i32
    %dma_start3A_1883 = tpu.memref_slice %arg9[%dma_start3A_1880, %dma_start3A_1881, %dma_start3A_1882] : memref<2x128x128xf32, #tpu.memory_space<vmem>> -> memref<1x128x128xf32, #tpu.memory_space<vmem>>
    %dma_start3A_1884 = tpu.memref_squeeze %dma_start3A_1883 : memref<1x128x128xf32, #tpu.memory_space<vmem>> -> memref<128x128xf32, #tpu.memory_space<vmem>>
    %dma_start3A_1885 = arith.constant 0 : i32
    %dma_start3A_1886 = tpu.memref_slice %arg3[%add3A_1879, %dma_start3A_1885] : memref<102400x128xf32, #tpu.memory_space<hbm>> -> memref<128x128xf32, #tpu.memory_space<hbm>>
    %dma_start3A_1887 = arith.constant 0 : i32
    %dma_start3A_1888 = arith.constant 0 : i32
    %dma_start3A_1889 = tpu.memref_slice %arg9[%dma_start3A_1880, %dma_start3A_1887, %dma_start3A_1888] : memref<2x128x128xf32, #tpu.memory_space<vmem>> -> memref<1x128x128xf32, #tpu.memory_space<vmem>>
    %dma_start3A_1890 = tpu.memref_squeeze %dma_start3A_1889 : memref<1x128x128xf32, #tpu.memory_space<vmem>> -> memref<128x128xf32, #tpu.memory_space<vmem>>
    %dma_start3A_1891 = arith.constant 0 : i32
    %dma_start3A_1892 = tpu.memref_slice %arg3[%add3A_1879, %dma_start3A_1891] : memref<102400x128xf32, #tpu.memory_space<hbm>> -> memref<128x128xf32, #tpu.memory_space<hbm>>
    tpu.enqueue_dma source(%dma_start3A_1892 : memref<128x128xf32, #tpu.memory_space<hbm>>) target(%dma_start3A_1890 : memref<128x128xf32, #tpu.memory_space<vmem>>) target_semaphore(%arg13 : memref<!tpu.dma_semaphore, #tpu.memory_space<semaphore_mem>>)
    %dma_wait3A_1893 = arith.constant 1 : i32
    %dma_wait3A_1894 = arith.constant 0 : i32
    %dma_wait3A_1895 = arith.constant 0 : i32
    %dma_wait3A_1896 = tpu.memref_slice %arg9[%dma_wait3A_1893, %dma_wait3A_1894, %dma_wait3A_1895] : memref<2x128x128xf32, #tpu.memory_space<vmem>> -> memref<1x128x128xf32, #tpu.memory_space<vmem>>
    %dma_wait3A_1897 = tpu.memref_squeeze %dma_wait3A_1896 : memref<1x128x128xf32, #tpu.memory_space<vmem>> -> memref<128x128xf32, #tpu.memory_space<vmem>>
    %dma_wait3A_1898 = arith.constant 0 : i32
    %dma_wait3A_1899 = tpu.memref_slice %arg3[%add3A_1827, %dma_wait3A_1898] : memref<102400x128xf32, #tpu.memory_space<hbm>> -> memref<128x128xf32, #tpu.memory_space<hbm>>
    %dma_wait3A_1900 = arith.constant 0 : i32
    %dma_wait3A_1901 = arith.constant 0 : i32
    %dma_wait3A_1902 = tpu.memref_slice %arg9[%dma_wait3A_1893, %dma_wait3A_1900, %dma_wait3A_1901] : memref<2x128x128xf32, #tpu.memory_space<vmem>> -> memref<1x128x128xf32, #tpu.memory_space<vmem>>
    %dma_wait3A_1903 = tpu.memref_squeeze %dma_wait3A_1902 : memref<1x128x128xf32, #tpu.memory_space<vmem>> -> memref<128x128xf32, #tpu.memory_space<vmem>>
    %dma_wait3A_1904 = arith.constant 0 : i32
    %dma_wait3A_1905 = tpu.memref_slice %arg3[%add3A_1827, %dma_wait3A_1904] : memref<102400x128xf32, #tpu.memory_space<hbm>> -> memref<128x128xf32, #tpu.memory_space<hbm>>
    tpu.wait_dma2 semaphore(%arg14 : memref<!tpu.dma_semaphore, #tpu.memory_space<semaphore_mem>>) src(%dma_wait3A_1905 : memref<128x128xf32, #tpu.memory_space<hbm>>) dst(%dma_wait3A_1903 : memref<128x128xf32, #tpu.memory_space<vmem>>)
    %dma_start3A_1906 = arith.constant 1 : i32
    %dma_start3A_1907 = arith.constant 7 : i32
    %dma_start3A_1908 = arith.constant 0 : i32
    %dma_start3A_1909 = arith.constant 0 : i32
    %dma_start3A_1910 = tpu.memref_slice %arg9[%dma_start3A_1906, %dma_start3A_1908, %dma_start3A_1909] : memref<2x128x128xf32, #tpu.memory_space<vmem>> -> memref<1x128x128xf32, #tpu.memory_space<vmem>>
    %dma_start3A_1911 = tpu.memref_squeeze %dma_start3A_1910 : memref<1x128x128xf32, #tpu.memory_space<vmem>> -> memref<128x128xf32, #tpu.memory_space<vmem>>
    %dma_start3A_1912 = arith.constant 0 : i32
    %dma_start3A_1913 = tpu.memref_slice %arg8[%dma_start3A_1907, %dma_start3A_1912] : memref<25x128xi32, #tpu.memory_space<vmem>> -> memref<1x128xi32, #tpu.memory_space<vmem>>
    %dma_start3A_1914 = tpu.memref_squeeze %dma_start3A_1913 : memref<1x128xi32, #tpu.memory_space<vmem>> -> memref<128xi32, #tpu.memory_space<vmem>>
    %dma_start3A_1915 = arith.constant 0 : i32
    %dma_start3A_1916 = arith.constant 0 : i32
    %dma_start3A_1917 = tpu.memref_slice %arg11[%dma_start3A_1915, %dma_start3A_1916] : memref<4112x128xf32, #tpu.memory_space<vmem_shared>> -> memref<4112x128xf32, #tpu.memory_space<vmem_shared>>
    tpu.enqueue_indirect_dma source(%dma_start3A_1911 : memref<128x128xf32, #tpu.memory_space<vmem>>) target(%dma_start3A_1917 : memref<4112x128xf32, #tpu.memory_space<vmem_shared>>) offsets(%dma_start3A_1914 : memref<128xi32, #tpu.memory_space<vmem>>) semaphore(%arg16 : memref<!tpu.dma_semaphore, #tpu.memory_space<semaphore_mem>>) {add = true}
    %dma_wait3A_1918 = arith.constant 1 : i32
    %dma_wait3A_1919 = arith.constant 7 : i32
    %dma_wait3A_1920 = arith.constant 0 : i32
    %dma_wait3A_1921 = arith.constant 0 : i32
    %dma_wait3A_1922 = tpu.memref_slice %arg9[%dma_wait3A_1918, %dma_wait3A_1920, %dma_wait3A_1921] : memref<2x128x128xf32, #tpu.memory_space<vmem>> -> memref<1x128x128xf32, #tpu.memory_space<vmem>>
    %dma_wait3A_1923 = tpu.memref_squeeze %dma_wait3A_1922 : memref<1x128x128xf32, #tpu.memory_space<vmem>> -> memref<128x128xf32, #tpu.memory_space<vmem>>
    %dma_wait3A_1924 = arith.constant 0 : i32
    %dma_wait3A_1925 = tpu.memref_slice %arg8[%dma_wait3A_1919, %dma_wait3A_1924] : memref<25x128xi32, #tpu.memory_space<vmem>> -> memref<1x128xi32, #tpu.memory_space<vmem>>
    %dma_wait3A_1926 = tpu.memref_squeeze %dma_wait3A_1925 : memref<1x128xi32, #tpu.memory_space<vmem>> -> memref<128xi32, #tpu.memory_space<vmem>>
    %dma_wait3A_1927 = arith.constant 0 : i32
    %dma_wait3A_1928 = arith.constant 0 : i32
    %dma_wait3A_1929 = tpu.memref_slice %arg11[%dma_wait3A_1927, %dma_wait3A_1928] : memref<4112x128xf32, #tpu.memory_space<vmem_shared>> -> memref<4112x128xf32, #tpu.memory_space<vmem_shared>>
    tpu.wait_indirect_dma semaphore(%arg16 : memref<!tpu.dma_semaphore, #tpu.memory_space<semaphore_mem>>) src(%dma_wait3A_1923 : memref<128x128xf32, #tpu.memory_space<vmem>>) dst(%dma_wait3A_1929 : memref<4112x128xf32, #tpu.memory_space<vmem_shared>>)
    %add3A_1930 = arith.constant 1152 : i32
    %add3A_1931 = arith.addi %mul3A_2, %add3A_1930 : i32
    %dma_start3A_1932 = arith.constant 1 : i32
    %dma_start3A_1933 = arith.constant 0 : i32
    %dma_start3A_1934 = arith.constant 0 : i32
    %dma_start3A_1935 = tpu.memref_slice %arg9[%dma_start3A_1932, %dma_start3A_1933, %dma_start3A_1934] : memref<2x128x128xf32, #tpu.memory_space<vmem>> -> memref<1x128x128xf32, #tpu.memory_space<vmem>>
    %dma_start3A_1936 = tpu.memref_squeeze %dma_start3A_1935 : memref<1x128x128xf32, #tpu.memory_space<vmem>> -> memref<128x128xf32, #tpu.memory_space<vmem>>
    %dma_start3A_1937 = arith.constant 0 : i32
    %dma_start3A_1938 = tpu.memref_slice %arg3[%add3A_1931, %dma_start3A_1937] : memref<102400x128xf32, #tpu.memory_space<hbm>> -> memref<128x128xf32, #tpu.memory_space<hbm>>
    %dma_start3A_1939 = arith.constant 0 : i32
    %dma_start3A_1940 = arith.constant 0 : i32
    %dma_start3A_1941 = tpu.memref_slice %arg9[%dma_start3A_1932, %dma_start3A_1939, %dma_start3A_1940] : memref<2x128x128xf32, #tpu.memory_space<vmem>> -> memref<1x128x128xf32, #tpu.memory_space<vmem>>
    %dma_start3A_1942 = tpu.memref_squeeze %dma_start3A_1941 : memref<1x128x128xf32, #tpu.memory_space<vmem>> -> memref<128x128xf32, #tpu.memory_space<vmem>>
    %dma_start3A_1943 = arith.constant 0 : i32
    %dma_start3A_1944 = tpu.memref_slice %arg3[%add3A_1931, %dma_start3A_1943] : memref<102400x128xf32, #tpu.memory_space<hbm>> -> memref<128x128xf32, #tpu.memory_space<hbm>>
    tpu.enqueue_dma source(%dma_start3A_1944 : memref<128x128xf32, #tpu.memory_space<hbm>>) target(%dma_start3A_1942 : memref<128x128xf32, #tpu.memory_space<vmem>>) target_semaphore(%arg14 : memref<!tpu.dma_semaphore, #tpu.memory_space<semaphore_mem>>)
    %dma_wait3A_1945 = arith.constant 0 : i32
    %dma_wait3A_1946 = arith.constant 0 : i32
    %dma_wait3A_1947 = arith.constant 0 : i32
    %dma_wait3A_1948 = tpu.memref_slice %arg9[%dma_wait3A_1945, %dma_wait3A_1946, %dma_wait3A_1947] : memref<2x128x128xf32, #tpu.memory_space<vmem>> -> memref<1x128x128xf32, #tpu.memory_space<vmem>>
    %dma_wait3A_1949 = tpu.memref_squeeze %dma_wait3A_1948 : memref<1x128x128xf32, #tpu.memory_space<vmem>> -> memref<128x128xf32, #tpu.memory_space<vmem>>
    %dma_wait3A_1950 = arith.constant 0 : i32
    %dma_wait3A_1951 = tpu.memref_slice %arg3[%add3A_1879, %dma_wait3A_1950] : memref<102400x128xf32, #tpu.memory_space<hbm>> -> memref<128x128xf32, #tpu.memory_space<hbm>>
    %dma_wait3A_1952 = arith.constant 0 : i32
    %dma_wait3A_1953 = arith.constant 0 : i32
    %dma_wait3A_1954 = tpu.memref_slice %arg9[%dma_wait3A_1945, %dma_wait3A_1952, %dma_wait3A_1953] : memref<2x128x128xf32, #tpu.memory_space<vmem>> -> memref<1x128x128xf32, #tpu.memory_space<vmem>>
    %dma_wait3A_1955 = tpu.memref_squeeze %dma_wait3A_1954 : memref<1x128x128xf32, #tpu.memory_space<vmem>> -> memref<128x128xf32, #tpu.memory_space<vmem>>
    %dma_wait3A_1956 = arith.constant 0 : i32
    %dma_wait3A_1957 = tpu.memref_slice %arg3[%add3A_1879, %dma_wait3A_1956] : memref<102400x128xf32, #tpu.memory_space<hbm>> -> memref<128x128xf32, #tpu.memory_space<hbm>>
    tpu.wait_dma2 semaphore(%arg13 : memref<!tpu.dma_semaphore, #tpu.memory_space<semaphore_mem>>) src(%dma_wait3A_1957 : memref<128x128xf32, #tpu.memory_space<hbm>>) dst(%dma_wait3A_1955 : memref<128x128xf32, #tpu.memory_space<vmem>>)
    %dma_start3A_1958 = arith.constant 0 : i32
    %dma_start3A_1959 = arith.constant 8 : i32
    %dma_start3A_1960 = arith.constant 0 : i32
    %dma_start3A_1961 = arith.constant 0 : i32
    %dma_start3A_1962 = tpu.memref_slice %arg9[%dma_start3A_1958, %dma_start3A_1960, %dma_start3A_1961] : memref<2x128x128xf32, #tpu.memory_space<vmem>> -> memref<1x128x128xf32, #tpu.memory_space<vmem>>
    %dma_start3A_1963 = tpu.memref_squeeze %dma_start3A_1962 : memref<1x128x128xf32, #tpu.memory_space<vmem>> -> memref<128x128xf32, #tpu.memory_space<vmem>>
    %dma_start3A_1964 = arith.constant 0 : i32
    %dma_start3A_1965 = tpu.memref_slice %arg8[%dma_start3A_1959, %dma_start3A_1964] : memref<25x128xi32, #tpu.memory_space<vmem>> -> memref<1x128xi32, #tpu.memory_space<vmem>>
    %dma_start3A_1966 = tpu.memref_squeeze %dma_start3A_1965 : memref<1x128xi32, #tpu.memory_space<vmem>> -> memref<128xi32, #tpu.memory_space<vmem>>
    %dma_start3A_1967 = arith.constant 0 : i32
    %dma_start3A_1968 = arith.constant 0 : i32
    %dma_start3A_1969 = tpu.memref_slice %arg11[%dma_start3A_1967, %dma_start3A_1968] : memref<4112x128xf32, #tpu.memory_space<vmem_shared>> -> memref<4112x128xf32, #tpu.memory_space<vmem_shared>>
    tpu.enqueue_indirect_dma source(%dma_start3A_1963 : memref<128x128xf32, #tpu.memory_space<vmem>>) target(%dma_start3A_1969 : memref<4112x128xf32, #tpu.memory_space<vmem_shared>>) offsets(%dma_start3A_1966 : memref<128xi32, #tpu.memory_space<vmem>>) semaphore(%arg15 : memref<!tpu.dma_semaphore, #tpu.memory_space<semaphore_mem>>) {add = true}
    %dma_wait3A_1970 = arith.constant 0 : i32
    %dma_wait3A_1971 = arith.constant 8 : i32
    %dma_wait3A_1972 = arith.constant 0 : i32
    %dma_wait3A_1973 = arith.constant 0 : i32
    %dma_wait3A_1974 = tpu.memref_slice %arg9[%dma_wait3A_1970, %dma_wait3A_1972, %dma_wait3A_1973] : memref<2x128x128xf32, #tpu.memory_space<vmem>> -> memref<1x128x128xf32, #tpu.memory_space<vmem>>
    %dma_wait3A_1975 = tpu.memref_squeeze %dma_wait3A_1974 : memref<1x128x128xf32, #tpu.memory_space<vmem>> -> memref<128x128xf32, #tpu.memory_space<vmem>>
    %dma_wait3A_1976 = arith.constant 0 : i32
    %dma_wait3A_1977 = tpu.memref_slice %arg8[%dma_wait3A_1971, %dma_wait3A_1976] : memref<25x128xi32, #tpu.memory_space<vmem>> -> memref<1x128xi32, #tpu.memory_space<vmem>>
    %dma_wait3A_1978 = tpu.memref_squeeze %dma_wait3A_1977 : memref<1x128xi32, #tpu.memory_space<vmem>> -> memref<128xi32, #tpu.memory_space<vmem>>
    %dma_wait3A_1979 = arith.constant 0 : i32
    %dma_wait3A_1980 = arith.constant 0 : i32
    %dma_wait3A_1981 = tpu.memref_slice %arg11[%dma_wait3A_1979, %dma_wait3A_1980] : memref<4112x128xf32, #tpu.memory_space<vmem_shared>> -> memref<4112x128xf32, #tpu.memory_space<vmem_shared>>
    tpu.wait_indirect_dma semaphore(%arg15 : memref<!tpu.dma_semaphore, #tpu.memory_space<semaphore_mem>>) src(%dma_wait3A_1975 : memref<128x128xf32, #tpu.memory_space<vmem>>) dst(%dma_wait3A_1981 : memref<4112x128xf32, #tpu.memory_space<vmem_shared>>)
    %add3A_1982 = arith.constant 1280 : i32
    %add3A_1983 = arith.addi %mul3A_2, %add3A_1982 : i32
    %dma_start3A_1984 = arith.constant 0 : i32
    %dma_start3A_1985 = arith.constant 0 : i32
    %dma_start3A_1986 = arith.constant 0 : i32
    %dma_start3A_1987 = tpu.memref_slice %arg9[%dma_start3A_1984, %dma_start3A_1985, %dma_start3A_1986] : memref<2x128x128xf32, #tpu.memory_space<vmem>> -> memref<1x128x128xf32, #tpu.memory_space<vmem>>
    %dma_start3A_1988 = tpu.memref_squeeze %dma_start3A_1987 : memref<1x128x128xf32, #tpu.memory_space<vmem>> -> memref<128x128xf32, #tpu.memory_space<vmem>>
    %dma_start3A_1989 = arith.constant 0 : i32
    %dma_start3A_1990 = tpu.memref_slice %arg3[%add3A_1983, %dma_start3A_1989] : memref<102400x128xf32, #tpu.memory_space<hbm>> -> memref<128x128xf32, #tpu.memory_space<hbm>>
    %dma_start3A_1991 = arith.constant 0 : i32
    %dma_start3A_1992 = arith.constant 0 : i32
    %dma_start3A_1993 = tpu.memref_slice %arg9[%dma_start3A_1984, %dma_start3A_1991, %dma_start3A_1992] : memref<2x128x128xf32, #tpu.memory_space<vmem>> -> memref<1x128x128xf32, #tpu.memory_space<vmem>>
    %dma_start3A_1994 = tpu.memref_squeeze %dma_start3A_1993 : memref<1x128x128xf32, #tpu.memory_space<vmem>> -> memref<128x128xf32, #tpu.memory_space<vmem>>
    %dma_start3A_1995 = arith.constant 0 : i32
    %dma_start3A_1996 = tpu.memref_slice %arg3[%add3A_1983, %dma_start3A_1995] : memref<102400x128xf32, #tpu.memory_space<hbm>> -> memref<128x128xf32, #tpu.memory_space<hbm>>
    tpu.enqueue_dma source(%dma_start3A_1996 : memref<128x128xf32, #tpu.memory_space<hbm>>) target(%dma_start3A_1994 : memref<128x128xf32, #tpu.memory_space<vmem>>) target_semaphore(%arg13 : memref<!tpu.dma_semaphore, #tpu.memory_space<semaphore_mem>>)
    %dma_wait3A_1997 = arith.constant 1 : i32
    %dma_wait3A_1998 = arith.constant 0 : i32
    %dma_wait3A_1999 = arith.constant 0 : i32
    %dma_wait3A_2000 = tpu.memref_slice %arg9[%dma_wait3A_1997, %dma_wait3A_1998, %dma_wait3A_1999] : memref<2x128x128xf32, #tpu.memory_space<vmem>> -> memref<1x128x128xf32, #tpu.memory_space<vmem>>
    %dma_wait3A_2001 = tpu.memref_squeeze %dma_wait3A_2000 : memref<1x128x128xf32, #tpu.memory_space<vmem>> -> memref<128x128xf32, #tpu.memory_space<vmem>>
    %dma_wait3A_2002 = arith.constant 0 : i32
    %dma_wait3A_2003 = tpu.memref_slice %arg3[%add3A_1931, %dma_wait3A_2002] : memref<102400x128xf32, #tpu.memory_space<hbm>> -> memref<128x128xf32, #tpu.memory_space<hbm>>
    %dma_wait3A_2004 = arith.constant 0 : i32
    %dma_wait3A_2005 = arith.constant 0 : i32
    %dma_wait3A_2006 = tpu.memref_slice %arg9[%dma_wait3A_1997, %dma_wait3A_2004, %dma_wait3A_2005] : memref<2x128x128xf32, #tpu.memory_space<vmem>> -> memref<1x128x128xf32, #tpu.memory_space<vmem>>
    %dma_wait3A_2007 = tpu.memref_squeeze %dma_wait3A_2006 : memref<1x128x128xf32, #tpu.memory_space<vmem>> -> memref<128x128xf32, #tpu.memory_space<vmem>>
    %dma_wait3A_2008 = arith.constant 0 : i32
    %dma_wait3A_2009 = tpu.memref_slice %arg3[%add3A_1931, %dma_wait3A_2008] : memref<102400x128xf32, #tpu.memory_space<hbm>> -> memref<128x128xf32, #tpu.memory_space<hbm>>
    tpu.wait_dma2 semaphore(%arg14 : memref<!tpu.dma_semaphore, #tpu.memory_space<semaphore_mem>>) src(%dma_wait3A_2009 : memref<128x128xf32, #tpu.memory_space<hbm>>) dst(%dma_wait3A_2007 : memref<128x128xf32, #tpu.memory_space<vmem>>)
    %dma_start3A_2010 = arith.constant 1 : i32
    %dma_start3A_2011 = arith.constant 9 : i32
    %dma_start3A_2012 = arith.constant 0 : i32
    %dma_start3A_2013 = arith.constant 0 : i32
    %dma_start3A_2014 = tpu.memref_slice %arg9[%dma_start3A_2010, %dma_start3A_2012, %dma_start3A_2013] : memref<2x128x128xf32, #tpu.memory_space<vmem>> -> memref<1x128x128xf32, #tpu.memory_space<vmem>>
    %dma_start3A_2015 = tpu.memref_squeeze %dma_start3A_2014 : memref<1x128x128xf32, #tpu.memory_space<vmem>> -> memref<128x128xf32, #tpu.memory_space<vmem>>
    %dma_start3A_2016 = arith.constant 0 : i32
    %dma_start3A_2017 = tpu.memref_slice %arg8[%dma_start3A_2011, %dma_start3A_2016] : memref<25x128xi32, #tpu.memory_space<vmem>> -> memref<1x128xi32, #tpu.memory_space<vmem>>
    %dma_start3A_2018 = tpu.memref_squeeze %dma_start3A_2017 : memref<1x128xi32, #tpu.memory_space<vmem>> -> memref<128xi32, #tpu.memory_space<vmem>>
    %dma_start3A_2019 = arith.constant 0 : i32
    %dma_start3A_2020 = arith.constant 0 : i32
    %dma_start3A_2021 = tpu.memref_slice %arg11[%dma_start3A_2019, %dma_start3A_2020] : memref<4112x128xf32, #tpu.memory_space<vmem_shared>> -> memref<4112x128xf32, #tpu.memory_space<vmem_shared>>
    tpu.enqueue_indirect_dma source(%dma_start3A_2015 : memref<128x128xf32, #tpu.memory_space<vmem>>) target(%dma_start3A_2021 : memref<4112x128xf32, #tpu.memory_space<vmem_shared>>) offsets(%dma_start3A_2018 : memref<128xi32, #tpu.memory_space<vmem>>) semaphore(%arg16 : memref<!tpu.dma_semaphore, #tpu.memory_space<semaphore_mem>>) {add = true}
    %dma_wait3A_2022 = arith.constant 1 : i32
    %dma_wait3A_2023 = arith.constant 9 : i32
    %dma_wait3A_2024 = arith.constant 0 : i32
    %dma_wait3A_2025 = arith.constant 0 : i32
    %dma_wait3A_2026 = tpu.memref_slice %arg9[%dma_wait3A_2022, %dma_wait3A_2024, %dma_wait3A_2025] : memref<2x128x128xf32, #tpu.memory_space<vmem>> -> memref<1x128x128xf32, #tpu.memory_space<vmem>>
    %dma_wait3A_2027 = tpu.memref_squeeze %dma_wait3A_2026 : memref<1x128x128xf32, #tpu.memory_space<vmem>> -> memref<128x128xf32, #tpu.memory_space<vmem>>
    %dma_wait3A_2028 = arith.constant 0 : i32
    %dma_wait3A_2029 = tpu.memref_slice %arg8[%dma_wait3A_2023, %dma_wait3A_2028] : memref<25x128xi32, #tpu.memory_space<vmem>> -> memref<1x128xi32, #tpu.memory_space<vmem>>
    %dma_wait3A_2030 = tpu.memref_squeeze %dma_wait3A_2029 : memref<1x128xi32, #tpu.memory_space<vmem>> -> memref<128xi32, #tpu.memory_space<vmem>>
    %dma_wait3A_2031 = arith.constant 0 : i32
    %dma_wait3A_2032 = arith.constant 0 : i32
    %dma_wait3A_2033 = tpu.memref_slice %arg11[%dma_wait3A_2031, %dma_wait3A_2032] : memref<4112x128xf32, #tpu.memory_space<vmem_shared>> -> memref<4112x128xf32, #tpu.memory_space<vmem_shared>>
    tpu.wait_indirect_dma semaphore(%arg16 : memref<!tpu.dma_semaphore, #tpu.memory_space<semaphore_mem>>) src(%dma_wait3A_2027 : memref<128x128xf32, #tpu.memory_space<vmem>>) dst(%dma_wait3A_2033 : memref<4112x128xf32, #tpu.memory_space<vmem_shared>>)
    %add3A_2034 = arith.constant 1408 : i32
    %add3A_2035 = arith.addi %mul3A_2, %add3A_2034 : i32
    %dma_start3A_2036 = arith.constant 1 : i32
    %dma_start3A_2037 = arith.constant 0 : i32
    %dma_start3A_2038 = arith.constant 0 : i32
    %dma_start3A_2039 = tpu.memref_slice %arg9[%dma_start3A_2036, %dma_start3A_2037, %dma_start3A_2038] : memref<2x128x128xf32, #tpu.memory_space<vmem>> -> memref<1x128x128xf32, #tpu.memory_space<vmem>>
    %dma_start3A_2040 = tpu.memref_squeeze %dma_start3A_2039 : memref<1x128x128xf32, #tpu.memory_space<vmem>> -> memref<128x128xf32, #tpu.memory_space<vmem>>
    %dma_start3A_2041 = arith.constant 0 : i32
    %dma_start3A_2042 = tpu.memref_slice %arg3[%add3A_2035, %dma_start3A_2041] : memref<102400x128xf32, #tpu.memory_space<hbm>> -> memref<128x128xf32, #tpu.memory_space<hbm>>
    %dma_start3A_2043 = arith.constant 0 : i32
    %dma_start3A_2044 = arith.constant 0 : i32
    %dma_start3A_2045 = tpu.memref_slice %arg9[%dma_start3A_2036, %dma_start3A_2043, %dma_start3A_2044] : memref<2x128x128xf32, #tpu.memory_space<vmem>> -> memref<1x128x128xf32, #tpu.memory_space<vmem>>
    %dma_start3A_2046 = tpu.memref_squeeze %dma_start3A_2045 : memref<1x128x128xf32, #tpu.memory_space<vmem>> -> memref<128x128xf32, #tpu.memory_space<vmem>>
    %dma_start3A_2047 = arith.constant 0 : i32
    %dma_start3A_2048 = tpu.memref_slice %arg3[%add3A_2035, %dma_start3A_2047] : memref<102400x128xf32, #tpu.memory_space<hbm>> -> memref<128x128xf32, #tpu.memory_space<hbm>>
    tpu.enqueue_dma source(%dma_start3A_2048 : memref<128x128xf32, #tpu.memory_space<hbm>>) target(%dma_start3A_2046 : memref<128x128xf32, #tpu.memory_space<vmem>>) target_semaphore(%arg14 : memref<!tpu.dma_semaphore, #tpu.memory_space<semaphore_mem>>)
    %dma_wait3A_2049 = arith.constant 0 : i32
    %dma_wait3A_2050 = arith.constant 0 : i32
    %dma_wait3A_2051 = arith.constant 0 : i32
    %dma_wait3A_2052 = tpu.memref_slice %arg9[%dma_wait3A_2049, %dma_wait3A_2050, %dma_wait3A_2051] : memref<2x128x128xf32, #tpu.memory_space<vmem>> -> memref<1x128x128xf32, #tpu.memory_space<vmem>>
    %dma_wait3A_2053 = tpu.memref_squeeze %dma_wait3A_2052 : memref<1x128x128xf32, #tpu.memory_space<vmem>> -> memref<128x128xf32, #tpu.memory_space<vmem>>
    %dma_wait3A_2054 = arith.constant 0 : i32
    %dma_wait3A_2055 = tpu.memref_slice %arg3[%add3A_1983, %dma_wait3A_2054] : memref<102400x128xf32, #tpu.memory_space<hbm>> -> memref<128x128xf32, #tpu.memory_space<hbm>>
    %dma_wait3A_2056 = arith.constant 0 : i32
    %dma_wait3A_2057 = arith.constant 0 : i32
    %dma_wait3A_2058 = tpu.memref_slice %arg9[%dma_wait3A_2049, %dma_wait3A_2056, %dma_wait3A_2057] : memref<2x128x128xf32, #tpu.memory_space<vmem>> -> memref<1x128x128xf32, #tpu.memory_space<vmem>>
    %dma_wait3A_2059 = tpu.memref_squeeze %dma_wait3A_2058 : memref<1x128x128xf32, #tpu.memory_space<vmem>> -> memref<128x128xf32, #tpu.memory_space<vmem>>
    %dma_wait3A_2060 = arith.constant 0 : i32
    %dma_wait3A_2061 = tpu.memref_slice %arg3[%add3A_1983, %dma_wait3A_2060] : memref<102400x128xf32, #tpu.memory_space<hbm>> -> memref<128x128xf32, #tpu.memory_space<hbm>>
    tpu.wait_dma2 semaphore(%arg13 : memref<!tpu.dma_semaphore, #tpu.memory_space<semaphore_mem>>) src(%dma_wait3A_2061 : memref<128x128xf32, #tpu.memory_space<hbm>>) dst(%dma_wait3A_2059 : memref<128x128xf32, #tpu.memory_space<vmem>>)
    %dma_start3A_2062 = arith.constant 0 : i32
    %dma_start3A_2063 = arith.constant 10 : i32
    %dma_start3A_2064 = arith.constant 0 : i32
    %dma_start3A_2065 = arith.constant 0 : i32
    %dma_start3A_2066 = tpu.memref_slice %arg9[%dma_start3A_2062, %dma_start3A_2064, %dma_start3A_2065] : memref<2x128x128xf32, #tpu.memory_space<vmem>> -> memref<1x128x128xf32, #tpu.memory_space<vmem>>
    %dma_start3A_2067 = tpu.memref_squeeze %dma_start3A_2066 : memref<1x128x128xf32, #tpu.memory_space<vmem>> -> memref<128x128xf32, #tpu.memory_space<vmem>>
    %dma_start3A_2068 = arith.constant 0 : i32
    %dma_start3A_2069 = tpu.memref_slice %arg8[%dma_start3A_2063, %dma_start3A_2068] : memref<25x128xi32, #tpu.memory_space<vmem>> -> memref<1x128xi32, #tpu.memory_space<vmem>>
    %dma_start3A_2070 = tpu.memref_squeeze %dma_start3A_2069 : memref<1x128xi32, #tpu.memory_space<vmem>> -> memref<128xi32, #tpu.memory_space<vmem>>
    %dma_start3A_2071 = arith.constant 0 : i32
    %dma_start3A_2072 = arith.constant 0 : i32
    %dma_start3A_2073 = tpu.memref_slice %arg11[%dma_start3A_2071, %dma_start3A_2072] : memref<4112x128xf32, #tpu.memory_space<vmem_shared>> -> memref<4112x128xf32, #tpu.memory_space<vmem_shared>>
    tpu.enqueue_indirect_dma source(%dma_start3A_2067 : memref<128x128xf32, #tpu.memory_space<vmem>>) target(%dma_start3A_2073 : memref<4112x128xf32, #tpu.memory_space<vmem_shared>>) offsets(%dma_start3A_2070 : memref<128xi32, #tpu.memory_space<vmem>>) semaphore(%arg15 : memref<!tpu.dma_semaphore, #tpu.memory_space<semaphore_mem>>) {add = true}
    %dma_wait3A_2074 = arith.constant 0 : i32
    %dma_wait3A_2075 = arith.constant 10 : i32
    %dma_wait3A_2076 = arith.constant 0 : i32
    %dma_wait3A_2077 = arith.constant 0 : i32
    %dma_wait3A_2078 = tpu.memref_slice %arg9[%dma_wait3A_2074, %dma_wait3A_2076, %dma_wait3A_2077] : memref<2x128x128xf32, #tpu.memory_space<vmem>> -> memref<1x128x128xf32, #tpu.memory_space<vmem>>
    %dma_wait3A_2079 = tpu.memref_squeeze %dma_wait3A_2078 : memref<1x128x128xf32, #tpu.memory_space<vmem>> -> memref<128x128xf32, #tpu.memory_space<vmem>>
    %dma_wait3A_2080 = arith.constant 0 : i32
    %dma_wait3A_2081 = tpu.memref_slice %arg8[%dma_wait3A_2075, %dma_wait3A_2080] : memref<25x128xi32, #tpu.memory_space<vmem>> -> memref<1x128xi32, #tpu.memory_space<vmem>>
    %dma_wait3A_2082 = tpu.memref_squeeze %dma_wait3A_2081 : memref<1x128xi32, #tpu.memory_space<vmem>> -> memref<128xi32, #tpu.memory_space<vmem>>
    %dma_wait3A_2083 = arith.constant 0 : i32
    %dma_wait3A_2084 = arith.constant 0 : i32
    %dma_wait3A_2085 = tpu.memref_slice %arg11[%dma_wait3A_2083, %dma_wait3A_2084] : memref<4112x128xf32, #tpu.memory_space<vmem_shared>> -> memref<4112x128xf32, #tpu.memory_space<vmem_shared>>
    tpu.wait_indirect_dma semaphore(%arg15 : memref<!tpu.dma_semaphore, #tpu.memory_space<semaphore_mem>>) src(%dma_wait3A_2079 : memref<128x128xf32, #tpu.memory_space<vmem>>) dst(%dma_wait3A_2085 : memref<4112x128xf32, #tpu.memory_space<vmem_shared>>)
    %add3A_2086 = arith.constant 1536 : i32
    %add3A_2087 = arith.addi %mul3A_2, %add3A_2086 : i32
    %dma_start3A_2088 = arith.constant 0 : i32
    %dma_start3A_2089 = arith.constant 0 : i32
    %dma_start3A_2090 = arith.constant 0 : i32
    %dma_start3A_2091 = tpu.memref_slice %arg9[%dma_start3A_2088, %dma_start3A_2089, %dma_start3A_2090] : memref<2x128x128xf32, #tpu.memory_space<vmem>> -> memref<1x128x128xf32, #tpu.memory_space<vmem>>
    %dma_start3A_2092 = tpu.memref_squeeze %dma_start3A_2091 : memref<1x128x128xf32, #tpu.memory_space<vmem>> -> memref<128x128xf32, #tpu.memory_space<vmem>>
    %dma_start3A_2093 = arith.constant 0 : i32
    %dma_start3A_2094 = tpu.memref_slice %arg3[%add3A_2087, %dma_start3A_2093] : memref<102400x128xf32, #tpu.memory_space<hbm>> -> memref<128x128xf32, #tpu.memory_space<hbm>>
    %dma_start3A_2095 = arith.constant 0 : i32
    %dma_start3A_2096 = arith.constant 0 : i32
    %dma_start3A_2097 = tpu.memref_slice %arg9[%dma_start3A_2088, %dma_start3A_2095, %dma_start3A_2096] : memref<2x128x128xf32, #tpu.memory_space<vmem>> -> memref<1x128x128xf32, #tpu.memory_space<vmem>>
    %dma_start3A_2098 = tpu.memref_squeeze %dma_start3A_2097 : memref<1x128x128xf32, #tpu.memory_space<vmem>> -> memref<128x128xf32, #tpu.memory_space<vmem>>
    %dma_start3A_2099 = arith.constant 0 : i32
    %dma_start3A_2100 = tpu.memref_slice %arg3[%add3A_2087, %dma_start3A_2099] : memref<102400x128xf32, #tpu.memory_space<hbm>> -> memref<128x128xf32, #tpu.memory_space<hbm>>
    tpu.enqueue_dma source(%dma_start3A_2100 : memref<128x128xf32, #tpu.memory_space<hbm>>) target(%dma_start3A_2098 : memref<128x128xf32, #tpu.memory_space<vmem>>) target_semaphore(%arg13 : memref<!tpu.dma_semaphore, #tpu.memory_space<semaphore_mem>>)
    %dma_wait3A_2101 = arith.constant 1 : i32
    %dma_wait3A_2102 = arith.constant 0 : i32
    %dma_wait3A_2103 = arith.constant 0 : i32
    %dma_wait3A_2104 = tpu.memref_slice %arg9[%dma_wait3A_2101, %dma_wait3A_2102, %dma_wait3A_2103] : memref<2x128x128xf32, #tpu.memory_space<vmem>> -> memref<1x128x128xf32, #tpu.memory_space<vmem>>
    %dma_wait3A_2105 = tpu.memref_squeeze %dma_wait3A_2104 : memref<1x128x128xf32, #tpu.memory_space<vmem>> -> memref<128x128xf32, #tpu.memory_space<vmem>>
    %dma_wait3A_2106 = arith.constant 0 : i32
    %dma_wait3A_2107 = tpu.memref_slice %arg3[%add3A_2035, %dma_wait3A_2106] : memref<102400x128xf32, #tpu.memory_space<hbm>> -> memref<128x128xf32, #tpu.memory_space<hbm>>
    %dma_wait3A_2108 = arith.constant 0 : i32
    %dma_wait3A_2109 = arith.constant 0 : i32
    %dma_wait3A_2110 = tpu.memref_slice %arg9[%dma_wait3A_2101, %dma_wait3A_2108, %dma_wait3A_2109] : memref<2x128x128xf32, #tpu.memory_space<vmem>> -> memref<1x128x128xf32, #tpu.memory_space<vmem>>
    %dma_wait3A_2111 = tpu.memref_squeeze %dma_wait3A_2110 : memref<1x128x128xf32, #tpu.memory_space<vmem>> -> memref<128x128xf32, #tpu.memory_space<vmem>>
    %dma_wait3A_2112 = arith.constant 0 : i32
    %dma_wait3A_2113 = tpu.memref_slice %arg3[%add3A_2035, %dma_wait3A_2112] : memref<102400x128xf32, #tpu.memory_space<hbm>> -> memref<128x128xf32, #tpu.memory_space<hbm>>
    tpu.wait_dma2 semaphore(%arg14 : memref<!tpu.dma_semaphore, #tpu.memory_space<semaphore_mem>>) src(%dma_wait3A_2113 : memref<128x128xf32, #tpu.memory_space<hbm>>) dst(%dma_wait3A_2111 : memref<128x128xf32, #tpu.memory_space<vmem>>)
    %dma_start3A_2114 = arith.constant 1 : i32
    %dma_start3A_2115 = arith.constant 11 : i32
    %dma_start3A_2116 = arith.constant 0 : i32
    %dma_start3A_2117 = arith.constant 0 : i32
    %dma_start3A_2118 = tpu.memref_slice %arg9[%dma_start3A_2114, %dma_start3A_2116, %dma_start3A_2117] : memref<2x128x128xf32, #tpu.memory_space<vmem>> -> memref<1x128x128xf32, #tpu.memory_space<vmem>>
    %dma_start3A_2119 = tpu.memref_squeeze %dma_start3A_2118 : memref<1x128x128xf32, #tpu.memory_space<vmem>> -> memref<128x128xf32, #tpu.memory_space<vmem>>
    %dma_start3A_2120 = arith.constant 0 : i32
    %dma_start3A_2121 = tpu.memref_slice %arg8[%dma_start3A_2115, %dma_start3A_2120] : memref<25x128xi32, #tpu.memory_space<vmem>> -> memref<1x128xi32, #tpu.memory_space<vmem>>
    %dma_start3A_2122 = tpu.memref_squeeze %dma_start3A_2121 : memref<1x128xi32, #tpu.memory_space<vmem>> -> memref<128xi32, #tpu.memory_space<vmem>>
    %dma_start3A_2123 = arith.constant 0 : i32
    %dma_start3A_2124 = arith.constant 0 : i32
    %dma_start3A_2125 = tpu.memref_slice %arg11[%dma_start3A_2123, %dma_start3A_2124] : memref<4112x128xf32, #tpu.memory_space<vmem_shared>> -> memref<4112x128xf32, #tpu.memory_space<vmem_shared>>
    tpu.enqueue_indirect_dma source(%dma_start3A_2119 : memref<128x128xf32, #tpu.memory_space<vmem>>) target(%dma_start3A_2125 : memref<4112x128xf32, #tpu.memory_space<vmem_shared>>) offsets(%dma_start3A_2122 : memref<128xi32, #tpu.memory_space<vmem>>) semaphore(%arg16 : memref<!tpu.dma_semaphore, #tpu.memory_space<semaphore_mem>>) {add = true}
    %dma_wait3A_2126 = arith.constant 1 : i32
    %dma_wait3A_2127 = arith.constant 11 : i32
    %dma_wait3A_2128 = arith.constant 0 : i32
    %dma_wait3A_2129 = arith.constant 0 : i32
    %dma_wait3A_2130 = tpu.memref_slice %arg9[%dma_wait3A_2126, %dma_wait3A_2128, %dma_wait3A_2129] : memref<2x128x128xf32, #tpu.memory_space<vmem>> -> memref<1x128x128xf32, #tpu.memory_space<vmem>>
    %dma_wait3A_2131 = tpu.memref_squeeze %dma_wait3A_2130 : memref<1x128x128xf32, #tpu.memory_space<vmem>> -> memref<128x128xf32, #tpu.memory_space<vmem>>
    %dma_wait3A_2132 = arith.constant 0 : i32
    %dma_wait3A_2133 = tpu.memref_slice %arg8[%dma_wait3A_2127, %dma_wait3A_2132] : memref<25x128xi32, #tpu.memory_space<vmem>> -> memref<1x128xi32, #tpu.memory_space<vmem>>
    %dma_wait3A_2134 = tpu.memref_squeeze %dma_wait3A_2133 : memref<1x128xi32, #tpu.memory_space<vmem>> -> memref<128xi32, #tpu.memory_space<vmem>>
    %dma_wait3A_2135 = arith.constant 0 : i32
    %dma_wait3A_2136 = arith.constant 0 : i32
    %dma_wait3A_2137 = tpu.memref_slice %arg11[%dma_wait3A_2135, %dma_wait3A_2136] : memref<4112x128xf32, #tpu.memory_space<vmem_shared>> -> memref<4112x128xf32, #tpu.memory_space<vmem_shared>>
    tpu.wait_indirect_dma semaphore(%arg16 : memref<!tpu.dma_semaphore, #tpu.memory_space<semaphore_mem>>) src(%dma_wait3A_2131 : memref<128x128xf32, #tpu.memory_space<vmem>>) dst(%dma_wait3A_2137 : memref<4112x128xf32, #tpu.memory_space<vmem_shared>>)
    %add3A_2138 = arith.constant 1664 : i32
    %add3A_2139 = arith.addi %mul3A_2, %add3A_2138 : i32
    %dma_start3A_2140 = arith.constant 1 : i32
    %dma_start3A_2141 = arith.constant 0 : i32
    %dma_start3A_2142 = arith.constant 0 : i32
    %dma_start3A_2143 = tpu.memref_slice %arg9[%dma_start3A_2140, %dma_start3A_2141, %dma_start3A_2142] : memref<2x128x128xf32, #tpu.memory_space<vmem>> -> memref<1x128x128xf32, #tpu.memory_space<vmem>>
    %dma_start3A_2144 = tpu.memref_squeeze %dma_start3A_2143 : memref<1x128x128xf32, #tpu.memory_space<vmem>> -> memref<128x128xf32, #tpu.memory_space<vmem>>
    %dma_start3A_2145 = arith.constant 0 : i32
    %dma_start3A_2146 = tpu.memref_slice %arg3[%add3A_2139, %dma_start3A_2145] : memref<102400x128xf32, #tpu.memory_space<hbm>> -> memref<128x128xf32, #tpu.memory_space<hbm>>
    %dma_start3A_2147 = arith.constant 0 : i32
    %dma_start3A_2148 = arith.constant 0 : i32
    %dma_start3A_2149 = tpu.memref_slice %arg9[%dma_start3A_2140, %dma_start3A_2147, %dma_start3A_2148] : memref<2x128x128xf32, #tpu.memory_space<vmem>> -> memref<1x128x128xf32, #tpu.memory_space<vmem>>
    %dma_start3A_2150 = tpu.memref_squeeze %dma_start3A_2149 : memref<1x128x128xf32, #tpu.memory_space<vmem>> -> memref<128x128xf32, #tpu.memory_space<vmem>>
    %dma_start3A_2151 = arith.constant 0 : i32
    %dma_start3A_2152 = tpu.memref_slice %arg3[%add3A_2139, %dma_start3A_2151] : memref<102400x128xf32, #tpu.memory_space<hbm>> -> memref<128x128xf32, #tpu.memory_space<hbm>>
    tpu.enqueue_dma source(%dma_start3A_2152 : memref<128x128xf32, #tpu.memory_space<hbm>>) target(%dma_start3A_2150 : memref<128x128xf32, #tpu.memory_space<vmem>>) target_semaphore(%arg14 : memref<!tpu.dma_semaphore, #tpu.memory_space<semaphore_mem>>)
    %dma_wait3A_2153 = arith.constant 0 : i32
    %dma_wait3A_2154 = arith.constant 0 : i32
    %dma_wait3A_2155 = arith.constant 0 : i32
    %dma_wait3A_2156 = tpu.memref_slice %arg9[%dma_wait3A_2153, %dma_wait3A_2154, %dma_wait3A_2155] : memref<2x128x128xf32, #tpu.memory_space<vmem>> -> memref<1x128x128xf32, #tpu.memory_space<vmem>>
    %dma_wait3A_2157 = tpu.memref_squeeze %dma_wait3A_2156 : memref<1x128x128xf32, #tpu.memory_space<vmem>> -> memref<128x128xf32, #tpu.memory_space<vmem>>
    %dma_wait3A_2158 = arith.constant 0 : i32
    %dma_wait3A_2159 = tpu.memref_slice %arg3[%add3A_2087, %dma_wait3A_2158] : memref<102400x128xf32, #tpu.memory_space<hbm>> -> memref<128x128xf32, #tpu.memory_space<hbm>>
    %dma_wait3A_2160 = arith.constant 0 : i32
    %dma_wait3A_2161 = arith.constant 0 : i32
    %dma_wait3A_2162 = tpu.memref_slice %arg9[%dma_wait3A_2153, %dma_wait3A_2160, %dma_wait3A_2161] : memref<2x128x128xf32, #tpu.memory_space<vmem>> -> memref<1x128x128xf32, #tpu.memory_space<vmem>>
    %dma_wait3A_2163 = tpu.memref_squeeze %dma_wait3A_2162 : memref<1x128x128xf32, #tpu.memory_space<vmem>> -> memref<128x128xf32, #tpu.memory_space<vmem>>
    %dma_wait3A_2164 = arith.constant 0 : i32
    %dma_wait3A_2165 = tpu.memref_slice %arg3[%add3A_2087, %dma_wait3A_2164] : memref<102400x128xf32, #tpu.memory_space<hbm>> -> memref<128x128xf32, #tpu.memory_space<hbm>>
    tpu.wait_dma2 semaphore(%arg13 : memref<!tpu.dma_semaphore, #tpu.memory_space<semaphore_mem>>) src(%dma_wait3A_2165 : memref<128x128xf32, #tpu.memory_space<hbm>>) dst(%dma_wait3A_2163 : memref<128x128xf32, #tpu.memory_space<vmem>>)
    %dma_start3A_2166 = arith.constant 0 : i32
    %dma_start3A_2167 = arith.constant 12 : i32
    %dma_start3A_2168 = arith.constant 0 : i32
    %dma_start3A_2169 = arith.constant 0 : i32
    %dma_start3A_2170 = tpu.memref_slice %arg9[%dma_start3A_2166, %dma_start3A_2168, %dma_start3A_2169] : memref<2x128x128xf32, #tpu.memory_space<vmem>> -> memref<1x128x128xf32, #tpu.memory_space<vmem>>
    %dma_start3A_2171 = tpu.memref_squeeze %dma_start3A_2170 : memref<1x128x128xf32, #tpu.memory_space<vmem>> -> memref<128x128xf32, #tpu.memory_space<vmem>>
    %dma_start3A_2172 = arith.constant 0 : i32
    %dma_start3A_2173 = tpu.memref_slice %arg8[%dma_start3A_2167, %dma_start3A_2172] : memref<25x128xi32, #tpu.memory_space<vmem>> -> memref<1x128xi32, #tpu.memory_space<vmem>>
    %dma_start3A_2174 = tpu.memref_squeeze %dma_start3A_2173 : memref<1x128xi32, #tpu.memory_space<vmem>> -> memref<128xi32, #tpu.memory_space<vmem>>
    %dma_start3A_2175 = arith.constant 0 : i32
    %dma_start3A_2176 = arith.constant 0 : i32
    %dma_start3A_2177 = tpu.memref_slice %arg11[%dma_start3A_2175, %dma_start3A_2176] : memref<4112x128xf32, #tpu.memory_space<vmem_shared>> -> memref<4112x128xf32, #tpu.memory_space<vmem_shared>>
    tpu.enqueue_indirect_dma source(%dma_start3A_2171 : memref<128x128xf32, #tpu.memory_space<vmem>>) target(%dma_start3A_2177 : memref<4112x128xf32, #tpu.memory_space<vmem_shared>>) offsets(%dma_start3A_2174 : memref<128xi32, #tpu.memory_space<vmem>>) semaphore(%arg15 : memref<!tpu.dma_semaphore, #tpu.memory_space<semaphore_mem>>) {add = true}
    %dma_start3A_2178 = arith.constant 12 : i32
    %dma_start3A_2179 = arith.constant 0 : i32
    %dma_start3A_2180 = tpu.memref_slice %arg8[%dma_start3A_2178, %dma_start3A_2179] : memref<25x128xi32, #tpu.memory_space<vmem>> -> memref<1x128xi32, #tpu.memory_space<vmem>>
    %dma_start3A_2181 = tpu.memref_squeeze %dma_start3A_2180 : memref<1x128xi32, #tpu.memory_space<vmem>> -> memref<128xi32, #tpu.memory_space<vmem>>
    %dma_start3A_2182 = arith.constant 0 : i32
    %dma_start3A_2183 = arith.constant 0 : i32
    %dma_start3A_2184 = tpu.memref_slice %arg12[%dma_start3A_2182, %dma_start3A_2183] : memref<4112x128xf32, #tpu.memory_space<vmem_shared>> -> memref<4112x128xf32, #tpu.memory_space<vmem_shared>>
    tpu.enqueue_indirect_dma source(%arg10 : memref<128x128xf32, #tpu.memory_space<vmem>>) target(%dma_start3A_2184 : memref<4112x128xf32, #tpu.memory_space<vmem_shared>>) offsets(%dma_start3A_2181 : memref<128xi32, #tpu.memory_space<vmem>>) semaphore(%arg17 : memref<!tpu.dma_semaphore, #tpu.memory_space<semaphore_mem>>) {add = true}
    %dma_wait3A_2185 = arith.constant 0 : i32
    %dma_wait3A_2186 = arith.constant 12 : i32
    %dma_wait3A_2187 = arith.constant 0 : i32
    %dma_wait3A_2188 = arith.constant 0 : i32
    %dma_wait3A_2189 = tpu.memref_slice %arg9[%dma_wait3A_2185, %dma_wait3A_2187, %dma_wait3A_2188] : memref<2x128x128xf32, #tpu.memory_space<vmem>> -> memref<1x128x128xf32, #tpu.memory_space<vmem>>
    %dma_wait3A_2190 = tpu.memref_squeeze %dma_wait3A_2189 : memref<1x128x128xf32, #tpu.memory_space<vmem>> -> memref<128x128xf32, #tpu.memory_space<vmem>>
    %dma_wait3A_2191 = arith.constant 0 : i32
    %dma_wait3A_2192 = tpu.memref_slice %arg8[%dma_wait3A_2186, %dma_wait3A_2191] : memref<25x128xi32, #tpu.memory_space<vmem>> -> memref<1x128xi32, #tpu.memory_space<vmem>>
    %dma_wait3A_2193 = tpu.memref_squeeze %dma_wait3A_2192 : memref<1x128xi32, #tpu.memory_space<vmem>> -> memref<128xi32, #tpu.memory_space<vmem>>
    %dma_wait3A_2194 = arith.constant 0 : i32
    %dma_wait3A_2195 = arith.constant 0 : i32
    %dma_wait3A_2196 = tpu.memref_slice %arg11[%dma_wait3A_2194, %dma_wait3A_2195] : memref<4112x128xf32, #tpu.memory_space<vmem_shared>> -> memref<4112x128xf32, #tpu.memory_space<vmem_shared>>
    tpu.wait_indirect_dma semaphore(%arg15 : memref<!tpu.dma_semaphore, #tpu.memory_space<semaphore_mem>>) src(%dma_wait3A_2190 : memref<128x128xf32, #tpu.memory_space<vmem>>) dst(%dma_wait3A_2196 : memref<4112x128xf32, #tpu.memory_space<vmem_shared>>)
    %add3A_2197 = arith.constant 1792 : i32
    %add3A_2198 = arith.addi %mul3A_2, %add3A_2197 : i32
    %dma_start3A_2199 = arith.constant 0 : i32
    %dma_start3A_2200 = arith.constant 0 : i32
    %dma_start3A_2201 = arith.constant 0 : i32
    %dma_start3A_2202 = tpu.memref_slice %arg9[%dma_start3A_2199, %dma_start3A_2200, %dma_start3A_2201] : memref<2x128x128xf32, #tpu.memory_space<vmem>> -> memref<1x128x128xf32, #tpu.memory_space<vmem>>
    %dma_start3A_2203 = tpu.memref_squeeze %dma_start3A_2202 : memref<1x128x128xf32, #tpu.memory_space<vmem>> -> memref<128x128xf32, #tpu.memory_space<vmem>>
    %dma_start3A_2204 = arith.constant 0 : i32
    %dma_start3A_2205 = tpu.memref_slice %arg3[%add3A_2198, %dma_start3A_2204] : memref<102400x128xf32, #tpu.memory_space<hbm>> -> memref<128x128xf32, #tpu.memory_space<hbm>>
    %dma_start3A_2206 = arith.constant 0 : i32
    %dma_start3A_2207 = arith.constant 0 : i32
    %dma_start3A_2208 = tpu.memref_slice %arg9[%dma_start3A_2199, %dma_start3A_2206, %dma_start3A_2207] : memref<2x128x128xf32, #tpu.memory_space<vmem>> -> memref<1x128x128xf32, #tpu.memory_space<vmem>>
    %dma_start3A_2209 = tpu.memref_squeeze %dma_start3A_2208 : memref<1x128x128xf32, #tpu.memory_space<vmem>> -> memref<128x128xf32, #tpu.memory_space<vmem>>
    %dma_start3A_2210 = arith.constant 0 : i32
    %dma_start3A_2211 = tpu.memref_slice %arg3[%add3A_2198, %dma_start3A_2210] : memref<102400x128xf32, #tpu.memory_space<hbm>> -> memref<128x128xf32, #tpu.memory_space<hbm>>
    tpu.enqueue_dma source(%dma_start3A_2211 : memref<128x128xf32, #tpu.memory_space<hbm>>) target(%dma_start3A_2209 : memref<128x128xf32, #tpu.memory_space<vmem>>) target_semaphore(%arg13 : memref<!tpu.dma_semaphore, #tpu.memory_space<semaphore_mem>>)
    %dma_wait3A_2212 = arith.constant 1 : i32
    %dma_wait3A_2213 = arith.constant 0 : i32
    %dma_wait3A_2214 = arith.constant 0 : i32
    %dma_wait3A_2215 = tpu.memref_slice %arg9[%dma_wait3A_2212, %dma_wait3A_2213, %dma_wait3A_2214] : memref<2x128x128xf32, #tpu.memory_space<vmem>> -> memref<1x128x128xf32, #tpu.memory_space<vmem>>
    %dma_wait3A_2216 = tpu.memref_squeeze %dma_wait3A_2215 : memref<1x128x128xf32, #tpu.memory_space<vmem>> -> memref<128x128xf32, #tpu.memory_space<vmem>>
    %dma_wait3A_2217 = arith.constant 0 : i32
    %dma_wait3A_2218 = tpu.memref_slice %arg3[%add3A_2139, %dma_wait3A_2217] : memref<102400x128xf32, #tpu.memory_space<hbm>> -> memref<128x128xf32, #tpu.memory_space<hbm>>
    %dma_wait3A_2219 = arith.constant 0 : i32
    %dma_wait3A_2220 = arith.constant 0 : i32
    %dma_wait3A_2221 = tpu.memref_slice %arg9[%dma_wait3A_2212, %dma_wait3A_2219, %dma_wait3A_2220] : memref<2x128x128xf32, #tpu.memory_space<vmem>> -> memref<1x128x128xf32, #tpu.memory_space<vmem>>
    %dma_wait3A_2222 = tpu.memref_squeeze %dma_wait3A_2221 : memref<1x128x128xf32, #tpu.memory_space<vmem>> -> memref<128x128xf32, #tpu.memory_space<vmem>>
    %dma_wait3A_2223 = arith.constant 0 : i32
    %dma_wait3A_2224 = tpu.memref_slice %arg3[%add3A_2139, %dma_wait3A_2223] : memref<102400x128xf32, #tpu.memory_space<hbm>> -> memref<128x128xf32, #tpu.memory_space<hbm>>
    tpu.wait_dma2 semaphore(%arg14 : memref<!tpu.dma_semaphore, #tpu.memory_space<semaphore_mem>>) src(%dma_wait3A_2224 : memref<128x128xf32, #tpu.memory_space<hbm>>) dst(%dma_wait3A_2222 : memref<128x128xf32, #tpu.memory_space<vmem>>)
    %dma_start3A_2225 = arith.constant 1 : i32
    %dma_start3A_2226 = arith.constant 13 : i32
    %dma_start3A_2227 = arith.constant 0 : i32
    %dma_start3A_2228 = arith.constant 0 : i32
    %dma_start3A_2229 = tpu.memref_slice %arg9[%dma_start3A_2225, %dma_start3A_2227, %dma_start3A_2228] : memref<2x128x128xf32, #tpu.memory_space<vmem>> -> memref<1x128x128xf32, #tpu.memory_space<vmem>>
    %dma_start3A_2230 = tpu.memref_squeeze %dma_start3A_2229 : memref<1x128x128xf32, #tpu.memory_space<vmem>> -> memref<128x128xf32, #tpu.memory_space<vmem>>
    %dma_start3A_2231 = arith.constant 0 : i32
    %dma_start3A_2232 = tpu.memref_slice %arg8[%dma_start3A_2226, %dma_start3A_2231] : memref<25x128xi32, #tpu.memory_space<vmem>> -> memref<1x128xi32, #tpu.memory_space<vmem>>
    %dma_start3A_2233 = tpu.memref_squeeze %dma_start3A_2232 : memref<1x128xi32, #tpu.memory_space<vmem>> -> memref<128xi32, #tpu.memory_space<vmem>>
    %dma_start3A_2234 = arith.constant 0 : i32
    %dma_start3A_2235 = arith.constant 0 : i32
    %dma_start3A_2236 = tpu.memref_slice %arg11[%dma_start3A_2234, %dma_start3A_2235] : memref<4112x128xf32, #tpu.memory_space<vmem_shared>> -> memref<4112x128xf32, #tpu.memory_space<vmem_shared>>
    tpu.enqueue_indirect_dma source(%dma_start3A_2230 : memref<128x128xf32, #tpu.memory_space<vmem>>) target(%dma_start3A_2236 : memref<4112x128xf32, #tpu.memory_space<vmem_shared>>) offsets(%dma_start3A_2233 : memref<128xi32, #tpu.memory_space<vmem>>) semaphore(%arg16 : memref<!tpu.dma_semaphore, #tpu.memory_space<semaphore_mem>>) {add = true}
    %dma_start3A_2237 = arith.constant 13 : i32
    %dma_start3A_2238 = arith.constant 0 : i32
    %dma_start3A_2239 = tpu.memref_slice %arg8[%dma_start3A_2237, %dma_start3A_2238] : memref<25x128xi32, #tpu.memory_space<vmem>> -> memref<1x128xi32, #tpu.memory_space<vmem>>
    %dma_start3A_2240 = tpu.memref_squeeze %dma_start3A_2239 : memref<1x128xi32, #tpu.memory_space<vmem>> -> memref<128xi32, #tpu.memory_space<vmem>>
    %dma_start3A_2241 = arith.constant 0 : i32
    %dma_start3A_2242 = arith.constant 0 : i32
    %dma_start3A_2243 = tpu.memref_slice %arg12[%dma_start3A_2241, %dma_start3A_2242] : memref<4112x128xf32, #tpu.memory_space<vmem_shared>> -> memref<4112x128xf32, #tpu.memory_space<vmem_shared>>
    tpu.enqueue_indirect_dma source(%arg10 : memref<128x128xf32, #tpu.memory_space<vmem>>) target(%dma_start3A_2243 : memref<4112x128xf32, #tpu.memory_space<vmem_shared>>) offsets(%dma_start3A_2240 : memref<128xi32, #tpu.memory_space<vmem>>) semaphore(%arg18 : memref<!tpu.dma_semaphore, #tpu.memory_space<semaphore_mem>>) {add = true}
    %dma_wait3A_2244 = arith.constant 1 : i32
    %dma_wait3A_2245 = arith.constant 13 : i32
    %dma_wait3A_2246 = arith.constant 0 : i32
    %dma_wait3A_2247 = arith.constant 0 : i32
    %dma_wait3A_2248 = tpu.memref_slice %arg9[%dma_wait3A_2244, %dma_wait3A_2246, %dma_wait3A_2247] : memref<2x128x128xf32, #tpu.memory_space<vmem>> -> memref<1x128x128xf32, #tpu.memory_space<vmem>>
    %dma_wait3A_2249 = tpu.memref_squeeze %dma_wait3A_2248 : memref<1x128x128xf32, #tpu.memory_space<vmem>> -> memref<128x128xf32, #tpu.memory_space<vmem>>
    %dma_wait3A_2250 = arith.constant 0 : i32
    %dma_wait3A_2251 = tpu.memref_slice %arg8[%dma_wait3A_2245, %dma_wait3A_2250] : memref<25x128xi32, #tpu.memory_space<vmem>> -> memref<1x128xi32, #tpu.memory_space<vmem>>
    %dma_wait3A_2252 = tpu.memref_squeeze %dma_wait3A_2251 : memref<1x128xi32, #tpu.memory_space<vmem>> -> memref<128xi32, #tpu.memory_space<vmem>>
    %dma_wait3A_2253 = arith.constant 0 : i32
    %dma_wait3A_2254 = arith.constant 0 : i32
    %dma_wait3A_2255 = tpu.memref_slice %arg11[%dma_wait3A_2253, %dma_wait3A_2254] : memref<4112x128xf32, #tpu.memory_space<vmem_shared>> -> memref<4112x128xf32, #tpu.memory_space<vmem_shared>>
    tpu.wait_indirect_dma semaphore(%arg16 : memref<!tpu.dma_semaphore, #tpu.memory_space<semaphore_mem>>) src(%dma_wait3A_2249 : memref<128x128xf32, #tpu.memory_space<vmem>>) dst(%dma_wait3A_2255 : memref<4112x128xf32, #tpu.memory_space<vmem_shared>>)
    %add3A_2256 = arith.constant 1920 : i32
    %add3A_2257 = arith.addi %mul3A_2, %add3A_2256 : i32
    %dma_start3A_2258 = arith.constant 1 : i32
    %dma_start3A_2259 = arith.constant 0 : i32
    %dma_start3A_2260 = arith.constant 0 : i32
    %dma_start3A_2261 = tpu.memref_slice %arg9[%dma_start3A_2258, %dma_start3A_2259, %dma_start3A_2260] : memref<2x128x128xf32, #tpu.memory_space<vmem>> -> memref<1x128x128xf32, #tpu.memory_space<vmem>>
    %dma_start3A_2262 = tpu.memref_squeeze %dma_start3A_2261 : memref<1x128x128xf32, #tpu.memory_space<vmem>> -> memref<128x128xf32, #tpu.memory_space<vmem>>
    %dma_start3A_2263 = arith.constant 0 : i32
    %dma_start3A_2264 = tpu.memref_slice %arg3[%add3A_2257, %dma_start3A_2263] : memref<102400x128xf32, #tpu.memory_space<hbm>> -> memref<128x128xf32, #tpu.memory_space<hbm>>
    %dma_start3A_2265 = arith.constant 0 : i32
    %dma_start3A_2266 = arith.constant 0 : i32
    %dma_start3A_2267 = tpu.memref_slice %arg9[%dma_start3A_2258, %dma_start3A_2265, %dma_start3A_2266] : memref<2x128x128xf32, #tpu.memory_space<vmem>> -> memref<1x128x128xf32, #tpu.memory_space<vmem>>
    %dma_start3A_2268 = tpu.memref_squeeze %dma_start3A_2267 : memref<1x128x128xf32, #tpu.memory_space<vmem>> -> memref<128x128xf32, #tpu.memory_space<vmem>>
    %dma_start3A_2269 = arith.constant 0 : i32
    %dma_start3A_2270 = tpu.memref_slice %arg3[%add3A_2257, %dma_start3A_2269] : memref<102400x128xf32, #tpu.memory_space<hbm>> -> memref<128x128xf32, #tpu.memory_space<hbm>>
    tpu.enqueue_dma source(%dma_start3A_2270 : memref<128x128xf32, #tpu.memory_space<hbm>>) target(%dma_start3A_2268 : memref<128x128xf32, #tpu.memory_space<vmem>>) target_semaphore(%arg14 : memref<!tpu.dma_semaphore, #tpu.memory_space<semaphore_mem>>)
    %dma_wait3A_2271 = arith.constant 0 : i32
    %dma_wait3A_2272 = arith.constant 0 : i32
    %dma_wait3A_2273 = arith.constant 0 : i32
    %dma_wait3A_2274 = tpu.memref_slice %arg9[%dma_wait3A_2271, %dma_wait3A_2272, %dma_wait3A_2273] : memref<2x128x128xf32, #tpu.memory_space<vmem>> -> memref<1x128x128xf32, #tpu.memory_space<vmem>>
    %dma_wait3A_2275 = tpu.memref_squeeze %dma_wait3A_2274 : memref<1x128x128xf32, #tpu.memory_space<vmem>> -> memref<128x128xf32, #tpu.memory_space<vmem>>
    %dma_wait3A_2276 = arith.constant 0 : i32
    %dma_wait3A_2277 = tpu.memref_slice %arg3[%add3A_2198, %dma_wait3A_2276] : memref<102400x128xf32, #tpu.memory_space<hbm>> -> memref<128x128xf32, #tpu.memory_space<hbm>>
    %dma_wait3A_2278 = arith.constant 0 : i32
    %dma_wait3A_2279 = arith.constant 0 : i32
    %dma_wait3A_2280 = tpu.memref_slice %arg9[%dma_wait3A_2271, %dma_wait3A_2278, %dma_wait3A_2279] : memref<2x128x128xf32, #tpu.memory_space<vmem>> -> memref<1x128x128xf32, #tpu.memory_space<vmem>>
    %dma_wait3A_2281 = tpu.memref_squeeze %dma_wait3A_2280 : memref<1x128x128xf32, #tpu.memory_space<vmem>> -> memref<128x128xf32, #tpu.memory_space<vmem>>
    %dma_wait3A_2282 = arith.constant 0 : i32
    %dma_wait3A_2283 = tpu.memref_slice %arg3[%add3A_2198, %dma_wait3A_2282] : memref<102400x128xf32, #tpu.memory_space<hbm>> -> memref<128x128xf32, #tpu.memory_space<hbm>>
    tpu.wait_dma2 semaphore(%arg13 : memref<!tpu.dma_semaphore, #tpu.memory_space<semaphore_mem>>) src(%dma_wait3A_2283 : memref<128x128xf32, #tpu.memory_space<hbm>>) dst(%dma_wait3A_2281 : memref<128x128xf32, #tpu.memory_space<vmem>>)
    %dma_start3A_2284 = arith.constant 0 : i32
    %dma_start3A_2285 = arith.constant 14 : i32
    %dma_start3A_2286 = arith.constant 0 : i32
    %dma_start3A_2287 = arith.constant 0 : i32
    %dma_start3A_2288 = tpu.memref_slice %arg9[%dma_start3A_2284, %dma_start3A_2286, %dma_start3A_2287] : memref<2x128x128xf32, #tpu.memory_space<vmem>> -> memref<1x128x128xf32, #tpu.memory_space<vmem>>
    %dma_start3A_2289 = tpu.memref_squeeze %dma_start3A_2288 : memref<1x128x128xf32, #tpu.memory_space<vmem>> -> memref<128x128xf32, #tpu.memory_space<vmem>>
    %dma_start3A_2290 = arith.constant 0 : i32
    %dma_start3A_2291 = tpu.memref_slice %arg8[%dma_start3A_2285, %dma_start3A_2290] : memref<25x128xi32, #tpu.memory_space<vmem>> -> memref<1x128xi32, #tpu.memory_space<vmem>>
    %dma_start3A_2292 = tpu.memref_squeeze %dma_start3A_2291 : memref<1x128xi32, #tpu.memory_space<vmem>> -> memref<128xi32, #tpu.memory_space<vmem>>
    %dma_start3A_2293 = arith.constant 0 : i32
    %dma_start3A_2294 = arith.constant 0 : i32
    %dma_start3A_2295 = tpu.memref_slice %arg11[%dma_start3A_2293, %dma_start3A_2294] : memref<4112x128xf32, #tpu.memory_space<vmem_shared>> -> memref<4112x128xf32, #tpu.memory_space<vmem_shared>>
    tpu.enqueue_indirect_dma source(%dma_start3A_2289 : memref<128x128xf32, #tpu.memory_space<vmem>>) target(%dma_start3A_2295 : memref<4112x128xf32, #tpu.memory_space<vmem_shared>>) offsets(%dma_start3A_2292 : memref<128xi32, #tpu.memory_space<vmem>>) semaphore(%arg15 : memref<!tpu.dma_semaphore, #tpu.memory_space<semaphore_mem>>) {add = true}
    %dma_wait3A_2296 = arith.constant 12 : i32
    %dma_wait3A_2297 = arith.constant 0 : i32
    %dma_wait3A_2298 = tpu.memref_slice %arg8[%dma_wait3A_2296, %dma_wait3A_2297] : memref<25x128xi32, #tpu.memory_space<vmem>> -> memref<1x128xi32, #tpu.memory_space<vmem>>
    %dma_wait3A_2299 = tpu.memref_squeeze %dma_wait3A_2298 : memref<1x128xi32, #tpu.memory_space<vmem>> -> memref<128xi32, #tpu.memory_space<vmem>>
    %dma_wait3A_2300 = arith.constant 0 : i32
    %dma_wait3A_2301 = arith.constant 0 : i32
    %dma_wait3A_2302 = tpu.memref_slice %arg12[%dma_wait3A_2300, %dma_wait3A_2301] : memref<4112x128xf32, #tpu.memory_space<vmem_shared>> -> memref<4112x128xf32, #tpu.memory_space<vmem_shared>>
    tpu.wait_indirect_dma semaphore(%arg17 : memref<!tpu.dma_semaphore, #tpu.memory_space<semaphore_mem>>) src(%arg10 : memref<128x128xf32, #tpu.memory_space<vmem>>) dst(%dma_wait3A_2302 : memref<4112x128xf32, #tpu.memory_space<vmem_shared>>)
    %dma_start3A_2303 = arith.constant 14 : i32
    %dma_start3A_2304 = arith.constant 0 : i32
    %dma_start3A_2305 = tpu.memref_slice %arg8[%dma_start3A_2303, %dma_start3A_2304] : memref<25x128xi32, #tpu.memory_space<vmem>> -> memref<1x128xi32, #tpu.memory_space<vmem>>
    %dma_start3A_2306 = tpu.memref_squeeze %dma_start3A_2305 : memref<1x128xi32, #tpu.memory_space<vmem>> -> memref<128xi32, #tpu.memory_space<vmem>>
    %dma_start3A_2307 = arith.constant 0 : i32
    %dma_start3A_2308 = arith.constant 0 : i32
    %dma_start3A_2309 = tpu.memref_slice %arg12[%dma_start3A_2307, %dma_start3A_2308] : memref<4112x128xf32, #tpu.memory_space<vmem_shared>> -> memref<4112x128xf32, #tpu.memory_space<vmem_shared>>
    tpu.enqueue_indirect_dma source(%arg10 : memref<128x128xf32, #tpu.memory_space<vmem>>) target(%dma_start3A_2309 : memref<4112x128xf32, #tpu.memory_space<vmem_shared>>) offsets(%dma_start3A_2306 : memref<128xi32, #tpu.memory_space<vmem>>) semaphore(%arg17 : memref<!tpu.dma_semaphore, #tpu.memory_space<semaphore_mem>>) {add = true}
    %dma_wait3A_2310 = arith.constant 0 : i32
    %dma_wait3A_2311 = arith.constant 14 : i32
    %dma_wait3A_2312 = arith.constant 0 : i32
    %dma_wait3A_2313 = arith.constant 0 : i32
    %dma_wait3A_2314 = tpu.memref_slice %arg9[%dma_wait3A_2310, %dma_wait3A_2312, %dma_wait3A_2313] : memref<2x128x128xf32, #tpu.memory_space<vmem>> -> memref<1x128x128xf32, #tpu.memory_space<vmem>>
    %dma_wait3A_2315 = tpu.memref_squeeze %dma_wait3A_2314 : memref<1x128x128xf32, #tpu.memory_space<vmem>> -> memref<128x128xf32, #tpu.memory_space<vmem>>
    %dma_wait3A_2316 = arith.constant 0 : i32
    %dma_wait3A_2317 = tpu.memref_slice %arg8[%dma_wait3A_2311, %dma_wait3A_2316] : memref<25x128xi32, #tpu.memory_space<vmem>> -> memref<1x128xi32, #tpu.memory_space<vmem>>
    %dma_wait3A_2318 = tpu.memref_squeeze %dma_wait3A_2317 : memref<1x128xi32, #tpu.memory_space<vmem>> -> memref<128xi32, #tpu.memory_space<vmem>>
    %dma_wait3A_2319 = arith.constant 0 : i32
    %dma_wait3A_2320 = arith.constant 0 : i32
    %dma_wait3A_2321 = tpu.memref_slice %arg11[%dma_wait3A_2319, %dma_wait3A_2320] : memref<4112x128xf32, #tpu.memory_space<vmem_shared>> -> memref<4112x128xf32, #tpu.memory_space<vmem_shared>>
    tpu.wait_indirect_dma semaphore(%arg15 : memref<!tpu.dma_semaphore, #tpu.memory_space<semaphore_mem>>) src(%dma_wait3A_2315 : memref<128x128xf32, #tpu.memory_space<vmem>>) dst(%dma_wait3A_2321 : memref<4112x128xf32, #tpu.memory_space<vmem_shared>>)
    %add3A_2322 = arith.constant 2048 : i32
    %add3A_2323 = arith.addi %mul3A_2, %add3A_2322 : i32
    %dma_start3A_2324 = arith.constant 0 : i32
    %dma_start3A_2325 = arith.constant 0 : i32
    %dma_start3A_2326 = arith.constant 0 : i32
    %dma_start3A_2327 = tpu.memref_slice %arg9[%dma_start3A_2324, %dma_start3A_2325, %dma_start3A_2326] : memref<2x128x128xf32, #tpu.memory_space<vmem>> -> memref<1x128x128xf32, #tpu.memory_space<vmem>>
    %dma_start3A_2328 = tpu.memref_squeeze %dma_start3A_2327 : memref<1x128x128xf32, #tpu.memory_space<vmem>> -> memref<128x128xf32, #tpu.memory_space<vmem>>
    %dma_start3A_2329 = arith.constant 0 : i32
    %dma_start3A_2330 = tpu.memref_slice %arg3[%add3A_2323, %dma_start3A_2329] : memref<102400x128xf32, #tpu.memory_space<hbm>> -> memref<128x128xf32, #tpu.memory_space<hbm>>
    %dma_start3A_2331 = arith.constant 0 : i32
    %dma_start3A_2332 = arith.constant 0 : i32
    %dma_start3A_2333 = tpu.memref_slice %arg9[%dma_start3A_2324, %dma_start3A_2331, %dma_start3A_2332] : memref<2x128x128xf32, #tpu.memory_space<vmem>> -> memref<1x128x128xf32, #tpu.memory_space<vmem>>
    %dma_start3A_2334 = tpu.memref_squeeze %dma_start3A_2333 : memref<1x128x128xf32, #tpu.memory_space<vmem>> -> memref<128x128xf32, #tpu.memory_space<vmem>>
    %dma_start3A_2335 = arith.constant 0 : i32
    %dma_start3A_2336 = tpu.memref_slice %arg3[%add3A_2323, %dma_start3A_2335] : memref<102400x128xf32, #tpu.memory_space<hbm>> -> memref<128x128xf32, #tpu.memory_space<hbm>>
    tpu.enqueue_dma source(%dma_start3A_2336 : memref<128x128xf32, #tpu.memory_space<hbm>>) target(%dma_start3A_2334 : memref<128x128xf32, #tpu.memory_space<vmem>>) target_semaphore(%arg13 : memref<!tpu.dma_semaphore, #tpu.memory_space<semaphore_mem>>)
    %dma_wait3A_2337 = arith.constant 1 : i32
    %dma_wait3A_2338 = arith.constant 0 : i32
    %dma_wait3A_2339 = arith.constant 0 : i32
    %dma_wait3A_2340 = tpu.memref_slice %arg9[%dma_wait3A_2337, %dma_wait3A_2338, %dma_wait3A_2339] : memref<2x128x128xf32, #tpu.memory_space<vmem>> -> memref<1x128x128xf32, #tpu.memory_space<vmem>>
    %dma_wait3A_2341 = tpu.memref_squeeze %dma_wait3A_2340 : memref<1x128x128xf32, #tpu.memory_space<vmem>> -> memref<128x128xf32, #tpu.memory_space<vmem>>
    %dma_wait3A_2342 = arith.constant 0 : i32
    %dma_wait3A_2343 = tpu.memref_slice %arg3[%add3A_2257, %dma_wait3A_2342] : memref<102400x128xf32, #tpu.memory_space<hbm>> -> memref<128x128xf32, #tpu.memory_space<hbm>>
    %dma_wait3A_2344 = arith.constant 0 : i32
    %dma_wait3A_2345 = arith.constant 0 : i32
    %dma_wait3A_2346 = tpu.memref_slice %arg9[%dma_wait3A_2337, %dma_wait3A_2344, %dma_wait3A_2345] : memref<2x128x128xf32, #tpu.memory_space<vmem>> -> memref<1x128x128xf32, #tpu.memory_space<vmem>>
    %dma_wait3A_2347 = tpu.memref_squeeze %dma_wait3A_2346 : memref<1x128x128xf32, #tpu.memory_space<vmem>> -> memref<128x128xf32, #tpu.memory_space<vmem>>
    %dma_wait3A_2348 = arith.constant 0 : i32
    %dma_wait3A_2349 = tpu.memref_slice %arg3[%add3A_2257, %dma_wait3A_2348] : memref<102400x128xf32, #tpu.memory_space<hbm>> -> memref<128x128xf32, #tpu.memory_space<hbm>>
    tpu.wait_dma2 semaphore(%arg14 : memref<!tpu.dma_semaphore, #tpu.memory_space<semaphore_mem>>) src(%dma_wait3A_2349 : memref<128x128xf32, #tpu.memory_space<hbm>>) dst(%dma_wait3A_2347 : memref<128x128xf32, #tpu.memory_space<vmem>>)
    %dma_start3A_2350 = arith.constant 1 : i32
    %dma_start3A_2351 = arith.constant 15 : i32
    %dma_start3A_2352 = arith.constant 0 : i32
    %dma_start3A_2353 = arith.constant 0 : i32
    %dma_start3A_2354 = tpu.memref_slice %arg9[%dma_start3A_2350, %dma_start3A_2352, %dma_start3A_2353] : memref<2x128x128xf32, #tpu.memory_space<vmem>> -> memref<1x128x128xf32, #tpu.memory_space<vmem>>
    %dma_start3A_2355 = tpu.memref_squeeze %dma_start3A_2354 : memref<1x128x128xf32, #tpu.memory_space<vmem>> -> memref<128x128xf32, #tpu.memory_space<vmem>>
    %dma_start3A_2356 = arith.constant 0 : i32
    %dma_start3A_2357 = tpu.memref_slice %arg8[%dma_start3A_2351, %dma_start3A_2356] : memref<25x128xi32, #tpu.memory_space<vmem>> -> memref<1x128xi32, #tpu.memory_space<vmem>>
    %dma_start3A_2358 = tpu.memref_squeeze %dma_start3A_2357 : memref<1x128xi32, #tpu.memory_space<vmem>> -> memref<128xi32, #tpu.memory_space<vmem>>
    %dma_start3A_2359 = arith.constant 0 : i32
    %dma_start3A_2360 = arith.constant 0 : i32
    %dma_start3A_2361 = tpu.memref_slice %arg11[%dma_start3A_2359, %dma_start3A_2360] : memref<4112x128xf32, #tpu.memory_space<vmem_shared>> -> memref<4112x128xf32, #tpu.memory_space<vmem_shared>>
    tpu.enqueue_indirect_dma source(%dma_start3A_2355 : memref<128x128xf32, #tpu.memory_space<vmem>>) target(%dma_start3A_2361 : memref<4112x128xf32, #tpu.memory_space<vmem_shared>>) offsets(%dma_start3A_2358 : memref<128xi32, #tpu.memory_space<vmem>>) semaphore(%arg16 : memref<!tpu.dma_semaphore, #tpu.memory_space<semaphore_mem>>) {add = true}
    %dma_wait3A_2362 = arith.constant 13 : i32
    %dma_wait3A_2363 = arith.constant 0 : i32
    %dma_wait3A_2364 = tpu.memref_slice %arg8[%dma_wait3A_2362, %dma_wait3A_2363] : memref<25x128xi32, #tpu.memory_space<vmem>> -> memref<1x128xi32, #tpu.memory_space<vmem>>
    %dma_wait3A_2365 = tpu.memref_squeeze %dma_wait3A_2364 : memref<1x128xi32, #tpu.memory_space<vmem>> -> memref<128xi32, #tpu.memory_space<vmem>>
    %dma_wait3A_2366 = arith.constant 0 : i32
    %dma_wait3A_2367 = arith.constant 0 : i32
    %dma_wait3A_2368 = tpu.memref_slice %arg12[%dma_wait3A_2366, %dma_wait3A_2367] : memref<4112x128xf32, #tpu.memory_space<vmem_shared>> -> memref<4112x128xf32, #tpu.memory_space<vmem_shared>>
    tpu.wait_indirect_dma semaphore(%arg18 : memref<!tpu.dma_semaphore, #tpu.memory_space<semaphore_mem>>) src(%arg10 : memref<128x128xf32, #tpu.memory_space<vmem>>) dst(%dma_wait3A_2368 : memref<4112x128xf32, #tpu.memory_space<vmem_shared>>)
    %dma_start3A_2369 = arith.constant 15 : i32
    %dma_start3A_2370 = arith.constant 0 : i32
    %dma_start3A_2371 = tpu.memref_slice %arg8[%dma_start3A_2369, %dma_start3A_2370] : memref<25x128xi32, #tpu.memory_space<vmem>> -> memref<1x128xi32, #tpu.memory_space<vmem>>
    %dma_start3A_2372 = tpu.memref_squeeze %dma_start3A_2371 : memref<1x128xi32, #tpu.memory_space<vmem>> -> memref<128xi32, #tpu.memory_space<vmem>>
    %dma_start3A_2373 = arith.constant 0 : i32
    %dma_start3A_2374 = arith.constant 0 : i32
    %dma_start3A_2375 = tpu.memref_slice %arg12[%dma_start3A_2373, %dma_start3A_2374] : memref<4112x128xf32, #tpu.memory_space<vmem_shared>> -> memref<4112x128xf32, #tpu.memory_space<vmem_shared>>
    tpu.enqueue_indirect_dma source(%arg10 : memref<128x128xf32, #tpu.memory_space<vmem>>) target(%dma_start3A_2375 : memref<4112x128xf32, #tpu.memory_space<vmem_shared>>) offsets(%dma_start3A_2372 : memref<128xi32, #tpu.memory_space<vmem>>) semaphore(%arg18 : memref<!tpu.dma_semaphore, #tpu.memory_space<semaphore_mem>>) {add = true}
    %dma_wait3A_2376 = arith.constant 1 : i32
    %dma_wait3A_2377 = arith.constant 15 : i32
    %dma_wait3A_2378 = arith.constant 0 : i32
    %dma_wait3A_2379 = arith.constant 0 : i32
    %dma_wait3A_2380 = tpu.memref_slice %arg9[%dma_wait3A_2376, %dma_wait3A_2378, %dma_wait3A_2379] : memref<2x128x128xf32, #tpu.memory_space<vmem>> -> memref<1x128x128xf32, #tpu.memory_space<vmem>>
    %dma_wait3A_2381 = tpu.memref_squeeze %dma_wait3A_2380 : memref<1x128x128xf32, #tpu.memory_space<vmem>> -> memref<128x128xf32, #tpu.memory_space<vmem>>
    %dma_wait3A_2382 = arith.constant 0 : i32
    %dma_wait3A_2383 = tpu.memref_slice %arg8[%dma_wait3A_2377, %dma_wait3A_2382] : memref<25x128xi32, #tpu.memory_space<vmem>> -> memref<1x128xi32, #tpu.memory_space<vmem>>
    %dma_wait3A_2384 = tpu.memref_squeeze %dma_wait3A_2383 : memref<1x128xi32, #tpu.memory_space<vmem>> -> memref<128xi32, #tpu.memory_space<vmem>>
    %dma_wait3A_2385 = arith.constant 0 : i32
    %dma_wait3A_2386 = arith.constant 0 : i32
    %dma_wait3A_2387 = tpu.memref_slice %arg11[%dma_wait3A_2385, %dma_wait3A_2386] : memref<4112x128xf32, #tpu.memory_space<vmem_shared>> -> memref<4112x128xf32, #tpu.memory_space<vmem_shared>>
    tpu.wait_indirect_dma semaphore(%arg16 : memref<!tpu.dma_semaphore, #tpu.memory_space<semaphore_mem>>) src(%dma_wait3A_2381 : memref<128x128xf32, #tpu.memory_space<vmem>>) dst(%dma_wait3A_2387 : memref<4112x128xf32, #tpu.memory_space<vmem_shared>>)
    %add3A_2388 = arith.constant 2176 : i32
    %add3A_2389 = arith.addi %mul3A_2, %add3A_2388 : i32
    %dma_start3A_2390 = arith.constant 1 : i32
    %dma_start3A_2391 = arith.constant 0 : i32
    %dma_start3A_2392 = arith.constant 0 : i32
    %dma_start3A_2393 = tpu.memref_slice %arg9[%dma_start3A_2390, %dma_start3A_2391, %dma_start3A_2392] : memref<2x128x128xf32, #tpu.memory_space<vmem>> -> memref<1x128x128xf32, #tpu.memory_space<vmem>>
    %dma_start3A_2394 = tpu.memref_squeeze %dma_start3A_2393 : memref<1x128x128xf32, #tpu.memory_space<vmem>> -> memref<128x128xf32, #tpu.memory_space<vmem>>
    %dma_start3A_2395 = arith.constant 0 : i32
    %dma_start3A_2396 = tpu.memref_slice %arg3[%add3A_2389, %dma_start3A_2395] : memref<102400x128xf32, #tpu.memory_space<hbm>> -> memref<128x128xf32, #tpu.memory_space<hbm>>
    %dma_start3A_2397 = arith.constant 0 : i32
    %dma_start3A_2398 = arith.constant 0 : i32
    %dma_start3A_2399 = tpu.memref_slice %arg9[%dma_start3A_2390, %dma_start3A_2397, %dma_start3A_2398] : memref<2x128x128xf32, #tpu.memory_space<vmem>> -> memref<1x128x128xf32, #tpu.memory_space<vmem>>
    %dma_start3A_2400 = tpu.memref_squeeze %dma_start3A_2399 : memref<1x128x128xf32, #tpu.memory_space<vmem>> -> memref<128x128xf32, #tpu.memory_space<vmem>>
    %dma_start3A_2401 = arith.constant 0 : i32
    %dma_start3A_2402 = tpu.memref_slice %arg3[%add3A_2389, %dma_start3A_2401] : memref<102400x128xf32, #tpu.memory_space<hbm>> -> memref<128x128xf32, #tpu.memory_space<hbm>>
    tpu.enqueue_dma source(%dma_start3A_2402 : memref<128x128xf32, #tpu.memory_space<hbm>>) target(%dma_start3A_2400 : memref<128x128xf32, #tpu.memory_space<vmem>>) target_semaphore(%arg14 : memref<!tpu.dma_semaphore, #tpu.memory_space<semaphore_mem>>)
    %dma_wait3A_2403 = arith.constant 0 : i32
    %dma_wait3A_2404 = arith.constant 0 : i32
    %dma_wait3A_2405 = arith.constant 0 : i32
    %dma_wait3A_2406 = tpu.memref_slice %arg9[%dma_wait3A_2403, %dma_wait3A_2404, %dma_wait3A_2405] : memref<2x128x128xf32, #tpu.memory_space<vmem>> -> memref<1x128x128xf32, #tpu.memory_space<vmem>>
    %dma_wait3A_2407 = tpu.memref_squeeze %dma_wait3A_2406 : memref<1x128x128xf32, #tpu.memory_space<vmem>> -> memref<128x128xf32, #tpu.memory_space<vmem>>
    %dma_wait3A_2408 = arith.constant 0 : i32
    %dma_wait3A_2409 = tpu.memref_slice %arg3[%add3A_2323, %dma_wait3A_2408] : memref<102400x128xf32, #tpu.memory_space<hbm>> -> memref<128x128xf32, #tpu.memory_space<hbm>>
    %dma_wait3A_2410 = arith.constant 0 : i32
    %dma_wait3A_2411 = arith.constant 0 : i32
    %dma_wait3A_2412 = tpu.memref_slice %arg9[%dma_wait3A_2403, %dma_wait3A_2410, %dma_wait3A_2411] : memref<2x128x128xf32, #tpu.memory_space<vmem>> -> memref<1x128x128xf32, #tpu.memory_space<vmem>>
    %dma_wait3A_2413 = tpu.memref_squeeze %dma_wait3A_2412 : memref<1x128x128xf32, #tpu.memory_space<vmem>> -> memref<128x128xf32, #tpu.memory_space<vmem>>
    %dma_wait3A_2414 = arith.constant 0 : i32
    %dma_wait3A_2415 = tpu.memref_slice %arg3[%add3A_2323, %dma_wait3A_2414] : memref<102400x128xf32, #tpu.memory_space<hbm>> -> memref<128x128xf32, #tpu.memory_space<hbm>>
    tpu.wait_dma2 semaphore(%arg13 : memref<!tpu.dma_semaphore, #tpu.memory_space<semaphore_mem>>) src(%dma_wait3A_2415 : memref<128x128xf32, #tpu.memory_space<hbm>>) dst(%dma_wait3A_2413 : memref<128x128xf32, #tpu.memory_space<vmem>>)
    %dma_start3A_2416 = arith.constant 0 : i32
    %dma_start3A_2417 = arith.constant 16 : i32
    %dma_start3A_2418 = arith.constant 0 : i32
    %dma_start3A_2419 = arith.constant 0 : i32
    %dma_start3A_2420 = tpu.memref_slice %arg9[%dma_start3A_2416, %dma_start3A_2418, %dma_start3A_2419] : memref<2x128x128xf32, #tpu.memory_space<vmem>> -> memref<1x128x128xf32, #tpu.memory_space<vmem>>
    %dma_start3A_2421 = tpu.memref_squeeze %dma_start3A_2420 : memref<1x128x128xf32, #tpu.memory_space<vmem>> -> memref<128x128xf32, #tpu.memory_space<vmem>>
    %dma_start3A_2422 = arith.constant 0 : i32
    %dma_start3A_2423 = tpu.memref_slice %arg8[%dma_start3A_2417, %dma_start3A_2422] : memref<25x128xi32, #tpu.memory_space<vmem>> -> memref<1x128xi32, #tpu.memory_space<vmem>>
    %dma_start3A_2424 = tpu.memref_squeeze %dma_start3A_2423 : memref<1x128xi32, #tpu.memory_space<vmem>> -> memref<128xi32, #tpu.memory_space<vmem>>
    %dma_start3A_2425 = arith.constant 0 : i32
    %dma_start3A_2426 = arith.constant 0 : i32
    %dma_start3A_2427 = tpu.memref_slice %arg11[%dma_start3A_2425, %dma_start3A_2426] : memref<4112x128xf32, #tpu.memory_space<vmem_shared>> -> memref<4112x128xf32, #tpu.memory_space<vmem_shared>>
    tpu.enqueue_indirect_dma source(%dma_start3A_2421 : memref<128x128xf32, #tpu.memory_space<vmem>>) target(%dma_start3A_2427 : memref<4112x128xf32, #tpu.memory_space<vmem_shared>>) offsets(%dma_start3A_2424 : memref<128xi32, #tpu.memory_space<vmem>>) semaphore(%arg15 : memref<!tpu.dma_semaphore, #tpu.memory_space<semaphore_mem>>) {add = true}
    %dma_wait3A_2428 = arith.constant 14 : i32
    %dma_wait3A_2429 = arith.constant 0 : i32
    %dma_wait3A_2430 = tpu.memref_slice %arg8[%dma_wait3A_2428, %dma_wait3A_2429] : memref<25x128xi32, #tpu.memory_space<vmem>> -> memref<1x128xi32, #tpu.memory_space<vmem>>
    %dma_wait3A_2431 = tpu.memref_squeeze %dma_wait3A_2430 : memref<1x128xi32, #tpu.memory_space<vmem>> -> memref<128xi32, #tpu.memory_space<vmem>>
    %dma_wait3A_2432 = arith.constant 0 : i32
    %dma_wait3A_2433 = arith.constant 0 : i32
    %dma_wait3A_2434 = tpu.memref_slice %arg12[%dma_wait3A_2432, %dma_wait3A_2433] : memref<4112x128xf32, #tpu.memory_space<vmem_shared>> -> memref<4112x128xf32, #tpu.memory_space<vmem_shared>>
    tpu.wait_indirect_dma semaphore(%arg17 : memref<!tpu.dma_semaphore, #tpu.memory_space<semaphore_mem>>) src(%arg10 : memref<128x128xf32, #tpu.memory_space<vmem>>) dst(%dma_wait3A_2434 : memref<4112x128xf32, #tpu.memory_space<vmem_shared>>)
    %dma_start3A_2435 = arith.constant 16 : i32
    %dma_start3A_2436 = arith.constant 0 : i32
    %dma_start3A_2437 = tpu.memref_slice %arg8[%dma_start3A_2435, %dma_start3A_2436] : memref<25x128xi32, #tpu.memory_space<vmem>> -> memref<1x128xi32, #tpu.memory_space<vmem>>
    %dma_start3A_2438 = tpu.memref_squeeze %dma_start3A_2437 : memref<1x128xi32, #tpu.memory_space<vmem>> -> memref<128xi32, #tpu.memory_space<vmem>>
    %dma_start3A_2439 = arith.constant 0 : i32
    %dma_start3A_2440 = arith.constant 0 : i32
    %dma_start3A_2441 = tpu.memref_slice %arg12[%dma_start3A_2439, %dma_start3A_2440] : memref<4112x128xf32, #tpu.memory_space<vmem_shared>> -> memref<4112x128xf32, #tpu.memory_space<vmem_shared>>
    tpu.enqueue_indirect_dma source(%arg10 : memref<128x128xf32, #tpu.memory_space<vmem>>) target(%dma_start3A_2441 : memref<4112x128xf32, #tpu.memory_space<vmem_shared>>) offsets(%dma_start3A_2438 : memref<128xi32, #tpu.memory_space<vmem>>) semaphore(%arg17 : memref<!tpu.dma_semaphore, #tpu.memory_space<semaphore_mem>>) {add = true}
    %dma_wait3A_2442 = arith.constant 0 : i32
    %dma_wait3A_2443 = arith.constant 16 : i32
    %dma_wait3A_2444 = arith.constant 0 : i32
    %dma_wait3A_2445 = arith.constant 0 : i32
    %dma_wait3A_2446 = tpu.memref_slice %arg9[%dma_wait3A_2442, %dma_wait3A_2444, %dma_wait3A_2445] : memref<2x128x128xf32, #tpu.memory_space<vmem>> -> memref<1x128x128xf32, #tpu.memory_space<vmem>>
    %dma_wait3A_2447 = tpu.memref_squeeze %dma_wait3A_2446 : memref<1x128x128xf32, #tpu.memory_space<vmem>> -> memref<128x128xf32, #tpu.memory_space<vmem>>
    %dma_wait3A_2448 = arith.constant 0 : i32
    %dma_wait3A_2449 = tpu.memref_slice %arg8[%dma_wait3A_2443, %dma_wait3A_2448] : memref<25x128xi32, #tpu.memory_space<vmem>> -> memref<1x128xi32, #tpu.memory_space<vmem>>
    %dma_wait3A_2450 = tpu.memref_squeeze %dma_wait3A_2449 : memref<1x128xi32, #tpu.memory_space<vmem>> -> memref<128xi32, #tpu.memory_space<vmem>>
    %dma_wait3A_2451 = arith.constant 0 : i32
    %dma_wait3A_2452 = arith.constant 0 : i32
    %dma_wait3A_2453 = tpu.memref_slice %arg11[%dma_wait3A_2451, %dma_wait3A_2452] : memref<4112x128xf32, #tpu.memory_space<vmem_shared>> -> memref<4112x128xf32, #tpu.memory_space<vmem_shared>>
    tpu.wait_indirect_dma semaphore(%arg15 : memref<!tpu.dma_semaphore, #tpu.memory_space<semaphore_mem>>) src(%dma_wait3A_2447 : memref<128x128xf32, #tpu.memory_space<vmem>>) dst(%dma_wait3A_2453 : memref<4112x128xf32, #tpu.memory_space<vmem_shared>>)
    %add3A_2454 = arith.constant 2304 : i32
    %add3A_2455 = arith.addi %mul3A_2, %add3A_2454 : i32
    %dma_start3A_2456 = arith.constant 0 : i32
    %dma_start3A_2457 = arith.constant 0 : i32
    %dma_start3A_2458 = arith.constant 0 : i32
    %dma_start3A_2459 = tpu.memref_slice %arg9[%dma_start3A_2456, %dma_start3A_2457, %dma_start3A_2458] : memref<2x128x128xf32, #tpu.memory_space<vmem>> -> memref<1x128x128xf32, #tpu.memory_space<vmem>>
    %dma_start3A_2460 = tpu.memref_squeeze %dma_start3A_2459 : memref<1x128x128xf32, #tpu.memory_space<vmem>> -> memref<128x128xf32, #tpu.memory_space<vmem>>
    %dma_start3A_2461 = arith.constant 0 : i32
    %dma_start3A_2462 = tpu.memref_slice %arg3[%add3A_2455, %dma_start3A_2461] : memref<102400x128xf32, #tpu.memory_space<hbm>> -> memref<128x128xf32, #tpu.memory_space<hbm>>
    %dma_start3A_2463 = arith.constant 0 : i32
    %dma_start3A_2464 = arith.constant 0 : i32
    %dma_start3A_2465 = tpu.memref_slice %arg9[%dma_start3A_2456, %dma_start3A_2463, %dma_start3A_2464] : memref<2x128x128xf32, #tpu.memory_space<vmem>> -> memref<1x128x128xf32, #tpu.memory_space<vmem>>
    %dma_start3A_2466 = tpu.memref_squeeze %dma_start3A_2465 : memref<1x128x128xf32, #tpu.memory_space<vmem>> -> memref<128x128xf32, #tpu.memory_space<vmem>>
    %dma_start3A_2467 = arith.constant 0 : i32
    %dma_start3A_2468 = tpu.memref_slice %arg3[%add3A_2455, %dma_start3A_2467] : memref<102400x128xf32, #tpu.memory_space<hbm>> -> memref<128x128xf32, #tpu.memory_space<hbm>>
    tpu.enqueue_dma source(%dma_start3A_2468 : memref<128x128xf32, #tpu.memory_space<hbm>>) target(%dma_start3A_2466 : memref<128x128xf32, #tpu.memory_space<vmem>>) target_semaphore(%arg13 : memref<!tpu.dma_semaphore, #tpu.memory_space<semaphore_mem>>)
    %dma_wait3A_2469 = arith.constant 1 : i32
    %dma_wait3A_2470 = arith.constant 0 : i32
    %dma_wait3A_2471 = arith.constant 0 : i32
    %dma_wait3A_2472 = tpu.memref_slice %arg9[%dma_wait3A_2469, %dma_wait3A_2470, %dma_wait3A_2471] : memref<2x128x128xf32, #tpu.memory_space<vmem>> -> memref<1x128x128xf32, #tpu.memory_space<vmem>>
    %dma_wait3A_2473 = tpu.memref_squeeze %dma_wait3A_2472 : memref<1x128x128xf32, #tpu.memory_space<vmem>> -> memref<128x128xf32, #tpu.memory_space<vmem>>
    %dma_wait3A_2474 = arith.constant 0 : i32
    %dma_wait3A_2475 = tpu.memref_slice %arg3[%add3A_2389, %dma_wait3A_2474] : memref<102400x128xf32, #tpu.memory_space<hbm>> -> memref<128x128xf32, #tpu.memory_space<hbm>>
    %dma_wait3A_2476 = arith.constant 0 : i32
    %dma_wait3A_2477 = arith.constant 0 : i32
    %dma_wait3A_2478 = tpu.memref_slice %arg9[%dma_wait3A_2469, %dma_wait3A_2476, %dma_wait3A_2477] : memref<2x128x128xf32, #tpu.memory_space<vmem>> -> memref<1x128x128xf32, #tpu.memory_space<vmem>>
    %dma_wait3A_2479 = tpu.memref_squeeze %dma_wait3A_2478 : memref<1x128x128xf32, #tpu.memory_space<vmem>> -> memref<128x128xf32, #tpu.memory_space<vmem>>
    %dma_wait3A_2480 = arith.constant 0 : i32
    %dma_wait3A_2481 = tpu.memref_slice %arg3[%add3A_2389, %dma_wait3A_2480] : memref<102400x128xf32, #tpu.memory_space<hbm>> -> memref<128x128xf32, #tpu.memory_space<hbm>>
    tpu.wait_dma2 semaphore(%arg14 : memref<!tpu.dma_semaphore, #tpu.memory_space<semaphore_mem>>) src(%dma_wait3A_2481 : memref<128x128xf32, #tpu.memory_space<hbm>>) dst(%dma_wait3A_2479 : memref<128x128xf32, #tpu.memory_space<vmem>>)
    %dma_start3A_2482 = arith.constant 1 : i32
    %dma_start3A_2483 = arith.constant 17 : i32
    %dma_start3A_2484 = arith.constant 0 : i32
    %dma_start3A_2485 = arith.constant 0 : i32
    %dma_start3A_2486 = tpu.memref_slice %arg9[%dma_start3A_2482, %dma_start3A_2484, %dma_start3A_2485] : memref<2x128x128xf32, #tpu.memory_space<vmem>> -> memref<1x128x128xf32, #tpu.memory_space<vmem>>
    %dma_start3A_2487 = tpu.memref_squeeze %dma_start3A_2486 : memref<1x128x128xf32, #tpu.memory_space<vmem>> -> memref<128x128xf32, #tpu.memory_space<vmem>>
    %dma_start3A_2488 = arith.constant 0 : i32
    %dma_start3A_2489 = tpu.memref_slice %arg8[%dma_start3A_2483, %dma_start3A_2488] : memref<25x128xi32, #tpu.memory_space<vmem>> -> memref<1x128xi32, #tpu.memory_space<vmem>>
    %dma_start3A_2490 = tpu.memref_squeeze %dma_start3A_2489 : memref<1x128xi32, #tpu.memory_space<vmem>> -> memref<128xi32, #tpu.memory_space<vmem>>
    %dma_start3A_2491 = arith.constant 0 : i32
    %dma_start3A_2492 = arith.constant 0 : i32
    %dma_start3A_2493 = tpu.memref_slice %arg11[%dma_start3A_2491, %dma_start3A_2492] : memref<4112x128xf32, #tpu.memory_space<vmem_shared>> -> memref<4112x128xf32, #tpu.memory_space<vmem_shared>>
    tpu.enqueue_indirect_dma source(%dma_start3A_2487 : memref<128x128xf32, #tpu.memory_space<vmem>>) target(%dma_start3A_2493 : memref<4112x128xf32, #tpu.memory_space<vmem_shared>>) offsets(%dma_start3A_2490 : memref<128xi32, #tpu.memory_space<vmem>>) semaphore(%arg16 : memref<!tpu.dma_semaphore, #tpu.memory_space<semaphore_mem>>) {add = true}
    %dma_wait3A_2494 = arith.constant 15 : i32
    %dma_wait3A_2495 = arith.constant 0 : i32
    %dma_wait3A_2496 = tpu.memref_slice %arg8[%dma_wait3A_2494, %dma_wait3A_2495] : memref<25x128xi32, #tpu.memory_space<vmem>> -> memref<1x128xi32, #tpu.memory_space<vmem>>
    %dma_wait3A_2497 = tpu.memref_squeeze %dma_wait3A_2496 : memref<1x128xi32, #tpu.memory_space<vmem>> -> memref<128xi32, #tpu.memory_space<vmem>>
    %dma_wait3A_2498 = arith.constant 0 : i32
    %dma_wait3A_2499 = arith.constant 0 : i32
    %dma_wait3A_2500 = tpu.memref_slice %arg12[%dma_wait3A_2498, %dma_wait3A_2499] : memref<4112x128xf32, #tpu.memory_space<vmem_shared>> -> memref<4112x128xf32, #tpu.memory_space<vmem_shared>>
    tpu.wait_indirect_dma semaphore(%arg18 : memref<!tpu.dma_semaphore, #tpu.memory_space<semaphore_mem>>) src(%arg10 : memref<128x128xf32, #tpu.memory_space<vmem>>) dst(%dma_wait3A_2500 : memref<4112x128xf32, #tpu.memory_space<vmem_shared>>)
    %dma_start3A_2501 = arith.constant 17 : i32
    %dma_start3A_2502 = arith.constant 0 : i32
    %dma_start3A_2503 = tpu.memref_slice %arg8[%dma_start3A_2501, %dma_start3A_2502] : memref<25x128xi32, #tpu.memory_space<vmem>> -> memref<1x128xi32, #tpu.memory_space<vmem>>
    %dma_start3A_2504 = tpu.memref_squeeze %dma_start3A_2503 : memref<1x128xi32, #tpu.memory_space<vmem>> -> memref<128xi32, #tpu.memory_space<vmem>>
    %dma_start3A_2505 = arith.constant 0 : i32
    %dma_start3A_2506 = arith.constant 0 : i32
    %dma_start3A_2507 = tpu.memref_slice %arg12[%dma_start3A_2505, %dma_start3A_2506] : memref<4112x128xf32, #tpu.memory_space<vmem_shared>> -> memref<4112x128xf32, #tpu.memory_space<vmem_shared>>
    tpu.enqueue_indirect_dma source(%arg10 : memref<128x128xf32, #tpu.memory_space<vmem>>) target(%dma_start3A_2507 : memref<4112x128xf32, #tpu.memory_space<vmem_shared>>) offsets(%dma_start3A_2504 : memref<128xi32, #tpu.memory_space<vmem>>) semaphore(%arg18 : memref<!tpu.dma_semaphore, #tpu.memory_space<semaphore_mem>>) {add = true}
    %dma_wait3A_2508 = arith.constant 1 : i32
    %dma_wait3A_2509 = arith.constant 17 : i32
    %dma_wait3A_2510 = arith.constant 0 : i32
    %dma_wait3A_2511 = arith.constant 0 : i32
    %dma_wait3A_2512 = tpu.memref_slice %arg9[%dma_wait3A_2508, %dma_wait3A_2510, %dma_wait3A_2511] : memref<2x128x128xf32, #tpu.memory_space<vmem>> -> memref<1x128x128xf32, #tpu.memory_space<vmem>>
    %dma_wait3A_2513 = tpu.memref_squeeze %dma_wait3A_2512 : memref<1x128x128xf32, #tpu.memory_space<vmem>> -> memref<128x128xf32, #tpu.memory_space<vmem>>
    %dma_wait3A_2514 = arith.constant 0 : i32
    %dma_wait3A_2515 = tpu.memref_slice %arg8[%dma_wait3A_2509, %dma_wait3A_2514] : memref<25x128xi32, #tpu.memory_space<vmem>> -> memref<1x128xi32, #tpu.memory_space<vmem>>
    %dma_wait3A_2516 = tpu.memref_squeeze %dma_wait3A_2515 : memref<1x128xi32, #tpu.memory_space<vmem>> -> memref<128xi32, #tpu.memory_space<vmem>>
    %dma_wait3A_2517 = arith.constant 0 : i32
    %dma_wait3A_2518 = arith.constant 0 : i32
    %dma_wait3A_2519 = tpu.memref_slice %arg11[%dma_wait3A_2517, %dma_wait3A_2518] : memref<4112x128xf32, #tpu.memory_space<vmem_shared>> -> memref<4112x128xf32, #tpu.memory_space<vmem_shared>>
    tpu.wait_indirect_dma semaphore(%arg16 : memref<!tpu.dma_semaphore, #tpu.memory_space<semaphore_mem>>) src(%dma_wait3A_2513 : memref<128x128xf32, #tpu.memory_space<vmem>>) dst(%dma_wait3A_2519 : memref<4112x128xf32, #tpu.memory_space<vmem_shared>>)
    %add3A_2520 = arith.constant 2432 : i32
    %add3A_2521 = arith.addi %mul3A_2, %add3A_2520 : i32
    %dma_start3A_2522 = arith.constant 1 : i32
    %dma_start3A_2523 = arith.constant 0 : i32
    %dma_start3A_2524 = arith.constant 0 : i32
    %dma_start3A_2525 = tpu.memref_slice %arg9[%dma_start3A_2522, %dma_start3A_2523, %dma_start3A_2524] : memref<2x128x128xf32, #tpu.memory_space<vmem>> -> memref<1x128x128xf32, #tpu.memory_space<vmem>>
    %dma_start3A_2526 = tpu.memref_squeeze %dma_start3A_2525 : memref<1x128x128xf32, #tpu.memory_space<vmem>> -> memref<128x128xf32, #tpu.memory_space<vmem>>
    %dma_start3A_2527 = arith.constant 0 : i32
    %dma_start3A_2528 = tpu.memref_slice %arg3[%add3A_2521, %dma_start3A_2527] : memref<102400x128xf32, #tpu.memory_space<hbm>> -> memref<128x128xf32, #tpu.memory_space<hbm>>
    %dma_start3A_2529 = arith.constant 0 : i32
    %dma_start3A_2530 = arith.constant 0 : i32
    %dma_start3A_2531 = tpu.memref_slice %arg9[%dma_start3A_2522, %dma_start3A_2529, %dma_start3A_2530] : memref<2x128x128xf32, #tpu.memory_space<vmem>> -> memref<1x128x128xf32, #tpu.memory_space<vmem>>
    %dma_start3A_2532 = tpu.memref_squeeze %dma_start3A_2531 : memref<1x128x128xf32, #tpu.memory_space<vmem>> -> memref<128x128xf32, #tpu.memory_space<vmem>>
    %dma_start3A_2533 = arith.constant 0 : i32
    %dma_start3A_2534 = tpu.memref_slice %arg3[%add3A_2521, %dma_start3A_2533] : memref<102400x128xf32, #tpu.memory_space<hbm>> -> memref<128x128xf32, #tpu.memory_space<hbm>>
    tpu.enqueue_dma source(%dma_start3A_2534 : memref<128x128xf32, #tpu.memory_space<hbm>>) target(%dma_start3A_2532 : memref<128x128xf32, #tpu.memory_space<vmem>>) target_semaphore(%arg14 : memref<!tpu.dma_semaphore, #tpu.memory_space<semaphore_mem>>)
    %dma_wait3A_2535 = arith.constant 0 : i32
    %dma_wait3A_2536 = arith.constant 0 : i32
    %dma_wait3A_2537 = arith.constant 0 : i32
    %dma_wait3A_2538 = tpu.memref_slice %arg9[%dma_wait3A_2535, %dma_wait3A_2536, %dma_wait3A_2537] : memref<2x128x128xf32, #tpu.memory_space<vmem>> -> memref<1x128x128xf32, #tpu.memory_space<vmem>>
    %dma_wait3A_2539 = tpu.memref_squeeze %dma_wait3A_2538 : memref<1x128x128xf32, #tpu.memory_space<vmem>> -> memref<128x128xf32, #tpu.memory_space<vmem>>
    %dma_wait3A_2540 = arith.constant 0 : i32
    %dma_wait3A_2541 = tpu.memref_slice %arg3[%add3A_2455, %dma_wait3A_2540] : memref<102400x128xf32, #tpu.memory_space<hbm>> -> memref<128x128xf32, #tpu.memory_space<hbm>>
    %dma_wait3A_2542 = arith.constant 0 : i32
    %dma_wait3A_2543 = arith.constant 0 : i32
    %dma_wait3A_2544 = tpu.memref_slice %arg9[%dma_wait3A_2535, %dma_wait3A_2542, %dma_wait3A_2543] : memref<2x128x128xf32, #tpu.memory_space<vmem>> -> memref<1x128x128xf32, #tpu.memory_space<vmem>>
    %dma_wait3A_2545 = tpu.memref_squeeze %dma_wait3A_2544 : memref<1x128x128xf32, #tpu.memory_space<vmem>> -> memref<128x128xf32, #tpu.memory_space<vmem>>
    %dma_wait3A_2546 = arith.constant 0 : i32
    %dma_wait3A_2547 = tpu.memref_slice %arg3[%add3A_2455, %dma_wait3A_2546] : memref<102400x128xf32, #tpu.memory_space<hbm>> -> memref<128x128xf32, #tpu.memory_space<hbm>>
    tpu.wait_dma2 semaphore(%arg13 : memref<!tpu.dma_semaphore, #tpu.memory_space<semaphore_mem>>) src(%dma_wait3A_2547 : memref<128x128xf32, #tpu.memory_space<hbm>>) dst(%dma_wait3A_2545 : memref<128x128xf32, #tpu.memory_space<vmem>>)
    %dma_start3A_2548 = arith.constant 0 : i32
    %dma_start3A_2549 = arith.constant 18 : i32
    %dma_start3A_2550 = arith.constant 0 : i32
    %dma_start3A_2551 = arith.constant 0 : i32
    %dma_start3A_2552 = tpu.memref_slice %arg9[%dma_start3A_2548, %dma_start3A_2550, %dma_start3A_2551] : memref<2x128x128xf32, #tpu.memory_space<vmem>> -> memref<1x128x128xf32, #tpu.memory_space<vmem>>
    %dma_start3A_2553 = tpu.memref_squeeze %dma_start3A_2552 : memref<1x128x128xf32, #tpu.memory_space<vmem>> -> memref<128x128xf32, #tpu.memory_space<vmem>>
    %dma_start3A_2554 = arith.constant 0 : i32
    %dma_start3A_2555 = tpu.memref_slice %arg8[%dma_start3A_2549, %dma_start3A_2554] : memref<25x128xi32, #tpu.memory_space<vmem>> -> memref<1x128xi32, #tpu.memory_space<vmem>>
    %dma_start3A_2556 = tpu.memref_squeeze %dma_start3A_2555 : memref<1x128xi32, #tpu.memory_space<vmem>> -> memref<128xi32, #tpu.memory_space<vmem>>
    %dma_start3A_2557 = arith.constant 0 : i32
    %dma_start3A_2558 = arith.constant 0 : i32
    %dma_start3A_2559 = tpu.memref_slice %arg11[%dma_start3A_2557, %dma_start3A_2558] : memref<4112x128xf32, #tpu.memory_space<vmem_shared>> -> memref<4112x128xf32, #tpu.memory_space<vmem_shared>>
    tpu.enqueue_indirect_dma source(%dma_start3A_2553 : memref<128x128xf32, #tpu.memory_space<vmem>>) target(%dma_start3A_2559 : memref<4112x128xf32, #tpu.memory_space<vmem_shared>>) offsets(%dma_start3A_2556 : memref<128xi32, #tpu.memory_space<vmem>>) semaphore(%arg15 : memref<!tpu.dma_semaphore, #tpu.memory_space<semaphore_mem>>) {add = true}
    %dma_wait3A_2560 = arith.constant 16 : i32
    %dma_wait3A_2561 = arith.constant 0 : i32
    %dma_wait3A_2562 = tpu.memref_slice %arg8[%dma_wait3A_2560, %dma_wait3A_2561] : memref<25x128xi32, #tpu.memory_space<vmem>> -> memref<1x128xi32, #tpu.memory_space<vmem>>
    %dma_wait3A_2563 = tpu.memref_squeeze %dma_wait3A_2562 : memref<1x128xi32, #tpu.memory_space<vmem>> -> memref<128xi32, #tpu.memory_space<vmem>>
    %dma_wait3A_2564 = arith.constant 0 : i32
    %dma_wait3A_2565 = arith.constant 0 : i32
    %dma_wait3A_2566 = tpu.memref_slice %arg12[%dma_wait3A_2564, %dma_wait3A_2565] : memref<4112x128xf32, #tpu.memory_space<vmem_shared>> -> memref<4112x128xf32, #tpu.memory_space<vmem_shared>>
    tpu.wait_indirect_dma semaphore(%arg17 : memref<!tpu.dma_semaphore, #tpu.memory_space<semaphore_mem>>) src(%arg10 : memref<128x128xf32, #tpu.memory_space<vmem>>) dst(%dma_wait3A_2566 : memref<4112x128xf32, #tpu.memory_space<vmem_shared>>)
    %dma_start3A_2567 = arith.constant 18 : i32
    %dma_start3A_2568 = arith.constant 0 : i32
    %dma_start3A_2569 = tpu.memref_slice %arg8[%dma_start3A_2567, %dma_start3A_2568] : memref<25x128xi32, #tpu.memory_space<vmem>> -> memref<1x128xi32, #tpu.memory_space<vmem>>
    %dma_start3A_2570 = tpu.memref_squeeze %dma_start3A_2569 : memref<1x128xi32, #tpu.memory_space<vmem>> -> memref<128xi32, #tpu.memory_space<vmem>>
    %dma_start3A_2571 = arith.constant 0 : i32
    %dma_start3A_2572 = arith.constant 0 : i32
    %dma_start3A_2573 = tpu.memref_slice %arg12[%dma_start3A_2571, %dma_start3A_2572] : memref<4112x128xf32, #tpu.memory_space<vmem_shared>> -> memref<4112x128xf32, #tpu.memory_space<vmem_shared>>
    tpu.enqueue_indirect_dma source(%arg10 : memref<128x128xf32, #tpu.memory_space<vmem>>) target(%dma_start3A_2573 : memref<4112x128xf32, #tpu.memory_space<vmem_shared>>) offsets(%dma_start3A_2570 : memref<128xi32, #tpu.memory_space<vmem>>) semaphore(%arg17 : memref<!tpu.dma_semaphore, #tpu.memory_space<semaphore_mem>>) {add = true}
    %dma_wait3A_2574 = arith.constant 0 : i32
    %dma_wait3A_2575 = arith.constant 18 : i32
    %dma_wait3A_2576 = arith.constant 0 : i32
    %dma_wait3A_2577 = arith.constant 0 : i32
    %dma_wait3A_2578 = tpu.memref_slice %arg9[%dma_wait3A_2574, %dma_wait3A_2576, %dma_wait3A_2577] : memref<2x128x128xf32, #tpu.memory_space<vmem>> -> memref<1x128x128xf32, #tpu.memory_space<vmem>>
    %dma_wait3A_2579 = tpu.memref_squeeze %dma_wait3A_2578 : memref<1x128x128xf32, #tpu.memory_space<vmem>> -> memref<128x128xf32, #tpu.memory_space<vmem>>
    %dma_wait3A_2580 = arith.constant 0 : i32
    %dma_wait3A_2581 = tpu.memref_slice %arg8[%dma_wait3A_2575, %dma_wait3A_2580] : memref<25x128xi32, #tpu.memory_space<vmem>> -> memref<1x128xi32, #tpu.memory_space<vmem>>
    %dma_wait3A_2582 = tpu.memref_squeeze %dma_wait3A_2581 : memref<1x128xi32, #tpu.memory_space<vmem>> -> memref<128xi32, #tpu.memory_space<vmem>>
    %dma_wait3A_2583 = arith.constant 0 : i32
    %dma_wait3A_2584 = arith.constant 0 : i32
    %dma_wait3A_2585 = tpu.memref_slice %arg11[%dma_wait3A_2583, %dma_wait3A_2584] : memref<4112x128xf32, #tpu.memory_space<vmem_shared>> -> memref<4112x128xf32, #tpu.memory_space<vmem_shared>>
    tpu.wait_indirect_dma semaphore(%arg15 : memref<!tpu.dma_semaphore, #tpu.memory_space<semaphore_mem>>) src(%dma_wait3A_2579 : memref<128x128xf32, #tpu.memory_space<vmem>>) dst(%dma_wait3A_2585 : memref<4112x128xf32, #tpu.memory_space<vmem_shared>>)
    %add3A_2586 = arith.constant 2560 : i32
    %add3A_2587 = arith.addi %mul3A_2, %add3A_2586 : i32
    %dma_start3A_2588 = arith.constant 0 : i32
    %dma_start3A_2589 = arith.constant 0 : i32
    %dma_start3A_2590 = arith.constant 0 : i32
    %dma_start3A_2591 = tpu.memref_slice %arg9[%dma_start3A_2588, %dma_start3A_2589, %dma_start3A_2590] : memref<2x128x128xf32, #tpu.memory_space<vmem>> -> memref<1x128x128xf32, #tpu.memory_space<vmem>>
    %dma_start3A_2592 = tpu.memref_squeeze %dma_start3A_2591 : memref<1x128x128xf32, #tpu.memory_space<vmem>> -> memref<128x128xf32, #tpu.memory_space<vmem>>
    %dma_start3A_2593 = arith.constant 0 : i32
    %dma_start3A_2594 = tpu.memref_slice %arg3[%add3A_2587, %dma_start3A_2593] : memref<102400x128xf32, #tpu.memory_space<hbm>> -> memref<128x128xf32, #tpu.memory_space<hbm>>
    %dma_start3A_2595 = arith.constant 0 : i32
    %dma_start3A_2596 = arith.constant 0 : i32
    %dma_start3A_2597 = tpu.memref_slice %arg9[%dma_start3A_2588, %dma_start3A_2595, %dma_start3A_2596] : memref<2x128x128xf32, #tpu.memory_space<vmem>> -> memref<1x128x128xf32, #tpu.memory_space<vmem>>
    %dma_start3A_2598 = tpu.memref_squeeze %dma_start3A_2597 : memref<1x128x128xf32, #tpu.memory_space<vmem>> -> memref<128x128xf32, #tpu.memory_space<vmem>>
    %dma_start3A_2599 = arith.constant 0 : i32
    %dma_start3A_2600 = tpu.memref_slice %arg3[%add3A_2587, %dma_start3A_2599] : memref<102400x128xf32, #tpu.memory_space<hbm>> -> memref<128x128xf32, #tpu.memory_space<hbm>>
    tpu.enqueue_dma source(%dma_start3A_2600 : memref<128x128xf32, #tpu.memory_space<hbm>>) target(%dma_start3A_2598 : memref<128x128xf32, #tpu.memory_space<vmem>>) target_semaphore(%arg13 : memref<!tpu.dma_semaphore, #tpu.memory_space<semaphore_mem>>)
    %dma_wait3A_2601 = arith.constant 1 : i32
    %dma_wait3A_2602 = arith.constant 0 : i32
    %dma_wait3A_2603 = arith.constant 0 : i32
    %dma_wait3A_2604 = tpu.memref_slice %arg9[%dma_wait3A_2601, %dma_wait3A_2602, %dma_wait3A_2603] : memref<2x128x128xf32, #tpu.memory_space<vmem>> -> memref<1x128x128xf32, #tpu.memory_space<vmem>>
    %dma_wait3A_2605 = tpu.memref_squeeze %dma_wait3A_2604 : memref<1x128x128xf32, #tpu.memory_space<vmem>> -> memref<128x128xf32, #tpu.memory_space<vmem>>
    %dma_wait3A_2606 = arith.constant 0 : i32
    %dma_wait3A_2607 = tpu.memref_slice %arg3[%add3A_2521, %dma_wait3A_2606] : memref<102400x128xf32, #tpu.memory_space<hbm>> -> memref<128x128xf32, #tpu.memory_space<hbm>>
    %dma_wait3A_2608 = arith.constant 0 : i32
    %dma_wait3A_2609 = arith.constant 0 : i32
    %dma_wait3A_2610 = tpu.memref_slice %arg9[%dma_wait3A_2601, %dma_wait3A_2608, %dma_wait3A_2609] : memref<2x128x128xf32, #tpu.memory_space<vmem>> -> memref<1x128x128xf32, #tpu.memory_space<vmem>>
    %dma_wait3A_2611 = tpu.memref_squeeze %dma_wait3A_2610 : memref<1x128x128xf32, #tpu.memory_space<vmem>> -> memref<128x128xf32, #tpu.memory_space<vmem>>
    %dma_wait3A_2612 = arith.constant 0 : i32
    %dma_wait3A_2613 = tpu.memref_slice %arg3[%add3A_2521, %dma_wait3A_2612] : memref<102400x128xf32, #tpu.memory_space<hbm>> -> memref<128x128xf32, #tpu.memory_space<hbm>>
    tpu.wait_dma2 semaphore(%arg14 : memref<!tpu.dma_semaphore, #tpu.memory_space<semaphore_mem>>) src(%dma_wait3A_2613 : memref<128x128xf32, #tpu.memory_space<hbm>>) dst(%dma_wait3A_2611 : memref<128x128xf32, #tpu.memory_space<vmem>>)
    %dma_start3A_2614 = arith.constant 1 : i32
    %dma_start3A_2615 = arith.constant 19 : i32
    %dma_start3A_2616 = arith.constant 0 : i32
    %dma_start3A_2617 = arith.constant 0 : i32
    %dma_start3A_2618 = tpu.memref_slice %arg9[%dma_start3A_2614, %dma_start3A_2616, %dma_start3A_2617] : memref<2x128x128xf32, #tpu.memory_space<vmem>> -> memref<1x128x128xf32, #tpu.memory_space<vmem>>
    %dma_start3A_2619 = tpu.memref_squeeze %dma_start3A_2618 : memref<1x128x128xf32, #tpu.memory_space<vmem>> -> memref<128x128xf32, #tpu.memory_space<vmem>>
    %dma_start3A_2620 = arith.constant 0 : i32
    %dma_start3A_2621 = tpu.memref_slice %arg8[%dma_start3A_2615, %dma_start3A_2620] : memref<25x128xi32, #tpu.memory_space<vmem>> -> memref<1x128xi32, #tpu.memory_space<vmem>>
    %dma_start3A_2622 = tpu.memref_squeeze %dma_start3A_2621 : memref<1x128xi32, #tpu.memory_space<vmem>> -> memref<128xi32, #tpu.memory_space<vmem>>
    %dma_start3A_2623 = arith.constant 0 : i32
    %dma_start3A_2624 = arith.constant 0 : i32
    %dma_start3A_2625 = tpu.memref_slice %arg11[%dma_start3A_2623, %dma_start3A_2624] : memref<4112x128xf32, #tpu.memory_space<vmem_shared>> -> memref<4112x128xf32, #tpu.memory_space<vmem_shared>>
    tpu.enqueue_indirect_dma source(%dma_start3A_2619 : memref<128x128xf32, #tpu.memory_space<vmem>>) target(%dma_start3A_2625 : memref<4112x128xf32, #tpu.memory_space<vmem_shared>>) offsets(%dma_start3A_2622 : memref<128xi32, #tpu.memory_space<vmem>>) semaphore(%arg16 : memref<!tpu.dma_semaphore, #tpu.memory_space<semaphore_mem>>) {add = true}
    %dma_wait3A_2626 = arith.constant 17 : i32
    %dma_wait3A_2627 = arith.constant 0 : i32
    %dma_wait3A_2628 = tpu.memref_slice %arg8[%dma_wait3A_2626, %dma_wait3A_2627] : memref<25x128xi32, #tpu.memory_space<vmem>> -> memref<1x128xi32, #tpu.memory_space<vmem>>
    %dma_wait3A_2629 = tpu.memref_squeeze %dma_wait3A_2628 : memref<1x128xi32, #tpu.memory_space<vmem>> -> memref<128xi32, #tpu.memory_space<vmem>>
    %dma_wait3A_2630 = arith.constant 0 : i32
    %dma_wait3A_2631 = arith.constant 0 : i32
    %dma_wait3A_2632 = tpu.memref_slice %arg12[%dma_wait3A_2630, %dma_wait3A_2631] : memref<4112x128xf32, #tpu.memory_space<vmem_shared>> -> memref<4112x128xf32, #tpu.memory_space<vmem_shared>>
    tpu.wait_indirect_dma semaphore(%arg18 : memref<!tpu.dma_semaphore, #tpu.memory_space<semaphore_mem>>) src(%arg10 : memref<128x128xf32, #tpu.memory_space<vmem>>) dst(%dma_wait3A_2632 : memref<4112x128xf32, #tpu.memory_space<vmem_shared>>)
    %dma_start3A_2633 = arith.constant 19 : i32
    %dma_start3A_2634 = arith.constant 0 : i32
    %dma_start3A_2635 = tpu.memref_slice %arg8[%dma_start3A_2633, %dma_start3A_2634] : memref<25x128xi32, #tpu.memory_space<vmem>> -> memref<1x128xi32, #tpu.memory_space<vmem>>
    %dma_start3A_2636 = tpu.memref_squeeze %dma_start3A_2635 : memref<1x128xi32, #tpu.memory_space<vmem>> -> memref<128xi32, #tpu.memory_space<vmem>>
    %dma_start3A_2637 = arith.constant 0 : i32
    %dma_start3A_2638 = arith.constant 0 : i32
    %dma_start3A_2639 = tpu.memref_slice %arg12[%dma_start3A_2637, %dma_start3A_2638] : memref<4112x128xf32, #tpu.memory_space<vmem_shared>> -> memref<4112x128xf32, #tpu.memory_space<vmem_shared>>
    tpu.enqueue_indirect_dma source(%arg10 : memref<128x128xf32, #tpu.memory_space<vmem>>) target(%dma_start3A_2639 : memref<4112x128xf32, #tpu.memory_space<vmem_shared>>) offsets(%dma_start3A_2636 : memref<128xi32, #tpu.memory_space<vmem>>) semaphore(%arg18 : memref<!tpu.dma_semaphore, #tpu.memory_space<semaphore_mem>>) {add = true}
    %dma_wait3A_2640 = arith.constant 1 : i32
    %dma_wait3A_2641 = arith.constant 19 : i32
    %dma_wait3A_2642 = arith.constant 0 : i32
    %dma_wait3A_2643 = arith.constant 0 : i32
    %dma_wait3A_2644 = tpu.memref_slice %arg9[%dma_wait3A_2640, %dma_wait3A_2642, %dma_wait3A_2643] : memref<2x128x128xf32, #tpu.memory_space<vmem>> -> memref<1x128x128xf32, #tpu.memory_space<vmem>>
    %dma_wait3A_2645 = tpu.memref_squeeze %dma_wait3A_2644 : memref<1x128x128xf32, #tpu.memory_space<vmem>> -> memref<128x128xf32, #tpu.memory_space<vmem>>
    %dma_wait3A_2646 = arith.constant 0 : i32
    %dma_wait3A_2647 = tpu.memref_slice %arg8[%dma_wait3A_2641, %dma_wait3A_2646] : memref<25x128xi32, #tpu.memory_space<vmem>> -> memref<1x128xi32, #tpu.memory_space<vmem>>
    %dma_wait3A_2648 = tpu.memref_squeeze %dma_wait3A_2647 : memref<1x128xi32, #tpu.memory_space<vmem>> -> memref<128xi32, #tpu.memory_space<vmem>>
    %dma_wait3A_2649 = arith.constant 0 : i32
    %dma_wait3A_2650 = arith.constant 0 : i32
    %dma_wait3A_2651 = tpu.memref_slice %arg11[%dma_wait3A_2649, %dma_wait3A_2650] : memref<4112x128xf32, #tpu.memory_space<vmem_shared>> -> memref<4112x128xf32, #tpu.memory_space<vmem_shared>>
    tpu.wait_indirect_dma semaphore(%arg16 : memref<!tpu.dma_semaphore, #tpu.memory_space<semaphore_mem>>) src(%dma_wait3A_2645 : memref<128x128xf32, #tpu.memory_space<vmem>>) dst(%dma_wait3A_2651 : memref<4112x128xf32, #tpu.memory_space<vmem_shared>>)
    %add3A_2652 = arith.constant 2688 : i32
    %add3A_2653 = arith.addi %mul3A_2, %add3A_2652 : i32
    %dma_start3A_2654 = arith.constant 1 : i32
    %dma_start3A_2655 = arith.constant 0 : i32
    %dma_start3A_2656 = arith.constant 0 : i32
    %dma_start3A_2657 = tpu.memref_slice %arg9[%dma_start3A_2654, %dma_start3A_2655, %dma_start3A_2656] : memref<2x128x128xf32, #tpu.memory_space<vmem>> -> memref<1x128x128xf32, #tpu.memory_space<vmem>>
    %dma_start3A_2658 = tpu.memref_squeeze %dma_start3A_2657 : memref<1x128x128xf32, #tpu.memory_space<vmem>> -> memref<128x128xf32, #tpu.memory_space<vmem>>
    %dma_start3A_2659 = arith.constant 0 : i32
    %dma_start3A_2660 = tpu.memref_slice %arg3[%add3A_2653, %dma_start3A_2659] : memref<102400x128xf32, #tpu.memory_space<hbm>> -> memref<128x128xf32, #tpu.memory_space<hbm>>
    %dma_start3A_2661 = arith.constant 0 : i32
    %dma_start3A_2662 = arith.constant 0 : i32
    %dma_start3A_2663 = tpu.memref_slice %arg9[%dma_start3A_2654, %dma_start3A_2661, %dma_start3A_2662] : memref<2x128x128xf32, #tpu.memory_space<vmem>> -> memref<1x128x128xf32, #tpu.memory_space<vmem>>
    %dma_start3A_2664 = tpu.memref_squeeze %dma_start3A_2663 : memref<1x128x128xf32, #tpu.memory_space<vmem>> -> memref<128x128xf32, #tpu.memory_space<vmem>>
    %dma_start3A_2665 = arith.constant 0 : i32
    %dma_start3A_2666 = tpu.memref_slice %arg3[%add3A_2653, %dma_start3A_2665] : memref<102400x128xf32, #tpu.memory_space<hbm>> -> memref<128x128xf32, #tpu.memory_space<hbm>>
    tpu.enqueue_dma source(%dma_start3A_2666 : memref<128x128xf32, #tpu.memory_space<hbm>>) target(%dma_start3A_2664 : memref<128x128xf32, #tpu.memory_space<vmem>>) target_semaphore(%arg14 : memref<!tpu.dma_semaphore, #tpu.memory_space<semaphore_mem>>)
    %dma_wait3A_2667 = arith.constant 0 : i32
    %dma_wait3A_2668 = arith.constant 0 : i32
    %dma_wait3A_2669 = arith.constant 0 : i32
    %dma_wait3A_2670 = tpu.memref_slice %arg9[%dma_wait3A_2667, %dma_wait3A_2668, %dma_wait3A_2669] : memref<2x128x128xf32, #tpu.memory_space<vmem>> -> memref<1x128x128xf32, #tpu.memory_space<vmem>>
    %dma_wait3A_2671 = tpu.memref_squeeze %dma_wait3A_2670 : memref<1x128x128xf32, #tpu.memory_space<vmem>> -> memref<128x128xf32, #tpu.memory_space<vmem>>
    %dma_wait3A_2672 = arith.constant 0 : i32
    %dma_wait3A_2673 = tpu.memref_slice %arg3[%add3A_2587, %dma_wait3A_2672] : memref<102400x128xf32, #tpu.memory_space<hbm>> -> memref<128x128xf32, #tpu.memory_space<hbm>>
    %dma_wait3A_2674 = arith.constant 0 : i32
    %dma_wait3A_2675 = arith.constant 0 : i32
    %dma_wait3A_2676 = tpu.memref_slice %arg9[%dma_wait3A_2667, %dma_wait3A_2674, %dma_wait3A_2675] : memref<2x128x128xf32, #tpu.memory_space<vmem>> -> memref<1x128x128xf32, #tpu.memory_space<vmem>>
    %dma_wait3A_2677 = tpu.memref_squeeze %dma_wait3A_2676 : memref<1x128x128xf32, #tpu.memory_space<vmem>> -> memref<128x128xf32, #tpu.memory_space<vmem>>
    %dma_wait3A_2678 = arith.constant 0 : i32
    %dma_wait3A_2679 = tpu.memref_slice %arg3[%add3A_2587, %dma_wait3A_2678] : memref<102400x128xf32, #tpu.memory_space<hbm>> -> memref<128x128xf32, #tpu.memory_space<hbm>>
    tpu.wait_dma2 semaphore(%arg13 : memref<!tpu.dma_semaphore, #tpu.memory_space<semaphore_mem>>) src(%dma_wait3A_2679 : memref<128x128xf32, #tpu.memory_space<hbm>>) dst(%dma_wait3A_2677 : memref<128x128xf32, #tpu.memory_space<vmem>>)
    %dma_start3A_2680 = arith.constant 0 : i32
    %dma_start3A_2681 = arith.constant 20 : i32
    %dma_start3A_2682 = arith.constant 0 : i32
    %dma_start3A_2683 = arith.constant 0 : i32
    %dma_start3A_2684 = tpu.memref_slice %arg9[%dma_start3A_2680, %dma_start3A_2682, %dma_start3A_2683] : memref<2x128x128xf32, #tpu.memory_space<vmem>> -> memref<1x128x128xf32, #tpu.memory_space<vmem>>
    %dma_start3A_2685 = tpu.memref_squeeze %dma_start3A_2684 : memref<1x128x128xf32, #tpu.memory_space<vmem>> -> memref<128x128xf32, #tpu.memory_space<vmem>>
    %dma_start3A_2686 = arith.constant 0 : i32
    %dma_start3A_2687 = tpu.memref_slice %arg8[%dma_start3A_2681, %dma_start3A_2686] : memref<25x128xi32, #tpu.memory_space<vmem>> -> memref<1x128xi32, #tpu.memory_space<vmem>>
    %dma_start3A_2688 = tpu.memref_squeeze %dma_start3A_2687 : memref<1x128xi32, #tpu.memory_space<vmem>> -> memref<128xi32, #tpu.memory_space<vmem>>
    %dma_start3A_2689 = arith.constant 0 : i32
    %dma_start3A_2690 = arith.constant 0 : i32
    %dma_start3A_2691 = tpu.memref_slice %arg11[%dma_start3A_2689, %dma_start3A_2690] : memref<4112x128xf32, #tpu.memory_space<vmem_shared>> -> memref<4112x128xf32, #tpu.memory_space<vmem_shared>>
    tpu.enqueue_indirect_dma source(%dma_start3A_2685 : memref<128x128xf32, #tpu.memory_space<vmem>>) target(%dma_start3A_2691 : memref<4112x128xf32, #tpu.memory_space<vmem_shared>>) offsets(%dma_start3A_2688 : memref<128xi32, #tpu.memory_space<vmem>>) semaphore(%arg15 : memref<!tpu.dma_semaphore, #tpu.memory_space<semaphore_mem>>) {add = true}
    %dma_wait3A_2692 = arith.constant 18 : i32
    %dma_wait3A_2693 = arith.constant 0 : i32
    %dma_wait3A_2694 = tpu.memref_slice %arg8[%dma_wait3A_2692, %dma_wait3A_2693] : memref<25x128xi32, #tpu.memory_space<vmem>> -> memref<1x128xi32, #tpu.memory_space<vmem>>
    %dma_wait3A_2695 = tpu.memref_squeeze %dma_wait3A_2694 : memref<1x128xi32, #tpu.memory_space<vmem>> -> memref<128xi32, #tpu.memory_space<vmem>>
    %dma_wait3A_2696 = arith.constant 0 : i32
    %dma_wait3A_2697 = arith.constant 0 : i32
    %dma_wait3A_2698 = tpu.memref_slice %arg12[%dma_wait3A_2696, %dma_wait3A_2697] : memref<4112x128xf32, #tpu.memory_space<vmem_shared>> -> memref<4112x128xf32, #tpu.memory_space<vmem_shared>>
    tpu.wait_indirect_dma semaphore(%arg17 : memref<!tpu.dma_semaphore, #tpu.memory_space<semaphore_mem>>) src(%arg10 : memref<128x128xf32, #tpu.memory_space<vmem>>) dst(%dma_wait3A_2698 : memref<4112x128xf32, #tpu.memory_space<vmem_shared>>)
    %dma_start3A_2699 = arith.constant 20 : i32
    %dma_start3A_2700 = arith.constant 0 : i32
    %dma_start3A_2701 = tpu.memref_slice %arg8[%dma_start3A_2699, %dma_start3A_2700] : memref<25x128xi32, #tpu.memory_space<vmem>> -> memref<1x128xi32, #tpu.memory_space<vmem>>
    %dma_start3A_2702 = tpu.memref_squeeze %dma_start3A_2701 : memref<1x128xi32, #tpu.memory_space<vmem>> -> memref<128xi32, #tpu.memory_space<vmem>>
    %dma_start3A_2703 = arith.constant 0 : i32
    %dma_start3A_2704 = arith.constant 0 : i32
    %dma_start3A_2705 = tpu.memref_slice %arg12[%dma_start3A_2703, %dma_start3A_2704] : memref<4112x128xf32, #tpu.memory_space<vmem_shared>> -> memref<4112x128xf32, #tpu.memory_space<vmem_shared>>
    tpu.enqueue_indirect_dma source(%arg10 : memref<128x128xf32, #tpu.memory_space<vmem>>) target(%dma_start3A_2705 : memref<4112x128xf32, #tpu.memory_space<vmem_shared>>) offsets(%dma_start3A_2702 : memref<128xi32, #tpu.memory_space<vmem>>) semaphore(%arg17 : memref<!tpu.dma_semaphore, #tpu.memory_space<semaphore_mem>>) {add = true}
    %dma_wait3A_2706 = arith.constant 0 : i32
    %dma_wait3A_2707 = arith.constant 20 : i32
    %dma_wait3A_2708 = arith.constant 0 : i32
    %dma_wait3A_2709 = arith.constant 0 : i32
    %dma_wait3A_2710 = tpu.memref_slice %arg9[%dma_wait3A_2706, %dma_wait3A_2708, %dma_wait3A_2709] : memref<2x128x128xf32, #tpu.memory_space<vmem>> -> memref<1x128x128xf32, #tpu.memory_space<vmem>>
    %dma_wait3A_2711 = tpu.memref_squeeze %dma_wait3A_2710 : memref<1x128x128xf32, #tpu.memory_space<vmem>> -> memref<128x128xf32, #tpu.memory_space<vmem>>
    %dma_wait3A_2712 = arith.constant 0 : i32
    %dma_wait3A_2713 = tpu.memref_slice %arg8[%dma_wait3A_2707, %dma_wait3A_2712] : memref<25x128xi32, #tpu.memory_space<vmem>> -> memref<1x128xi32, #tpu.memory_space<vmem>>
    %dma_wait3A_2714 = tpu.memref_squeeze %dma_wait3A_2713 : memref<1x128xi32, #tpu.memory_space<vmem>> -> memref<128xi32, #tpu.memory_space<vmem>>
    %dma_wait3A_2715 = arith.constant 0 : i32
    %dma_wait3A_2716 = arith.constant 0 : i32
    %dma_wait3A_2717 = tpu.memref_slice %arg11[%dma_wait3A_2715, %dma_wait3A_2716] : memref<4112x128xf32, #tpu.memory_space<vmem_shared>> -> memref<4112x128xf32, #tpu.memory_space<vmem_shared>>
    tpu.wait_indirect_dma semaphore(%arg15 : memref<!tpu.dma_semaphore, #tpu.memory_space<semaphore_mem>>) src(%dma_wait3A_2711 : memref<128x128xf32, #tpu.memory_space<vmem>>) dst(%dma_wait3A_2717 : memref<4112x128xf32, #tpu.memory_space<vmem_shared>>)
    %add3A_2718 = arith.constant 2816 : i32
    %add3A_2719 = arith.addi %mul3A_2, %add3A_2718 : i32
    %dma_start3A_2720 = arith.constant 0 : i32
    %dma_start3A_2721 = arith.constant 0 : i32
    %dma_start3A_2722 = arith.constant 0 : i32
    %dma_start3A_2723 = tpu.memref_slice %arg9[%dma_start3A_2720, %dma_start3A_2721, %dma_start3A_2722] : memref<2x128x128xf32, #tpu.memory_space<vmem>> -> memref<1x128x128xf32, #tpu.memory_space<vmem>>
    %dma_start3A_2724 = tpu.memref_squeeze %dma_start3A_2723 : memref<1x128x128xf32, #tpu.memory_space<vmem>> -> memref<128x128xf32, #tpu.memory_space<vmem>>
    %dma_start3A_2725 = arith.constant 0 : i32
    %dma_start3A_2726 = tpu.memref_slice %arg3[%add3A_2719, %dma_start3A_2725] : memref<102400x128xf32, #tpu.memory_space<hbm>> -> memref<128x128xf32, #tpu.memory_space<hbm>>
    %dma_start3A_2727 = arith.constant 0 : i32
    %dma_start3A_2728 = arith.constant 0 : i32
    %dma_start3A_2729 = tpu.memref_slice %arg9[%dma_start3A_2720, %dma_start3A_2727, %dma_start3A_2728] : memref<2x128x128xf32, #tpu.memory_space<vmem>> -> memref<1x128x128xf32, #tpu.memory_space<vmem>>
    %dma_start3A_2730 = tpu.memref_squeeze %dma_start3A_2729 : memref<1x128x128xf32, #tpu.memory_space<vmem>> -> memref<128x128xf32, #tpu.memory_space<vmem>>
    %dma_start3A_2731 = arith.constant 0 : i32
    %dma_start3A_2732 = tpu.memref_slice %arg3[%add3A_2719, %dma_start3A_2731] : memref<102400x128xf32, #tpu.memory_space<hbm>> -> memref<128x128xf32, #tpu.memory_space<hbm>>
    tpu.enqueue_dma source(%dma_start3A_2732 : memref<128x128xf32, #tpu.memory_space<hbm>>) target(%dma_start3A_2730 : memref<128x128xf32, #tpu.memory_space<vmem>>) target_semaphore(%arg13 : memref<!tpu.dma_semaphore, #tpu.memory_space<semaphore_mem>>)
    %dma_wait3A_2733 = arith.constant 1 : i32
    %dma_wait3A_2734 = arith.constant 0 : i32
    %dma_wait3A_2735 = arith.constant 0 : i32
    %dma_wait3A_2736 = tpu.memref_slice %arg9[%dma_wait3A_2733, %dma_wait3A_2734, %dma_wait3A_2735] : memref<2x128x128xf32, #tpu.memory_space<vmem>> -> memref<1x128x128xf32, #tpu.memory_space<vmem>>
    %dma_wait3A_2737 = tpu.memref_squeeze %dma_wait3A_2736 : memref<1x128x128xf32, #tpu.memory_space<vmem>> -> memref<128x128xf32, #tpu.memory_space<vmem>>
    %dma_wait3A_2738 = arith.constant 0 : i32
    %dma_wait3A_2739 = tpu.memref_slice %arg3[%add3A_2653, %dma_wait3A_2738] : memref<102400x128xf32, #tpu.memory_space<hbm>> -> memref<128x128xf32, #tpu.memory_space<hbm>>
    %dma_wait3A_2740 = arith.constant 0 : i32
    %dma_wait3A_2741 = arith.constant 0 : i32
    %dma_wait3A_2742 = tpu.memref_slice %arg9[%dma_wait3A_2733, %dma_wait3A_2740, %dma_wait3A_2741] : memref<2x128x128xf32, #tpu.memory_space<vmem>> -> memref<1x128x128xf32, #tpu.memory_space<vmem>>
    %dma_wait3A_2743 = tpu.memref_squeeze %dma_wait3A_2742 : memref<1x128x128xf32, #tpu.memory_space<vmem>> -> memref<128x128xf32, #tpu.memory_space<vmem>>
    %dma_wait3A_2744 = arith.constant 0 : i32
    %dma_wait3A_2745 = tpu.memref_slice %arg3[%add3A_2653, %dma_wait3A_2744] : memref<102400x128xf32, #tpu.memory_space<hbm>> -> memref<128x128xf32, #tpu.memory_space<hbm>>
    tpu.wait_dma2 semaphore(%arg14 : memref<!tpu.dma_semaphore, #tpu.memory_space<semaphore_mem>>) src(%dma_wait3A_2745 : memref<128x128xf32, #tpu.memory_space<hbm>>) dst(%dma_wait3A_2743 : memref<128x128xf32, #tpu.memory_space<vmem>>)
    %dma_start3A_2746 = arith.constant 1 : i32
    %dma_start3A_2747 = arith.constant 21 : i32
    %dma_start3A_2748 = arith.constant 0 : i32
    %dma_start3A_2749 = arith.constant 0 : i32
    %dma_start3A_2750 = tpu.memref_slice %arg9[%dma_start3A_2746, %dma_start3A_2748, %dma_start3A_2749] : memref<2x128x128xf32, #tpu.memory_space<vmem>> -> memref<1x128x128xf32, #tpu.memory_space<vmem>>
    %dma_start3A_2751 = tpu.memref_squeeze %dma_start3A_2750 : memref<1x128x128xf32, #tpu.memory_space<vmem>> -> memref<128x128xf32, #tpu.memory_space<vmem>>
    %dma_start3A_2752 = arith.constant 0 : i32
    %dma_start3A_2753 = tpu.memref_slice %arg8[%dma_start3A_2747, %dma_start3A_2752] : memref<25x128xi32, #tpu.memory_space<vmem>> -> memref<1x128xi32, #tpu.memory_space<vmem>>
    %dma_start3A_2754 = tpu.memref_squeeze %dma_start3A_2753 : memref<1x128xi32, #tpu.memory_space<vmem>> -> memref<128xi32, #tpu.memory_space<vmem>>
    %dma_start3A_2755 = arith.constant 0 : i32
    %dma_start3A_2756 = arith.constant 0 : i32
    %dma_start3A_2757 = tpu.memref_slice %arg11[%dma_start3A_2755, %dma_start3A_2756] : memref<4112x128xf32, #tpu.memory_space<vmem_shared>> -> memref<4112x128xf32, #tpu.memory_space<vmem_shared>>
    tpu.enqueue_indirect_dma source(%dma_start3A_2751 : memref<128x128xf32, #tpu.memory_space<vmem>>) target(%dma_start3A_2757 : memref<4112x128xf32, #tpu.memory_space<vmem_shared>>) offsets(%dma_start3A_2754 : memref<128xi32, #tpu.memory_space<vmem>>) semaphore(%arg16 : memref<!tpu.dma_semaphore, #tpu.memory_space<semaphore_mem>>) {add = true}
    %dma_wait3A_2758 = arith.constant 19 : i32
    %dma_wait3A_2759 = arith.constant 0 : i32
    %dma_wait3A_2760 = tpu.memref_slice %arg8[%dma_wait3A_2758, %dma_wait3A_2759] : memref<25x128xi32, #tpu.memory_space<vmem>> -> memref<1x128xi32, #tpu.memory_space<vmem>>
    %dma_wait3A_2761 = tpu.memref_squeeze %dma_wait3A_2760 : memref<1x128xi32, #tpu.memory_space<vmem>> -> memref<128xi32, #tpu.memory_space<vmem>>
    %dma_wait3A_2762 = arith.constant 0 : i32
    %dma_wait3A_2763 = arith.constant 0 : i32
    %dma_wait3A_2764 = tpu.memref_slice %arg12[%dma_wait3A_2762, %dma_wait3A_2763] : memref<4112x128xf32, #tpu.memory_space<vmem_shared>> -> memref<4112x128xf32, #tpu.memory_space<vmem_shared>>
    tpu.wait_indirect_dma semaphore(%arg18 : memref<!tpu.dma_semaphore, #tpu.memory_space<semaphore_mem>>) src(%arg10 : memref<128x128xf32, #tpu.memory_space<vmem>>) dst(%dma_wait3A_2764 : memref<4112x128xf32, #tpu.memory_space<vmem_shared>>)
    %dma_start3A_2765 = arith.constant 21 : i32
    %dma_start3A_2766 = arith.constant 0 : i32
    %dma_start3A_2767 = tpu.memref_slice %arg8[%dma_start3A_2765, %dma_start3A_2766] : memref<25x128xi32, #tpu.memory_space<vmem>> -> memref<1x128xi32, #tpu.memory_space<vmem>>
    %dma_start3A_2768 = tpu.memref_squeeze %dma_start3A_2767 : memref<1x128xi32, #tpu.memory_space<vmem>> -> memref<128xi32, #tpu.memory_space<vmem>>
    %dma_start3A_2769 = arith.constant 0 : i32
    %dma_start3A_2770 = arith.constant 0 : i32
    %dma_start3A_2771 = tpu.memref_slice %arg12[%dma_start3A_2769, %dma_start3A_2770] : memref<4112x128xf32, #tpu.memory_space<vmem_shared>> -> memref<4112x128xf32, #tpu.memory_space<vmem_shared>>
    tpu.enqueue_indirect_dma source(%arg10 : memref<128x128xf32, #tpu.memory_space<vmem>>) target(%dma_start3A_2771 : memref<4112x128xf32, #tpu.memory_space<vmem_shared>>) offsets(%dma_start3A_2768 : memref<128xi32, #tpu.memory_space<vmem>>) semaphore(%arg18 : memref<!tpu.dma_semaphore, #tpu.memory_space<semaphore_mem>>) {add = true}
    %dma_wait3A_2772 = arith.constant 1 : i32
    %dma_wait3A_2773 = arith.constant 21 : i32
    %dma_wait3A_2774 = arith.constant 0 : i32
    %dma_wait3A_2775 = arith.constant 0 : i32
    %dma_wait3A_2776 = tpu.memref_slice %arg9[%dma_wait3A_2772, %dma_wait3A_2774, %dma_wait3A_2775] : memref<2x128x128xf32, #tpu.memory_space<vmem>> -> memref<1x128x128xf32, #tpu.memory_space<vmem>>
    %dma_wait3A_2777 = tpu.memref_squeeze %dma_wait3A_2776 : memref<1x128x128xf32, #tpu.memory_space<vmem>> -> memref<128x128xf32, #tpu.memory_space<vmem>>
    %dma_wait3A_2778 = arith.constant 0 : i32
    %dma_wait3A_2779 = tpu.memref_slice %arg8[%dma_wait3A_2773, %dma_wait3A_2778] : memref<25x128xi32, #tpu.memory_space<vmem>> -> memref<1x128xi32, #tpu.memory_space<vmem>>
    %dma_wait3A_2780 = tpu.memref_squeeze %dma_wait3A_2779 : memref<1x128xi32, #tpu.memory_space<vmem>> -> memref<128xi32, #tpu.memory_space<vmem>>
    %dma_wait3A_2781 = arith.constant 0 : i32
    %dma_wait3A_2782 = arith.constant 0 : i32
    %dma_wait3A_2783 = tpu.memref_slice %arg11[%dma_wait3A_2781, %dma_wait3A_2782] : memref<4112x128xf32, #tpu.memory_space<vmem_shared>> -> memref<4112x128xf32, #tpu.memory_space<vmem_shared>>
    tpu.wait_indirect_dma semaphore(%arg16 : memref<!tpu.dma_semaphore, #tpu.memory_space<semaphore_mem>>) src(%dma_wait3A_2777 : memref<128x128xf32, #tpu.memory_space<vmem>>) dst(%dma_wait3A_2783 : memref<4112x128xf32, #tpu.memory_space<vmem_shared>>)
    %add3A_2784 = arith.constant 2944 : i32
    %add3A_2785 = arith.addi %mul3A_2, %add3A_2784 : i32
    %dma_start3A_2786 = arith.constant 1 : i32
    %dma_start3A_2787 = arith.constant 0 : i32
    %dma_start3A_2788 = arith.constant 0 : i32
    %dma_start3A_2789 = tpu.memref_slice %arg9[%dma_start3A_2786, %dma_start3A_2787, %dma_start3A_2788] : memref<2x128x128xf32, #tpu.memory_space<vmem>> -> memref<1x128x128xf32, #tpu.memory_space<vmem>>
    %dma_start3A_2790 = tpu.memref_squeeze %dma_start3A_2789 : memref<1x128x128xf32, #tpu.memory_space<vmem>> -> memref<128x128xf32, #tpu.memory_space<vmem>>
    %dma_start3A_2791 = arith.constant 0 : i32
    %dma_start3A_2792 = tpu.memref_slice %arg3[%add3A_2785, %dma_start3A_2791] : memref<102400x128xf32, #tpu.memory_space<hbm>> -> memref<128x128xf32, #tpu.memory_space<hbm>>
    %dma_start3A_2793 = arith.constant 0 : i32
    %dma_start3A_2794 = arith.constant 0 : i32
    %dma_start3A_2795 = tpu.memref_slice %arg9[%dma_start3A_2786, %dma_start3A_2793, %dma_start3A_2794] : memref<2x128x128xf32, #tpu.memory_space<vmem>> -> memref<1x128x128xf32, #tpu.memory_space<vmem>>
    %dma_start3A_2796 = tpu.memref_squeeze %dma_start3A_2795 : memref<1x128x128xf32, #tpu.memory_space<vmem>> -> memref<128x128xf32, #tpu.memory_space<vmem>>
    %dma_start3A_2797 = arith.constant 0 : i32
    %dma_start3A_2798 = tpu.memref_slice %arg3[%add3A_2785, %dma_start3A_2797] : memref<102400x128xf32, #tpu.memory_space<hbm>> -> memref<128x128xf32, #tpu.memory_space<hbm>>
    tpu.enqueue_dma source(%dma_start3A_2798 : memref<128x128xf32, #tpu.memory_space<hbm>>) target(%dma_start3A_2796 : memref<128x128xf32, #tpu.memory_space<vmem>>) target_semaphore(%arg14 : memref<!tpu.dma_semaphore, #tpu.memory_space<semaphore_mem>>)
    %dma_wait3A_2799 = arith.constant 0 : i32
    %dma_wait3A_2800 = arith.constant 0 : i32
    %dma_wait3A_2801 = arith.constant 0 : i32
    %dma_wait3A_2802 = tpu.memref_slice %arg9[%dma_wait3A_2799, %dma_wait3A_2800, %dma_wait3A_2801] : memref<2x128x128xf32, #tpu.memory_space<vmem>> -> memref<1x128x128xf32, #tpu.memory_space<vmem>>
    %dma_wait3A_2803 = tpu.memref_squeeze %dma_wait3A_2802 : memref<1x128x128xf32, #tpu.memory_space<vmem>> -> memref<128x128xf32, #tpu.memory_space<vmem>>
    %dma_wait3A_2804 = arith.constant 0 : i32
    %dma_wait3A_2805 = tpu.memref_slice %arg3[%add3A_2719, %dma_wait3A_2804] : memref<102400x128xf32, #tpu.memory_space<hbm>> -> memref<128x128xf32, #tpu.memory_space<hbm>>
    %dma_wait3A_2806 = arith.constant 0 : i32
    %dma_wait3A_2807 = arith.constant 0 : i32
    %dma_wait3A_2808 = tpu.memref_slice %arg9[%dma_wait3A_2799, %dma_wait3A_2806, %dma_wait3A_2807] : memref<2x128x128xf32, #tpu.memory_space<vmem>> -> memref<1x128x128xf32, #tpu.memory_space<vmem>>
    %dma_wait3A_2809 = tpu.memref_squeeze %dma_wait3A_2808 : memref<1x128x128xf32, #tpu.memory_space<vmem>> -> memref<128x128xf32, #tpu.memory_space<vmem>>
    %dma_wait3A_2810 = arith.constant 0 : i32
    %dma_wait3A_2811 = tpu.memref_slice %arg3[%add3A_2719, %dma_wait3A_2810] : memref<102400x128xf32, #tpu.memory_space<hbm>> -> memref<128x128xf32, #tpu.memory_space<hbm>>
    tpu.wait_dma2 semaphore(%arg13 : memref<!tpu.dma_semaphore, #tpu.memory_space<semaphore_mem>>) src(%dma_wait3A_2811 : memref<128x128xf32, #tpu.memory_space<hbm>>) dst(%dma_wait3A_2809 : memref<128x128xf32, #tpu.memory_space<vmem>>)
    %dma_start3A_2812 = arith.constant 0 : i32
    %dma_start3A_2813 = arith.constant 22 : i32
    %dma_start3A_2814 = arith.constant 0 : i32
    %dma_start3A_2815 = arith.constant 0 : i32
    %dma_start3A_2816 = tpu.memref_slice %arg9[%dma_start3A_2812, %dma_start3A_2814, %dma_start3A_2815] : memref<2x128x128xf32, #tpu.memory_space<vmem>> -> memref<1x128x128xf32, #tpu.memory_space<vmem>>
    %dma_start3A_2817 = tpu.memref_squeeze %dma_start3A_2816 : memref<1x128x128xf32, #tpu.memory_space<vmem>> -> memref<128x128xf32, #tpu.memory_space<vmem>>
    %dma_start3A_2818 = arith.constant 0 : i32
    %dma_start3A_2819 = tpu.memref_slice %arg8[%dma_start3A_2813, %dma_start3A_2818] : memref<25x128xi32, #tpu.memory_space<vmem>> -> memref<1x128xi32, #tpu.memory_space<vmem>>
    %dma_start3A_2820 = tpu.memref_squeeze %dma_start3A_2819 : memref<1x128xi32, #tpu.memory_space<vmem>> -> memref<128xi32, #tpu.memory_space<vmem>>
    %dma_start3A_2821 = arith.constant 0 : i32
    %dma_start3A_2822 = arith.constant 0 : i32
    %dma_start3A_2823 = tpu.memref_slice %arg11[%dma_start3A_2821, %dma_start3A_2822] : memref<4112x128xf32, #tpu.memory_space<vmem_shared>> -> memref<4112x128xf32, #tpu.memory_space<vmem_shared>>
    tpu.enqueue_indirect_dma source(%dma_start3A_2817 : memref<128x128xf32, #tpu.memory_space<vmem>>) target(%dma_start3A_2823 : memref<4112x128xf32, #tpu.memory_space<vmem_shared>>) offsets(%dma_start3A_2820 : memref<128xi32, #tpu.memory_space<vmem>>) semaphore(%arg15 : memref<!tpu.dma_semaphore, #tpu.memory_space<semaphore_mem>>) {add = true}
    %dma_wait3A_2824 = arith.constant 20 : i32
    %dma_wait3A_2825 = arith.constant 0 : i32
    %dma_wait3A_2826 = tpu.memref_slice %arg8[%dma_wait3A_2824, %dma_wait3A_2825] : memref<25x128xi32, #tpu.memory_space<vmem>> -> memref<1x128xi32, #tpu.memory_space<vmem>>
    %dma_wait3A_2827 = tpu.memref_squeeze %dma_wait3A_2826 : memref<1x128xi32, #tpu.memory_space<vmem>> -> memref<128xi32, #tpu.memory_space<vmem>>
    %dma_wait3A_2828 = arith.constant 0 : i32
    %dma_wait3A_2829 = arith.constant 0 : i32
    %dma_wait3A_2830 = tpu.memref_slice %arg12[%dma_wait3A_2828, %dma_wait3A_2829] : memref<4112x128xf32, #tpu.memory_space<vmem_shared>> -> memref<4112x128xf32, #tpu.memory_space<vmem_shared>>
    tpu.wait_indirect_dma semaphore(%arg17 : memref<!tpu.dma_semaphore, #tpu.memory_space<semaphore_mem>>) src(%arg10 : memref<128x128xf32, #tpu.memory_space<vmem>>) dst(%dma_wait3A_2830 : memref<4112x128xf32, #tpu.memory_space<vmem_shared>>)
    %dma_start3A_2831 = arith.constant 22 : i32
    %dma_start3A_2832 = arith.constant 0 : i32
    %dma_start3A_2833 = tpu.memref_slice %arg8[%dma_start3A_2831, %dma_start3A_2832] : memref<25x128xi32, #tpu.memory_space<vmem>> -> memref<1x128xi32, #tpu.memory_space<vmem>>
    %dma_start3A_2834 = tpu.memref_squeeze %dma_start3A_2833 : memref<1x128xi32, #tpu.memory_space<vmem>> -> memref<128xi32, #tpu.memory_space<vmem>>
    %dma_start3A_2835 = arith.constant 0 : i32
    %dma_start3A_2836 = arith.constant 0 : i32
    %dma_start3A_2837 = tpu.memref_slice %arg12[%dma_start3A_2835, %dma_start3A_2836] : memref<4112x128xf32, #tpu.memory_space<vmem_shared>> -> memref<4112x128xf32, #tpu.memory_space<vmem_shared>>
    tpu.enqueue_indirect_dma source(%arg10 : memref<128x128xf32, #tpu.memory_space<vmem>>) target(%dma_start3A_2837 : memref<4112x128xf32, #tpu.memory_space<vmem_shared>>) offsets(%dma_start3A_2834 : memref<128xi32, #tpu.memory_space<vmem>>) semaphore(%arg17 : memref<!tpu.dma_semaphore, #tpu.memory_space<semaphore_mem>>) {add = true}
    %dma_wait3A_2838 = arith.constant 0 : i32
    %dma_wait3A_2839 = arith.constant 22 : i32
    %dma_wait3A_2840 = arith.constant 0 : i32
    %dma_wait3A_2841 = arith.constant 0 : i32
    %dma_wait3A_2842 = tpu.memref_slice %arg9[%dma_wait3A_2838, %dma_wait3A_2840, %dma_wait3A_2841] : memref<2x128x128xf32, #tpu.memory_space<vmem>> -> memref<1x128x128xf32, #tpu.memory_space<vmem>>
    %dma_wait3A_2843 = tpu.memref_squeeze %dma_wait3A_2842 : memref<1x128x128xf32, #tpu.memory_space<vmem>> -> memref<128x128xf32, #tpu.memory_space<vmem>>
    %dma_wait3A_2844 = arith.constant 0 : i32
    %dma_wait3A_2845 = tpu.memref_slice %arg8[%dma_wait3A_2839, %dma_wait3A_2844] : memref<25x128xi32, #tpu.memory_space<vmem>> -> memref<1x128xi32, #tpu.memory_space<vmem>>
    %dma_wait3A_2846 = tpu.memref_squeeze %dma_wait3A_2845 : memref<1x128xi32, #tpu.memory_space<vmem>> -> memref<128xi32, #tpu.memory_space<vmem>>
    %dma_wait3A_2847 = arith.constant 0 : i32
    %dma_wait3A_2848 = arith.constant 0 : i32
    %dma_wait3A_2849 = tpu.memref_slice %arg11[%dma_wait3A_2847, %dma_wait3A_2848] : memref<4112x128xf32, #tpu.memory_space<vmem_shared>> -> memref<4112x128xf32, #tpu.memory_space<vmem_shared>>
    tpu.wait_indirect_dma semaphore(%arg15 : memref<!tpu.dma_semaphore, #tpu.memory_space<semaphore_mem>>) src(%dma_wait3A_2843 : memref<128x128xf32, #tpu.memory_space<vmem>>) dst(%dma_wait3A_2849 : memref<4112x128xf32, #tpu.memory_space<vmem_shared>>)
    %add3A_2850 = arith.constant 3072 : i32
    %add3A_2851 = arith.addi %mul3A_2, %add3A_2850 : i32
    %dma_start3A_2852 = arith.constant 0 : i32
    %dma_start3A_2853 = arith.constant 0 : i32
    %dma_start3A_2854 = arith.constant 0 : i32
    %dma_start3A_2855 = tpu.memref_slice %arg9[%dma_start3A_2852, %dma_start3A_2853, %dma_start3A_2854] : memref<2x128x128xf32, #tpu.memory_space<vmem>> -> memref<1x128x128xf32, #tpu.memory_space<vmem>>
    %dma_start3A_2856 = tpu.memref_squeeze %dma_start3A_2855 : memref<1x128x128xf32, #tpu.memory_space<vmem>> -> memref<128x128xf32, #tpu.memory_space<vmem>>
    %dma_start3A_2857 = arith.constant 0 : i32
    %dma_start3A_2858 = tpu.memref_slice %arg3[%add3A_2851, %dma_start3A_2857] : memref<102400x128xf32, #tpu.memory_space<hbm>> -> memref<128x128xf32, #tpu.memory_space<hbm>>
    %dma_start3A_2859 = arith.constant 0 : i32
    %dma_start3A_2860 = arith.constant 0 : i32
    %dma_start3A_2861 = tpu.memref_slice %arg9[%dma_start3A_2852, %dma_start3A_2859, %dma_start3A_2860] : memref<2x128x128xf32, #tpu.memory_space<vmem>> -> memref<1x128x128xf32, #tpu.memory_space<vmem>>
    %dma_start3A_2862 = tpu.memref_squeeze %dma_start3A_2861 : memref<1x128x128xf32, #tpu.memory_space<vmem>> -> memref<128x128xf32, #tpu.memory_space<vmem>>
    %dma_start3A_2863 = arith.constant 0 : i32
    %dma_start3A_2864 = tpu.memref_slice %arg3[%add3A_2851, %dma_start3A_2863] : memref<102400x128xf32, #tpu.memory_space<hbm>> -> memref<128x128xf32, #tpu.memory_space<hbm>>
    tpu.enqueue_dma source(%dma_start3A_2864 : memref<128x128xf32, #tpu.memory_space<hbm>>) target(%dma_start3A_2862 : memref<128x128xf32, #tpu.memory_space<vmem>>) target_semaphore(%arg13 : memref<!tpu.dma_semaphore, #tpu.memory_space<semaphore_mem>>)
    %dma_wait3A_2865 = arith.constant 1 : i32
    %dma_wait3A_2866 = arith.constant 0 : i32
    %dma_wait3A_2867 = arith.constant 0 : i32
    %dma_wait3A_2868 = tpu.memref_slice %arg9[%dma_wait3A_2865, %dma_wait3A_2866, %dma_wait3A_2867] : memref<2x128x128xf32, #tpu.memory_space<vmem>> -> memref<1x128x128xf32, #tpu.memory_space<vmem>>
    %dma_wait3A_2869 = tpu.memref_squeeze %dma_wait3A_2868 : memref<1x128x128xf32, #tpu.memory_space<vmem>> -> memref<128x128xf32, #tpu.memory_space<vmem>>
    %dma_wait3A_2870 = arith.constant 0 : i32
    %dma_wait3A_2871 = tpu.memref_slice %arg3[%add3A_2785, %dma_wait3A_2870] : memref<102400x128xf32, #tpu.memory_space<hbm>> -> memref<128x128xf32, #tpu.memory_space<hbm>>
    %dma_wait3A_2872 = arith.constant 0 : i32
    %dma_wait3A_2873 = arith.constant 0 : i32
    %dma_wait3A_2874 = tpu.memref_slice %arg9[%dma_wait3A_2865, %dma_wait3A_2872, %dma_wait3A_2873] : memref<2x128x128xf32, #tpu.memory_space<vmem>> -> memref<1x128x128xf32, #tpu.memory_space<vmem>>
    %dma_wait3A_2875 = tpu.memref_squeeze %dma_wait3A_2874 : memref<1x128x128xf32, #tpu.memory_space<vmem>> -> memref<128x128xf32, #tpu.memory_space<vmem>>
    %dma_wait3A_2876 = arith.constant 0 : i32
    %dma_wait3A_2877 = tpu.memref_slice %arg3[%add3A_2785, %dma_wait3A_2876] : memref<102400x128xf32, #tpu.memory_space<hbm>> -> memref<128x128xf32, #tpu.memory_space<hbm>>
    tpu.wait_dma2 semaphore(%arg14 : memref<!tpu.dma_semaphore, #tpu.memory_space<semaphore_mem>>) src(%dma_wait3A_2877 : memref<128x128xf32, #tpu.memory_space<hbm>>) dst(%dma_wait3A_2875 : memref<128x128xf32, #tpu.memory_space<vmem>>)
    %dma_start3A_2878 = arith.constant 1 : i32
    %dma_start3A_2879 = arith.constant 23 : i32
    %dma_start3A_2880 = arith.constant 0 : i32
    %dma_start3A_2881 = arith.constant 0 : i32
    %dma_start3A_2882 = tpu.memref_slice %arg9[%dma_start3A_2878, %dma_start3A_2880, %dma_start3A_2881] : memref<2x128x128xf32, #tpu.memory_space<vmem>> -> memref<1x128x128xf32, #tpu.memory_space<vmem>>
    %dma_start3A_2883 = tpu.memref_squeeze %dma_start3A_2882 : memref<1x128x128xf32, #tpu.memory_space<vmem>> -> memref<128x128xf32, #tpu.memory_space<vmem>>
    %dma_start3A_2884 = arith.constant 0 : i32
    %dma_start3A_2885 = tpu.memref_slice %arg8[%dma_start3A_2879, %dma_start3A_2884] : memref<25x128xi32, #tpu.memory_space<vmem>> -> memref<1x128xi32, #tpu.memory_space<vmem>>
    %dma_start3A_2886 = tpu.memref_squeeze %dma_start3A_2885 : memref<1x128xi32, #tpu.memory_space<vmem>> -> memref<128xi32, #tpu.memory_space<vmem>>
    %dma_start3A_2887 = arith.constant 0 : i32
    %dma_start3A_2888 = arith.constant 0 : i32
    %dma_start3A_2889 = tpu.memref_slice %arg11[%dma_start3A_2887, %dma_start3A_2888] : memref<4112x128xf32, #tpu.memory_space<vmem_shared>> -> memref<4112x128xf32, #tpu.memory_space<vmem_shared>>
    tpu.enqueue_indirect_dma source(%dma_start3A_2883 : memref<128x128xf32, #tpu.memory_space<vmem>>) target(%dma_start3A_2889 : memref<4112x128xf32, #tpu.memory_space<vmem_shared>>) offsets(%dma_start3A_2886 : memref<128xi32, #tpu.memory_space<vmem>>) semaphore(%arg16 : memref<!tpu.dma_semaphore, #tpu.memory_space<semaphore_mem>>) {add = true}
    %dma_wait3A_2890 = arith.constant 21 : i32
    %dma_wait3A_2891 = arith.constant 0 : i32
    %dma_wait3A_2892 = tpu.memref_slice %arg8[%dma_wait3A_2890, %dma_wait3A_2891] : memref<25x128xi32, #tpu.memory_space<vmem>> -> memref<1x128xi32, #tpu.memory_space<vmem>>
    %dma_wait3A_2893 = tpu.memref_squeeze %dma_wait3A_2892 : memref<1x128xi32, #tpu.memory_space<vmem>> -> memref<128xi32, #tpu.memory_space<vmem>>
    %dma_wait3A_2894 = arith.constant 0 : i32
    %dma_wait3A_2895 = arith.constant 0 : i32
    %dma_wait3A_2896 = tpu.memref_slice %arg12[%dma_wait3A_2894, %dma_wait3A_2895] : memref<4112x128xf32, #tpu.memory_space<vmem_shared>> -> memref<4112x128xf32, #tpu.memory_space<vmem_shared>>
    tpu.wait_indirect_dma semaphore(%arg18 : memref<!tpu.dma_semaphore, #tpu.memory_space<semaphore_mem>>) src(%arg10 : memref<128x128xf32, #tpu.memory_space<vmem>>) dst(%dma_wait3A_2896 : memref<4112x128xf32, #tpu.memory_space<vmem_shared>>)
    %dma_start3A_2897 = arith.constant 23 : i32
    %dma_start3A_2898 = arith.constant 0 : i32
    %dma_start3A_2899 = tpu.memref_slice %arg8[%dma_start3A_2897, %dma_start3A_2898] : memref<25x128xi32, #tpu.memory_space<vmem>> -> memref<1x128xi32, #tpu.memory_space<vmem>>
    %dma_start3A_2900 = tpu.memref_squeeze %dma_start3A_2899 : memref<1x128xi32, #tpu.memory_space<vmem>> -> memref<128xi32, #tpu.memory_space<vmem>>
    %dma_start3A_2901 = arith.constant 0 : i32
    %dma_start3A_2902 = arith.constant 0 : i32
    %dma_start3A_2903 = tpu.memref_slice %arg12[%dma_start3A_2901, %dma_start3A_2902] : memref<4112x128xf32, #tpu.memory_space<vmem_shared>> -> memref<4112x128xf32, #tpu.memory_space<vmem_shared>>
    tpu.enqueue_indirect_dma source(%arg10 : memref<128x128xf32, #tpu.memory_space<vmem>>) target(%dma_start3A_2903 : memref<4112x128xf32, #tpu.memory_space<vmem_shared>>) offsets(%dma_start3A_2900 : memref<128xi32, #tpu.memory_space<vmem>>) semaphore(%arg18 : memref<!tpu.dma_semaphore, #tpu.memory_space<semaphore_mem>>) {add = true}
    %dma_wait3A_2904 = arith.constant 0 : i32
    %dma_wait3A_2905 = arith.constant 0 : i32
    %dma_wait3A_2906 = arith.constant 0 : i32
    %dma_wait3A_2907 = tpu.memref_slice %arg9[%dma_wait3A_2904, %dma_wait3A_2905, %dma_wait3A_2906] : memref<2x128x128xf32, #tpu.memory_space<vmem>> -> memref<1x128x128xf32, #tpu.memory_space<vmem>>
    %dma_wait3A_2908 = tpu.memref_squeeze %dma_wait3A_2907 : memref<1x128x128xf32, #tpu.memory_space<vmem>> -> memref<128x128xf32, #tpu.memory_space<vmem>>
    %dma_wait3A_2909 = arith.constant 0 : i32
    %dma_wait3A_2910 = tpu.memref_slice %arg3[%add3A_2851, %dma_wait3A_2909] : memref<102400x128xf32, #tpu.memory_space<hbm>> -> memref<128x128xf32, #tpu.memory_space<hbm>>
    %dma_wait3A_2911 = arith.constant 0 : i32
    %dma_wait3A_2912 = arith.constant 0 : i32
    %dma_wait3A_2913 = tpu.memref_slice %arg9[%dma_wait3A_2904, %dma_wait3A_2911, %dma_wait3A_2912] : memref<2x128x128xf32, #tpu.memory_space<vmem>> -> memref<1x128x128xf32, #tpu.memory_space<vmem>>
    %dma_wait3A_2914 = tpu.memref_squeeze %dma_wait3A_2913 : memref<1x128x128xf32, #tpu.memory_space<vmem>> -> memref<128x128xf32, #tpu.memory_space<vmem>>
    %dma_wait3A_2915 = arith.constant 0 : i32
    %dma_wait3A_2916 = tpu.memref_slice %arg3[%add3A_2851, %dma_wait3A_2915] : memref<102400x128xf32, #tpu.memory_space<hbm>> -> memref<128x128xf32, #tpu.memory_space<hbm>>
    tpu.wait_dma2 semaphore(%arg13 : memref<!tpu.dma_semaphore, #tpu.memory_space<semaphore_mem>>) src(%dma_wait3A_2916 : memref<128x128xf32, #tpu.memory_space<hbm>>) dst(%dma_wait3A_2914 : memref<128x128xf32, #tpu.memory_space<vmem>>)
    %dma_start3A_2917 = arith.constant 0 : i32
    %dma_start3A_2918 = arith.constant 24 : i32
    %dma_start3A_2919 = arith.constant 0 : i32
    %dma_start3A_2920 = arith.constant 0 : i32
    %dma_start3A_2921 = tpu.memref_slice %arg9[%dma_start3A_2917, %dma_start3A_2919, %dma_start3A_2920] : memref<2x128x128xf32, #tpu.memory_space<vmem>> -> memref<1x128x128xf32, #tpu.memory_space<vmem>>
    %dma_start3A_2922 = tpu.memref_squeeze %dma_start3A_2921 : memref<1x128x128xf32, #tpu.memory_space<vmem>> -> memref<128x128xf32, #tpu.memory_space<vmem>>
    %dma_start3A_2923 = arith.constant 0 : i32
    %dma_start3A_2924 = tpu.memref_slice %arg8[%dma_start3A_2918, %dma_start3A_2923] : memref<25x128xi32, #tpu.memory_space<vmem>> -> memref<1x128xi32, #tpu.memory_space<vmem>>
    %dma_start3A_2925 = tpu.memref_squeeze %dma_start3A_2924 : memref<1x128xi32, #tpu.memory_space<vmem>> -> memref<128xi32, #tpu.memory_space<vmem>>
    %dma_start3A_2926 = arith.constant 0 : i32
    %dma_start3A_2927 = arith.constant 0 : i32
    %dma_start3A_2928 = tpu.memref_slice %arg11[%dma_start3A_2926, %dma_start3A_2927] : memref<4112x128xf32, #tpu.memory_space<vmem_shared>> -> memref<4112x128xf32, #tpu.memory_space<vmem_shared>>
    tpu.enqueue_indirect_dma source(%dma_start3A_2922 : memref<128x128xf32, #tpu.memory_space<vmem>>) target(%dma_start3A_2928 : memref<4112x128xf32, #tpu.memory_space<vmem_shared>>) offsets(%dma_start3A_2925 : memref<128xi32, #tpu.memory_space<vmem>>) semaphore(%arg15 : memref<!tpu.dma_semaphore, #tpu.memory_space<semaphore_mem>>) {add = true}
    %dma_wait3A_2929 = arith.constant 22 : i32
    %dma_wait3A_2930 = arith.constant 0 : i32
    %dma_wait3A_2931 = tpu.memref_slice %arg8[%dma_wait3A_2929, %dma_wait3A_2930] : memref<25x128xi32, #tpu.memory_space<vmem>> -> memref<1x128xi32, #tpu.memory_space<vmem>>
    %dma_wait3A_2932 = tpu.memref_squeeze %dma_wait3A_2931 : memref<1x128xi32, #tpu.memory_space<vmem>> -> memref<128xi32, #tpu.memory_space<vmem>>
    %dma_wait3A_2933 = arith.constant 0 : i32
    %dma_wait3A_2934 = arith.constant 0 : i32
    %dma_wait3A_2935 = tpu.memref_slice %arg12[%dma_wait3A_2933, %dma_wait3A_2934] : memref<4112x128xf32, #tpu.memory_space<vmem_shared>> -> memref<4112x128xf32, #tpu.memory_space<vmem_shared>>
    tpu.wait_indirect_dma semaphore(%arg17 : memref<!tpu.dma_semaphore, #tpu.memory_space<semaphore_mem>>) src(%arg10 : memref<128x128xf32, #tpu.memory_space<vmem>>) dst(%dma_wait3A_2935 : memref<4112x128xf32, #tpu.memory_space<vmem_shared>>)
    %dma_start3A_2936 = arith.constant 24 : i32
    %dma_start3A_2937 = arith.constant 0 : i32
    %dma_start3A_2938 = tpu.memref_slice %arg8[%dma_start3A_2936, %dma_start3A_2937] : memref<25x128xi32, #tpu.memory_space<vmem>> -> memref<1x128xi32, #tpu.memory_space<vmem>>
    %dma_start3A_2939 = tpu.memref_squeeze %dma_start3A_2938 : memref<1x128xi32, #tpu.memory_space<vmem>> -> memref<128xi32, #tpu.memory_space<vmem>>
    %dma_start3A_2940 = arith.constant 0 : i32
    %dma_start3A_2941 = arith.constant 0 : i32
    %dma_start3A_2942 = tpu.memref_slice %arg12[%dma_start3A_2940, %dma_start3A_2941] : memref<4112x128xf32, #tpu.memory_space<vmem_shared>> -> memref<4112x128xf32, #tpu.memory_space<vmem_shared>>
    tpu.enqueue_indirect_dma source(%arg10 : memref<128x128xf32, #tpu.memory_space<vmem>>) target(%dma_start3A_2942 : memref<4112x128xf32, #tpu.memory_space<vmem_shared>>) offsets(%dma_start3A_2939 : memref<128xi32, #tpu.memory_space<vmem>>) semaphore(%arg17 : memref<!tpu.dma_semaphore, #tpu.memory_space<semaphore_mem>>) {add = true}
    %dma_wait3A_2943 = arith.constant 0 : i32
    %dma_wait3A_2944 = arith.constant 24 : i32
    %dma_wait3A_2945 = arith.constant 0 : i32
    %dma_wait3A_2946 = arith.constant 0 : i32
    %dma_wait3A_2947 = tpu.memref_slice %arg9[%dma_wait3A_2943, %dma_wait3A_2945, %dma_wait3A_2946] : memref<2x128x128xf32, #tpu.memory_space<vmem>> -> memref<1x128x128xf32, #tpu.memory_space<vmem>>
    %dma_wait3A_2948 = tpu.memref_squeeze %dma_wait3A_2947 : memref<1x128x128xf32, #tpu.memory_space<vmem>> -> memref<128x128xf32, #tpu.memory_space<vmem>>
    %dma_wait3A_2949 = arith.constant 0 : i32
    %dma_wait3A_2950 = tpu.memref_slice %arg8[%dma_wait3A_2944, %dma_wait3A_2949] : memref<25x128xi32, #tpu.memory_space<vmem>> -> memref<1x128xi32, #tpu.memory_space<vmem>>
    %dma_wait3A_2951 = tpu.memref_squeeze %dma_wait3A_2950 : memref<1x128xi32, #tpu.memory_space<vmem>> -> memref<128xi32, #tpu.memory_space<vmem>>
    %dma_wait3A_2952 = arith.constant 0 : i32
    %dma_wait3A_2953 = arith.constant 0 : i32
    %dma_wait3A_2954 = tpu.memref_slice %arg11[%dma_wait3A_2952, %dma_wait3A_2953] : memref<4112x128xf32, #tpu.memory_space<vmem_shared>> -> memref<4112x128xf32, #tpu.memory_space<vmem_shared>>
    tpu.wait_indirect_dma semaphore(%arg15 : memref<!tpu.dma_semaphore, #tpu.memory_space<semaphore_mem>>) src(%dma_wait3A_2948 : memref<128x128xf32, #tpu.memory_space<vmem>>) dst(%dma_wait3A_2954 : memref<4112x128xf32, #tpu.memory_space<vmem_shared>>)
    %dma_wait3A_2955 = arith.constant 1 : i32
    %dma_wait3A_2956 = arith.constant 23 : i32
    %dma_wait3A_2957 = arith.constant 0 : i32
    %dma_wait3A_2958 = arith.constant 0 : i32
    %dma_wait3A_2959 = tpu.memref_slice %arg9[%dma_wait3A_2955, %dma_wait3A_2957, %dma_wait3A_2958] : memref<2x128x128xf32, #tpu.memory_space<vmem>> -> memref<1x128x128xf32, #tpu.memory_space<vmem>>
    %dma_wait3A_2960 = tpu.memref_squeeze %dma_wait3A_2959 : memref<1x128x128xf32, #tpu.memory_space<vmem>> -> memref<128x128xf32, #tpu.memory_space<vmem>>
    %dma_wait3A_2961 = arith.constant 0 : i32
    %dma_wait3A_2962 = tpu.memref_slice %arg8[%dma_wait3A_2956, %dma_wait3A_2961] : memref<25x128xi32, #tpu.memory_space<vmem>> -> memref<1x128xi32, #tpu.memory_space<vmem>>
    %dma_wait3A_2963 = tpu.memref_squeeze %dma_wait3A_2962 : memref<1x128xi32, #tpu.memory_space<vmem>> -> memref<128xi32, #tpu.memory_space<vmem>>
    %dma_wait3A_2964 = arith.constant 0 : i32
    %dma_wait3A_2965 = arith.constant 0 : i32
    %dma_wait3A_2966 = tpu.memref_slice %arg11[%dma_wait3A_2964, %dma_wait3A_2965] : memref<4112x128xf32, #tpu.memory_space<vmem_shared>> -> memref<4112x128xf32, #tpu.memory_space<vmem_shared>>
    tpu.wait_indirect_dma semaphore(%arg16 : memref<!tpu.dma_semaphore, #tpu.memory_space<semaphore_mem>>) src(%dma_wait3A_2960 : memref<128x128xf32, #tpu.memory_space<vmem>>) dst(%dma_wait3A_2966 : memref<4112x128xf32, #tpu.memory_space<vmem_shared>>)
    %dma_wait3A_2967 = arith.constant 24 : i32
    %dma_wait3A_2968 = arith.constant 0 : i32
    %dma_wait3A_2969 = tpu.memref_slice %arg8[%dma_wait3A_2967, %dma_wait3A_2968] : memref<25x128xi32, #tpu.memory_space<vmem>> -> memref<1x128xi32, #tpu.memory_space<vmem>>
    %dma_wait3A_2970 = tpu.memref_squeeze %dma_wait3A_2969 : memref<1x128xi32, #tpu.memory_space<vmem>> -> memref<128xi32, #tpu.memory_space<vmem>>
    %dma_wait3A_2971 = arith.constant 0 : i32
    %dma_wait3A_2972 = arith.constant 0 : i32
    %dma_wait3A_2973 = tpu.memref_slice %arg12[%dma_wait3A_2971, %dma_wait3A_2972] : memref<4112x128xf32, #tpu.memory_space<vmem_shared>> -> memref<4112x128xf32, #tpu.memory_space<vmem_shared>>
    tpu.wait_indirect_dma semaphore(%arg17 : memref<!tpu.dma_semaphore, #tpu.memory_space<semaphore_mem>>) src(%arg10 : memref<128x128xf32, #tpu.memory_space<vmem>>) dst(%dma_wait3A_2973 : memref<4112x128xf32, #tpu.memory_space<vmem_shared>>)
    %dma_wait3A_2974 = arith.constant 23 : i32
    %dma_wait3A_2975 = arith.constant 0 : i32
    %dma_wait3A_2976 = tpu.memref_slice %arg8[%dma_wait3A_2974, %dma_wait3A_2975] : memref<25x128xi32, #tpu.memory_space<vmem>> -> memref<1x128xi32, #tpu.memory_space<vmem>>
    %dma_wait3A_2977 = tpu.memref_squeeze %dma_wait3A_2976 : memref<1x128xi32, #tpu.memory_space<vmem>> -> memref<128xi32, #tpu.memory_space<vmem>>
    %dma_wait3A_2978 = arith.constant 0 : i32
    %dma_wait3A_2979 = arith.constant 0 : i32
    %dma_wait3A_2980 = tpu.memref_slice %arg12[%dma_wait3A_2978, %dma_wait3A_2979] : memref<4112x128xf32, #tpu.memory_space<vmem_shared>> -> memref<4112x128xf32, #tpu.memory_space<vmem_shared>>
    tpu.wait_indirect_dma semaphore(%arg18 : memref<!tpu.dma_semaphore, #tpu.memory_space<semaphore_mem>>) src(%arg10 : memref<128x128xf32, #tpu.memory_space<vmem>>) dst(%dma_wait3A_2980 : memref<4112x128xf32, #tpu.memory_space<vmem_shared>>)
    %barrier3A_2981 = arith.constant 0 : index
    tpu.barrier barrier_id(%barrier3A_2981)
    "tpu.region"() ({
      %run_scoped3A_2982 = tpu.sem_alloc : memref<!tpu.dma_semaphore, #tpu.memory_space<semaphore_mem>>
      %dma_start3A_2983 = arith.constant 0 : i32
      %dma_start3A_2984 = tpu.memref_slice %arg6[%arg0, %mul3A_6, %dma_start3A_2983] : memref<2x4096x128xf32, #tpu.memory_space<hbm>> -> memref<1x256x128xf32, #tpu.memory_space<hbm>>
      %dma_start3A_2985 = tpu.memref_squeeze %dma_start3A_2984 : memref<1x256x128xf32, #tpu.memory_space<hbm>> -> memref<256x128xf32, #tpu.memory_space<hbm>>
      %dma_start3A_2986 = arith.constant 0 : i32
      %dma_start3A_2987 = tpu.memref_slice %arg11[%mul3A_6, %dma_start3A_2986] : memref<4112x128xf32, #tpu.memory_space<vmem_shared>> -> memref<256x128xf32, #tpu.memory_space<vmem_shared>>
      tpu.enqueue_dma source(%dma_start3A_2987 : memref<256x128xf32, #tpu.memory_space<vmem_shared>>) target(%dma_start3A_2985 : memref<256x128xf32, #tpu.memory_space<hbm>>) target_semaphore(%run_scoped3A_2982 : memref<!tpu.dma_semaphore, #tpu.memory_space<semaphore_mem>>)
      %dma_wait3A_2988 = arith.constant 0 : i32
      %dma_wait3A_2989 = tpu.memref_slice %arg6[%arg0, %mul3A_6, %dma_wait3A_2988] : memref<2x4096x128xf32, #tpu.memory_space<hbm>> -> memref<1x256x128xf32, #tpu.memory_space<hbm>>
      %dma_wait3A_2990 = tpu.memref_squeeze %dma_wait3A_2989 : memref<1x256x128xf32, #tpu.memory_space<hbm>> -> memref<256x128xf32, #tpu.memory_space<hbm>>
      %dma_wait3A_2991 = arith.constant 0 : i32
      %dma_wait3A_2992 = tpu.memref_slice %arg11[%mul3A_6, %dma_wait3A_2991] : memref<4112x128xf32, #tpu.memory_space<vmem_shared>> -> memref<256x128xf32, #tpu.memory_space<vmem_shared>>
      tpu.wait_dma2 semaphore(%run_scoped3A_2982 : memref<!tpu.dma_semaphore, #tpu.memory_space<semaphore_mem>>) src(%dma_wait3A_2992 : memref<256x128xf32, #tpu.memory_space<vmem_shared>>) dst(%dma_wait3A_2990 : memref<256x128xf32, #tpu.memory_space<hbm>>)
      tpu.yield
    }) : () -> ()
    "tpu.region"() ({
      %run_scoped3A_2982 = tpu.sem_alloc : memref<!tpu.dma_semaphore, #tpu.memory_space<semaphore_mem>>
      %dma_start3A_2983 = arith.constant 0 : i32
      %dma_start3A_2984 = tpu.memref_slice %arg7[%arg0, %mul3A_6, %dma_start3A_2983] : memref<2x4096x128xf32, #tpu.memory_space<hbm>> -> memref<1x256x128xf32, #tpu.memory_space<hbm>>
      %dma_start3A_2985 = tpu.memref_squeeze %dma_start3A_2984 : memref<1x256x128xf32, #tpu.memory_space<hbm>> -> memref<256x128xf32, #tpu.memory_space<hbm>>
      %dma_start3A_2986 = arith.constant 0 : i32
      %dma_start3A_2987 = tpu.memref_slice %arg12[%mul3A_6, %dma_start3A_2986] : memref<4112x128xf32, #tpu.memory_space<vmem_shared>> -> memref<256x128xf32, #tpu.memory_space<vmem_shared>>
      tpu.enqueue_dma source(%dma_start3A_2987 : memref<256x128xf32, #tpu.memory_space<vmem_shared>>) target(%dma_start3A_2985 : memref<256x128xf32, #tpu.memory_space<hbm>>) target_semaphore(%run_scoped3A_2982 : memref<!tpu.dma_semaphore, #tpu.memory_space<semaphore_mem>>)
      %dma_wait3A_2988 = arith.constant 0 : i32
      %dma_wait3A_2989 = tpu.memref_slice %arg7[%arg0, %mul3A_6, %dma_wait3A_2988] : memref<2x4096x128xf32, #tpu.memory_space<hbm>> -> memref<1x256x128xf32, #tpu.memory_space<hbm>>
      %dma_wait3A_2990 = tpu.memref_squeeze %dma_wait3A_2989 : memref<1x256x128xf32, #tpu.memory_space<hbm>> -> memref<256x128xf32, #tpu.memory_space<hbm>>
      %dma_wait3A_2991 = arith.constant 0 : i32
      %dma_wait3A_2992 = tpu.memref_slice %arg12[%mul3A_6, %dma_wait3A_2991] : memref<4112x128xf32, #tpu.memory_space<vmem_shared>> -> memref<256x128xf32, #tpu.memory_space<vmem_shared>>
      tpu.wait_dma2 semaphore(%run_scoped3A_2982 : memref<!tpu.dma_semaphore, #tpu.memory_space<semaphore_mem>>) src(%dma_wait3A_2992 : memref<256x128xf32, #tpu.memory_space<vmem_shared>>) dst(%dma_wait3A_2990 : memref<256x128xf32, #tpu.memory_space<hbm>>)
      tpu.yield
    }) : () -> ()
    return
  }
}

module attributes {stable_mosaic.version = 14 : i64} {
  func.func @_tc_body(%arg0: i32, %arg1: memref<2x512x128xf32, #tpu.memory_space<vmem>>, %arg2: memref<2x512x128xf32, #tpu.memory_space<vmem>>, %arg3: memref<2x512x128xf32, #tpu.memory_space<vmem>>, %arg4: memref<512x128xf32, #tpu.memory_space<vmem>>, %arg5: memref<512x128xf32, #tpu.memory_space<vmem>>) attributes {dimension_semantics = [#tpu.dimension_semantics<arbitrary>], iteration_bounds = array<i64: 8>, scalar_prefetch = 0 : i64, scratch_operands = 0 : i64, tpu.core_type = #tpu.core_type<tc>, window_params = [{transform_indices = @transform_0, window_bounds = array<i64: 2, 512, 128>}, {transform_indices = @transform_1, window_bounds = array<i64: 2, 512, 128>}, {transform_indices = @transform_2, window_bounds = array<i64: 2, 512, 128>}, {transform_indices = @transform_3, window_bounds = array<i64: 512, 128>}, {transform_indices = @transform_4, window_bounds = array<i64: 512, 128>}]} {
    %get3A = arith.constant 0 : index
    %get3A_0 = arith.constant 0 : index
    %get3A_1 = arith.constant 0 : index
    %get3A_2 = vector.load %arg3[%get3A, %get3A_0, %get3A_1] : memref<2x512x128xf32, #tpu.memory_space<vmem>>, vector<1x512x1xf32>
    %get3A_3 = vector.shape_cast %get3A_2 : vector<1x512x1xf32> to vector<512x1xf32>
    %get3A_4 = arith.constant 1 : index
    %get3A_5 = arith.constant 0 : index
    %get3A_6 = arith.constant 0 : index
    %get3A_7 = vector.load %arg3[%get3A_4, %get3A_5, %get3A_6] : memref<2x512x128xf32, #tpu.memory_space<vmem>>, vector<1x512x1xf32>
    %get3A_8 = vector.shape_cast %get3A_7 : vector<1x512x1xf32> to vector<512x1xf32>
    %add3A = arith.addf %get3A_3, %get3A_8 : vector<512x1xf32>
    %max3A = arith.constant 1.000000e+00 : f32
    %max3A_9 = vector.broadcast %max3A : f32 to vector<512x1xf32>
    %max3A_10 = arith.maximumf %add3A, %max3A_9 : vector<512x1xf32>
    %get3A_11 = arith.constant 0 : index
    %get3A_12 = arith.constant 0 : index
    %get3A_13 = arith.constant 0 : index
    %get3A_14 = vector.load %arg1[%get3A_11, %get3A_12, %get3A_13] : memref<2x512x128xf32, #tpu.memory_space<vmem>>, vector<1x512x128xf32>
    %get3A_15 = vector.shape_cast %get3A_14 : vector<1x512x128xf32> to vector<512x128xf32>
    %get3A_16 = arith.constant 1 : index
    %get3A_17 = arith.constant 0 : index
    %get3A_18 = arith.constant 0 : index
    %get3A_19 = vector.load %arg1[%get3A_16, %get3A_17, %get3A_18] : memref<2x512x128xf32, #tpu.memory_space<vmem>>, vector<1x512x128xf32>
    %get3A_20 = vector.shape_cast %get3A_19 : vector<1x512x128xf32> to vector<512x128xf32>
    %add3A_21 = arith.addf %get3A_15, %get3A_20 : vector<512x128xf32>
    %div3A = vector.broadcast %max3A_10 : vector<512x1xf32> to vector<512x128xf32>
    %div3A_22 = arith.divf %add3A_21, %div3A : vector<512x128xf32>
    %swap3A = arith.constant 0 : index
    %swap3A_23 = arith.constant 0 : index
    %swap3A_24 = vector.load %arg4[%swap3A, %swap3A_23] : memref<512x128xf32, #tpu.memory_space<vmem>>, vector<512x128xf32>
    tpu.vector_store %arg4[%swap3A, %swap3A_23], %div3A_22 {strides = array<i32>} : memref<512x128xf32, #tpu.memory_space<vmem>>, vector<512x128xf32>,
    %get3A_25 = arith.constant 0 : index
    %get3A_26 = arith.constant 0 : index
    %get3A_27 = arith.constant 0 : index
    %get3A_28 = vector.load %arg2[%get3A_25, %get3A_26, %get3A_27] : memref<2x512x128xf32, #tpu.memory_space<vmem>>, vector<1x512x128xf32>
    %get3A_29 = vector.shape_cast %get3A_28 : vector<1x512x128xf32> to vector<512x128xf32>
    %get3A_30 = arith.constant 1 : index
    %get3A_31 = arith.constant 0 : index
    %get3A_32 = arith.constant 0 : index
    %get3A_33 = vector.load %arg2[%get3A_30, %get3A_31, %get3A_32] : memref<2x512x128xf32, #tpu.memory_space<vmem>>, vector<1x512x128xf32>
    %get3A_34 = vector.shape_cast %get3A_33 : vector<1x512x128xf32> to vector<512x128xf32>
    %add3A_35 = arith.addf %get3A_29, %get3A_34 : vector<512x128xf32>
    %sub3A = arith.subf %add3A_35, %add3A_21 : vector<512x128xf32>
    %div3A_36 = vector.broadcast %max3A_10 : vector<512x1xf32> to vector<512x128xf32>
    %div3A_37 = arith.divf %sub3A, %div3A_36 : vector<512x128xf32>
    %swap3A_38 = arith.constant 0 : index
    %swap3A_39 = arith.constant 0 : index
    %swap3A_40 = vector.load %arg5[%swap3A_38, %swap3A_39] : memref<512x128xf32, #tpu.memory_space<vmem>>, vector<512x128xf32>
    tpu.vector_store %arg5[%swap3A_38, %swap3A_39], %div3A_37 {strides = array<i32>} : memref<512x128xf32, #tpu.memory_space<vmem>>, vector<512x128xf32>,
    return
  }
  func.func @transform_0(%arg0: i32) -> (i32, i32, i32) {
    %c0_i32 = arith.constant 0 : i32
    %c0_i32_0 = arith.constant 0 : i32
    %c0_i32_1 = arith.constant 0 : i32
    return %c0_i32, %arg0, %c0_i32_0 : i32, i32, i32
  }
  func.func @transform_1(%arg0: i32) -> (i32, i32, i32) {
    %c0_i32 = arith.constant 0 : i32
    %c0_i32_0 = arith.constant 0 : i32
    %c0_i32_1 = arith.constant 0 : i32
    return %c0_i32, %arg0, %c0_i32_0 : i32, i32, i32
  }
  func.func @transform_2(%arg0: i32) -> (i32, i32, i32) {
    %c0_i32 = arith.constant 0 : i32
    %c0_i32_0 = arith.constant 0 : i32
    %c0_i32_1 = arith.constant 0 : i32
    return %c0_i32, %arg0, %c0_i32_0 : i32, i32, i32
  }
  func.func @transform_3(%arg0: i32) -> (i32, i32) {
    %c0_i32 = arith.constant 0 : i32
    %c0_i32_0 = arith.constant 0 : i32
    return %arg0, %c0_i32 : i32, i32
  }
  func.func @transform_4(%arg0: i32) -> (i32, i32) {
    %c0_i32 = arith.constant 0 : i32
    %c0_i32_0 = arith.constant 0 : i32
    return %arg0, %c0_i32 : i32, i32
  }
}

</mosaic_0001>

<sc_bundles>
// kernel: kernel.4.cloned.1.call-start
scs
__scs_entry_jumppad:
0x0: {  	(pc) =	sbr.rel $0x88, $3  }
0x1: {  	(tag) =	ssettag $0x0;
	lr =	simm.s32 $0x1  }
0x2: {  	[smem:$0x3F9E] =	sst lr;
	_ =	strace $0xD0000000  }
0x3: {  	_ = 	snop  }
0x4: {  	_ = 	snop  }
0x5: {  	_ = 	snop  }
0x6: {  	_ = 	snop  }
0x7: {  	_ = 	snop  }
__scs_overlays_trampoline_lowered:
0x8: {  	[smem:$0x3FAD] =	sst s0  }
0x9: {  	[smem:$0x3FAE] =	sst s1  }
0xa: {  	[smem:$0x3FAF] =	sst s2  }
0xb: {  	[smem:$0x3FB0] =	sst s3  }
0xc: {  	[smem:$0x3FB1] =	sst s4  }
0xd: {  	[smem:$0x3FB2] =	sst s5  }
0xe: {  	[smem:$0x3FB3] =	sst s6  }
0xf: {  	[smem:$0x3FB4] =	sst s7  }
0x10: {  	[smem:$0x3FB5] =	sst s8  }
0x11: {  	[smem:$0x3FB6] =	sst s9;
	s0 =	simm.s32 @!p0 $0x0  }
0x12: {  	s1 =	sld [smem:$0x3F9C];
	s0 =	simm.s32 @p0 $0x1  }
0x13: {  	[smem:$0x3FB7] =	sst s0;
	s0 =	simm.s32 @!p1 $0x0  }
0x14: {  	s2 =	sld [smem:$0x3F9B];
	s0 =	simm.s32 @p1 $0x1  }
0x15: {  	[smem:$0x3FB8] =	sst s0;
	s0 =	simm.s32 @!p2 $0x0  }
0x16: {  	s3 =	sld [smem:$0x3FDB];
	s0 =	simm.s32 @p2 $0x1  }
0x17: {  	s4 =	simm.s32 $0x1BF5;
	[smem:$0x3FBA] =	sst s0  }
0x18: {  	s0 =	sld [smem:$0x3F9D];
	_ =	swait.ge [sflag:s4], $0x0  }
0x19: {  	s7 =	sld [smem:$0x3F9E]  }
0x1a: {  	s8 =	sadd.s32 $0xFFFFE003, lr  }
0x1b: {  	s9 =	sadd.s32 $0xFFFFFEF7, lr;
	s5 =	simm.s32 $0xFFFFFFFF;
	p2 =	slt.u32 s8, $0xFFFFF086  }
0x1c: {  	p1 =	slt.u32 s9, $0xF7A;
	s5 =	simm.s32 @!p2 $0x0  }
0x1d: {  	s5 =	simm.s32 @p1 $0x1;
	p0 =	seq.s32 s7, s2  }
0x1e: {  	s7 =	smul.u32 @!p0 $0xF7A, s2;
	p2 =	seq.s32 @!p0 s5, $0x0  }
0x1f: {  	s9 =	smul.u32 $0xF7A, s1;
	s8 =	simm.s32 @!p0 $0x1BF5;
	p2 =	por !p2, p0  }
0x20: {  	[sflag:s8] =	ssyncset.s32 @!p0 $0xFFFFF086;
	s6 =	sadd.s32 @!p0 s3, s7;
	s7 =	simm.s32 @!p0 $0x108  }
0x21: {  	s3 =	sadd.s32 s3, s9;
	s6 =	sadd.s32 @!p0 $0x88, s6;
	s7 =	simm.s32 @p2 $0x1082  }
0x22: {  	[simem:s7], [sflag:s8] =	dma.local @!p0 [hbm:s6], $0xF7A  }
0x23: {  	s9 =	sor.u32 $0xD0000000, s2;
	s6 =	simm.s32 $0x108;
	_ =	swait.ge @!p0 [sflag:s8], $0x0  }
0x24: {  	s3 =	sadd.s32 $0x88, s3;
	s6 =	simm.s32 @!p1 $0x1082;
	[sflag:s4] =	ssyncset.s32 $0xFFFFF086  }
0x25: {  	[simem:s6], [sflag:s4] =	dma.local [hbm:s3], $0xF7A  }
0x26: {  	[smem:$0x3F9E] =	sst s1;
	(tag) =	ssettag s2;
	_ =	strace s9  }
0x27: {  	s1 =	sld [smem:$0x3FAE]  }
0x28: {  	s2 =	sld [smem:$0x3FAF]  }
0x29: {  	s4 =	sld [smem:$0x3FB1]  }
0x2a: {  	p0 =	seq.s32 s5, $0x0;
	s5 =	sld [smem:$0x3FB2]  }
0x2b: {  	s6 =	sld [smem:$0x3FB3]  }
0x2c: {  	s7 =	sld [smem:$0x3FB4]  }
0x2d: {  	s3 =	simm.s32 $0x108;
	s8 =	sld [smem:$0x3FB5]  }
0x2e: {  	s3 =	simm.s32 @!p0 $0x1082;
	s9 =	sld [smem:$0x3FB6]  }
0x2f: {  	lr =	sadd.s32 s0, s3;
	s0 =	sld [smem:$0x3FAD]  }
0x30: {  	s3 =	sld [smem:$0x3FB0]  }
0x31: {  	[smem:$0x3FB9] =	sst s10  }
0x32: {  	s10 =	sld [smem:$0x3FB7];
	_ =	sdelay $0x3  }
0x33: {  	p0 =	seq.s32 s10, $0x1;
	s10 =	sld [smem:$0x3FB9];
	_ =	sdelay $0x3  }
0x34: {  	[smem:$0x3FB9] =	sst s10  }
0x35: {  	s10 =	sld [smem:$0x3FB8];
	_ =	sdelay $0x3  }
0x36: {  	p1 =	seq.s32 s10, $0x1;
	s10 =	sld [smem:$0x3FB9];
	_ =	sdelay $0x3  }
0x37: {  	[smem:$0x3FB9] =	sst s10  }
0x38: {  	s10 =	sld [smem:$0x3FBA]  }
0x39: {  	_ = 	snop;
	(pc) =	sbr.ind lr, $3  }
0x3a: {  	_ = 	snop  }
0x3b: {  	_ = 	snop  }
0x3c: {  	p2 =	seq.s32 s10, $0x1;
	s10 =	sld [smem:$0x3FB9]  }
0x3d: {  	_ =	shalt  }
0x3e: {  	_ =	shalt  }
0x3f: {  	_ =	shalt  }
0x40: {  	_ =	shalt  }
0x41: {  	_ =	shalt  }
0x42: {  	_ =	shalt  }
0x43: {  	_ =	shalt  }
0x44: {  	_ =	shalt  }
0x45: {  	_ =	shalt  }
0x46: {  	_ =	shalt  }
0x47: {  	_ =	shalt  }
0x48: {  	_ =	shalt  }
0x49: {  	_ =	shalt  }
0x4a: {  	_ =	shalt  }
0x4b: {  	_ =	shalt  }
0x4c: {  	_ =	shalt  }
0x4d: {  	_ =	shalt  }
0x4e: {  	_ =	shalt  }
0x4f: {  	_ =	shalt  }
0x50: {  	_ =	shalt  }
0x51: {  	_ =	shalt  }
0x52: {  	_ =	shalt  }
0x53: {  	_ =	shalt  }
0x54: {  	_ =	shalt  }
0x55: {  	_ =	shalt  }
0x56: {  	_ =	shalt  }
0x57: {  	_ =	shalt  }
0x58: {  	_ =	shalt  }
0x59: {  	_ =	shalt  }
0x5a: {  	_ =	shalt  }
0x5b: {  	_ =	shalt  }
0x5c: {  	_ =	shalt  }
0x5d: {  	_ =	shalt  }
0x5e: {  	_ =	shalt  }
0x5f: {  	_ =	shalt  }
0x60: {  	_ =	shalt  }
0x61: {  	_ =	shalt  }
0x62: {  	_ =	shalt  }
0x63: {  	_ =	shalt  }
0x64: {  	_ =	shalt  }
0x65: {  	_ =	shalt  }
0x66: {  	_ =	shalt  }
0x67: {  	_ =	shalt  }
0x68: {  	_ =	shalt  }
0x69: {  	_ =	shalt  }
0x6a: {  	_ =	shalt  }
0x6b: {  	_ =	shalt  }
0x6c: {  	_ =	shalt  }
0x6d: {  	_ =	shalt  }
0x6e: {  	_ =	shalt  }
0x6f: {  	_ =	shalt  }
0x70: {  	_ =	shalt  }
0x71: {  	_ =	shalt  }
0x72: {  	_ =	shalt  }
0x73: {  	_ =	shalt  }
0x74: {  	_ =	shalt  }
0x75: {  	_ =	shalt  }
0x76: {  	_ =	shalt  }
0x77: {  	_ =	shalt  }
0x78: {  	_ =	shalt  }
0x79: {  	_ =	shalt  }
0x7a: {  	_ =	shalt  }
0x7b: {  	_ =	shalt  }
0x7c: {  	_ =	shalt  }
0x7d: {  	_ =	shalt  }
0x7e: {  	_ =	shalt  }
0x7f: {  	_ =	shalt  }
0x80: {  	_ =	shalt  }
0x81: {  	_ =	shalt  }
0x82: {  	_ =	shalt  }
0x83: {  	_ =	shalt  }
0x84: {  	_ =	shalt  }
0x85: {  	_ =	shalt  }
0x86: {  	_ =	shalt  }
0x87: {  	_ =	shalt  }
.Lfunc_end0:
.L_simem_size_0:
called_computation_lowered:
.L_overlay_start_0:
0x88: {  	s2 =	sld [smem:$0x3FD9]  }
0x89: {  	s3 =	sld [smem:$0x3FFE];
	_ =	sdelay $0x1  }
0x8a: {  	s1 =	srdreg.scid  }
0x8b: {  	s0 =	sand.u32 $0x1, s1  }
0x8c: {  	s14 =	sshll.u32 s0, $0xA;
	s2 =	sadd.s32 s3, s2  }
0x8d: {  	s2 =	sadd.s32 s2, s14  }
0x8e: {  	[smem:$0x3FC5] =	sst s2  }
0x8f: {  	_ = 	snop  }
0x90: {  	s2 =	sld [smem:$0x3FD0];
	_ =	sdelay $0x1  }
0x91: {  	s15 =	sld [smem:$0x3FC9]  }
0x92: {  	s5 =	simm.s32 $0xA;
	s6 =	simm.s32 $0x10;
	s4 =	sld [smem:$0x3FC8]  }
0x93: {  	[smem:s6], [sflag:s5] =	dma.local [hbm:s2], $0x1  }
0x94: {  	_ =	swait.eq [sflag:s5], $0x1  }
0x95: {  	[sflag:s5] =	ssyncset.done $0x0  }
0x96: {  	[sflag:s5] =	ssyncadd.s32 $0xFFFFFFFF  }
0x97: {  	s16 =	sld [smem:$0x11];
	(tm) =	ssettm $0x1  }
0x98: {  	s17 =	sld [smem:$0x3FFB];
	_ =	sdelay $0x3  }
0x99: {  	_ =	strace s17  }
0x9a: {  	s5 =	sld [smem:$0x3FFC];
	_ =	sdelay $0x3  }
0x9b: {  	_ =	strace s5  }
0x9c: {  	s5 =	sld [smem:$0x3FFD];
	_ =	sdelay $0x3  }
0x9d: {  	_ =	strace s5  }
0x9e: {  	_ =	strace $0x8FFFFFFF  }
0x9f: {  	s18 =	sld [smem:$0x3FDB];
	_ =	sdelay $0x1  }
0xa0: {  	s19 =	simm.s32 $_scs_section_size  }
0xa1: {  	s7 =	simm.s32 $_size__tile_overlayer_lowered;
	s8 =	simm.s32 $_tile_overlayer_lowered  }
0xa2: {  	s22 =	simm.s32 $0x1BFF;
	s21 =	sshll.u32 s8, $0x1;
	s5 =	sadd.s32 s19, s18  }
0xa3: {  	s9 =	simm.s32 $0x0;
	s20 =	sshll.u32 s7, $0x1;
	s7 =	sadd.s32 s21, s5  }
0xa4: {  	[timem:s9], [sflag:s22] =	dma.local [hbm:s7], s20  }
0xa5: {  	_ =	swait.ge [sflag:s22], s20  }
0xa6: {  	s6 =	ssub.s32 $0x0, s20;
	[sflag:s22] =	ssyncset.done $0x0  }
0xa7: {  	[sflag:s22] =	ssyncadd.s32 s6;
	_ =	sdelay $0x1  }
0xa8: {  	s23 =	simm.s32 $0x1B8B  }
0xa9: {  	_ =	swait.ge [sflag:s23], $0x1  }
0xaa: {  	[sflag:s23] =	ssyncset.done $0x0  }
0xab: {  	s25 =	simm.s32 $0x1B8E;
	s24 =	sld [smem:$0x3FFE];
	[sflag:s23] =	ssyncadd.s32 $0xFFFFFFFF  }
0xac: {  	s26 =	simm.s32 $execute0_lowered;
	[smem:$0x3FD2] =	sst s25  }
0xad: {  	s7 =	sshll.u32 s26, $0x1;
	_ =	strace $0x80000046;
	[dreg:$0x1] =	wrdreg $0xFFFFFFFF  }
0xae: {  	s28 =	simm.s32 $_size_execute0_lowered;
	s5 =	sadd.s32 s5, s7;
	[dreg:$0x0] =	wrdreg $0x0  }
0xaf: {  	s7 =	sshll.u32 s28, $0x1;
	[dreg:$0x2] =	wrdreg s5  }
0xb0: {  	[dreg:$0x3] =	wrdreg s7  }
0xb1: {  	[dreg:$0x4] =	wrdreg $0xC0  }
0xb2: {  	_ =	task [dreg:s9], $0x5FFFF  }
0xb3: {  	[dreg:$0x1] =	wrdreg $0xFFFFFFFF  }
0xb4: {  	[dreg:$0x0] =	wrdreg $0x60  }
0xb5: {  	[dreg:$0x2] =	wrdreg s15  }
0xb6: {  	[dreg:$0x3] =	wrdreg s4  }
0xb7: {  	[dreg:$0x4] =	wrdreg s16  }
0xb8: {  	[dreg:$0x5] =	wrdreg s24  }
0xb9: {  	[dreg:$0x6] =	wrdreg $0xD0000  }
0xba: {  	[dreg:$0x7] =	wrdreg $0x150800  }
0xbb: {  	[dreg:$0x8] =	wrdreg $0x9  }
0xbc: {  	_ =	task.clear_ibuf [dreg:s9], $0x9FFFF;
	_ =	strace $0x90000046  }
0xbd: {  	s29 =	simm.s32 $0x9;
	_ =	strace $0x80000048  }
0xbe: {  	_ =	swait.ge [sflag:s29], $0x1  }
0xbf: {  	[sflag:s29] =	ssyncadd.s32 $0xFFFFFFFF  }
0xc0: {  	_ =	strace $0x90000048  }
0xc1: {  	_ =	sfence  }
0xc2: {  	s30 =	sld [smem:$0x0];
	_ =	sdelay $0x2  }
0xc3: {  	s31 =	sshll.u32 s1, $0xD;
	s1 =	sshrl.u32 s1, $0x2  }
0xc4: {  	s3 =	sand.u32 $0x4000, s31;
	s1 =	sadd.s32 s1, s30  }
0xc5: {  	s0 =	sor.u32 s3, s0;
	s1 =	sshll.u32 s1, $0x11  }
0xc6: {  	s0 =	sor.u32 s1, s0  }
0xc7: {  	s0 =	sadd.s32 $0x8F2B, s0  }
0xc8: {  	[sflag:s0] =	ssyncadd.remote.s32 $0x1  }
0xc9: {  	_ =	sfence.sel $0xFFFF  }
0xca: {  	[dreg:$0x0] =	wrdreg $0xFFFFFFFF;
	(pc) =	sbr.abs _section_cstart, $3  }
0xcb: {  	[dreg:$0x1] =	wrdreg $0xFFFFFFFF  }
0xcc: {  	_ =	task.clear_ibuf [dreg:s9], $0x2FFFF;
	_ =	strace $0x9FFFFFFF  }
0xcd: {  	(tm) =	ssettm $0x7FFFFFFF  }
tec
execute0_lowered:
.L_overlay_start_1:
0x0: {  	(tag) =	ssettag $0x1  }
0x1: {  	s3 =	rddreg [dreg:$0x0];
	s0 =	srdreg.scid  }
0x2: {  	s1 =	stileid.u32;
	s2 =	rddreg [dreg:$0x2]  }
0x3: {  	s18 =	stileid.u32;
	s5 =	rddreg [dreg:$0x3];
	s4 =	sand.u32 $0x1, s0  }
0x4: {  	s25 =	sshll.u32 s1, $0x1;
	s1 =	simm.s32 $0x0;
	s6 =	ssub.s32 $0x2, s4  }
0x5: {  	s7 =	sor.u32 s4, s25;
	[smem:$0x7FF] =	sst s1;
	s4 =	sshll.u32 s4, $0x13  }
0x6: {  	s26 =	sshrl.u32 s6, $0x1;
	s8 =	smul.u32 $0x64000, s7;
	s30 =	sshll.u32 s7, $0x9  }
0x7: {  	s0 =	ssub.s32 s6, s26;
	s2 =	sadd.s32 s2, s30;
	s30 =	rddreg [dreg:$0x1]  }
0x8: {  	s6 =	smul.u32 $0xC800, s7;
	[smem:$0x7F8] =	sst s0;
	s31 =	sshrl.u32 s8, $0x3  }
0x9: {  	[dreg:$0x7] =	wrdreg s2;
	s2 =	sshll.u32 s18, $0xF;
	s8 =	sadd.s32 $0x800, s31  }
0xa: {  	s9 =	sadd.s32 $0x1000, s31;
	s10 =	sadd.s32 $0x1800, s31;
	s11 =	sadd.s32 $0x2000, s31  }
0xb: {  	s12 =	sadd.s32 $0x2800, s31;
	s13 =	sadd.s32 $0x3000, s31;
	s14 =	sadd.s32 $0x3800, s31  }
0xc: {  	s15 =	sadd.s32 $0x4000, s31;
	s16 =	sadd.s32 $0x4800, s31;
	s17 =	sadd.s32 $0x5000, s31  }
0xd: {  	s18 =	sadd.s32 $0x5800, s31;
	s19 =	sadd.s32 $0x6000, s31;
	s4 =	sor.u32 s2, s4  }
0xe: {  	s20 =	sadd.s32 $0x6800, s31;
	s21 =	sadd.s32 $0x7000, s31;
	s22 =	sadd.s32 $0x7800, s31  }
0xf: {  	s23 =	sadd.s32 $0x8000, s31;
	s24 =	sadd.s32 $0x9800, s31;
	s25 =	sadd.s32 $0xA000, s31  }
0x10: {  	s26 =	sadd.s32 $0xA800, s31;
	s28 =	sadd.s32 $0xB000, s31;
	s4 =	sshrl.u32 s4, $0x3  }
0x11: {  	s29 =	sadd.s32 $0xB800, s31;
	s7 =	sadd.s32 $0xC000, s31;
	s0 =	sadd.s32 s5, s4  }
0x12: {  	s4 =	sadd.s32 $0x8800, s31;
	s5 =	sadd.s32 $0x9000, s31;
	s31 =	sadd.s32 s3, s6  }
0x13: {  	s6 =	sadd.s32 s30, s6;
	[dreg:$0x9] =	wrdreg s31  }
0x14: {  	s31 =	sadd.s32 s3, s8;
	[smem:$0x7D9] =	sst s6  }
0x15: {  	s8 =	sadd.s32 s30, s8;
	[dreg:$0xa] =	wrdreg s31  }
0x16: {  	s6 =	sadd.s32 s30, s23;
	[smem:$0x7DA] =	sst s8  }
0x17: {  	s31 =	sadd.s32 s3, s9;
	[smem:$0x7E9] =	sst s6  }
0x18: {  	s9 =	sadd.s32 s30, s9;
	[dreg:$0xb] =	wrdreg s31  }
0x19: {  	s8 =	sadd.s32 s30, s4;
	[smem:$0x7DB] =	sst s9  }
0x1a: {  	s31 =	sadd.s32 s3, s10;
	[smem:$0x7EA] =	sst s8  }
0x1b: {  	s10 =	sadd.s32 s30, s10;
	[dreg:$0xc] =	wrdreg s31  }
0x1c: {  	s9 =	sadd.s32 s30, s5;
	[smem:$0x7DC] =	sst s10  }
0x1d: {  	s31 =	sadd.s32 s3, s11;
	[smem:$0x7EB] =	sst s9  }
0x1e: {  	s11 =	sadd.s32 s30, s11;
	[dreg:$0xd] =	wrdreg s31  }
0x1f: {  	s10 =	sadd.s32 s30, s24;
	[smem:$0x7DD] =	sst s11  }
0x20: {  	s31 =	sadd.s32 s3, s12;
	[smem:$0x7EC] =	sst s10  }
0x21: {  	s12 =	sadd.s32 s30, s12;
	[dreg:$0xe] =	wrdreg s31  }
0x22: {  	s11 =	sadd.s32 s30, s25;
	[smem:$0x7DE] =	sst s12  }
0x23: {  	s31 =	sadd.s32 s3, s13;
	[smem:$0x7ED] =	sst s11  }
0x24: {  	s13 =	sadd.s32 s30, s13;
	[dreg:$0xf] =	wrdreg s31  }
0x25: {  	s12 =	sadd.s32 s30, s26;
	[smem:$0x7DF] =	sst s13  }
0x26: {  	s31 =	sadd.s32 s3, s14;
	[smem:$0x7EE] =	sst s12  }
0x27: {  	s14 =	sadd.s32 s30, s14;
	[dreg:$0x10] =	wrdreg s31  }
0x28: {  	s13 =	sadd.s32 s30, s28;
	[smem:$0x7E0] =	sst s14  }
0x29: {  	s31 =	sadd.s32 s3, s15;
	[smem:$0x7EF] =	sst s13  }
0x2a: {  	s15 =	sadd.s32 s30, s15;
	[dreg:$0x11] =	wrdreg s31  }
0x2b: {  	s31 =	sadd.s32 s3, s16;
	[smem:$0x7E1] =	sst s15  }
0x2c: {  	s16 =	sadd.s32 s30, s16;
	[dreg:$0x12] =	wrdreg s31  }
0x2d: {  	s15 =	sadd.s32 s30, s29;
	[smem:$0x7E2] =	sst s16  }
0x2e: {  	s31 =	sadd.s32 s3, s17;
	[smem:$0x7F0] =	sst s15  }
0x2f: {  	s17 =	sadd.s32 s30, s17;
	[dreg:$0x13] =	wrdreg s31  }
0x30: {  	s16 =	sadd.s32 s30, s7;
	[smem:$0x7E3] =	sst s17  }
0x31: {  	s31 =	sadd.s32 s3, s18;
	[smem:$0x7F1] =	sst s16  }
0x32: {  	s18 =	sadd.s32 s30, s18;
	[dreg:$0x14] =	wrdreg s31  }
0x33: {  	s31 =	sadd.s32 s3, s19;
	[smem:$0x7E4] =	sst s18  }
0x34: {  	s19 =	sadd.s32 s30, s19;
	[dreg:$0x15] =	wrdreg s31  }
0x35: {  	s31 =	sadd.s32 s3, s20;
	[smem:$0x7E5] =	sst s19  }
0x36: {  	s20 =	sadd.s32 s30, s20;
	[dreg:$0x16] =	wrdreg s31  }
0x37: {  	s31 =	sadd.s32 s3, s21;
	[smem:$0x7E6] =	sst s20  }
0x38: {  	s21 =	sadd.s32 s30, s21;
	[dreg:$0x17] =	wrdreg s31  }
0x39: {  	s31 =	sadd.s32 s3, s22;
	[smem:$0x7E7] =	sst s21  }
0x3a: {  	[dreg:$0x18] =	wrdreg s31;
	s31 =	sadd.s32 s3, s23  }
0x3b: {  	[dreg:$0x19] =	wrdreg s31;
	s31 =	sadd.s32 s3, s4  }
0x3c: {  	[dreg:$0x1a] =	wrdreg s31;
	s31 =	sadd.s32 s3, s5  }
0x3d: {  	s6 =	simm.s32 $0x900;
	s8 =	simm.s32 $0x380;
	[dreg:$0x1b] =	wrdreg s31  }
0x3e: {  	s9 =	simm.s32 $0x1000;
	s31 =	sadd.s32 s3, s24;
	s24 =	rddreg [dreg:$0x5]  }
0x3f: {  	s10 =	simm.s32 $0x5000;
	[dreg:$0x1c] =	wrdreg s31;
	s31 =	sadd.s32 s3, s25  }
0x40: {  	s11 =	simm.s32 $0x1;
	[dreg:$0x1d] =	wrdreg s31;
	s31 =	sadd.s32 s3, s26  }
0x41: {  	s12 =	simm.s32 $0x80;
	[dreg:$0x1e] =	wrdreg s31;
	s31 =	sadd.s32 s3, s28  }
0x42: {  	s14 =	stileid.u32;
	[dreg:$0x1f] =	wrdreg s31;
	s31 =	sadd.s32 s3, s29  }
0x43: {  	s13 =	simm.s32 $0x9000;
	s3 =	sadd.s32 s3, s7;
	[smem:$0x7D7] =	sst s31  }
0x44: {  	s15 =	simm.s32 $0x2;
	s16 =	simm.s32 $0x4;
	[smem:$0x7D8] =	sst s3  }
0x45: {  	s5 =	simm.s32 $0x780;
	s31 =	sadd.s32 s30, s22;
	s22 =	rddreg [dreg:$0x4]  }
0x46: {  	s3 =	smul.u32 $0x8080, s14;
	[smem:$0x7E8] =	sst s31;
	s31 =	sadd.s32 $0x20000, s0  }
0x47: {  	s28 =	simm.s32 $0x700;
	_ =	strace $0x80000047;
	[smem:$0x7FC] =	sst s31  }
0x48: {  	s17 =	sadd.s32 s3, s22;
	s18 =	sadd.s32 $0x4000, s3;
	[dreg:$0x8] =	wrdreg s0  }
0x49: {  	s19 =	sadd.s32 $0x8000, s3;
	s3 =	sadd.s32 s3, s24;
	[smem:$0x7F2] =	sst s17  }
0x4a: {  	s26 =	sadd.s32 s2, s22;
	s2 =	sadd.s32 s2, s24;
	[smem:$0x7F3] =	sst s3  }
0x4b: {  	s29 =	simm.s32 $0x0;
	s2 =	sshrl.u32 s2, $0x3;
	s30 =	sld [smem:$0x7F8]  }
0x4c: {  	s7 =	simm.s32 $0x300;
	s0 =	sadd.s32 $0x40000, s0;
	[smem:$0x7FB] =	sst s2  }
0x4d: {  	s14 =	simm.s32 $0x3;
	s20 =	sadd.s32 s18, s22;
	[smem:$0x7FD] =	sst s0  }
0x4e: {  	s21 =	sadd.s32 s18, s24;
	s23 =	sadd.s32 s19, s22;
	[smem:$0x7F4] =	sst s20  }
0x4f: {  	s25 =	sadd.s32 s19, s24;
	s3 =	sshrl.u32 s26, $0x3;
	[smem:$0x7F5] =	sst s21  }
0x50: {  	s18 =	simm.s32 $0x5;
	s17 =	simm.s32 $0x400;
	[smem:$0x7F6] =	sst s23  }
0x51: {  	s19 =	simm.s32 $0x480;
	s26 =	simm.s32 $0x680;
	[smem:$0x7F7] =	sst s25  }
0x52: {  	[smem:$0x7FA] =	sst s3;
	s3 =	simm.s32 $0x7;
	s20 =	simm.s32 $0x6  }
0x53: {  	s21 =	simm.s32 $0x500;
	s23 =	simm.s32 $0x580;
	s4 =	smax.u32 s30, $0x1  }
0x54: {  	v0 =	vimm.f32 $0.0e+00;
	v1 =	vimm.f32 $1.000000000e+00;
	s25 =	simm.s32 $0x600;
	[smem:$0x7F9] =	sst s4;
	s4 =	simm.s32 $0x880  }
.LBB2_1:
0x55: {  	s30 =	rddreg [dreg:$0x7]  }
0x56: {  	[tilespmem:s1], [sflag:$0x7] =	stream.linear.gather [hbm4b:s30+s1], $0xC80, $0x38;
	[tilespmem:$0x1D100] =	vst v63  }
0x57: {  	_ =	swait.ge [sflag:s3], $0xC80  }
0x58: {  	[sflag:s3] =	ssyncset.done $0x0  }
0x59: {  	s31 =	simm.s32 $0x200;
	s30 =	simm.s32 $0x0;
	[sflag:s3] =	ssyncadd.s32 $0xFFFFF380  }
.LBB2_2:
0x5a: {  	p0 =	sne.s32 s31, $0xFE00;
	[tilespmem:s30+$0x1070] =	vst v0  }
0x5b: {  	[tilespmem:s30+$0x1000] =	vst v0  }
0x5c: {  	[tilespmem:s30+$0x1010] =	vst v0  }
.Ltmp0:
0x5d: {  	[tilespmem:s30+$0x1020] =	vst v0;
	(pc) =	sbr.rel @p0 .LBB2_2-.Ltmp0, $4  }
0x5e: {  	[tilespmem:s30+$0x1030] =	vst v0  }
0x5f: {  	[tilespmem:s30+$0x1040] =	vst v0  }
0x60: {  	[tilespmem:s30+$0x1050] =	vst v0  }
0x61: {  	[tilespmem:s30+$0x1060] =	vst v0;
	s30 =	sshra.s32 s31, $0x2;
	s31 =	sadd.s32 $0x200, s31  }
0x62: {  	[tilespmem:s30+$0x1070] =	vst v0  }
0x63: {  	[tilespmem:s30+$0x1000] =	vst v0  }
0x64: {  	[tilespmem:s30+$0x1010] =	vst v0  }
0x65: {  	[tilespmem:s30+$0x1020] =	vst v0  }
0x66: {  	[tilespmem:s30+$0x1030] =	vst v0  }
0x67: {  	[tilespmem:s30+$0x1040] =	vst v0  }
0x68: {  	[tilespmem:s30+$0x1050] =	vst v0  }
0x69: {  	[tilespmem:s30+$0x1060] =	vst v0;
	s30 =	sld [smem:$0x7F2];
	_ =	sdelay $0x2  }
0x6a: {  	[spmem:s30] =	stream.linear.scatter [tilespmem:s9], [sflag:$0x7], $0x4000, $0x38;
	[tilespmem:$0x1D100] =	vst v63  }
0x6b: {  	_ =	swait.ge [sflag:s3], $0x4000  }
0x6c: {  	s30 =	sld [smem:$0x7F4]  }
0x6d: {  	[sflag:s3] =	ssyncset.done $0x0  }
0x6e: {  	[sflag:s3] =	ssyncadd.s32 $0xFFFFC000  }
0x6f: {  	[spmem:s30] =	stream.linear.scatter [tilespmem:s9], [sflag:$0x7], $0x4000, $0x38;
	[tilespmem:$0x1D100] =	vst v63  }
0x70: {  	_ =	swait.ge [sflag:s3], $0x4000  }
0x71: {  	s30 =	sld [smem:$0x7F6]  }
0x72: {  	[sflag:s3] =	ssyncset.done $0x0  }
0x73: {  	[sflag:s3] =	ssyncadd.s32 $0xFFFFC000  }
0x74: {  	[spmem:s30] =	stream.linear.scatter [tilespmem:s9], [sflag:$0x7], $0x80, $0x38;
	[tilespmem:$0x1D100] =	vst v63  }
0x75: {  	_ =	swait.ge [sflag:s3], $0x80  }
0x76: {  	s30 =	sld [smem:$0x7F3]  }
0x77: {  	[sflag:s3] =	ssyncset.done $0x0  }
0x78: {  	[sflag:s3] =	ssyncadd.s32 $0xFFFFFF80  }
0x79: {  	[spmem:s30] =	stream.linear.scatter [tilespmem:s9], [sflag:$0x7], $0x4000, $0x38;
	[tilespmem:$0x1D100] =	vst v63  }
0x7a: {  	_ =	swait.ge [sflag:s3], $0x4000  }
0x7b: {  	s30 =	sld [smem:$0x7F5]  }
0x7c: {  	[sflag:s3] =	ssyncset.done $0x0  }
0x7d: {  	[sflag:s3] =	ssyncadd.s32 $0xFFFFC000  }
0x7e: {  	[spmem:s30] =	stream.linear.scatter [tilespmem:s9], [sflag:$0x7], $0x4000, $0x38;
	[tilespmem:$0x1D100] =	vst v63  }
0x7f: {  	_ =	swait.ge [sflag:s3], $0x4000  }
0x80: {  	s30 =	sld [smem:$0x7F7]  }
0x81: {  	[sflag:s3] =	ssyncset.done $0x0  }
0x82: {  	[sflag:s3] =	ssyncadd.s32 $0xFFFFC000  }
0x83: {  	[spmem:s30] =	stream.linear.scatter [tilespmem:s9], [sflag:$0x7], $0x80, $0x38;
	[tilespmem:$0x1D100] =	vst v63  }
0x84: {  	_ =	swait.ge [sflag:s3], $0x80  }
0x85: {  	[sflag:s3] =	ssyncset.done $0x0  }
0x86: {  	s31 =	simm.s32 $0x200;
	s30 =	simm.s32 $0x0;
	[sflag:s3] =	ssyncadd.s32 $0xFFFFFF80  }
.LBB2_4:
0x87: {  	p0 =	sne.s32 s31, $0xFE00;
	[tilespmem:s30+$0x9070] =	vst v1  }
0x88: {  	[tilespmem:s30+$0x9000] =	vst v1  }
0x89: {  	[tilespmem:s30+$0x9010] =	vst v1  }
.Ltmp1:
0x8a: {  	[tilespmem:s30+$0x9020] =	vst v1;
	(pc) =	sbr.rel @p0 .LBB2_4-.Ltmp1, $4  }
0x8b: {  	[tilespmem:s30+$0x9030] =	vst v1  }
0x8c: {  	[tilespmem:s30+$0x9040] =	vst v1  }
0x8d: {  	[tilespmem:s30+$0x9050] =	vst v1  }
0x8e: {  	[tilespmem:s30+$0x9060] =	vst v1;
	s30 =	sshra.s32 s31, $0x2;
	s31 =	sadd.s32 $0x200, s31  }
0x8f: {  	[tilespmem:s30+$0x9070] =	vst v1  }
0x90: {  	[tilespmem:s30+$0x9000] =	vst v1  }
0x91: {  	[tilespmem:s30+$0x9010] =	vst v1  }
0x92: {  	[tilespmem:s30+$0x9020] =	vst v1  }
0x93: {  	[tilespmem:s30+$0x9030] =	vst v1  }
0x94: {  	[tilespmem:s30+$0x9040] =	vst v1  }
0x95: {  	[tilespmem:s30+$0x9050] =	vst v1  }
0x96: {  	[tilespmem:s30+$0x9060] =	vst v1  }
0x97: {  	[bflag:$0x0] =	sbarrier.arrive $0xFFFF  }
0x98: {  	s0 =	rddreg [dreg:$0x9]  }
0x99: {  	[tilespmem:s9], [sflag:$0x1] =	stream.linear.gather [hbm4b:s0+s1], $0x4000, $0x38;
	[tilespmem:$0x1D100] =	vst v63  }
0x9a: {  	s2 =	rddreg [dreg:$0xa]  }
0x9b: {  	[tilespmem:s10], [sflag:$0x2] =	stream.linear.gather [hbm4b:s2+s1], $0x4000, $0x38;
	[tilespmem:$0x1D100] =	vst v63  }
0x9c: {  	_ =	swait.ge [sflag:s11], $0x4000  }
0x9d: {  	[sflag:s11] =	ssyncset.done $0x0  }
0x9e: {  	[sflag:s11] =	ssyncadd.s32 $0xFFFFC000  }
0x9f: {  	[spmem:s22] =	stream.indirect.scatter.add.f32 [tilespmem:s9], [sflag:$0x3], $0x80, s1, s12, $0xb8;
	[tilespmem:$0x1D100] =	vst v63  }
0xa0: {  	_ = 	snop  }
0xa1: {  	[spmem:s24] =	stream.indirect.scatter.add.f32 [tilespmem:s13], [sflag:$0x5], $0x80, s1, s12, $0xb8;
	[tilespmem:$0x1D100] =	vst v63  }
0xa2: {  	_ =	swait.ge [sflag:s14], $0x4000  }
0xa3: {  	[sflag:s14] =	ssyncset.done $0x0  }
0xa4: {  	s31 =	rddreg [dreg:$0xb];
	[sflag:s14] =	ssyncadd.s32 $0xFFFFC000  }
0xa5: {  	[tilespmem:s9], [sflag:$0x1] =	stream.linear.gather [hbm4b:s31+s1], $0x4000, $0x38;
	[tilespmem:$0x1D100] =	vst v63  }
0xa6: {  	_ =	swait.ge [sflag:s15], $0x4000  }
0xa7: {  	[sflag:s15] =	ssyncset.done $0x0  }
0xa8: {  	[sflag:s15] =	ssyncadd.s32 $0xFFFFC000  }
0xa9: {  	[spmem:s22] =	stream.indirect.scatter.add.f32 [tilespmem:s10], [sflag:$0x4], $0x80, s12, s12, $0xb8;
	[tilespmem:$0x1D100] =	vst v63  }
0xaa: {  	_ = 	snop  }
0xab: {  	[spmem:s24] =	stream.indirect.scatter.add.f32 [tilespmem:s13], [sflag:$0x6], $0x80, s12, s12, $0xb8;
	[tilespmem:$0x1D100] =	vst v63  }
0xac: {  	_ =	swait.ge [sflag:s16], $0x4000  }
0xad: {  	[sflag:s16] =	ssyncset.done $0x0  }
0xae: {  	s0 =	rddreg [dreg:$0xc];
	[sflag:s16] =	ssyncadd.s32 $0xFFFFC000  }
0xaf: {  	[tilespmem:s10], [sflag:$0x2] =	stream.linear.gather [hbm4b:s0+s1], $0x4000, $0x38;
	[tilespmem:$0x1D100] =	vst v63  }
0xb0: {  	_ =	swait.ge [sflag:s11], $0x4000  }
0xb1: {  	[sflag:s11] =	ssyncset.done $0x0  }
0xb2: {  	s0 =	simm.s32 $0x100;
	[sflag:s11] =	ssyncadd.s32 $0xFFFFC000  }
0xb3: {  	[spmem:s22] =	stream.indirect.scatter.add.f32 [tilespmem:s9], [sflag:$0x3], $0x80, s0, s12, $0xb8;
	[tilespmem:$0x1D100] =	vst v63  }
0xb4: {  	_ =	swait.ge [sflag:s18], $0x4000  }
0xb5: {  	[sflag:s18] =	ssyncset.done $0x0  }
0xb6: {  	[sflag:s18] =	ssyncadd.s32 $0xFFFFC000  }
0xb7: {  	[spmem:s24] =	stream.indirect.scatter.add.f32 [tilespmem:s13], [sflag:$0x5], $0x80, s0, s12, $0xb8;
	[tilespmem:$0x1D100] =	vst v63  }
0xb8: {  	_ =	swait.ge [sflag:s14], $0x4000  }
0xb9: {  	[sflag:s14] =	ssyncset.done $0x0  }
0xba: {  	s2 =	rddreg [dreg:$0xd];
	[sflag:s14] =	ssyncadd.s32 $0xFFFFC000  }
0xbb: {  	[tilespmem:s9], [sflag:$0x1] =	stream.linear.gather [hbm4b:s2+s1], $0x4000, $0x38;
	[tilespmem:$0x1D100] =	vst v63  }
0xbc: {  	_ =	swait.ge [sflag:s15], $0x4000  }
0xbd: {  	[sflag:s15] =	ssyncset.done $0x0  }
0xbe: {  	s31 =	simm.s32 $0x180;
	[sflag:s15] =	ssyncadd.s32 $0xFFFFC000  }
0xbf: {  	[spmem:s22] =	stream.indirect.scatter.add.f32 [tilespmem:s10], [sflag:$0x4], $0x80, s31, s12, $0xb8;
	[tilespmem:$0x1D100] =	vst v63  }
0xc0: {  	_ =	swait.ge [sflag:s20], $0x4000  }
0xc1: {  	[sflag:s20] =	ssyncset.done $0x0  }
0xc2: {  	[sflag:s20] =	ssyncadd.s32 $0xFFFFC000  }
0xc3: {  	[spmem:s24] =	stream.indirect.scatter.add.f32 [tilespmem:s13], [sflag:$0x6], $0x80, s31, s12, $0xb8;
	[tilespmem:$0x1D100] =	vst v63  }
0xc4: {  	_ =	swait.ge [sflag:s16], $0x4000  }
0xc5: {  	[sflag:s16] =	ssyncset.done $0x0  }
0xc6: {  	s2 =	rddreg [dreg:$0xe];
	[sflag:s16] =	ssyncadd.s32 $0xFFFFC000  }
0xc7: {  	[tilespmem:s10], [sflag:$0x2] =	stream.linear.gather [hbm4b:s2+s1], $0x4000, $0x38;
	[tilespmem:$0x1D100] =	vst v63  }
0xc8: {  	_ =	swait.ge [sflag:s11], $0x4000  }
0xc9: {  	[sflag:s11] =	ssyncset.done $0x0  }
0xca: {  	s31 =	simm.s32 $0x200;
	[sflag:s11] =	ssyncadd.s32 $0xFFFFC000  }
0xcb: {  	[spmem:s22] =	stream.indirect.scatter.add.f32 [tilespmem:s9], [sflag:$0x3], $0x80, s31, s12, $0xb8;
	[tilespmem:$0x1D100] =	vst v63  }
0xcc: {  	_ =	swait.ge [sflag:s18], $0x4000  }
0xcd: {  	[sflag:s18] =	ssyncset.done $0x0  }
0xce: {  	[sflag:s18] =	ssyncadd.s32 $0xFFFFC000  }
0xcf: {  	[spmem:s24] =	stream.indirect.scatter.add.f32 [tilespmem:s13], [sflag:$0x5], $0x80, s31, s12, $0xb8;
	[tilespmem:$0x1D100] =	vst v63  }
0xd0: {  	_ =	swait.ge [sflag:s14], $0x4000  }
0xd1: {  	[sflag:s14] =	ssyncset.done $0x0  }
0xd2: {  	s2 =	rddreg [dreg:$0xf];
	[sflag:s14] =	ssyncadd.s32 $0xFFFFC000  }
0xd3: {  	[tilespmem:s9], [sflag:$0x1] =	stream.linear.gather [hbm4b:s2+s1], $0x4000, $0x38;
	[tilespmem:$0x1D100] =	vst v63  }
0xd4: {  	_ =	swait.ge [sflag:s15], $0x4000  }
0xd5: {  	[sflag:s15] =	ssyncset.done $0x0  }
0xd6: {  	s31 =	simm.s32 $0x280;
	[sflag:s15] =	ssyncadd.s32 $0xFFFFC000  }
0xd7: {  	[spmem:s22] =	stream.indirect.scatter.add.f32 [tilespmem:s10], [sflag:$0x4], $0x80, s31, s12, $0xb8;
	[tilespmem:$0x1D100] =	vst v63  }
0xd8: {  	_ =	swait.ge [sflag:s20], $0x4000  }
0xd9: {  	[sflag:s20] =	ssyncset.done $0x0  }
0xda: {  	[sflag:s20] =	ssyncadd.s32 $0xFFFFC000  }
0xdb: {  	[spmem:s24] =	stream.indirect.scatter.add.f32 [tilespmem:s13], [sflag:$0x6], $0x80, s31, s12, $0xb8;
	[tilespmem:$0x1D100] =	vst v63  }
0xdc: {  	_ =	swait.ge [sflag:s16], $0x4000  }
0xdd: {  	[sflag:s16] =	ssyncset.done $0x0  }
0xde: {  	s2 =	rddreg [dreg:$0x10];
	[sflag:s16] =	ssyncadd.s32 $0xFFFFC000  }
0xdf: {  	[tilespmem:s10], [sflag:$0x2] =	stream.linear.gather [hbm4b:s2+s1], $0x4000, $0x38;
	[tilespmem:$0x1D100] =	vst v63  }
0xe0: {  	_ =	swait.ge [sflag:s11], $0x4000  }
0xe1: {  	[sflag:s11] =	ssyncset.done $0x0  }
0xe2: {  	[sflag:s11] =	ssyncadd.s32 $0xFFFFC000  }
0xe3: {  	[spmem:s22] =	stream.indirect.scatter.add.f32 [tilespmem:s9], [sflag:$0x3], $0x80, s7, s12, $0xb8;
	[tilespmem:$0x1D100] =	vst v63  }
0xe4: {  	_ =	swait.ge [sflag:s18], $0x4000  }
0xe5: {  	[sflag:s18] =	ssyncset.done $0x0  }
0xe6: {  	[sflag:s18] =	ssyncadd.s32 $0xFFFFC000  }
0xe7: {  	[spmem:s24] =	stream.indirect.scatter.add.f32 [tilespmem:s13], [sflag:$0x5], $0x80, s7, s12, $0xb8;
	[tilespmem:$0x1D100] =	vst v63  }
0xe8: {  	_ =	swait.ge [sflag:s14], $0x4000  }
0xe9: {  	[sflag:s14] =	ssyncset.done $0x0  }
0xea: {  	s31 =	rddreg [dreg:$0x11];
	[sflag:s14] =	ssyncadd.s32 $0xFFFFC000  }
0xeb: {  	[tilespmem:s9], [sflag:$0x1] =	stream.linear.gather [hbm4b:s31+s1], $0x4000, $0x38;
	[tilespmem:$0x1D100] =	vst v63  }
0xec: {  	_ =	swait.ge [sflag:s15], $0x4000  }
0xed: {  	[sflag:s15] =	ssyncset.done $0x0  }
0xee: {  	[sflag:s15] =	ssyncadd.s32 $0xFFFFC000  }
0xef: {  	[spmem:s22] =	stream.indirect.scatter.add.f32 [tilespmem:s10], [sflag:$0x4], $0x80, s8, s12, $0xb8;
	[tilespmem:$0x1D100] =	vst v63  }
0xf0: {  	_ =	swait.ge [sflag:s20], $0x4000  }
0xf1: {  	[sflag:s20] =	ssyncset.done $0x0  }
0xf2: {  	[sflag:s20] =	ssyncadd.s32 $0xFFFFC000  }
0xf3: {  	[spmem:s24] =	stream.indirect.scatter.add.f32 [tilespmem:s13], [sflag:$0x6], $0x80, s8, s12, $0xb8;
	[tilespmem:$0x1D100] =	vst v63  }
0xf4: {  	_ =	swait.ge [sflag:s16], $0x4000  }
0xf5: {  	[sflag:s16] =	ssyncset.done $0x0  }
0xf6: {  	s0 =	rddreg [dreg:$0x12];
	[sflag:s16] =	ssyncadd.s32 $0xFFFFC000  }
0xf7: {  	[tilespmem:s10], [sflag:$0x2] =	stream.linear.gather [hbm4b:s0+s1], $0x4000, $0x38;
	[tilespmem:$0x1D100] =	vst v63  }
0xf8: {  	_ =	swait.ge [sflag:s11], $0x4000  }
0xf9: {  	[sflag:s11] =	ssyncset.done $0x0  }
0xfa: {  	[sflag:s11] =	ssyncadd.s32 $0xFFFFC000  }
0xfb: {  	[spmem:s22] =	stream.indirect.scatter.add.f32 [tilespmem:s9], [sflag:$0x3], $0x80, s17, s12, $0xb8;
	[tilespmem:$0x1D100] =	vst v63  }
0xfc: {  	_ =	swait.ge [sflag:s18], $0x4000  }
0xfd: {  	[sflag:s18] =	ssyncset.done $0x0  }
0xfe: {  	[sflag:s18] =	ssyncadd.s32 $0xFFFFC000  }
0xff: {  	[spmem:s24] =	stream.indirect.scatter.add.f32 [tilespmem:s13], [sflag:$0x5], $0x80, s17, s12, $0xb8;
	[tilespmem:$0x1D100] =	vst v63  }
0x100: {  	_ =	swait.ge [sflag:s14], $0x4000  }
0x101: {  	[sflag:s14] =	ssyncset.done $0x0  }
0x102: {  	s2 =	rddreg [dreg:$0x13];
	[sflag:s14] =	ssyncadd.s32 $0xFFFFC000  }
0x103: {  	[tilespmem:s9], [sflag:$0x1] =	stream.linear.gather [hbm4b:s2+s1], $0x4000, $0x38;
	[tilespmem:$0x1D100] =	vst v63  }
0x104: {  	_ =	swait.ge [sflag:s15], $0x4000  }
0x105: {  	[sflag:s15] =	ssyncset.done $0x0  }
0x106: {  	[sflag:s15] =	ssyncadd.s32 $0xFFFFC000  }
0x107: {  	[spmem:s22] =	stream.indirect.scatter.add.f32 [tilespmem:s10], [sflag:$0x4], $0x80, s19, s12, $0xb8;
	[tilespmem:$0x1D100] =	vst v63  }
0x108: {  	_ =	swait.ge [sflag:s20], $0x4000  }
0x109: {  	[sflag:s20] =	ssyncset.done $0x0  }
0x10a: {  	[sflag:s20] =	ssyncadd.s32 $0xFFFFC000  }
0x10b: {  	[spmem:s24] =	stream.indirect.scatter.add.f32 [tilespmem:s13], [sflag:$0x6], $0x80, s19, s12, $0xb8;
	[tilespmem:$0x1D100] =	vst v63  }
0x10c: {  	_ =	swait.ge [sflag:s16], $0x4000  }
0x10d: {  	[sflag:s16] =	ssyncset.done $0x0  }
0x10e: {  	s31 =	rddreg [dreg:$0x14];
	[sflag:s16] =	ssyncadd.s32 $0xFFFFC000  }
0x10f: {  	[tilespmem:s10], [sflag:$0x2] =	stream.linear.gather [hbm4b:s31+s1], $0x4000, $0x38;
	[tilespmem:$0x1D100] =	vst v63  }
0x110: {  	_ =	swait.ge [sflag:s11], $0x4000  }
0x111: {  	[sflag:s11] =	ssyncset.done $0x0  }
0x112: {  	[sflag:s11] =	ssyncadd.s32 $0xFFFFC000  }
0x113: {  	[spmem:s22] =	stream.indirect.scatter.add.f32 [tilespmem:s9], [sflag:$0x3], $0x80, s21, s12, $0xb8;
	[tilespmem:$0x1D100] =	vst v63  }
0x114: {  	_ =	swait.ge [sflag:s18], $0x4000  }
0x115: {  	[sflag:s18] =	ssyncset.done $0x0  }
0x116: {  	[sflag:s18] =	ssyncadd.s32 $0xFFFFC000  }
0x117: {  	[spmem:s24] =	stream.indirect.scatter.add.f32 [tilespmem:s13], [sflag:$0x5], $0x80, s21, s12, $0xb8;
	[tilespmem:$0x1D100] =	vst v63  }
0x118: {  	_ =	swait.ge [sflag:s14], $0x4000  }
0x119: {  	[sflag:s14] =	ssyncset.done $0x0  }
0x11a: {  	s0 =	rddreg [dreg:$0x15];
	[sflag:s14] =	ssyncadd.s32 $0xFFFFC000  }
0x11b: {  	[tilespmem:s9], [sflag:$0x1] =	stream.linear.gather [hbm4b:s0+s1], $0x4000, $0x38;
	[tilespmem:$0x1D100] =	vst v63  }
0x11c: {  	_ =	swait.ge [sflag:s15], $0x4000  }
0x11d: {  	[sflag:s15] =	ssyncset.done $0x0  }
0x11e: {  	[sflag:s15] =	ssyncadd.s32 $0xFFFFC000  }
0x11f: {  	[spmem:s22] =	stream.indirect.scatter.add.f32 [tilespmem:s10], [sflag:$0x4], $0x80, s23, s12, $0xb8;
	[tilespmem:$0x1D100] =	vst v63  }
0x120: {  	_ =	swait.ge [sflag:s20], $0x4000  }
0x121: {  	[sflag:s20] =	ssyncset.done $0x0  }
0x122: {  	[sflag:s20] =	ssyncadd.s32 $0xFFFFC000  }
0x123: {  	[spmem:s24] =	stream.indirect.scatter.add.f32 [tilespmem:s13], [sflag:$0x6], $0x80, s23, s12, $0xb8;
	[tilespmem:$0x1D100] =	vst v63  }
0x124: {  	_ =	swait.ge [sflag:s16], $0x4000  }
0x125: {  	[sflag:s16] =	ssyncset.done $0x0  }
0x126: {  	s2 =	rddreg [dreg:$0x16];
	[sflag:s16] =	ssyncadd.s32 $0xFFFFC000  }
0x127: {  	[tilespmem:s10], [sflag:$0x2] =	stream.linear.gather [hbm4b:s2+s1], $0x4000, $0x38;
	[tilespmem:$0x1D100] =	vst v63  }
0x128: {  	_ =	swait.ge [sflag:s11], $0x4000  }
0x129: {  	[sflag:s11] =	ssyncset.done $0x0  }
0x12a: {  	[sflag:s11] =	ssyncadd.s32 $0xFFFFC000  }
0x12b: {  	[spmem:s22] =	stream.indirect.scatter.add.f32 [tilespmem:s9], [sflag:$0x3], $0x80, s25, s12, $0xb8;
	[tilespmem:$0x1D100] =	vst v63  }
0x12c: {  	_ =	swait.ge [sflag:s14], $0x4000  }
0x12d: {  	[sflag:s14] =	ssyncset.done $0x0  }
0x12e: {  	s31 =	rddreg [dreg:$0x17];
	[sflag:s14] =	ssyncadd.s32 $0xFFFFC000  }
0x12f: {  	[tilespmem:s9], [sflag:$0x1] =	stream.linear.gather [hbm4b:s31+s1], $0x4000, $0x38;
	[tilespmem:$0x1D100] =	vst v63  }
0x130: {  	_ =	swait.ge [sflag:s15], $0x4000  }
0x131: {  	[sflag:s15] =	ssyncset.done $0x0  }
0x132: {  	[sflag:s15] =	ssyncadd.s32 $0xFFFFC000  }
0x133: {  	[spmem:s22] =	stream.indirect.scatter.add.f32 [tilespmem:s10], [sflag:$0x4], $0x80, s26, s12, $0xb8;
	[tilespmem:$0x1D100] =	vst v63  }
0x134: {  	_ =	swait.ge [sflag:s16], $0x4000  }
0x135: {  	[sflag:s16] =	ssyncset.done $0x0  }
0x136: {  	s0 =	rddreg [dreg:$0x18];
	[sflag:s16] =	ssyncadd.s32 $0xFFFFC000  }
0x137: {  	[tilespmem:s10], [sflag:$0x2] =	stream.linear.gather [hbm4b:s0+s1], $0x4000, $0x38;
	[tilespmem:$0x1D100] =	vst v63  }
0x138: {  	_ =	swait.ge [sflag:s11], $0x4000  }
0x139: {  	[sflag:s11] =	ssyncset.done $0x0  }
0x13a: {  	[sflag:s11] =	ssyncadd.s32 $0xFFFFC000  }
0x13b: {  	[spmem:s22] =	stream.indirect.scatter.add.f32 [tilespmem:s9], [sflag:$0x3], $0x80, s28, s12, $0xb8;
	[tilespmem:$0x1D100] =	vst v63  }
0x13c: {  	_ =	swait.ge [sflag:s14], $0x4000  }
0x13d: {  	[sflag:s14] =	ssyncset.done $0x0  }
0x13e: {  	s2 =	rddreg [dreg:$0x19];
	[sflag:s14] =	ssyncadd.s32 $0xFFFFC000  }
0x13f: {  	[tilespmem:s9], [sflag:$0x1] =	stream.linear.gather [hbm4b:s2+s1], $0x4000, $0x38;
	[tilespmem:$0x1D100] =	vst v63  }
0x140: {  	_ =	swait.ge [sflag:s15], $0x4000  }
0x141: {  	[sflag:s15] =	ssyncset.done $0x0  }
0x142: {  	[sflag:s15] =	ssyncadd.s32 $0xFFFFC000  }
0x143: {  	[spmem:s22] =	stream.indirect.scatter.add.f32 [tilespmem:s10], [sflag:$0x4], $0x80, s5, s12, $0xb8;
	[tilespmem:$0x1D100] =	vst v63  }
0x144: {  	_ =	swait.ge [sflag:s16], $0x4000  }
0x145: {  	[sflag:s16] =	ssyncset.done $0x0  }
0x146: {  	s31 =	rddreg [dreg:$0x1a];
	[sflag:s16] =	ssyncadd.s32 $0xFFFFC000  }
0x147: {  	[tilespmem:s10], [sflag:$0x2] =	stream.linear.gather [hbm4b:s31+s1], $0x4000, $0x38;
	[tilespmem:$0x1D100] =	vst v63  }
0x148: {  	_ =	swait.ge [sflag:s11], $0x4000  }
0x149: {  	[sflag:s11] =	ssyncset.done $0x0  }
0x14a: {  	s2 =	simm.s32 $0x800;
	[sflag:s11] =	ssyncadd.s32 $0xFFFFC000  }
0x14b: {  	[spmem:s22] =	stream.indirect.scatter.add.f32 [tilespmem:s9], [sflag:$0x3], $0x80, s2, s12, $0xb8;
	[tilespmem:$0x1D100] =	vst v63  }
0x14c: {  	_ =	swait.ge [sflag:s14], $0x4000  }
0x14d: {  	[sflag:s14] =	ssyncset.done $0x0  }
0x14e: {  	s0 =	rddreg [dreg:$0x1b];
	[sflag:s14] =	ssyncadd.s32 $0xFFFFC000  }
0x14f: {  	[tilespmem:s9], [sflag:$0x1] =	stream.linear.gather [hbm4b:s0+s1], $0x4000, $0x38;
	[tilespmem:$0x1D100] =	vst v63  }
0x150: {  	_ =	swait.ge [sflag:s15], $0x4000  }
0x151: {  	[sflag:s15] =	ssyncset.done $0x0  }
0x152: {  	[sflag:s15] =	ssyncadd.s32 $0xFFFFC000  }
0x153: {  	[spmem:s22] =	stream.indirect.scatter.add.f32 [tilespmem:s10], [sflag:$0x4], $0x80, s4, s12, $0xb8;
	[tilespmem:$0x1D100] =	vst v63  }
0x154: {  	_ =	swait.ge [sflag:s16], $0x4000  }
0x155: {  	[sflag:s16] =	ssyncset.done $0x0  }
0x156: {  	s31 =	rddreg [dreg:$0x1c];
	[sflag:s16] =	ssyncadd.s32 $0xFFFFC000  }
0x157: {  	[tilespmem:s10], [sflag:$0x2] =	stream.linear.gather [hbm4b:s31+s1], $0x4000, $0x38;
	[tilespmem:$0x1D100] =	vst v63  }
0x158: {  	_ =	swait.ge [sflag:s11], $0x4000  }
0x159: {  	[sflag:s11] =	ssyncset.done $0x0  }
0x15a: {  	[sflag:s11] =	ssyncadd.s32 $0xFFFFC000  }
0x15b: {  	[spmem:s22] =	stream.indirect.scatter.add.f32 [tilespmem:s9], [sflag:$0x3], $0x80, s6, s12, $0xb8;
	[tilespmem:$0x1D100] =	vst v63  }
0x15c: {  	_ =	swait.ge [sflag:s14], $0x4000  }
0x15d: {  	[sflag:s14] =	ssyncset.done $0x0  }
0x15e: {  	s0 =	rddreg [dreg:$0x1d];
	[sflag:s14] =	ssyncadd.s32 $0xFFFFC000  }
0x15f: {  	[tilespmem:s9], [sflag:$0x1] =	stream.linear.gather [hbm4b:s0+s1], $0x4000, $0x38;
	[tilespmem:$0x1D100] =	vst v63  }
0x160: {  	_ =	swait.ge [sflag:s15], $0x4000  }
0x161: {  	[sflag:s15] =	ssyncset.done $0x0  }
0x162: {  	s31 =	simm.s32 $0x980;
	[sflag:s15] =	ssyncadd.s32 $0xFFFFC000  }
0x163: {  	[spmem:s22] =	stream.indirect.scatter.add.f32 [tilespmem:s10], [sflag:$0x4], $0x80, s31, s12, $0xb8;
	[tilespmem:$0x1D100] =	vst v63  }
0x164: {  	_ =	swait.ge [sflag:s16], $0x4000  }
0x165: {  	[sflag:s16] =	ssyncset.done $0x0  }
0x166: {  	s0 =	rddreg [dreg:$0x1e];
	[sflag:s16] =	ssyncadd.s32 $0xFFFFC000  }
0x167: {  	[tilespmem:s10], [sflag:$0x2] =	stream.linear.gather [hbm4b:s0+s1], $0x4000, $0x38;
	[tilespmem:$0x1D100] =	vst v63  }
0x168: {  	_ =	swait.ge [sflag:s11], $0x4000  }
0x169: {  	[sflag:s11] =	ssyncset.done $0x0  }
0x16a: {  	s31 =	simm.s32 $0xA00;
	[sflag:s11] =	ssyncadd.s32 $0xFFFFC000  }
0x16b: {  	[spmem:s22] =	stream.indirect.scatter.add.f32 [tilespmem:s9], [sflag:$0x3], $0x80, s31, s12, $0xb8;
	[tilespmem:$0x1D100] =	vst v63  }
0x16c: {  	_ =	swait.ge [sflag:s14], $0x4000  }
0x16d: {  	[sflag:s14] =	ssyncset.done $0x0  }
0x16e: {  	s0 =	rddreg [dreg:$0x1f];
	[sflag:s14] =	ssyncadd.s32 $0xFFFFC000  }
0x16f: {  	[tilespmem:s9], [sflag:$0x1] =	stream.linear.gather [hbm4b:s0+s1], $0x4000, $0x38;
	[tilespmem:$0x1D100] =	vst v63  }
0x170: {  	_ =	swait.ge [sflag:s15], $0x4000  }
0x171: {  	[sflag:s15] =	ssyncset.done $0x0  }
0x172: {  	s31 =	simm.s32 $0xA80;
	[sflag:s15] =	ssyncadd.s32 $0xFFFFC000  }
0x173: {  	[spmem:s22] =	stream.indirect.scatter.add.f32 [tilespmem:s10], [sflag:$0x4], $0x80, s31, s12, $0xb8;
	[tilespmem:$0x1D100] =	vst v63  }
0x174: {  	_ =	swait.ge [sflag:s16], $0x4000  }
0x175: {  	s0 =	sld [smem:$0x7D7]  }
0x176: {  	[sflag:s16] =	ssyncset.done $0x0  }
0x177: {  	[sflag:s16] =	ssyncadd.s32 $0xFFFFC000  }
0x178: {  	[tilespmem:s10], [sflag:$0x2] =	stream.linear.gather [hbm4b:s0+s1], $0x4000, $0x38;
	[tilespmem:$0x1D100] =	vst v63  }
0x179: {  	_ =	swait.ge [sflag:s11], $0x4000  }
0x17a: {  	[sflag:s11] =	ssyncset.done $0x0  }
0x17b: {  	s31 =	simm.s32 $0xB00;
	[sflag:s11] =	ssyncadd.s32 $0xFFFFC000  }
0x17c: {  	[spmem:s22] =	stream.indirect.scatter.add.f32 [tilespmem:s9], [sflag:$0x3], $0x80, s31, s12, $0xb8;
	[tilespmem:$0x1D100] =	vst v63  }
0x17d: {  	_ =	swait.ge [sflag:s14], $0x4000  }
0x17e: {  	s0 =	sld [smem:$0x7D8]  }
0x17f: {  	[sflag:s14] =	ssyncset.done $0x0  }
0x180: {  	[sflag:s14] =	ssyncadd.s32 $0xFFFFC000  }
0x181: {  	[tilespmem:s9], [sflag:$0x1] =	stream.linear.gather [hbm4b:s0+s1], $0x4000, $0x38;
	[tilespmem:$0x1D100] =	vst v63  }
0x182: {  	_ =	swait.ge [sflag:s15], $0x4000  }
0x183: {  	[sflag:s15] =	ssyncset.done $0x0  }
0x184: {  	s30 =	simm.s32 $0xB80;
	[sflag:s15] =	ssyncadd.s32 $0xFFFFC000  }
0x185: {  	[spmem:s22] =	stream.indirect.scatter.add.f32 [tilespmem:s10], [sflag:$0x4], $0x80, s30, s12, $0xb8;
	[tilespmem:$0x1D100] =	vst v63  }
0x186: {  	_ =	swait.ge [sflag:s11], $0x4000  }
0x187: {  	[sflag:s11] =	ssyncset.done $0x0  }
0x188: {  	s31 =	simm.s32 $0xC00;
	[sflag:s11] =	ssyncadd.s32 $0xFFFFC000  }
0x189: {  	[spmem:s22] =	stream.indirect.scatter.add.f32 [tilespmem:s9], [sflag:$0x3], $0x80, s31, s12, $0xb8;
	[tilespmem:$0x1D100] =	vst v63  }
0x18a: {  	_ =	swait.ge [sflag:s14], $0x4000  }
0x18b: {  	[sflag:s14] =	ssyncset.done $0x0  }
0x18c: {  	[sflag:s14] =	ssyncadd.s32 $0xFFFFC000  }
0x18d: {  	_ =	swait.ge [sflag:s16], $0x4000  }
0x18e: {  	[sflag:s16] =	ssyncset.done $0x0  }
0x18f: {  	[sflag:s16] =	ssyncadd.s32 $0xFFFFC000  }
0x190: {  	_ =	swait.ge [sflag:s18], $0x4000  }
0x191: {  	[sflag:s18] =	ssyncset.done $0x0  }
0x192: {  	[sflag:s18] =	ssyncadd.s32 $0xFFFFC000  }
0x193: {  	_ =	swait.ge [sflag:s20], $0x4000  }
0x194: {  	[sflag:s20] =	ssyncset.done $0x0  }
0x195: {  	[sflag:s20] =	ssyncadd.s32 $0xFFFFC000  }
0x196: {  	s0 =	stileid.u32;
	[bflag:$0x0] =	sbarrier.arrive $0xFFFF  }
0x197: {  	s30 =	sshll.u32 s0, $0x6;
	s0 =	sld [smem:$0x7FA];
	_ =	sdelay $0x1  }
0x198: {  	s30 =	sor.u32 $0x1C07, s30;
	s31 =	rddreg [dreg:$0x8]  }
0x199: {  	[hbm:s31], [sflag:s30] =	dma.local [spmem:s0], $0x1000  }
0x19a: {  	_ =	swait.ge [sflag:s3], $0x1000  }
0x19b: {  	[sflag:s3] =	ssyncset.done $0x0  }
0x19c: {  	[sflag:s3] =	ssyncadd.s32 $0xFFFFF000  }
0x19d: {  	[bflag:$0x0] =	sbarrier.arrive $0xFFFF  }
0x19e: {  	s31 =	sld [smem:$0x7D9];
	_ =	sdelay $0x2  }
0x19f: {  	[tilespmem:s9], [sflag:$0x1] =	stream.linear.gather [hbm4b:s31+s1], $0x4000, $0x38;
	[tilespmem:$0x1D100] =	vst v63  }
0x1a0: {  	s31 =	sld [smem:$0x7DA];
	_ =	sdelay $0x2  }
0x1a1: {  	[tilespmem:s10], [sflag:$0x2] =	stream.linear.gather [hbm4b:s31+s1], $0x4000, $0x38;
	[tilespmem:$0x1D100] =	vst v63  }
0x1a2: {  	_ =	swait.ge [sflag:s11], $0x4000  }
0x1a3: {  	[sflag:s11] =	ssyncset.done $0x0  }
0x1a4: {  	[sflag:s11] =	ssyncadd.s32 $0xFFFFC000  }
0x1a5: {  	[spmem:s22] =	stream.indirect.scatter.add.f32 [tilespmem:s9], [sflag:$0x3], $0x80, s1, s12, $0xb8;
	[tilespmem:$0x1D100] =	vst v63  }
0x1a6: {  	_ =	swait.ge [sflag:s14], $0x4000  }
0x1a7: {  	s31 =	sld [smem:$0x7DB]  }
0x1a8: {  	[sflag:s14] =	ssyncset.done $0x0  }
0x1a9: {  	[sflag:s14] =	ssyncadd.s32 $0xFFFFC000  }
0x1aa: {  	[tilespmem:s9], [sflag:$0x1] =	stream.linear.gather [hbm4b:s31+s1], $0x4000, $0x38;
	[tilespmem:$0x1D100] =	vst v63  }
0x1ab: {  	_ =	swait.ge [sflag:s15], $0x4000  }
0x1ac: {  	[sflag:s15] =	ssyncset.done $0x0  }
0x1ad: {  	[sflag:s15] =	ssyncadd.s32 $0xFFFFC000  }
0x1ae: {  	[spmem:s22] =	stream.indirect.scatter.add.f32 [tilespmem:s10], [sflag:$0x4], $0x80, s12, s12, $0xb8;
	[tilespmem:$0x1D100] =	vst v63  }
0x1af: {  	_ =	swait.ge [sflag:s16], $0x4000  }
0x1b0: {  	s31 =	sld [smem:$0x7DC]  }
0x1b1: {  	[sflag:s16] =	ssyncset.done $0x0  }
0x1b2: {  	[sflag:s16] =	ssyncadd.s32 $0xFFFFC000  }
0x1b3: {  	[tilespmem:s10], [sflag:$0x2] =	stream.linear.gather [hbm4b:s31+s1], $0x4000, $0x38;
	[tilespmem:$0x1D100] =	vst v63  }
0x1b4: {  	_ =	swait.ge [sflag:s11], $0x4000  }
0x1b5: {  	[sflag:s11] =	ssyncset.done $0x0  }
0x1b6: {  	s31 =	simm.s32 $0x100;
	[sflag:s11] =	ssyncadd.s32 $0xFFFFC000  }
0x1b7: {  	[spmem:s22] =	stream.indirect.scatter.add.f32 [tilespmem:s9], [sflag:$0x3], $0x80, s31, s12, $0xb8;
	[tilespmem:$0x1D100] =	vst v63  }
0x1b8: {  	_ =	swait.ge [sflag:s14], $0x4000  }
0x1b9: {  	s31 =	sld [smem:$0x7DD]  }
0x1ba: {  	[sflag:s14] =	ssyncset.done $0x0  }
0x1bb: {  	[sflag:s14] =	ssyncadd.s32 $0xFFFFC000  }
0x1bc: {  	[tilespmem:s9], [sflag:$0x1] =	stream.linear.gather [hbm4b:s31+s1], $0x4000, $0x38;
	[tilespmem:$0x1D100] =	vst v63  }
0x1bd: {  	_ =	swait.ge [sflag:s15], $0x4000  }
0x1be: {  	[sflag:s15] =	ssyncset.done $0x0  }
0x1bf: {  	s31 =	simm.s32 $0x180;
	[sflag:s15] =	ssyncadd.s32 $0xFFFFC000  }
0x1c0: {  	[spmem:s22] =	stream.indirect.scatter.add.f32 [tilespmem:s10], [sflag:$0x4], $0x80, s31, s12, $0xb8;
	[tilespmem:$0x1D100] =	vst v63  }
0x1c1: {  	_ =	swait.ge [sflag:s16], $0x4000  }
0x1c2: {  	s31 =	sld [smem:$0x7DE]  }
0x1c3: {  	[sflag:s16] =	ssyncset.done $0x0  }
0x1c4: {  	[sflag:s16] =	ssyncadd.s32 $0xFFFFC000  }
0x1c5: {  	[tilespmem:s10], [sflag:$0x2] =	stream.linear.gather [hbm4b:s31+s1], $0x4000, $0x38;
	[tilespmem:$0x1D100] =	vst v63  }
0x1c6: {  	_ =	swait.ge [sflag:s11], $0x4000  }
0x1c7: {  	[sflag:s11] =	ssyncset.done $0x0  }
0x1c8: {  	s31 =	simm.s32 $0x200;
	[sflag:s11] =	ssyncadd.s32 $0xFFFFC000  }
0x1c9: {  	[spmem:s22] =	stream.indirect.scatter.add.f32 [tilespmem:s9], [sflag:$0x3], $0x80, s31, s12, $0xb8;
	[tilespmem:$0x1D100] =	vst v63  }
0x1ca: {  	_ =	swait.ge [sflag:s14], $0x4000  }
0x1cb: {  	s31 =	sld [smem:$0x7DF]  }
0x1cc: {  	[sflag:s14] =	ssyncset.done $0x0  }
0x1cd: {  	[sflag:s14] =	ssyncadd.s32 $0xFFFFC000  }
0x1ce: {  	[tilespmem:s9], [sflag:$0x1] =	stream.linear.gather [hbm4b:s31+s1], $0x4000, $0x38;
	[tilespmem:$0x1D100] =	vst v63  }
0x1cf: {  	_ =	swait.ge [sflag:s15], $0x4000  }
0x1d0: {  	[sflag:s15] =	ssyncset.done $0x0  }
0x1d1: {  	s31 =	simm.s32 $0x280;
	[sflag:s15] =	ssyncadd.s32 $0xFFFFC000  }
0x1d2: {  	[spmem:s22] =	stream.indirect.scatter.add.f32 [tilespmem:s10], [sflag:$0x4], $0x80, s31, s12, $0xb8;
	[tilespmem:$0x1D100] =	vst v63  }
0x1d3: {  	_ =	swait.ge [sflag:s16], $0x4000  }
0x1d4: {  	s31 =	sld [smem:$0x7E0]  }
0x1d5: {  	[sflag:s16] =	ssyncset.done $0x0  }
0x1d6: {  	[sflag:s16] =	ssyncadd.s32 $0xFFFFC000  }
0x1d7: {  	[tilespmem:s10], [sflag:$0x2] =	stream.linear.gather [hbm4b:s31+s1], $0x4000, $0x38;
	[tilespmem:$0x1D100] =	vst v63  }
0x1d8: {  	_ =	swait.ge [sflag:s11], $0x4000  }
0x1d9: {  	[sflag:s11] =	ssyncset.done $0x0  }
0x1da: {  	[sflag:s11] =	ssyncadd.s32 $0xFFFFC000  }
0x1db: {  	[spmem:s22] =	stream.indirect.scatter.add.f32 [tilespmem:s9], [sflag:$0x3], $0x80, s7, s12, $0xb8;
	[tilespmem:$0x1D100] =	vst v63  }
0x1dc: {  	_ =	swait.ge [sflag:s14], $0x4000  }
0x1dd: {  	s31 =	sld [smem:$0x7E1]  }
0x1de: {  	[sflag:s14] =	ssyncset.done $0x0  }
0x1df: {  	[sflag:s14] =	ssyncadd.s32 $0xFFFFC000  }
0x1e0: {  	[tilespmem:s9], [sflag:$0x1] =	stream.linear.gather [hbm4b:s31+s1], $0x4000, $0x38;
	[tilespmem:$0x1D100] =	vst v63  }
0x1e1: {  	_ =	swait.ge [sflag:s15], $0x4000  }
0x1e2: {  	[sflag:s15] =	ssyncset.done $0x0  }
0x1e3: {  	[sflag:s15] =	ssyncadd.s32 $0xFFFFC000  }
0x1e4: {  	[spmem:s22] =	stream.indirect.scatter.add.f32 [tilespmem:s10], [sflag:$0x4], $0x80, s8, s12, $0xb8;
	[tilespmem:$0x1D100] =	vst v63  }
0x1e5: {  	_ =	swait.ge [sflag:s16], $0x4000  }
0x1e6: {  	s31 =	sld [smem:$0x7E2]  }
0x1e7: {  	[sflag:s16] =	ssyncset.done $0x0  }
0x1e8: {  	[sflag:s16] =	ssyncadd.s32 $0xFFFFC000  }
0x1e9: {  	[tilespmem:s10], [sflag:$0x2] =	stream.linear.gather [hbm4b:s31+s1], $0x4000, $0x38;
	[tilespmem:$0x1D100] =	vst v63  }
0x1ea: {  	_ =	swait.ge [sflag:s11], $0x4000  }
0x1eb: {  	[sflag:s11] =	ssyncset.done $0x0  }
0x1ec: {  	[sflag:s11] =	ssyncadd.s32 $0xFFFFC000  }
0x1ed: {  	[spmem:s22] =	stream.indirect.scatter.add.f32 [tilespmem:s9], [sflag:$0x3], $0x80, s17, s12, $0xb8;
	[tilespmem:$0x1D100] =	vst v63  }
0x1ee: {  	_ =	swait.ge [sflag:s14], $0x4000  }
0x1ef: {  	s31 =	sld [smem:$0x7E3]  }
0x1f0: {  	[sflag:s14] =	ssyncset.done $0x0  }
0x1f1: {  	[sflag:s14] =	ssyncadd.s32 $0xFFFFC000  }
0x1f2: {  	[tilespmem:s9], [sflag:$0x1] =	stream.linear.gather [hbm4b:s31+s1], $0x4000, $0x38;
	[tilespmem:$0x1D100] =	vst v63  }
0x1f3: {  	_ =	swait.ge [sflag:s15], $0x4000  }
0x1f4: {  	[sflag:s15] =	ssyncset.done $0x0  }
0x1f5: {  	[sflag:s15] =	ssyncadd.s32 $0xFFFFC000  }
0x1f6: {  	[spmem:s22] =	stream.indirect.scatter.add.f32 [tilespmem:s10], [sflag:$0x4], $0x80, s19, s12, $0xb8;
	[tilespmem:$0x1D100] =	vst v63  }
0x1f7: {  	_ =	swait.ge [sflag:s16], $0x4000  }
0x1f8: {  	s31 =	sld [smem:$0x7E4]  }
0x1f9: {  	[sflag:s16] =	ssyncset.done $0x0  }
0x1fa: {  	[sflag:s16] =	ssyncadd.s32 $0xFFFFC000  }
0x1fb: {  	[tilespmem:s10], [sflag:$0x2] =	stream.linear.gather [hbm4b:s31+s1], $0x4000, $0x38;
	[tilespmem:$0x1D100] =	vst v63  }
0x1fc: {  	_ =	swait.ge [sflag:s11], $0x4000  }
0x1fd: {  	[sflag:s11] =	ssyncset.done $0x0  }
0x1fe: {  	[sflag:s11] =	ssyncadd.s32 $0xFFFFC000  }
0x1ff: {  	[spmem:s22] =	stream.indirect.scatter.add.f32 [tilespmem:s9], [sflag:$0x3], $0x80, s21, s12, $0xb8;
	[tilespmem:$0x1D100] =	vst v63  }
0x200: {  	_ =	swait.ge [sflag:s14], $0x4000  }
0x201: {  	s31 =	sld [smem:$0x7E5]  }
0x202: {  	[sflag:s14] =	ssyncset.done $0x0  }
0x203: {  	[sflag:s14] =	ssyncadd.s32 $0xFFFFC000  }
0x204: {  	[tilespmem:s9], [sflag:$0x1] =	stream.linear.gather [hbm4b:s31+s1], $0x4000, $0x38;
	[tilespmem:$0x1D100] =	vst v63  }
0x205: {  	_ =	swait.ge [sflag:s15], $0x4000  }
0x206: {  	[sflag:s15] =	ssyncset.done $0x0  }
0x207: {  	[sflag:s15] =	ssyncadd.s32 $0xFFFFC000  }
0x208: {  	[spmem:s22] =	stream.indirect.scatter.add.f32 [tilespmem:s10], [sflag:$0x4], $0x80, s23, s12, $0xb8;
	[tilespmem:$0x1D100] =	vst v63  }
0x209: {  	_ =	swait.ge [sflag:s16], $0x4000  }
0x20a: {  	s31 =	sld [smem:$0x7E6]  }
0x20b: {  	[sflag:s16] =	ssyncset.done $0x0  }
0x20c: {  	[sflag:s16] =	ssyncadd.s32 $0xFFFFC000  }
0x20d: {  	[tilespmem:s10], [sflag:$0x2] =	stream.linear.gather [hbm4b:s31+s1], $0x4000, $0x38;
	[tilespmem:$0x1D100] =	vst v63  }
0x20e: {  	_ =	swait.ge [sflag:s11], $0x4000  }
0x20f: {  	[sflag:s11] =	ssyncset.done $0x0  }
0x210: {  	[sflag:s11] =	ssyncadd.s32 $0xFFFFC000  }
0x211: {  	[spmem:s22] =	stream.indirect.scatter.add.f32 [tilespmem:s9], [sflag:$0x3], $0x80, s25, s12, $0xb8;
	[tilespmem:$0x1D100] =	vst v63  }
0x212: {  	_ = 	snop  }
0x213: {  	[spmem:s24] =	stream.indirect.scatter.add.f32 [tilespmem:s13], [sflag:$0x5], $0x80, s25, s12, $0xb8;
	[tilespmem:$0x1D100] =	vst v63  }
0x214: {  	_ =	swait.ge [sflag:s14], $0x4000  }
0x215: {  	s31 =	sld [smem:$0x7E7]  }
0x216: {  	[sflag:s14] =	ssyncset.done $0x0  }
0x217: {  	[sflag:s14] =	ssyncadd.s32 $0xFFFFC000  }
0x218: {  	[tilespmem:s9], [sflag:$0x1] =	stream.linear.gather [hbm4b:s31+s1], $0x4000, $0x38;
	[tilespmem:$0x1D100] =	vst v63  }
0x219: {  	_ =	swait.ge [sflag:s15], $0x4000  }
0x21a: {  	[sflag:s15] =	ssyncset.done $0x0  }
0x21b: {  	[sflag:s15] =	ssyncadd.s32 $0xFFFFC000  }
0x21c: {  	[spmem:s22] =	stream.indirect.scatter.add.f32 [tilespmem:s10], [sflag:$0x4], $0x80, s26, s12, $0xb8;
	[tilespmem:$0x1D100] =	vst v63  }
0x21d: {  	_ = 	snop  }
0x21e: {  	[spmem:s24] =	stream.indirect.scatter.add.f32 [tilespmem:s13], [sflag:$0x6], $0x80, s26, s12, $0xb8;
	[tilespmem:$0x1D100] =	vst v63  }
0x21f: {  	_ =	swait.ge [sflag:s16], $0x4000  }
0x220: {  	s31 =	sld [smem:$0x7E8]  }
0x221: {  	[sflag:s16] =	ssyncset.done $0x0  }
0x222: {  	[sflag:s16] =	ssyncadd.s32 $0xFFFFC000  }
0x223: {  	[tilespmem:s10], [sflag:$0x2] =	stream.linear.gather [hbm4b:s31+s1], $0x4000, $0x38;
	[tilespmem:$0x1D100] =	vst v63  }
0x224: {  	_ =	swait.ge [sflag:s11], $0x4000  }
0x225: {  	[sflag:s11] =	ssyncset.done $0x0  }
0x226: {  	[sflag:s11] =	ssyncadd.s32 $0xFFFFC000  }
0x227: {  	[spmem:s22] =	stream.indirect.scatter.add.f32 [tilespmem:s9], [sflag:$0x3], $0x80, s28, s12, $0xb8;
	[tilespmem:$0x1D100] =	vst v63  }
0x228: {  	_ =	swait.ge [sflag:s18], $0x4000  }
0x229: {  	[sflag:s18] =	ssyncset.done $0x0  }
0x22a: {  	[sflag:s18] =	ssyncadd.s32 $0xFFFFC000  }
0x22b: {  	[spmem:s24] =	stream.indirect.scatter.add.f32 [tilespmem:s13], [sflag:$0x5], $0x80, s28, s12, $0xb8;
	[tilespmem:$0x1D100] =	vst v63  }
0x22c: {  	_ =	swait.ge [sflag:s14], $0x4000  }
0x22d: {  	s31 =	sld [smem:$0x7E9]  }
0x22e: {  	[sflag:s14] =	ssyncset.done $0x0  }
0x22f: {  	[sflag:s14] =	ssyncadd.s32 $0xFFFFC000  }
0x230: {  	[tilespmem:s9], [sflag:$0x1] =	stream.linear.gather [hbm4b:s31+s1], $0x4000, $0x38;
	[tilespmem:$0x1D100] =	vst v63  }
0x231: {  	_ =	swait.ge [sflag:s15], $0x4000  }
0x232: {  	[sflag:s15] =	ssyncset.done $0x0  }
0x233: {  	[sflag:s15] =	ssyncadd.s32 $0xFFFFC000  }
0x234: {  	[spmem:s22] =	stream.indirect.scatter.add.f32 [tilespmem:s10], [sflag:$0x4], $0x80, s5, s12, $0xb8;
	[tilespmem:$0x1D100] =	vst v63  }
0x235: {  	_ =	swait.ge [sflag:s20], $0x4000  }
0x236: {  	[sflag:s20] =	ssyncset.done $0x0  }
0x237: {  	[sflag:s20] =	ssyncadd.s32 $0xFFFFC000  }
0x238: {  	[spmem:s24] =	stream.indirect.scatter.add.f32 [tilespmem:s13], [sflag:$0x6], $0x80, s5, s12, $0xb8;
	[tilespmem:$0x1D100] =	vst v63  }
0x239: {  	_ =	swait.ge [sflag:s16], $0x4000  }
0x23a: {  	s31 =	sld [smem:$0x7EA]  }
0x23b: {  	[sflag:s16] =	ssyncset.done $0x0  }
0x23c: {  	[sflag:s16] =	ssyncadd.s32 $0xFFFFC000  }
0x23d: {  	[tilespmem:s10], [sflag:$0x2] =	stream.linear.gather [hbm4b:s31+s1], $0x4000, $0x38;
	[tilespmem:$0x1D100] =	vst v63  }
0x23e: {  	_ =	swait.ge [sflag:s11], $0x4000  }
0x23f: {  	[sflag:s11] =	ssyncset.done $0x0  }
0x240: {  	[sflag:s11] =	ssyncadd.s32 $0xFFFFC000  }
0x241: {  	[spmem:s22] =	stream.indirect.scatter.add.f32 [tilespmem:s9], [sflag:$0x3], $0x80, s2, s12, $0xb8;
	[tilespmem:$0x1D100] =	vst v63  }
0x242: {  	_ =	swait.ge [sflag:s18], $0x4000  }
0x243: {  	[sflag:s18] =	ssyncset.done $0x0  }
0x244: {  	[sflag:s18] =	ssyncadd.s32 $0xFFFFC000  }
0x245: {  	[spmem:s24] =	stream.indirect.scatter.add.f32 [tilespmem:s13], [sflag:$0x5], $0x80, s2, s12, $0xb8;
	[tilespmem:$0x1D100] =	vst v63  }
0x246: {  	_ =	swait.ge [sflag:s14], $0x4000  }
0x247: {  	s2 =	sld [smem:$0x7EB]  }
0x248: {  	[sflag:s14] =	ssyncset.done $0x0  }
0x249: {  	[sflag:s14] =	ssyncadd.s32 $0xFFFFC000  }
0x24a: {  	[tilespmem:s9], [sflag:$0x1] =	stream.linear.gather [hbm4b:s2+s1], $0x4000, $0x38;
	[tilespmem:$0x1D100] =	vst v63  }
0x24b: {  	_ =	swait.ge [sflag:s15], $0x4000  }
0x24c: {  	[sflag:s15] =	ssyncset.done $0x0  }
0x24d: {  	[sflag:s15] =	ssyncadd.s32 $0xFFFFC000  }
0x24e: {  	[spmem:s22] =	stream.indirect.scatter.add.f32 [tilespmem:s10], [sflag:$0x4], $0x80, s4, s12, $0xb8;
	[tilespmem:$0x1D100] =	vst v63  }
0x24f: {  	_ =	swait.ge [sflag:s20], $0x4000  }
0x250: {  	[sflag:s20] =	ssyncset.done $0x0  }
0x251: {  	[sflag:s20] =	ssyncadd.s32 $0xFFFFC000  }
0x252: {  	[spmem:s24] =	stream.indirect.scatter.add.f32 [tilespmem:s13], [sflag:$0x6], $0x80, s4, s12, $0xb8;
	[tilespmem:$0x1D100] =	vst v63  }
0x253: {  	_ =	swait.ge [sflag:s16], $0x4000  }
0x254: {  	s2 =	sld [smem:$0x7EC]  }
0x255: {  	[sflag:s16] =	ssyncset.done $0x0  }
0x256: {  	[sflag:s16] =	ssyncadd.s32 $0xFFFFC000  }
0x257: {  	[tilespmem:s10], [sflag:$0x2] =	stream.linear.gather [hbm4b:s2+s1], $0x4000, $0x38;
	[tilespmem:$0x1D100] =	vst v63  }
0x258: {  	_ =	swait.ge [sflag:s11], $0x4000  }
0x259: {  	[sflag:s11] =	ssyncset.done $0x0  }
0x25a: {  	[sflag:s11] =	ssyncadd.s32 $0xFFFFC000  }
0x25b: {  	[spmem:s22] =	stream.indirect.scatter.add.f32 [tilespmem:s9], [sflag:$0x3], $0x80, s6, s12, $0xb8;
	[tilespmem:$0x1D100] =	vst v63  }
0x25c: {  	_ =	swait.ge [sflag:s18], $0x4000  }
0x25d: {  	[sflag:s18] =	ssyncset.done $0x0  }
0x25e: {  	[sflag:s18] =	ssyncadd.s32 $0xFFFFC000  }
0x25f: {  	[spmem:s24] =	stream.indirect.scatter.add.f32 [tilespmem:s13], [sflag:$0x5], $0x80, s6, s12, $0xb8;
	[tilespmem:$0x1D100] =	vst v63  }
0x260: {  	_ =	swait.ge [sflag:s14], $0x4000  }
0x261: {  	s2 =	sld [smem:$0x7ED]  }
0x262: {  	[sflag:s14] =	ssyncset.done $0x0  }
0x263: {  	[sflag:s14] =	ssyncadd.s32 $0xFFFFC000  }
0x264: {  	[tilespmem:s9], [sflag:$0x1] =	stream.linear.gather [hbm4b:s2+s1], $0x4000, $0x38;
	[tilespmem:$0x1D100] =	vst v63  }
0x265: {  	_ =	swait.ge [sflag:s15], $0x4000  }
0x266: {  	[sflag:s15] =	ssyncset.done $0x0  }
0x267: {  	s31 =	simm.s32 $0x980;
	[sflag:s15] =	ssyncadd.s32 $0xFFFFC000  }
0x268: {  	[spmem:s22] =	stream.indirect.scatter.add.f32 [tilespmem:s10], [sflag:$0x4], $0x80, s31, s12, $0xb8;
	[tilespmem:$0x1D100] =	vst v63  }
0x269: {  	_ =	swait.ge [sflag:s20], $0x4000  }
0x26a: {  	[sflag:s20] =	ssyncset.done $0x0  }
0x26b: {  	[sflag:s20] =	ssyncadd.s32 $0xFFFFC000  }
0x26c: {  	[spmem:s24] =	stream.indirect.scatter.add.f32 [tilespmem:s13], [sflag:$0x6], $0x80, s31, s12, $0xb8;
	[tilespmem:$0x1D100] =	vst v63  }
0x26d: {  	_ =	swait.ge [sflag:s16], $0x4000  }
0x26e: {  	s2 =	sld [smem:$0x7EE]  }
0x26f: {  	[sflag:s16] =	ssyncset.done $0x0  }
0x270: {  	[sflag:s16] =	ssyncadd.s32 $0xFFFFC000  }
0x271: {  	[tilespmem:s10], [sflag:$0x2] =	stream.linear.gather [hbm4b:s2+s1], $0x4000, $0x38;
	[tilespmem:$0x1D100] =	vst v63  }
0x272: {  	_ =	swait.ge [sflag:s11], $0x4000  }
0x273: {  	[sflag:s11] =	ssyncset.done $0x0  }
0x274: {  	s31 =	simm.s32 $0xA00;
	[sflag:s11] =	ssyncadd.s32 $0xFFFFC000  }
0x275: {  	[spmem:s22] =	stream.indirect.scatter.add.f32 [tilespmem:s9], [sflag:$0x3], $0x80, s31, s12, $0xb8;
	[tilespmem:$0x1D100] =	vst v63  }
0x276: {  	_ =	swait.ge [sflag:s18], $0x4000  }
0x277: {  	[sflag:s18] =	ssyncset.done $0x0  }
0x278: {  	[sflag:s18] =	ssyncadd.s32 $0xFFFFC000  }
0x279: {  	[spmem:s24] =	stream.indirect.scatter.add.f32 [tilespmem:s13], [sflag:$0x5], $0x80, s31, s12, $0xb8;
	[tilespmem:$0x1D100] =	vst v63  }
0x27a: {  	_ =	swait.ge [sflag:s14], $0x4000  }
0x27b: {  	s2 =	sld [smem:$0x7EF]  }
0x27c: {  	[sflag:s14] =	ssyncset.done $0x0  }
0x27d: {  	[sflag:s14] =	ssyncadd.s32 $0xFFFFC000  }
0x27e: {  	[tilespmem:s9], [sflag:$0x1] =	stream.linear.gather [hbm4b:s2+s1], $0x4000, $0x38;
	[tilespmem:$0x1D100] =	vst v63  }
0x27f: {  	_ =	swait.ge [sflag:s15], $0x4000  }
0x280: {  	[sflag:s15] =	ssyncset.done $0x0  }
0x281: {  	s31 =	simm.s32 $0xA80;
	[sflag:s15] =	ssyncadd.s32 $0xFFFFC000  }
0x282: {  	[spmem:s22] =	stream.indirect.scatter.add.f32 [tilespmem:s10], [sflag:$0x4], $0x80, s31, s12, $0xb8;
	[tilespmem:$0x1D100] =	vst v63  }
0x283: {  	_ =	swait.ge [sflag:s20], $0x4000  }
0x284: {  	[sflag:s20] =	ssyncset.done $0x0  }
0x285: {  	[sflag:s20] =	ssyncadd.s32 $0xFFFFC000  }
0x286: {  	[spmem:s24] =	stream.indirect.scatter.add.f32 [tilespmem:s13], [sflag:$0x6], $0x80, s31, s12, $0xb8;
	[tilespmem:$0x1D100] =	vst v63  }
0x287: {  	_ =	swait.ge [sflag:s16], $0x4000  }
0x288: {  	s2 =	sld [smem:$0x7F0]  }
0x289: {  	[sflag:s16] =	ssyncset.done $0x0  }
0x28a: {  	[sflag:s16] =	ssyncadd.s32 $0xFFFFC000  }
0x28b: {  	[tilespmem:s10], [sflag:$0x2] =	stream.linear.gather [hbm4b:s2+s1], $0x4000, $0x38;
	[tilespmem:$0x1D100] =	vst v63  }
0x28c: {  	_ =	swait.ge [sflag:s11], $0x4000  }
0x28d: {  	[sflag:s11] =	ssyncset.done $0x0  }
0x28e: {  	s31 =	simm.s32 $0xB00;
	[sflag:s11] =	ssyncadd.s32 $0xFFFFC000  }
0x28f: {  	[spmem:s22] =	stream.indirect.scatter.add.f32 [tilespmem:s9], [sflag:$0x3], $0x80, s31, s12, $0xb8;
	[tilespmem:$0x1D100] =	vst v63  }
0x290: {  	_ =	swait.ge [sflag:s18], $0x4000  }
0x291: {  	[sflag:s18] =	ssyncset.done $0x0  }
0x292: {  	[sflag:s18] =	ssyncadd.s32 $0xFFFFC000  }
0x293: {  	[spmem:s24] =	stream.indirect.scatter.add.f32 [tilespmem:s13], [sflag:$0x5], $0x80, s31, s12, $0xb8;
	[tilespmem:$0x1D100] =	vst v63  }
0x294: {  	_ =	swait.ge [sflag:s14], $0x4000  }
0x295: {  	s2 =	sld [smem:$0x7F1]  }
0x296: {  	[sflag:s14] =	ssyncset.done $0x0  }
0x297: {  	[sflag:s14] =	ssyncadd.s32 $0xFFFFC000  }
0x298: {  	[tilespmem:s9], [sflag:$0x1] =	stream.linear.gather [hbm4b:s2+s1], $0x4000, $0x38;
	[tilespmem:$0x1D100] =	vst v63  }
0x299: {  	_ =	swait.ge [sflag:s15], $0x4000  }
0x29a: {  	[sflag:s15] =	ssyncset.done $0x0  }
0x29b: {  	s31 =	simm.s32 $0xB80;
	[sflag:s15] =	ssyncadd.s32 $0xFFFFC000  }
0x29c: {  	[spmem:s22] =	stream.indirect.scatter.add.f32 [tilespmem:s10], [sflag:$0x4], $0x80, s31, s12, $0xb8;
	[tilespmem:$0x1D100] =	vst v63  }
0x29d: {  	_ =	swait.ge [sflag:s20], $0x4000  }
0x29e: {  	[sflag:s20] =	ssyncset.done $0x0  }
0x29f: {  	[sflag:s20] =	ssyncadd.s32 $0xFFFFC000  }
0x2a0: {  	[spmem:s24] =	stream.indirect.scatter.add.f32 [tilespmem:s13], [sflag:$0x6], $0x80, s31, s12, $0xb8;
	[tilespmem:$0x1D100] =	vst v63  }
0x2a1: {  	_ =	swait.ge [sflag:s11], $0x4000  }
0x2a2: {  	[sflag:s11] =	ssyncset.done $0x0  }
0x2a3: {  	s31 =	simm.s32 $0xC00;
	[sflag:s11] =	ssyncadd.s32 $0xFFFFC000  }
0x2a4: {  	[spmem:s22] =	stream.indirect.scatter.add.f32 [tilespmem:s9], [sflag:$0x3], $0x80, s31, s12, $0xb8;
	[tilespmem:$0x1D100] =	vst v63  }
0x2a5: {  	_ =	swait.ge [sflag:s18], $0x4000  }
0x2a6: {  	[sflag:s18] =	ssyncset.done $0x0  }
0x2a7: {  	[sflag:s18] =	ssyncadd.s32 $0xFFFFC000  }
0x2a8: {  	[spmem:s24] =	stream.indirect.scatter.add.f32 [tilespmem:s13], [sflag:$0x5], $0x80, s31, s12, $0xb8;
	[tilespmem:$0x1D100] =	vst v63  }
0x2a9: {  	_ =	swait.ge [sflag:s14], $0x4000  }
0x2aa: {  	[sflag:s14] =	ssyncset.done $0x0  }
0x2ab: {  	[sflag:s14] =	ssyncadd.s32 $0xFFFFC000  }
0x2ac: {  	_ =	swait.ge [sflag:s16], $0x4000  }
0x2ad: {  	[sflag:s16] =	ssyncset.done $0x0  }
0x2ae: {  	[sflag:s16] =	ssyncadd.s32 $0xFFFFC000  }
0x2af: {  	_ =	swait.ge [sflag:s18], $0x4000  }
0x2b0: {  	[sflag:s18] =	ssyncset.done $0x0  }
0x2b1: {  	[sflag:s18] =	ssyncadd.s32 $0xFFFFC000  }
0x2b2: {  	_ =	swait.ge [sflag:s20], $0x4000  }
0x2b3: {  	[sflag:s20] =	ssyncset.done $0x0  }
0x2b4: {  	[sflag:s20] =	ssyncadd.s32 $0xFFFFC000  }
0x2b5: {  	[bflag:$0x0] =	sbarrier.arrive $0xFFFF  }
0x2b6: {  	s2 =	sld [smem:$0x7FC];
	_ =	sdelay $0x2  }
0x2b7: {  	[hbm:s2], [sflag:s30] =	dma.local [spmem:s0], $0x1000  }
0x2b8: {  	_ =	swait.ge [sflag:s3], $0x1000  }
0x2b9: {  	s0 =	sld [smem:$0x7FB]  }
0x2ba: {  	s2 =	sld [smem:$0x7FD]  }
0x2bb: {  	[sflag:s3] =	ssyncset.done $0x0  }
0x2bc: {  	[sflag:s3] =	ssyncadd.s32 $0xFFFFF000  }
0x2bd: {  	[hbm:s2], [sflag:s30] =	dma.local [spmem:s0], $0x1000  }
0x2be: {  	_ =	swait.ge [sflag:s3], $0x1000  }
0x2bf: {  	s31 =	sld [smem:$0x7F9];
	_ =	sdelay $0x1  }
0x2c0: {  	s29 =	sadd.s32 $0x1, s29  }
0x2c1: {  	p0 =	sne.s32 s29, s31  }
.Ltmp2:
0x2c2: {  	_ = 	snop;
	(pc) =	sbr.rel @p0 .LBB2_1-.Ltmp2, $3  }
0x2c3: {  	_ =	sdelay $0x1  }
0x2c4: {  	[sflag:s3] =	ssyncset.done $0x0  }
0x2c5: {  	[sflag:s3] =	ssyncadd.s32 $0xFFFFF000  }
0x2c6: {  	_ =	sfence.sel $0x180000  }
0x2c7: {  	[bflag:$0x0] =	sbarrier.arrive $0xFFFF  }
0x2c8: {  	_ =	strace $0x90000047  }
0x2c9: {  	s0 =	stileid.u32;
	[bflag:$0x2] =	sbarrier.arrive $0xFFFF  }
0x2ca: {  	p0 =	sne.s32 s0, $0x0;
	s0 =	rddreg [dreg:$0x6]  }
0x2cb: {  	s0 =	sadd.s32 @!p0 $0x100000, s0  }
0x2cc: {  	[sflag:s0] =	ssyncadd.tile.s32 @!p0 $0x1;
	_ =	shalt  }
.Lfunc_end2:
_tile_overlayer_lowered:
.L_overlay_start_2:
0x2cd: {  	(tag) =	ssettag $0x2  }
0x2ce: {  	s0 =	rddreg [dreg:$0x0];
	s2 =	stileid.u32  }
0x2cf: {  	s1 =	rddreg [dreg:$0x1];
	p0 =	sne.s32 s2, $0x0  }
0x2d0: {  	s3 =	rddreg [dreg:$0x2];
	[bflag:$0x3] =	sbarrier.arrive $0xFFFF;
	s2 =	simm.s32 @!p0 $0x1C07  }
0x2d1: {  	[timem:s3], [sflag:s2] =	dma.local @!p0 [hbm:s0], s1  }
0x2d2: {  	s0 =	simm.s32 @!p0 $0x7  }
0x2d3: {  	_ =	swait.ge @!p0 [sflag:s0], s1  }
0x2d4: {  	s1 =	ssub.s32 @!p0 $0x0, s1;
	[sflag:s0] =	ssyncset.done @!p0 $0x0  }
0x2d5: {  	[sflag:s0] =	ssyncadd.s32 @!p0 s1  }
0x2d6: {  	[bflag:$0x3] =	sbarrier.arrive $0xFFFF  }
0x2d7: {  	_ =	shalt  }

</sc_bundles>
